<compile_context>
chip_gen: v7x
topology: tpu7x:2x2x1
jax: 0.10.2.dev20260603
libtpu: 0.0.44.dev20260713+nightly
codegen_flags: <defaults>
</compile_context>

<pallas_src>
import functools

import jax
import jax.numpy as jnp
from jax import lax
from jax.experimental import pallas as pl
from jax.experimental.pallas import tpu as pltpu
from jax.experimental.pallas import tpu_sc as plsc

N_NODES = 10000
N_EDGES = 320000
D_FEAT = 128
OUT_CH = 64

NC = 2
NS = 16
NW = NC * NS

SUB = 128

A_CHUNK = 128
A_CHUNKS = N_EDGES // A_CHUNK
A_BASE = A_CHUNKS // NW
A_EXTRA = A_CHUNKS - A_BASE * NW

G_CHUNK = 256
G_ROWS = G_CHUNK // SUB
G_CHUNKS = N_EDGES // G_CHUNK
G_BASE = G_CHUNKS // NW
G_EXTRA = G_CHUNKS - G_BASE * NW

ZROWS_A = 632
ZROWS_B = 624

_mesh = plsc.VectorSubcoreMesh(core_axis_name="c", subcore_axis_name="s")


@functools.partial(
    pl.kernel,
    out_type=(
        jax.ShapeDtypeStruct((2, N_NODES, D_FEAT), jnp.float32),
        jax.ShapeDtypeStruct((2 * N_NODES,), jnp.float32),
    ),
    mesh=_mesh,
    scratch_types=(
        pltpu.VMEM_SHARED((N_NODES, D_FEAT), jnp.float32),
        pltpu.VMEM_SHARED((N_NODES,), jnp.float32),
        pltpu.VMEM((2, A_CHUNK, D_FEAT), jnp.float32),
        pltpu.VMEM((2, 1, SUB), jnp.int32),
        pltpu.VMEM((SUB,), jnp.float32),
        pltpu.VMEM((640,), jnp.float32),
        pltpu.SemaphoreType.DMA,
        pltpu.SemaphoreType.DMA,
        pltpu.SemaphoreType.DMA,
        pltpu.SemaphoreType.DMA,
    ),
)
def _scatter_phase(edge_hbm, idx_hbm, z2d_hbm, psums_hbm, pcnt_hbm,
                   sums_sh, cnt_sh, ebuf, ibuf, ones, cbuf,
                   sem0, sem1, semc0, semc1):
    c = lax.axis_index("c")
    s = lax.axis_index("s")
    w = c * NS + s
    sems = (sem0, sem1)
    semcs = (semc0, semc1)

    for i in range(SUB // 16):
        ones[pl.ds(i * 16, 16)] = jnp.ones((16,), jnp.float32)

    for i in range(640 // 16):
        cbuf[pl.ds(i * 16, 16)] = jnp.zeros((16,), jnp.float32)

    @pl.when(s < 2)
    def _():
        off = s * ZROWS_A
        pltpu.sync_copy(z2d_hbm, sums_sh.at[pl.ds(off, ZROWS_A)])
        pltpu.sync_copy(cbuf.at[pl.ds(0, ZROWS_A)],
                        cnt_sh.at[pl.ds(off, ZROWS_A)])

    @pl.when(s >= 2)
    def _():
        off = 2 * ZROWS_A + (s - 2) * ZROWS_B
        pltpu.sync_copy(z2d_hbm.at[pl.ds(0, ZROWS_B)],
                        sums_sh.at[pl.ds(off, ZROWS_B)])
        pltpu.sync_copy(cbuf.at[pl.ds(0, ZROWS_B)],
                        cnt_sh.at[pl.ds(off, ZROWS_B)])

    plsc.subcore_barrier()

    nch = A_BASE + jnp.where(w < A_EXTRA, 1, 0)

    def wait_cnt(b):
        pltpu.make_async_copy(ones, cnt_sh.at[ibuf.at[b, 0]],
                              semcs[b]).wait()

    def start_load(k, b):
        cid = w + NW * k
        @pl.when(k >= 2)
        def _():
            wait_cnt(b)

        pltpu.async_copy(edge_hbm.at[pl.ds(cid * A_CHUNK, A_CHUNK)],
                         ebuf.at[b], sems[b])
        pltpu.async_copy(idx_hbm.at[cid], ibuf.at[b], sems[b])

    def wait_load(k, b):
        cid = w + NW * k
        pltpu.make_async_copy(edge_hbm.at[pl.ds(cid * A_CHUNK, A_CHUNK)],
                              ebuf.at[b], sems[b]).wait()
        pltpu.make_async_copy(idx_hbm.at[cid], ibuf.at[b], sems[b]).wait()

    def scatter(b):
        pltpu.sync_copy(ebuf.at[b], sums_sh.at[ibuf.at[b, 0]], add=True)
        pltpu.async_copy(ones, cnt_sh.at[ibuf.at[b, 0]], semcs[b], add=True)

    start_load(0, 0)

    def body(m, _):
        k0 = 2 * m
        k1 = k0 + 1

        @pl.when(k1 < nch)
        def _():
            start_load(k1, 1)

        wait_load(k0, 0)
        scatter(0)

        @pl.when(k1 < nch)
        def _():
            @pl.when(k1 + 1 < nch)
            def _():
                start_load(k1 + 1, 0)

            wait_load(k1, 1)
            scatter(1)

        return _

    lax.fori_loop(0, (nch + 1) // 2, body, None)

    wait_cnt(0)
    wait_cnt(1)

    plsc.subcore_barrier()

    @pl.when(s < 2)
    def _():
        off = s * ZROWS_A
        pltpu.sync_copy(sums_sh.at[pl.ds(off, ZROWS_A)],
                        psums_hbm.at[c, pl.ds(off, ZROWS_A)])
        pltpu.sync_copy(cnt_sh.at[pl.ds(off, ZROWS_A)],
                        cbuf.at[pl.ds(0, ZROWS_A)])
        pltpu.sync_copy(cbuf.at[pl.ds(0, ZROWS_A)],
                        pcnt_hbm.at[pl.ds(c * N_NODES + off, ZROWS_A)])

    @pl.when(s >= 2)
    def _():
        off = 2 * ZROWS_A + (s - 2) * ZROWS_B
        pltpu.sync_copy(sums_sh.at[pl.ds(off, ZROWS_B)],
                        psums_hbm.at[c, pl.ds(off, ZROWS_B)])
        pltpu.sync_copy(cnt_sh.at[pl.ds(off, ZROWS_B)],
                        cbuf.at[pl.ds(0, ZROWS_B)])
        pltpu.sync_copy(cbuf.at[pl.ds(0, ZROWS_B)],
                        pcnt_hbm.at[pl.ds(c * N_NODES + off, ZROWS_B)])


EROWS = 1000


@functools.partial(
    pl.kernel,
    out_type=jax.ShapeDtypeStruct((N_EDGES, D_FEAT), jnp.float32),
    mesh=_mesh,
    scratch_types=(
        pltpu.VMEM_SHARED((N_NODES, OUT_CH), jnp.float32),
        pltpu.VMEM((2, G_CHUNK, OUT_CH), jnp.float32),
        pltpu.VMEM((2, G_CHUNK, OUT_CH), jnp.float32),
        pltpu.VMEM((2, G_ROWS, SUB), jnp.int32),
        pltpu.VMEM((2, G_ROWS, SUB), jnp.int32),
        pltpu.SemaphoreType.DMA,
        pltpu.SemaphoreType.DMA,
        pltpu.SemaphoreType.DMA,
        pltpu.SemaphoreType.DMA,
        pltpu.SemaphoreType.DMA,
    ),
    compiler_params=pltpu.CompilerParams(use_tc_tiling_on_sc=False),
)
def _gather_phase(emb_hbm, sidx_hbm, didx_hbm, out_hbm, emb_sh, abuf, bbuf,
                  sibuf, dibuf, semi0, semi1, semg, semo0, semo1):
    c = lax.axis_index("c")
    s = lax.axis_index("s")
    w = c * NS + s
    semi = (semi0, semi1)
    semo = (semo0, semo1)

    @pl.when(s < 2)
    def _():
        off = s * ZROWS_A
        pltpu.sync_copy(emb_hbm.at[pl.ds(off, ZROWS_A)],
                        emb_sh.at[pl.ds(off, ZROWS_A)])

    @pl.when(s >= 2)
    def _():
        off = 2 * ZROWS_A + (s - 2) * ZROWS_B
        pltpu.sync_copy(emb_hbm.at[pl.ds(off, ZROWS_B)],
                        emb_sh.at[pl.ds(off, ZROWS_B)])

    nch = G_BASE + jnp.where(w < G_EXTRA, 1, 0)

    def start_idx(k, b):
        cid = w + NW * k
        pltpu.async_copy(sidx_hbm.at[cid], sibuf.at[b], semi[b])
        pltpu.async_copy(didx_hbm.at[cid], dibuf.at[b], semi[b])

    def wait_idx(k, b):
        cid = w + NW * k
        pltpu.make_async_copy(sidx_hbm.at[cid], sibuf.at[b], semi[b]).wait()
        pltpu.make_async_copy(didx_hbm.at[cid], dibuf.at[b], semi[b]).wait()

    def start_write(k, b):
        cid = w + NW * k
        pltpu.async_copy(abuf.at[b],
                         out_hbm.at[pl.ds(cid * G_CHUNK, G_CHUNK), pl.ds(0, OUT_CH)],
                         semo[b])
        pltpu.async_copy(bbuf.at[b],
                         out_hbm.at[pl.ds(cid * G_CHUNK, G_CHUNK), pl.ds(OUT_CH, OUT_CH)],
                         semo[b])

    def wait_write(k, b):
        cid = w + NW * k
        pltpu.make_async_copy(abuf.at[b],
                              out_hbm.at[pl.ds(cid * G_CHUNK, G_CHUNK), pl.ds(0, OUT_CH)],
                              semo[b]).wait()
        pltpu.make_async_copy(bbuf.at[b],
                              out_hbm.at[pl.ds(cid * G_CHUNK, G_CHUNK), pl.ds(OUT_CH, OUT_CH)],
                              semo[b]).wait()

    def gathers(b):
        for j in range(G_ROWS):
            pltpu.async_copy(emb_sh.at[sibuf.at[b, j]],
                             abuf.at[b, pl.ds(j * SUB, SUB)], semg)
            pltpu.async_copy(emb_sh.at[dibuf.at[b, j]],
                             bbuf.at[b, pl.ds(j * SUB, SUB)], semg)
        for j in range(G_ROWS):
            pltpu.make_async_copy(emb_sh.at[sibuf.at[b, j]],
                                  abuf.at[b, pl.ds(j * SUB, SUB)], semg).wait()
            pltpu.make_async_copy(emb_sh.at[dibuf.at[b, j]],
                                  bbuf.at[b, pl.ds(j * SUB, SUB)], semg).wait()

    def chunk_body(k, m, b):
        wait_idx(k, b)

        @pl.when(k + 1 < nch)
        def _():
            start_idx(k + 1, 1 - b)

        @pl.when(m > 0)
        def _():
            wait_write(k - 2, b)

        gathers(b)
        start_write(k, b)

    start_idx(0, 0)
    plsc.subcore_barrier()

    def body(m, _):
        k0 = 2 * m
        chunk_body(k0, m, 0)

        @pl.when(k0 + 1 < nch)
        def _():
            chunk_body(k0 + 1, m, 1)

        return _

    lax.fori_loop(0, (nch + 1) // 2, body, None)

    wait_write(nch - 1 - ((nch - 1) % 2), 0)
    wait_write(nch - 1 - (nch % 2), 1)


def _update_body(node_ref, ps_ref, pc_ref, w_ref, b_ref, o_ref):
    sums = ps_ref[0] + ps_ref[1]
    cnt = jnp.maximum(pc_ref[0] + pc_ref[1], 1.0)
    mean = sums / cnt
    h = (node_ref[...] + mean) * 0.5
    z = lax.dot_general(h, w_ref[...], (((1,), (1,)), ((), ())),
                        preferred_element_type=jnp.float32)
    o_ref[...] = jax.nn.sigmoid(z + b_ref[...])


_N_BLK = 2000


def _node_update(node_attr, psums, pcnt, W, b):
    grid = N_NODES // _N_BLK
    return pl.pallas_call(
        _update_body,
        grid=(grid,),
        in_specs=[
            pl.BlockSpec((_N_BLK, D_FEAT), lambda i: (i, 0)),
            pl.BlockSpec((2, _N_BLK, D_FEAT), lambda i: (0, i, 0)),
            pl.BlockSpec((2, _N_BLK, 1), lambda i: (0, i, 0)),
            pl.BlockSpec((OUT_CH, D_FEAT), lambda i: (0, 0)),
            pl.BlockSpec((1, OUT_CH), lambda i: (0, 0)),
        ],
        out_specs=pl.BlockSpec((_N_BLK, OUT_CH), lambda i: (i, 0)),
        out_shape=jax.ShapeDtypeStruct((N_NODES, OUT_CH), jnp.float32),
    )(node_attr, psums, pcnt, W, b)


def kernel(node_attr, edge_attr, edge_index, W, b):
    ei = edge_index.astype(jnp.int32)
    src2d = ei[0].reshape(A_CHUNKS, 1, SUB)
    src3 = ei[0].reshape(G_CHUNKS, G_ROWS, SUB)
    dst3 = ei[1].reshape(G_CHUNKS, G_ROWS, SUB)
    z2d = jnp.zeros((ZROWS_A, D_FEAT), jnp.float32)

    psums, pcnt = _scatter_phase(edge_attr, src2d, z2d)
    emb = _node_update(node_attr, psums, pcnt.reshape(2, N_NODES, 1),
                       W, b.reshape(1, OUT_CH))
    return _gather_phase(emb, src3, dst3)

# --- scband reference (transcript-rebuilt; emitter-appended) ---
"""Pipeline reference for scband-edge-sagelayer-86474871537828 (READ-ONLY COPY).

The authoritative reference and input builder live on the scoring server;
editing this copy changes nothing except your own understanding.
"""

import jax, jax.numpy as jnp
import numpy as np

N_NODES = 10000
N_EDGES = 320000
D_FEAT = 128  # = 2 * in_channels
OUT_CH = 64


def setup_inputs(seed: int = 0) -> dict:
    key = jax.random.key(seed)
    k1, k2, k3, k4, k5 = jax.random.split(key, 5)
    node_attr = jax.random.normal(k1, (N_NODES, D_FEAT), dtype=jnp.float32)
    edge_attr = jax.random.normal(k2, (N_EDGES, D_FEAT), dtype=jnp.float32)
    edge_index = jax.random.randint(k3, (2, N_EDGES), 0, N_NODES, dtype=jnp.int64)
    # Linear(in_channels*2=128, out_channels=64) parameters
    W = jax.random.normal(k4, (OUT_CH, D_FEAT), dtype=jnp.float32) * (1.0 / np.sqrt(D_FEAT))
    b = jax.random.normal(k5, (OUT_CH,), dtype=jnp.float32) * (1.0 / np.sqrt(D_FEAT))
    return {"node_attr": node_attr, "edge_attr": edge_attr, "edge_index": edge_index, "W": W, "b": b}


def _scatter_mean(data, index, dim_size):
    d = data.shape[1]
    sums = jnp.zeros((dim_size, d), dtype=data.dtype).at[index].add(data)
    counts = jnp.zeros((dim_size,), dtype=data.dtype).at[index].add(1.0)
    counts = jnp.where(counts > 0, counts, 1.0)
    return sums / counts[:, None]


def reference(node_attr, edge_attr, edge_index, W, b):
    # num_nodes = edge_index.max()+1 in the original; use node_attr.shape[0]
    # so the subsequent elementwise add is well-defined regardless of sampling.
    num_nodes = node_attr.shape[0]
    src = edge_index[0]
    dst = edge_index[1]
    target_indices = edge_index[0, :]
    edge_aggregated_mean = _scatter_mean(edge_attr, target_indices, num_nodes)
    h = (node_attr + edge_aggregated_mean) / 2.0
    node_embeddings = jax.nn.sigmoid(h @ W.T + b)
    # torch.cat(edge_index[src], edge_index[dst]) in the original is not
    # executable; the evident intent is concatenating gathered endpoint
    # embeddings per edge.
    edge_embeddings = jnp.concatenate([node_embeddings[src], node_embeddings[dst]], axis=1)
    return edge_embeddings

if __name__ == "__main__":
    import jax
    _d = setup_inputs()
    print(jax.jit(kernel)(*tuple(_d.values())))

</pallas_src>

<mosaic_0001>
#map = affine_map<(d0, d1) -> (0, 0)>
#map1 = affine_map<(d0, d1) -> (0, 0, 0)>
#map2 = affine_map<(d0, d1) -> (0)>
module attributes {stable_mosaic.version = 14 : i64} {
  func.func @_scatter_phase(%arg0: i32, %arg1: i32, %arg2: memref<320000x128xf32, #tpu.memory_space<hbm>>, %arg3: memref<2500x1x128xi32, #tpu.memory_space<hbm>>, %arg4: memref<632x128xf32, #tpu.memory_space<hbm>>, %arg5: memref<2x10000x128xf32, #tpu.memory_space<hbm>>, %arg6: memref<20000xf32, #tpu.memory_space<hbm>>, %arg7: memref<10000x128xf32, #tpu.memory_space<vmem_shared>>, %arg8: memref<10000xf32, #tpu.memory_space<vmem_shared>>, %arg9: memref<2x128x128xf32, #tpu.memory_space<vmem>>, %arg10: memref<2x1x128xi32, #tpu.memory_space<vmem>>, %arg11: memref<128xf32, #tpu.memory_space<vmem>>, %arg12: memref<640xf32, #tpu.memory_space<vmem>>, %arg13: memref<!tpu.dma_semaphore, #tpu.memory_space<semaphore_mem>>, %arg14: memref<!tpu.dma_semaphore, #tpu.memory_space<semaphore_mem>>, %arg15: memref<!tpu.dma_semaphore, #tpu.memory_space<semaphore_mem>>, %arg16: memref<!tpu.dma_semaphore, #tpu.memory_space<semaphore_mem>>) attributes {dimension_semantics = [#tpu.dimension_semantics<core_parallel>, #tpu.dimension_semantics<subcore_parallel>], iteration_bounds = array<i64: 2, 16>, scalar_prefetch = 0 : i64, scratch_operands = 10 : i64, tpu.core_type = #tpu.core_type<sc_vector_subcore>, window_params = [{transform_indices = #map}, {transform_indices = #map1}, {transform_indices = #map}, {transform_indices = #map1}, {transform_indices = #map2}]} {
    %mul3A = arith.constant 16 : i32
    %mul3A_0 = arith.muli %arg0, %mul3A : i32
    %add3A = arith.addi %mul3A_0, %arg1 : i32
    %broadcast_in_dim3A = arith.constant 1.000000e+00 : f32
    %broadcast_in_dim3A_1 = vector.broadcast %broadcast_in_dim3A : f32 to vector<16xf32>
    %swap3A = arith.constant 0 : index
    %swap3A_2 = tpu.vector_load %arg11[%swap3A] {strides = array<i32>} : memref<128xf32, #tpu.memory_space<vmem>>, vector<16xf32>,
    %swap3A_3 = vector.shape_cast %swap3A_2 : vector<16xf32> to vector<16xf32>
    %swap3A_4 = vector.shape_cast %broadcast_in_dim3A_1 : vector<16xf32> to vector<16xf32>
    tpu.vector_store %arg11[%swap3A], %swap3A_4 {strides = array<i32>} : memref<128xf32, #tpu.memory_space<vmem>>, vector<16xf32>,
    %broadcast_in_dim3A_5 = arith.constant 1.000000e+00 : f32
    %broadcast_in_dim3A_6 = vector.broadcast %broadcast_in_dim3A_5 : f32 to vector<16xf32>
    %swap3A_7 = arith.constant 16 : index
    %swap3A_8 = tpu.vector_load %arg11[%swap3A_7] {strides = array<i32>} : memref<128xf32, #tpu.memory_space<vmem>>, vector<16xf32>,
    %swap3A_9 = vector.shape_cast %swap3A_8 : vector<16xf32> to vector<16xf32>
    %swap3A_10 = vector.shape_cast %broadcast_in_dim3A_6 : vector<16xf32> to vector<16xf32>
    tpu.vector_store %arg11[%swap3A_7], %swap3A_10 {strides = array<i32>} : memref<128xf32, #tpu.memory_space<vmem>>, vector<16xf32>,
    %broadcast_in_dim3A_11 = arith.constant 1.000000e+00 : f32
    %broadcast_in_dim3A_12 = vector.broadcast %broadcast_in_dim3A_11 : f32 to vector<16xf32>
    %swap3A_13 = arith.constant 32 : index
    %swap3A_14 = tpu.vector_load %arg11[%swap3A_13] {strides = array<i32>} : memref<128xf32, #tpu.memory_space<vmem>>, vector<16xf32>,
    %swap3A_15 = vector.shape_cast %swap3A_14 : vector<16xf32> to vector<16xf32>
    %swap3A_16 = vector.shape_cast %broadcast_in_dim3A_12 : vector<16xf32> to vector<16xf32>
    tpu.vector_store %arg11[%swap3A_13], %swap3A_16 {strides = array<i32>} : memref<128xf32, #tpu.memory_space<vmem>>, vector<16xf32>,
    %broadcast_in_dim3A_17 = arith.constant 1.000000e+00 : f32
    %broadcast_in_dim3A_18 = vector.broadcast %broadcast_in_dim3A_17 : f32 to vector<16xf32>
    %swap3A_19 = arith.constant 48 : index
    %swap3A_20 = tpu.vector_load %arg11[%swap3A_19] {strides = array<i32>} : memref<128xf32, #tpu.memory_space<vmem>>, vector<16xf32>,
    %swap3A_21 = vector.shape_cast %swap3A_20 : vector<16xf32> to vector<16xf32>
    %swap3A_22 = vector.shape_cast %broadcast_in_dim3A_18 : vector<16xf32> to vector<16xf32>
    tpu.vector_store %arg11[%swap3A_19], %swap3A_22 {strides = array<i32>} : memref<128xf32, #tpu.memory_space<vmem>>, vector<16xf32>,
    %broadcast_in_dim3A_23 = arith.constant 1.000000e+00 : f32
    %broadcast_in_dim3A_24 = vector.broadcast %broadcast_in_dim3A_23 : f32 to vector<16xf32>
    %swap3A_25 = arith.constant 64 : index
    %swap3A_26 = tpu.vector_load %arg11[%swap3A_25] {strides = array<i32>} : memref<128xf32, #tpu.memory_space<vmem>>, vector<16xf32>,
    %swap3A_27 = vector.shape_cast %swap3A_26 : vector<16xf32> to vector<16xf32>
    %swap3A_28 = vector.shape_cast %broadcast_in_dim3A_24 : vector<16xf32> to vector<16xf32>
    tpu.vector_store %arg11[%swap3A_25], %swap3A_28 {strides = array<i32>} : memref<128xf32, #tpu.memory_space<vmem>>, vector<16xf32>,
    %broadcast_in_dim3A_29 = arith.constant 1.000000e+00 : f32
    %broadcast_in_dim3A_30 = vector.broadcast %broadcast_in_dim3A_29 : f32 to vector<16xf32>
    %swap3A_31 = arith.constant 80 : index
    %swap3A_32 = tpu.vector_load %arg11[%swap3A_31] {strides = array<i32>} : memref<128xf32, #tpu.memory_space<vmem>>, vector<16xf32>,
    %swap3A_33 = vector.shape_cast %swap3A_32 : vector<16xf32> to vector<16xf32>
    %swap3A_34 = vector.shape_cast %broadcast_in_dim3A_30 : vector<16xf32> to vector<16xf32>
    tpu.vector_store %arg11[%swap3A_31], %swap3A_34 {strides = array<i32>} : memref<128xf32, #tpu.memory_space<vmem>>, vector<16xf32>,
    %broadcast_in_dim3A_35 = arith.constant 1.000000e+00 : f32
    %broadcast_in_dim3A_36 = vector.broadcast %broadcast_in_dim3A_35 : f32 to vector<16xf32>
    %swap3A_37 = arith.constant 96 : index
    %swap3A_38 = tpu.vector_load %arg11[%swap3A_37] {strides = array<i32>} : memref<128xf32, #tpu.memory_space<vmem>>, vector<16xf32>,
    %swap3A_39 = vector.shape_cast %swap3A_38 : vector<16xf32> to vector<16xf32>
    %swap3A_40 = vector.shape_cast %broadcast_in_dim3A_36 : vector<16xf32> to vector<16xf32>
    tpu.vector_store %arg11[%swap3A_37], %swap3A_40 {strides = array<i32>} : memref<128xf32, #tpu.memory_space<vmem>>, vector<16xf32>,
    %broadcast_in_dim3A_41 = arith.constant 1.000000e+00 : f32
    %broadcast_in_dim3A_42 = vector.broadcast %broadcast_in_dim3A_41 : f32 to vector<16xf32>
    %swap3A_43 = arith.constant 112 : index
    %swap3A_44 = tpu.vector_load %arg11[%swap3A_43] {strides = array<i32>} : memref<128xf32, #tpu.memory_space<vmem>>, vector<16xf32>,
    %swap3A_45 = vector.shape_cast %swap3A_44 : vector<16xf32> to vector<16xf32>
    %swap3A_46 = vector.shape_cast %broadcast_in_dim3A_42 : vector<16xf32> to vector<16xf32>
    tpu.vector_store %arg11[%swap3A_43], %swap3A_46 {strides = array<i32>} : memref<128xf32, #tpu.memory_space<vmem>>, vector<16xf32>,
    %broadcast_in_dim3A_47 = arith.constant 0.000000e+00 : f32
    %broadcast_in_dim3A_48 = vector.broadcast %broadcast_in_dim3A_47 : f32 to vector<16xf32>
    %swap3A_49 = arith.constant 0 : index
    %swap3A_50 = tpu.vector_load %arg12[%swap3A_49] {strides = array<i32>} : memref<640xf32, #tpu.memory_space<vmem>>, vector<16xf32>,
    %swap3A_51 = vector.shape_cast %swap3A_50 : vector<16xf32> to vector<16xf32>
    %swap3A_52 = vector.shape_cast %broadcast_in_dim3A_48 : vector<16xf32> to vector<16xf32>
    tpu.vector_store %arg12[%swap3A_49], %swap3A_52 {strides = array<i32>} : memref<640xf32, #tpu.memory_space<vmem>>, vector<16xf32>,
    %broadcast_in_dim3A_53 = arith.constant 0.000000e+00 : f32
    %broadcast_in_dim3A_54 = vector.broadcast %broadcast_in_dim3A_53 : f32 to vector<16xf32>
    %swap3A_55 = arith.constant 16 : index
    %swap3A_56 = tpu.vector_load %arg12[%swap3A_55] {strides = array<i32>} : memref<640xf32, #tpu.memory_space<vmem>>, vector<16xf32>,
    %swap3A_57 = vector.shape_cast %swap3A_56 : vector<16xf32> to vector<16xf32>
    %swap3A_58 = vector.shape_cast %broadcast_in_dim3A_54 : vector<16xf32> to vector<16xf32>
    tpu.vector_store %arg12[%swap3A_55], %swap3A_58 {strides = array<i32>} : memref<640xf32, #tpu.memory_space<vmem>>, vector<16xf32>,
    %broadcast_in_dim3A_59 = arith.constant 0.000000e+00 : f32
    %broadcast_in_dim3A_60 = vector.broadcast %broadcast_in_dim3A_59 : f32 to vector<16xf32>
    %swap3A_61 = arith.constant 32 : index
    %swap3A_62 = tpu.vector_load %arg12[%swap3A_61] {strides = array<i32>} : memref<640xf32, #tpu.memory_space<vmem>>, vector<16xf32>,
    %swap3A_63 = vector.shape_cast %swap3A_62 : vector<16xf32> to vector<16xf32>
    %swap3A_64 = vector.shape_cast %broadcast_in_dim3A_60 : vector<16xf32> to vector<16xf32>
    tpu.vector_store %arg12[%swap3A_61], %swap3A_64 {strides = array<i32>} : memref<640xf32, #tpu.memory_space<vmem>>, vector<16xf32>,
    %broadcast_in_dim3A_65 = arith.constant 0.000000e+00 : f32
    %broadcast_in_dim3A_66 = vector.broadcast %broadcast_in_dim3A_65 : f32 to vector<16xf32>
    %swap3A_67 = arith.constant 48 : index
    %swap3A_68 = tpu.vector_load %arg12[%swap3A_67] {strides = array<i32>} : memref<640xf32, #tpu.memory_space<vmem>>, vector<16xf32>,
    %swap3A_69 = vector.shape_cast %swap3A_68 : vector<16xf32> to vector<16xf32>
    %swap3A_70 = vector.shape_cast %broadcast_in_dim3A_66 : vector<16xf32> to vector<16xf32>
    tpu.vector_store %arg12[%swap3A_67], %swap3A_70 {strides = array<i32>} : memref<640xf32, #tpu.memory_space<vmem>>, vector<16xf32>,
    %broadcast_in_dim3A_71 = arith.constant 0.000000e+00 : f32
    %broadcast_in_dim3A_72 = vector.broadcast %broadcast_in_dim3A_71 : f32 to vector<16xf32>
    %swap3A_73 = arith.constant 64 : index
    %swap3A_74 = tpu.vector_load %arg12[%swap3A_73] {strides = array<i32>} : memref<640xf32, #tpu.memory_space<vmem>>, vector<16xf32>,
    %swap3A_75 = vector.shape_cast %swap3A_74 : vector<16xf32> to vector<16xf32>
    %swap3A_76 = vector.shape_cast %broadcast_in_dim3A_72 : vector<16xf32> to vector<16xf32>
    tpu.vector_store %arg12[%swap3A_73], %swap3A_76 {strides = array<i32>} : memref<640xf32, #tpu.memory_space<vmem>>, vector<16xf32>,
    %broadcast_in_dim3A_77 = arith.constant 0.000000e+00 : f32
    %broadcast_in_dim3A_78 = vector.broadcast %broadcast_in_dim3A_77 : f32 to vector<16xf32>
    %swap3A_79 = arith.constant 80 : index
    %swap3A_80 = tpu.vector_load %arg12[%swap3A_79] {strides = array<i32>} : memref<640xf32, #tpu.memory_space<vmem>>, vector<16xf32>,
    %swap3A_81 = vector.shape_cast %swap3A_80 : vector<16xf32> to vector<16xf32>
    %swap3A_82 = vector.shape_cast %broadcast_in_dim3A_78 : vector<16xf32> to vector<16xf32>
    tpu.vector_store %arg12[%swap3A_79], %swap3A_82 {strides = array<i32>} : memref<640xf32, #tpu.memory_space<vmem>>, vector<16xf32>,
    %broadcast_in_dim3A_83 = arith.constant 0.000000e+00 : f32
    %broadcast_in_dim3A_84 = vector.broadcast %broadcast_in_dim3A_83 : f32 to vector<16xf32>
    %swap3A_85 = arith.constant 96 : index
    %swap3A_86 = tpu.vector_load %arg12[%swap3A_85] {strides = array<i32>} : memref<640xf32, #tpu.memory_space<vmem>>, vector<16xf32>,
    %swap3A_87 = vector.shape_cast %swap3A_86 : vector<16xf32> to vector<16xf32>
    %swap3A_88 = vector.shape_cast %broadcast_in_dim3A_84 : vector<16xf32> to vector<16xf32>
    tpu.vector_store %arg12[%swap3A_85], %swap3A_88 {strides = array<i32>} : memref<640xf32, #tpu.memory_space<vmem>>, vector<16xf32>,
    %broadcast_in_dim3A_89 = arith.constant 0.000000e+00 : f32
    %broadcast_in_dim3A_90 = vector.broadcast %broadcast_in_dim3A_89 : f32 to vector<16xf32>
    %swap3A_91 = arith.constant 112 : index
    %swap3A_92 = tpu.vector_load %arg12[%swap3A_91] {strides = array<i32>} : memref<640xf32, #tpu.memory_space<vmem>>, vector<16xf32>,
    %swap3A_93 = vector.shape_cast %swap3A_92 : vector<16xf32> to vector<16xf32>
    %swap3A_94 = vector.shape_cast %broadcast_in_dim3A_90 : vector<16xf32> to vector<16xf32>
    tpu.vector_store %arg12[%swap3A_91], %swap3A_94 {strides = array<i32>} : memref<640xf32, #tpu.memory_space<vmem>>, vector<16xf32>,
    %broadcast_in_dim3A_95 = arith.constant 0.000000e+00 : f32
    %broadcast_in_dim3A_96 = vector.broadcast %broadcast_in_dim3A_95 : f32 to vector<16xf32>
    %swap3A_97 = arith.constant 128 : index
    %swap3A_98 = tpu.vector_load %arg12[%swap3A_97] {strides = array<i32>} : memref<640xf32, #tpu.memory_space<vmem>>, vector<16xf32>,
    %swap3A_99 = vector.shape_cast %swap3A_98 : vector<16xf32> to vector<16xf32>
    %swap3A_100 = vector.shape_cast %broadcast_in_dim3A_96 : vector<16xf32> to vector<16xf32>
    tpu.vector_store %arg12[%swap3A_97], %swap3A_100 {strides = array<i32>} : memref<640xf32, #tpu.memory_space<vmem>>, vector<16xf32>,
    %broadcast_in_dim3A_101 = arith.constant 0.000000e+00 : f32
    %broadcast_in_dim3A_102 = vector.broadcast %broadcast_in_dim3A_101 : f32 to vector<16xf32>
    %swap3A_103 = arith.constant 144 : index
    %swap3A_104 = tpu.vector_load %arg12[%swap3A_103] {strides = array<i32>} : memref<640xf32, #tpu.memory_space<vmem>>, vector<16xf32>,
    %swap3A_105 = vector.shape_cast %swap3A_104 : vector<16xf32> to vector<16xf32>
    %swap3A_106 = vector.shape_cast %broadcast_in_dim3A_102 : vector<16xf32> to vector<16xf32>
    tpu.vector_store %arg12[%swap3A_103], %swap3A_106 {strides = array<i32>} : memref<640xf32, #tpu.memory_space<vmem>>, vector<16xf32>,
    %broadcast_in_dim3A_107 = arith.constant 0.000000e+00 : f32
    %broadcast_in_dim3A_108 = vector.broadcast %broadcast_in_dim3A_107 : f32 to vector<16xf32>
    %swap3A_109 = arith.constant 160 : index
    %swap3A_110 = tpu.vector_load %arg12[%swap3A_109] {strides = array<i32>} : memref<640xf32, #tpu.memory_space<vmem>>, vector<16xf32>,
    %swap3A_111 = vector.shape_cast %swap3A_110 : vector<16xf32> to vector<16xf32>
    %swap3A_112 = vector.shape_cast %broadcast_in_dim3A_108 : vector<16xf32> to vector<16xf32>
    tpu.vector_store %arg12[%swap3A_109], %swap3A_112 {strides = array<i32>} : memref<640xf32, #tpu.memory_space<vmem>>, vector<16xf32>,
    %broadcast_in_dim3A_113 = arith.constant 0.000000e+00 : f32
    %broadcast_in_dim3A_114 = vector.broadcast %broadcast_in_dim3A_113 : f32 to vector<16xf32>
    %swap3A_115 = arith.constant 176 : index
    %swap3A_116 = tpu.vector_load %arg12[%swap3A_115] {strides = array<i32>} : memref<640xf32, #tpu.memory_space<vmem>>, vector<16xf32>,
    %swap3A_117 = vector.shape_cast %swap3A_116 : vector<16xf32> to vector<16xf32>
    %swap3A_118 = vector.shape_cast %broadcast_in_dim3A_114 : vector<16xf32> to vector<16xf32>
    tpu.vector_store %arg12[%swap3A_115], %swap3A_118 {strides = array<i32>} : memref<640xf32, #tpu.memory_space<vmem>>, vector<16xf32>,
    %broadcast_in_dim3A_119 = arith.constant 0.000000e+00 : f32
    %broadcast_in_dim3A_120 = vector.broadcast %broadcast_in_dim3A_119 : f32 to vector<16xf32>
    %swap3A_121 = arith.constant 192 : index
    %swap3A_122 = tpu.vector_load %arg12[%swap3A_121] {strides = array<i32>} : memref<640xf32, #tpu.memory_space<vmem>>, vector<16xf32>,
    %swap3A_123 = vector.shape_cast %swap3A_122 : vector<16xf32> to vector<16xf32>
    %swap3A_124 = vector.shape_cast %broadcast_in_dim3A_120 : vector<16xf32> to vector<16xf32>
    tpu.vector_store %arg12[%swap3A_121], %swap3A_124 {strides = array<i32>} : memref<640xf32, #tpu.memory_space<vmem>>, vector<16xf32>,
    %broadcast_in_dim3A_125 = arith.constant 0.000000e+00 : f32
    %broadcast_in_dim3A_126 = vector.broadcast %broadcast_in_dim3A_125 : f32 to vector<16xf32>
    %swap3A_127 = arith.constant 208 : index
    %swap3A_128 = tpu.vector_load %arg12[%swap3A_127] {strides = array<i32>} : memref<640xf32, #tpu.memory_space<vmem>>, vector<16xf32>,
    %swap3A_129 = vector.shape_cast %swap3A_128 : vector<16xf32> to vector<16xf32>
    %swap3A_130 = vector.shape_cast %broadcast_in_dim3A_126 : vector<16xf32> to vector<16xf32>
    tpu.vector_store %arg12[%swap3A_127], %swap3A_130 {strides = array<i32>} : memref<640xf32, #tpu.memory_space<vmem>>, vector<16xf32>,
    %broadcast_in_dim3A_131 = arith.constant 0.000000e+00 : f32
    %broadcast_in_dim3A_132 = vector.broadcast %broadcast_in_dim3A_131 : f32 to vector<16xf32>
    %swap3A_133 = arith.constant 224 : index
    %swap3A_134 = tpu.vector_load %arg12[%swap3A_133] {strides = array<i32>} : memref<640xf32, #tpu.memory_space<vmem>>, vector<16xf32>,
    %swap3A_135 = vector.shape_cast %swap3A_134 : vector<16xf32> to vector<16xf32>
    %swap3A_136 = vector.shape_cast %broadcast_in_dim3A_132 : vector<16xf32> to vector<16xf32>
    tpu.vector_store %arg12[%swap3A_133], %swap3A_136 {strides = array<i32>} : memref<640xf32, #tpu.memory_space<vmem>>, vector<16xf32>,
    %broadcast_in_dim3A_137 = arith.constant 0.000000e+00 : f32
    %broadcast_in_dim3A_138 = vector.broadcast %broadcast_in_dim3A_137 : f32 to vector<16xf32>
    %swap3A_139 = arith.constant 240 : index
    %swap3A_140 = tpu.vector_load %arg12[%swap3A_139] {strides = array<i32>} : memref<640xf32, #tpu.memory_space<vmem>>, vector<16xf32>,
    %swap3A_141 = vector.shape_cast %swap3A_140 : vector<16xf32> to vector<16xf32>
    %swap3A_142 = vector.shape_cast %broadcast_in_dim3A_138 : vector<16xf32> to vector<16xf32>
    tpu.vector_store %arg12[%swap3A_139], %swap3A_142 {strides = array<i32>} : memref<640xf32, #tpu.memory_space<vmem>>, vector<16xf32>,
    %broadcast_in_dim3A_143 = arith.constant 0.000000e+00 : f32
    %broadcast_in_dim3A_144 = vector.broadcast %broadcast_in_dim3A_143 : f32 to vector<16xf32>
    %swap3A_145 = arith.constant 256 : index
    %swap3A_146 = tpu.vector_load %arg12[%swap3A_145] {strides = array<i32>} : memref<640xf32, #tpu.memory_space<vmem>>, vector<16xf32>,
    %swap3A_147 = vector.shape_cast %swap3A_146 : vector<16xf32> to vector<16xf32>
    %swap3A_148 = vector.shape_cast %broadcast_in_dim3A_144 : vector<16xf32> to vector<16xf32>
    tpu.vector_store %arg12[%swap3A_145], %swap3A_148 {strides = array<i32>} : memref<640xf32, #tpu.memory_space<vmem>>, vector<16xf32>,
    %broadcast_in_dim3A_149 = arith.constant 0.000000e+00 : f32
    %broadcast_in_dim3A_150 = vector.broadcast %broadcast_in_dim3A_149 : f32 to vector<16xf32>
    %swap3A_151 = arith.constant 272 : index
    %swap3A_152 = tpu.vector_load %arg12[%swap3A_151] {strides = array<i32>} : memref<640xf32, #tpu.memory_space<vmem>>, vector<16xf32>,
    %swap3A_153 = vector.shape_cast %swap3A_152 : vector<16xf32> to vector<16xf32>
    %swap3A_154 = vector.shape_cast %broadcast_in_dim3A_150 : vector<16xf32> to vector<16xf32>
    tpu.vector_store %arg12[%swap3A_151], %swap3A_154 {strides = array<i32>} : memref<640xf32, #tpu.memory_space<vmem>>, vector<16xf32>,
    %broadcast_in_dim3A_155 = arith.constant 0.000000e+00 : f32
    %broadcast_in_dim3A_156 = vector.broadcast %broadcast_in_dim3A_155 : f32 to vector<16xf32>
    %swap3A_157 = arith.constant 288 : index
    %swap3A_158 = tpu.vector_load %arg12[%swap3A_157] {strides = array<i32>} : memref<640xf32, #tpu.memory_space<vmem>>, vector<16xf32>,
    %swap3A_159 = vector.shape_cast %swap3A_158 : vector<16xf32> to vector<16xf32>
    %swap3A_160 = vector.shape_cast %broadcast_in_dim3A_156 : vector<16xf32> to vector<16xf32>
    tpu.vector_store %arg12[%swap3A_157], %swap3A_160 {strides = array<i32>} : memref<640xf32, #tpu.memory_space<vmem>>, vector<16xf32>,
    %broadcast_in_dim3A_161 = arith.constant 0.000000e+00 : f32
    %broadcast_in_dim3A_162 = vector.broadcast %broadcast_in_dim3A_161 : f32 to vector<16xf32>
    %swap3A_163 = arith.constant 304 : index
    %swap3A_164 = tpu.vector_load %arg12[%swap3A_163] {strides = array<i32>} : memref<640xf32, #tpu.memory_space<vmem>>, vector<16xf32>,
    %swap3A_165 = vector.shape_cast %swap3A_164 : vector<16xf32> to vector<16xf32>
    %swap3A_166 = vector.shape_cast %broadcast_in_dim3A_162 : vector<16xf32> to vector<16xf32>
    tpu.vector_store %arg12[%swap3A_163], %swap3A_166 {strides = array<i32>} : memref<640xf32, #tpu.memory_space<vmem>>, vector<16xf32>,
    %broadcast_in_dim3A_167 = arith.constant 0.000000e+00 : f32
    %broadcast_in_dim3A_168 = vector.broadcast %broadcast_in_dim3A_167 : f32 to vector<16xf32>
    %swap3A_169 = arith.constant 320 : index
    %swap3A_170 = tpu.vector_load %arg12[%swap3A_169] {strides = array<i32>} : memref<640xf32, #tpu.memory_space<vmem>>, vector<16xf32>,
    %swap3A_171 = vector.shape_cast %swap3A_170 : vector<16xf32> to vector<16xf32>
    %swap3A_172 = vector.shape_cast %broadcast_in_dim3A_168 : vector<16xf32> to vector<16xf32>
    tpu.vector_store %arg12[%swap3A_169], %swap3A_172 {strides = array<i32>} : memref<640xf32, #tpu.memory_space<vmem>>, vector<16xf32>,
    %broadcast_in_dim3A_173 = arith.constant 0.000000e+00 : f32
    %broadcast_in_dim3A_174 = vector.broadcast %broadcast_in_dim3A_173 : f32 to vector<16xf32>
    %swap3A_175 = arith.constant 336 : index
    %swap3A_176 = tpu.vector_load %arg12[%swap3A_175] {strides = array<i32>} : memref<640xf32, #tpu.memory_space<vmem>>, vector<16xf32>,
    %swap3A_177 = vector.shape_cast %swap3A_176 : vector<16xf32> to vector<16xf32>
    %swap3A_178 = vector.shape_cast %broadcast_in_dim3A_174 : vector<16xf32> to vector<16xf32>
    tpu.vector_store %arg12[%swap3A_175], %swap3A_178 {strides = array<i32>} : memref<640xf32, #tpu.memory_space<vmem>>, vector<16xf32>,
    %broadcast_in_dim3A_179 = arith.constant 0.000000e+00 : f32
    %broadcast_in_dim3A_180 = vector.broadcast %broadcast_in_dim3A_179 : f32 to vector<16xf32>
    %swap3A_181 = arith.constant 352 : index
    %swap3A_182 = tpu.vector_load %arg12[%swap3A_181] {strides = array<i32>} : memref<640xf32, #tpu.memory_space<vmem>>, vector<16xf32>,
    %swap3A_183 = vector.shape_cast %swap3A_182 : vector<16xf32> to vector<16xf32>
    %swap3A_184 = vector.shape_cast %broadcast_in_dim3A_180 : vector<16xf32> to vector<16xf32>
    tpu.vector_store %arg12[%swap3A_181], %swap3A_184 {strides = array<i32>} : memref<640xf32, #tpu.memory_space<vmem>>, vector<16xf32>,
    %broadcast_in_dim3A_185 = arith.constant 0.000000e+00 : f32
    %broadcast_in_dim3A_186 = vector.broadcast %broadcast_in_dim3A_185 : f32 to vector<16xf32>
    %swap3A_187 = arith.constant 368 : index
    %swap3A_188 = tpu.vector_load %arg12[%swap3A_187] {strides = array<i32>} : memref<640xf32, #tpu.memory_space<vmem>>, vector<16xf32>,
    %swap3A_189 = vector.shape_cast %swap3A_188 : vector<16xf32> to vector<16xf32>
    %swap3A_190 = vector.shape_cast %broadcast_in_dim3A_186 : vector<16xf32> to vector<16xf32>
    tpu.vector_store %arg12[%swap3A_187], %swap3A_190 {strides = array<i32>} : memref<640xf32, #tpu.memory_space<vmem>>, vector<16xf32>,
    %broadcast_in_dim3A_191 = arith.constant 0.000000e+00 : f32
    %broadcast_in_dim3A_192 = vector.broadcast %broadcast_in_dim3A_191 : f32 to vector<16xf32>
    %swap3A_193 = arith.constant 384 : index
    %swap3A_194 = tpu.vector_load %arg12[%swap3A_193] {strides = array<i32>} : memref<640xf32, #tpu.memory_space<vmem>>, vector<16xf32>,
    %swap3A_195 = vector.shape_cast %swap3A_194 : vector<16xf32> to vector<16xf32>
    %swap3A_196 = vector.shape_cast %broadcast_in_dim3A_192 : vector<16xf32> to vector<16xf32>
    tpu.vector_store %arg12[%swap3A_193], %swap3A_196 {strides = array<i32>} : memref<640xf32, #tpu.memory_space<vmem>>, vector<16xf32>,
    %broadcast_in_dim3A_197 = arith.constant 0.000000e+00 : f32
    %broadcast_in_dim3A_198 = vector.broadcast %broadcast_in_dim3A_197 : f32 to vector<16xf32>
    %swap3A_199 = arith.constant 400 : index
    %swap3A_200 = tpu.vector_load %arg12[%swap3A_199] {strides = array<i32>} : memref<640xf32, #tpu.memory_space<vmem>>, vector<16xf32>,
    %swap3A_201 = vector.shape_cast %swap3A_200 : vector<16xf32> to vector<16xf32>
    %swap3A_202 = vector.shape_cast %broadcast_in_dim3A_198 : vector<16xf32> to vector<16xf32>
    tpu.vector_store %arg12[%swap3A_199], %swap3A_202 {strides = array<i32>} : memref<640xf32, #tpu.memory_space<vmem>>, vector<16xf32>,
    %broadcast_in_dim3A_203 = arith.constant 0.000000e+00 : f32
    %broadcast_in_dim3A_204 = vector.broadcast %broadcast_in_dim3A_203 : f32 to vector<16xf32>
    %swap3A_205 = arith.constant 416 : index
    %swap3A_206 = tpu.vector_load %arg12[%swap3A_205] {strides = array<i32>} : memref<640xf32, #tpu.memory_space<vmem>>, vector<16xf32>,
    %swap3A_207 = vector.shape_cast %swap3A_206 : vector<16xf32> to vector<16xf32>
    %swap3A_208 = vector.shape_cast %broadcast_in_dim3A_204 : vector<16xf32> to vector<16xf32>
    tpu.vector_store %arg12[%swap3A_205], %swap3A_208 {strides = array<i32>} : memref<640xf32, #tpu.memory_space<vmem>>, vector<16xf32>,
    %broadcast_in_dim3A_209 = arith.constant 0.000000e+00 : f32
    %broadcast_in_dim3A_210 = vector.broadcast %broadcast_in_dim3A_209 : f32 to vector<16xf32>
    %swap3A_211 = arith.constant 432 : index
    %swap3A_212 = tpu.vector_load %arg12[%swap3A_211] {strides = array<i32>} : memref<640xf32, #tpu.memory_space<vmem>>, vector<16xf32>,
    %swap3A_213 = vector.shape_cast %swap3A_212 : vector<16xf32> to vector<16xf32>
    %swap3A_214 = vector.shape_cast %broadcast_in_dim3A_210 : vector<16xf32> to vector<16xf32>
    tpu.vector_store %arg12[%swap3A_211], %swap3A_214 {strides = array<i32>} : memref<640xf32, #tpu.memory_space<vmem>>, vector<16xf32>,
    %broadcast_in_dim3A_215 = arith.constant 0.000000e+00 : f32
    %broadcast_in_dim3A_216 = vector.broadcast %broadcast_in_dim3A_215 : f32 to vector<16xf32>
    %swap3A_217 = arith.constant 448 : index
    %swap3A_218 = tpu.vector_load %arg12[%swap3A_217] {strides = array<i32>} : memref<640xf32, #tpu.memory_space<vmem>>, vector<16xf32>,
    %swap3A_219 = vector.shape_cast %swap3A_218 : vector<16xf32> to vector<16xf32>
    %swap3A_220 = vector.shape_cast %broadcast_in_dim3A_216 : vector<16xf32> to vector<16xf32>
    tpu.vector_store %arg12[%swap3A_217], %swap3A_220 {strides = array<i32>} : memref<640xf32, #tpu.memory_space<vmem>>, vector<16xf32>,
    %broadcast_in_dim3A_221 = arith.constant 0.000000e+00 : f32
    %broadcast_in_dim3A_222 = vector.broadcast %broadcast_in_dim3A_221 : f32 to vector<16xf32>
    %swap3A_223 = arith.constant 464 : index
    %swap3A_224 = tpu.vector_load %arg12[%swap3A_223] {strides = array<i32>} : memref<640xf32, #tpu.memory_space<vmem>>, vector<16xf32>,
    %swap3A_225 = vector.shape_cast %swap3A_224 : vector<16xf32> to vector<16xf32>
    %swap3A_226 = vector.shape_cast %broadcast_in_dim3A_222 : vector<16xf32> to vector<16xf32>
    tpu.vector_store %arg12[%swap3A_223], %swap3A_226 {strides = array<i32>} : memref<640xf32, #tpu.memory_space<vmem>>, vector<16xf32>,
    %broadcast_in_dim3A_227 = arith.constant 0.000000e+00 : f32
    %broadcast_in_dim3A_228 = vector.broadcast %broadcast_in_dim3A_227 : f32 to vector<16xf32>
    %swap3A_229 = arith.constant 480 : index
    %swap3A_230 = tpu.vector_load %arg12[%swap3A_229] {strides = array<i32>} : memref<640xf32, #tpu.memory_space<vmem>>, vector<16xf32>,
    %swap3A_231 = vector.shape_cast %swap3A_230 : vector<16xf32> to vector<16xf32>
    %swap3A_232 = vector.shape_cast %broadcast_in_dim3A_228 : vector<16xf32> to vector<16xf32>
    tpu.vector_store %arg12[%swap3A_229], %swap3A_232 {strides = array<i32>} : memref<640xf32, #tpu.memory_space<vmem>>, vector<16xf32>,
    %broadcast_in_dim3A_233 = arith.constant 0.000000e+00 : f32
    %broadcast_in_dim3A_234 = vector.broadcast %broadcast_in_dim3A_233 : f32 to vector<16xf32>
    %swap3A_235 = arith.constant 496 : index
    %swap3A_236 = tpu.vector_load %arg12[%swap3A_235] {strides = array<i32>} : memref<640xf32, #tpu.memory_space<vmem>>, vector<16xf32>,
    %swap3A_237 = vector.shape_cast %swap3A_236 : vector<16xf32> to vector<16xf32>
    %swap3A_238 = vector.shape_cast %broadcast_in_dim3A_234 : vector<16xf32> to vector<16xf32>
    tpu.vector_store %arg12[%swap3A_235], %swap3A_238 {strides = array<i32>} : memref<640xf32, #tpu.memory_space<vmem>>, vector<16xf32>,
    %broadcast_in_dim3A_239 = arith.constant 0.000000e+00 : f32
    %broadcast_in_dim3A_240 = vector.broadcast %broadcast_in_dim3A_239 : f32 to vector<16xf32>
    %swap3A_241 = arith.constant 512 : index
    %swap3A_242 = tpu.vector_load %arg12[%swap3A_241] {strides = array<i32>} : memref<640xf32, #tpu.memory_space<vmem>>, vector<16xf32>,
    %swap3A_243 = vector.shape_cast %swap3A_242 : vector<16xf32> to vector<16xf32>
    %swap3A_244 = vector.shape_cast %broadcast_in_dim3A_240 : vector<16xf32> to vector<16xf32>
    tpu.vector_store %arg12[%swap3A_241], %swap3A_244 {strides = array<i32>} : memref<640xf32, #tpu.memory_space<vmem>>, vector<16xf32>,
    %broadcast_in_dim3A_245 = arith.constant 0.000000e+00 : f32
    %broadcast_in_dim3A_246 = vector.broadcast %broadcast_in_dim3A_245 : f32 to vector<16xf32>
    %swap3A_247 = arith.constant 528 : index
    %swap3A_248 = tpu.vector_load %arg12[%swap3A_247] {strides = array<i32>} : memref<640xf32, #tpu.memory_space<vmem>>, vector<16xf32>,
    %swap3A_249 = vector.shape_cast %swap3A_248 : vector<16xf32> to vector<16xf32>
    %swap3A_250 = vector.shape_cast %broadcast_in_dim3A_246 : vector<16xf32> to vector<16xf32>
    tpu.vector_store %arg12[%swap3A_247], %swap3A_250 {strides = array<i32>} : memref<640xf32, #tpu.memory_space<vmem>>, vector<16xf32>,
    %broadcast_in_dim3A_251 = arith.constant 0.000000e+00 : f32
    %broadcast_in_dim3A_252 = vector.broadcast %broadcast_in_dim3A_251 : f32 to vector<16xf32>
    %swap3A_253 = arith.constant 544 : index
    %swap3A_254 = tpu.vector_load %arg12[%swap3A_253] {strides = array<i32>} : memref<640xf32, #tpu.memory_space<vmem>>, vector<16xf32>,
    %swap3A_255 = vector.shape_cast %swap3A_254 : vector<16xf32> to vector<16xf32>
    %swap3A_256 = vector.shape_cast %broadcast_in_dim3A_252 : vector<16xf32> to vector<16xf32>
    tpu.vector_store %arg12[%swap3A_253], %swap3A_256 {strides = array<i32>} : memref<640xf32, #tpu.memory_space<vmem>>, vector<16xf32>,
    %broadcast_in_dim3A_257 = arith.constant 0.000000e+00 : f32
    %broadcast_in_dim3A_258 = vector.broadcast %broadcast_in_dim3A_257 : f32 to vector<16xf32>
    %swap3A_259 = arith.constant 560 : index
    %swap3A_260 = tpu.vector_load %arg12[%swap3A_259] {strides = array<i32>} : memref<640xf32, #tpu.memory_space<vmem>>, vector<16xf32>,
    %swap3A_261 = vector.shape_cast %swap3A_260 : vector<16xf32> to vector<16xf32>
    %swap3A_262 = vector.shape_cast %broadcast_in_dim3A_258 : vector<16xf32> to vector<16xf32>
    tpu.vector_store %arg12[%swap3A_259], %swap3A_262 {strides = array<i32>} : memref<640xf32, #tpu.memory_space<vmem>>, vector<16xf32>,
    %broadcast_in_dim3A_263 = arith.constant 0.000000e+00 : f32
    %broadcast_in_dim3A_264 = vector.broadcast %broadcast_in_dim3A_263 : f32 to vector<16xf32>
    %swap3A_265 = arith.constant 576 : index
    %swap3A_266 = tpu.vector_load %arg12[%swap3A_265] {strides = array<i32>} : memref<640xf32, #tpu.memory_space<vmem>>, vector<16xf32>,
    %swap3A_267 = vector.shape_cast %swap3A_266 : vector<16xf32> to vector<16xf32>
    %swap3A_268 = vector.shape_cast %broadcast_in_dim3A_264 : vector<16xf32> to vector<16xf32>
    tpu.vector_store %arg12[%swap3A_265], %swap3A_268 {strides = array<i32>} : memref<640xf32, #tpu.memory_space<vmem>>, vector<16xf32>,
    %broadcast_in_dim3A_269 = arith.constant 0.000000e+00 : f32
    %broadcast_in_dim3A_270 = vector.broadcast %broadcast_in_dim3A_269 : f32 to vector<16xf32>
    %swap3A_271 = arith.constant 592 : index
    %swap3A_272 = tpu.vector_load %arg12[%swap3A_271] {strides = array<i32>} : memref<640xf32, #tpu.memory_space<vmem>>, vector<16xf32>,
    %swap3A_273 = vector.shape_cast %swap3A_272 : vector<16xf32> to vector<16xf32>
    %swap3A_274 = vector.shape_cast %broadcast_in_dim3A_270 : vector<16xf32> to vector<16xf32>
    tpu.vector_store %arg12[%swap3A_271], %swap3A_274 {strides = array<i32>} : memref<640xf32, #tpu.memory_space<vmem>>, vector<16xf32>,
    %broadcast_in_dim3A_275 = arith.constant 0.000000e+00 : f32
    %broadcast_in_dim3A_276 = vector.broadcast %broadcast_in_dim3A_275 : f32 to vector<16xf32>
    %swap3A_277 = arith.constant 608 : index
    %swap3A_278 = tpu.vector_load %arg12[%swap3A_277] {strides = array<i32>} : memref<640xf32, #tpu.memory_space<vmem>>, vector<16xf32>,
    %swap3A_279 = vector.shape_cast %swap3A_278 : vector<16xf32> to vector<16xf32>
    %swap3A_280 = vector.shape_cast %broadcast_in_dim3A_276 : vector<16xf32> to vector<16xf32>
    tpu.vector_store %arg12[%swap3A_277], %swap3A_280 {strides = array<i32>} : memref<640xf32, #tpu.memory_space<vmem>>, vector<16xf32>,
    %broadcast_in_dim3A_281 = arith.constant 0.000000e+00 : f32
    %broadcast_in_dim3A_282 = vector.broadcast %broadcast_in_dim3A_281 : f32 to vector<16xf32>
    %swap3A_283 = arith.constant 624 : index
    %swap3A_284 = tpu.vector_load %arg12[%swap3A_283] {strides = array<i32>} : memref<640xf32, #tpu.memory_space<vmem>>, vector<16xf32>,
    %swap3A_285 = vector.shape_cast %swap3A_284 : vector<16xf32> to vector<16xf32>
    %swap3A_286 = vector.shape_cast %broadcast_in_dim3A_282 : vector<16xf32> to vector<16xf32>
    tpu.vector_store %arg12[%swap3A_283], %swap3A_286 {strides = array<i32>} : memref<640xf32, #tpu.memory_space<vmem>>, vector<16xf32>,
    %lt3A = arith.constant 2 : i32
    %lt3A_287 = arith.cmpi slt, %arg1, %lt3A : i32
    %convert_element_type3A = arith.extui %lt3A_287 : i1 to i32
    %cond3A = arith.constant 0 : i32
    %cond3A_288 = arith.cmpi ne, %convert_element_type3A, %cond3A : i32
    scf.if %cond3A_288 {
      %mul3A_383 = arith.constant 632 : i32
      %mul3A_384 = arith.muli %arg1, %mul3A_383 : i32
      "tpu.region"() ({
        %run_scoped3A = tpu.sem_alloc : memref<!tpu.dma_semaphore, #tpu.memory_space<semaphore_mem>>
        %dma_start3A_385 = arith.constant 0 : i32
        %dma_start3A_386 = tpu.memref_slice %arg7[%mul3A_384, %dma_start3A_385] : memref<10000x128xf32, #tpu.memory_space<vmem_shared>> -> memref<632x128xf32, #tpu.memory_space<vmem_shared>>
        tpu.enqueue_dma source(%arg4 : memref<632x128xf32, #tpu.memory_space<hbm>>) target(%dma_start3A_386 : memref<632x128xf32, #tpu.memory_space<vmem_shared>>) target_semaphore(%run_scoped3A : memref<!tpu.dma_semaphore, #tpu.memory_space<semaphore_mem>>)
        %dma_wait3A_387 = arith.constant 0 : i32
        %dma_wait3A_388 = tpu.memref_slice %arg7[%mul3A_384, %dma_wait3A_387] : memref<10000x128xf32, #tpu.memory_space<vmem_shared>> -> memref<632x128xf32, #tpu.memory_space<vmem_shared>>
        tpu.wait_dma2 semaphore(%run_scoped3A : memref<!tpu.dma_semaphore, #tpu.memory_space<semaphore_mem>>) src(%arg4 : memref<632x128xf32, #tpu.memory_space<hbm>>) dst(%dma_wait3A_388 : memref<632x128xf32, #tpu.memory_space<vmem_shared>>)
        tpu.yield
      }) : () -> ()
      "tpu.region"() ({
        %run_scoped3A = tpu.sem_alloc : memref<!tpu.dma_semaphore, #tpu.memory_space<semaphore_mem>>
        %dma_start3A_385 = arith.constant 0 : i32
        %dma_start3A_386 = tpu.memref_slice %arg12[%dma_start3A_385] : memref<640xf32, #tpu.memory_space<vmem>> -> memref<632xf32, #tpu.memory_space<vmem>>
        %dma_start3A_387 = tpu.memref_slice %arg8[%mul3A_384] : memref<10000xf32, #tpu.memory_space<vmem_shared>> -> memref<632xf32, #tpu.memory_space<vmem_shared>>
        %dma_start3A_388 = tpu.memref_slice %arg8[%mul3A_384] : memref<10000xf32, #tpu.memory_space<vmem_shared>> -> memref<632xf32, #tpu.memory_space<vmem_shared>>
        %dma_start3A_389 = arith.constant 0 : i32
        %dma_start3A_390 = tpu.memref_slice %arg12[%dma_start3A_389] : memref<640xf32, #tpu.memory_space<vmem>> -> memref<632xf32, #tpu.memory_space<vmem>>
        tpu.enqueue_dma source(%dma_start3A_390 : memref<632xf32, #tpu.memory_space<vmem>>) target(%dma_start3A_388 : memref<632xf32, #tpu.memory_space<vmem_shared>>) target_semaphore(%run_scoped3A : memref<!tpu.dma_semaphore, #tpu.memory_space<semaphore_mem>>)
        %dma_wait3A_391 = arith.constant 0 : i32
        %dma_wait3A_392 = tpu.memref_slice %arg12[%dma_wait3A_391] : memref<640xf32, #tpu.memory_space<vmem>> -> memref<632xf32, #tpu.memory_space<vmem>>
        %dma_wait3A_393 = tpu.memref_slice %arg8[%mul3A_384] : memref<10000xf32, #tpu.memory_space<vmem_shared>> -> memref<632xf32, #tpu.memory_space<vmem_shared>>
        %dma_wait3A_394 = tpu.memref_slice %arg8[%mul3A_384] : memref<10000xf32, #tpu.memory_space<vmem_shared>> -> memref<632xf32, #tpu.memory_space<vmem_shared>>
        %dma_wait3A_395 = arith.constant 0 : i32
        %dma_wait3A_396 = tpu.memref_slice %arg12[%dma_wait3A_395] : memref<640xf32, #tpu.memory_space<vmem>> -> memref<632xf32, #tpu.memory_space<vmem>>
        tpu.wait_dma2 semaphore(%run_scoped3A : memref<!tpu.dma_semaphore, #tpu.memory_space<semaphore_mem>>) src(%dma_wait3A_396 : memref<632xf32, #tpu.memory_space<vmem>>) dst(%dma_wait3A_394 : memref<632xf32, #tpu.memory_space<vmem_shared>>)
        tpu.yield
      }) : () -> ()
    } else {
    }
    %ge3A = arith.constant 2 : i32
    %ge3A_289 = arith.cmpi sge, %arg1, %ge3A : i32
    %convert_element_type3A_290 = arith.extui %ge3A_289 : i1 to i32
    %cond3A_291 = arith.constant 0 : i32
    %cond3A_292 = arith.cmpi ne, %convert_element_type3A_290, %cond3A_291 : i32
    scf.if %cond3A_292 {
      %sub3A_383 = arith.constant 2 : i32
      %sub3A_384 = arith.subi %arg1, %sub3A_383 : i32
      %mul3A_385 = arith.constant 624 : i32
      %mul3A_386 = arith.muli %sub3A_384, %mul3A_385 : i32
      %add3A_387 = arith.constant 1264 : i32
      %add3A_388 = arith.addi %add3A_387, %mul3A_386 : i32
      "tpu.region"() ({
        %run_scoped3A = tpu.sem_alloc : memref<!tpu.dma_semaphore, #tpu.memory_space<semaphore_mem>>
        %dma_start3A_389 = arith.constant 0 : i32
        %dma_start3A_390 = tpu.memref_slice %arg7[%add3A_388, %dma_start3A_389] : memref<10000x128xf32, #tpu.memory_space<vmem_shared>> -> memref<624x128xf32, #tpu.memory_space<vmem_shared>>
        %dma_start3A_391 = arith.constant 0 : i32
        %dma_start3A_392 = arith.constant 0 : i32
        %dma_start3A_393 = tpu.memref_slice %arg4[%dma_start3A_391, %dma_start3A_392] : memref<632x128xf32, #tpu.memory_space<hbm>> -> memref<624x128xf32, #tpu.memory_space<hbm>>
        tpu.enqueue_dma source(%dma_start3A_393 : memref<624x128xf32, #tpu.memory_space<hbm>>) target(%dma_start3A_390 : memref<624x128xf32, #tpu.memory_space<vmem_shared>>) target_semaphore(%run_scoped3A : memref<!tpu.dma_semaphore, #tpu.memory_space<semaphore_mem>>)
        %dma_wait3A_394 = arith.constant 0 : i32
        %dma_wait3A_395 = tpu.memref_slice %arg7[%add3A_388, %dma_wait3A_394] : memref<10000x128xf32, #tpu.memory_space<vmem_shared>> -> memref<624x128xf32, #tpu.memory_space<vmem_shared>>
        %dma_wait3A_396 = arith.constant 0 : i32
        %dma_wait3A_397 = arith.constant 0 : i32
        %dma_wait3A_398 = tpu.memref_slice %arg4[%dma_wait3A_396, %dma_wait3A_397] : memref<632x128xf32, #tpu.memory_space<hbm>> -> memref<624x128xf32, #tpu.memory_space<hbm>>
        tpu.wait_dma2 semaphore(%run_scoped3A : memref<!tpu.dma_semaphore, #tpu.memory_space<semaphore_mem>>) src(%dma_wait3A_398 : memref<624x128xf32, #tpu.memory_space<hbm>>) dst(%dma_wait3A_395 : memref<624x128xf32, #tpu.memory_space<vmem_shared>>)
        tpu.yield
      }) : () -> ()
      "tpu.region"() ({
        %run_scoped3A = tpu.sem_alloc : memref<!tpu.dma_semaphore, #tpu.memory_space<semaphore_mem>>
        %dma_start3A_389 = arith.constant 0 : i32
        %dma_start3A_390 = tpu.memref_slice %arg12[%dma_start3A_389] : memref<640xf32, #tpu.memory_space<vmem>> -> memref<624xf32, #tpu.memory_space<vmem>>
        %dma_start3A_391 = tpu.memref_slice %arg8[%add3A_388] : memref<10000xf32, #tpu.memory_space<vmem_shared>> -> memref<624xf32, #tpu.memory_space<vmem_shared>>
        %dma_start3A_392 = tpu.memref_slice %arg8[%add3A_388] : memref<10000xf32, #tpu.memory_space<vmem_shared>> -> memref<624xf32, #tpu.memory_space<vmem_shared>>
        %dma_start3A_393 = arith.constant 0 : i32
        %dma_start3A_394 = tpu.memref_slice %arg12[%dma_start3A_393] : memref<640xf32, #tpu.memory_space<vmem>> -> memref<624xf32, #tpu.memory_space<vmem>>
        tpu.enqueue_dma source(%dma_start3A_394 : memref<624xf32, #tpu.memory_space<vmem>>) target(%dma_start3A_392 : memref<624xf32, #tpu.memory_space<vmem_shared>>) target_semaphore(%run_scoped3A : memref<!tpu.dma_semaphore, #tpu.memory_space<semaphore_mem>>)
        %dma_wait3A_395 = arith.constant 0 : i32
        %dma_wait3A_396 = tpu.memref_slice %arg12[%dma_wait3A_395] : memref<640xf32, #tpu.memory_space<vmem>> -> memref<624xf32, #tpu.memory_space<vmem>>
        %dma_wait3A_397 = tpu.memref_slice %arg8[%add3A_388] : memref<10000xf32, #tpu.memory_space<vmem_shared>> -> memref<624xf32, #tpu.memory_space<vmem_shared>>
        %dma_wait3A_398 = tpu.memref_slice %arg8[%add3A_388] : memref<10000xf32, #tpu.memory_space<vmem_shared>> -> memref<624xf32, #tpu.memory_space<vmem_shared>>
        %dma_wait3A_399 = arith.constant 0 : i32
        %dma_wait3A_400 = tpu.memref_slice %arg12[%dma_wait3A_399] : memref<640xf32, #tpu.memory_space<vmem>> -> memref<624xf32, #tpu.memory_space<vmem>>
        tpu.wait_dma2 semaphore(%run_scoped3A : memref<!tpu.dma_semaphore, #tpu.memory_space<semaphore_mem>>) src(%dma_wait3A_400 : memref<624xf32, #tpu.memory_space<vmem>>) dst(%dma_wait3A_398 : memref<624xf32, #tpu.memory_space<vmem_shared>>)
        tpu.yield
      }) : () -> ()
    } else {
    }
    %barrier3A = arith.constant 0 : index
    tpu.barrier barrier_id(%barrier3A)
    %lt3A_293 = arith.constant 4 : i32
    %lt3A_294 = arith.cmpi slt, %add3A, %lt3A_293 : i32
    %jit3A = arith.constant 1 : i32
    %jit3A_295 = arith.constant 0 : i32
    %select_n3A = arith.select %lt3A_294, %jit3A, %jit3A_295 : i32
    %add3A_296 = arith.constant 78 : i32
    %add3A_297 = arith.addi %add3A_296, %select_n3A : i32
    %add3A_298 = arith.constant 0 : i32
    %add3A_299 = arith.addi %add3A, %add3A_298 : i32
    %mul3A_300 = arith.constant 128 : i32
    %mul3A_301 = arith.muli %add3A_299, %mul3A_300 : i32
    %dma_start3A = arith.constant 0 : i32
    %dma_start3A_302 = arith.constant 0 : i32
    %dma_start3A_303 = arith.constant 0 : i32
    %dma_start3A_304 = tpu.memref_slice %arg9[%dma_start3A, %dma_start3A_302, %dma_start3A_303] : memref<2x128x128xf32, #tpu.memory_space<vmem>> -> memref<1x128x128xf32, #tpu.memory_space<vmem>>
    %dma_start3A_305 = tpu.memref_squeeze %dma_start3A_304 : memref<1x128x128xf32, #tpu.memory_space<vmem>> -> memref<128x128xf32, #tpu.memory_space<vmem>>
    %dma_start3A_306 = arith.constant 0 : i32
    %dma_start3A_307 = tpu.memref_slice %arg2[%mul3A_301, %dma_start3A_306] : memref<320000x128xf32, #tpu.memory_space<hbm>> -> memref<128x128xf32, #tpu.memory_space<hbm>>
    %dma_start3A_308 = arith.constant 0 : i32
    %dma_start3A_309 = arith.constant 0 : i32
    %dma_start3A_310 = tpu.memref_slice %arg9[%dma_start3A, %dma_start3A_308, %dma_start3A_309] : memref<2x128x128xf32, #tpu.memory_space<vmem>> -> memref<1x128x128xf32, #tpu.memory_space<vmem>>
    %dma_start3A_311 = tpu.memref_squeeze %dma_start3A_310 : memref<1x128x128xf32, #tpu.memory_space<vmem>> -> memref<128x128xf32, #tpu.memory_space<vmem>>
    %dma_start3A_312 = arith.constant 0 : i32
    %dma_start3A_313 = tpu.memref_slice %arg2[%mul3A_301, %dma_start3A_312] : memref<320000x128xf32, #tpu.memory_space<hbm>> -> memref<128x128xf32, #tpu.memory_space<hbm>>
    tpu.enqueue_dma source(%dma_start3A_313 : memref<128x128xf32, #tpu.memory_space<hbm>>) target(%dma_start3A_311 : memref<128x128xf32, #tpu.memory_space<vmem>>) target_semaphore(%arg13 : memref<!tpu.dma_semaphore, #tpu.memory_space<semaphore_mem>>)
    %dma_start3A_314 = arith.constant 0 : i32
    %dma_start3A_315 = arith.constant 0 : i32
    %dma_start3A_316 = arith.constant 0 : i32
    %dma_start3A_317 = tpu.memref_slice %arg10[%dma_start3A_314, %dma_start3A_315, %dma_start3A_316] : memref<2x1x128xi32, #tpu.memory_space<vmem>> -> memref<1x1x128xi32, #tpu.memory_space<vmem>>
    %dma_start3A_318 = tpu.memref_squeeze %dma_start3A_317 : memref<1x1x128xi32, #tpu.memory_space<vmem>> -> memref<1x128xi32, #tpu.memory_space<vmem>>
    %dma_start3A_319 = arith.constant 0 : i32
    %dma_start3A_320 = arith.constant 0 : i32
    %dma_start3A_321 = tpu.memref_slice %arg3[%add3A_299, %dma_start3A_319, %dma_start3A_320] : memref<2500x1x128xi32, #tpu.memory_space<hbm>> -> memref<1x1x128xi32, #tpu.memory_space<hbm>>
    %dma_start3A_322 = tpu.memref_squeeze %dma_start3A_321 : memref<1x1x128xi32, #tpu.memory_space<hbm>> -> memref<1x128xi32, #tpu.memory_space<hbm>>
    %dma_start3A_323 = arith.constant 0 : i32
    %dma_start3A_324 = arith.constant 0 : i32
    %dma_start3A_325 = tpu.memref_slice %arg10[%dma_start3A_314, %dma_start3A_323, %dma_start3A_324] : memref<2x1x128xi32, #tpu.memory_space<vmem>> -> memref<1x1x128xi32, #tpu.memory_space<vmem>>
    %dma_start3A_326 = tpu.memref_squeeze %dma_start3A_325 : memref<1x1x128xi32, #tpu.memory_space<vmem>> -> memref<1x128xi32, #tpu.memory_space<vmem>>
    %dma_start3A_327 = arith.constant 0 : i32
    %dma_start3A_328 = arith.constant 0 : i32
    %dma_start3A_329 = tpu.memref_slice %arg3[%add3A_299, %dma_start3A_327, %dma_start3A_328] : memref<2500x1x128xi32, #tpu.memory_space<hbm>> -> memref<1x1x128xi32, #tpu.memory_space<hbm>>
    %dma_start3A_330 = tpu.memref_squeeze %dma_start3A_329 : memref<1x1x128xi32, #tpu.memory_space<hbm>> -> memref<1x128xi32, #tpu.memory_space<hbm>>
    tpu.enqueue_dma source(%dma_start3A_330 : memref<1x128xi32, #tpu.memory_space<hbm>>) target(%dma_start3A_326 : memref<1x128xi32, #tpu.memory_space<vmem>>) target_semaphore(%arg13 : memref<!tpu.dma_semaphore, #tpu.memory_space<semaphore_mem>>)
    %add3A_331 = arith.constant 1 : i32
    %add3A_332 = arith.addi %add3A_297, %add3A_331 : i32
    %jit3A_333 = arith.constant 2 : i32
    %div3A = arith.divsi %add3A_332, %jit3A_333 : i32
    %sign3A = arith.constant 0 : i32
    %sign3A_334 = arith.cmpi sgt, %add3A_332, %sign3A : i32
    %sign3A_335 = arith.extui %sign3A_334 : i1 to i32
    %sign3A_336 = arith.constant 0 : i32
    %sign3A_337 = arith.cmpi slt, %add3A_332, %sign3A_336 : i32
    %sign3A_338 = arith.extui %sign3A_337 : i1 to i32
    %sign3A_339 = arith.subi %sign3A_335, %sign3A_338 : i32
    %sign3A_340 = arith.constant 0 : i32
    %sign3A_341 = arith.cmpi sgt, %jit3A_333, %sign3A_340 : i32
    %sign3A_342 = arith.extui %sign3A_341 : i1 to i32
    %sign3A_343 = arith.constant 0 : i32
    %sign3A_344 = arith.cmpi slt, %jit3A_333, %sign3A_343 : i32
    %sign3A_345 = arith.extui %sign3A_344 : i1 to i32
    %sign3A_346 = arith.subi %sign3A_342, %sign3A_345 : i32
    %ne3A = arith.cmpi ne, %sign3A_339, %sign3A_346 : i32
    %rem3A = arith.remsi %add3A_332, %jit3A_333 : i32
    %ne3A_347 = arith.constant 0 : i32
    %ne3A_348 = arith.cmpi ne, %rem3A, %ne3A_347 : i32
    %and3A = arith.andi %ne3A, %ne3A_348 : i1
    %sub3A = arith.constant 1 : i32
    %sub3A_349 = arith.subi %div3A, %sub3A : i32
    %select_n3A_350 = arith.select %and3A, %sub3A_349, %div3A : i32
    %while3A = arith.constant 0 : i32
    %while3A_351 = arith.subi %select_n3A_350, %while3A : i32
    %while3A_352 = arith.addi %while3A, %while3A_351 : i32
    %while3A_353 = arith.constant 1 : i32
    %while3A_354 = arith.divsi %while3A_351, %while3A_353 : i32
    %while3A_355 = arith.muli %while3A_354, %while3A_353 : i32
    %while3A_356 = arith.addi %while3A, %while3A_355 : i32
    %while3A_357 = arith.constant 1 : i32
    scf.for %while3A_383 = %while3A to %while3A_356 step %while3A_357  : i32 {
      %mul3A_384 = arith.constant 2 : i32
      %mul3A_385 = arith.muli %mul3A_384, %while3A_383 : i32
      %add3A_386 = arith.constant 1 : i32
      %add3A_387 = arith.addi %mul3A_385, %add3A_386 : i32
      %lt3A_388 = arith.cmpi slt, %add3A_387, %add3A_297 : i32
      %convert_element_type3A_389 = arith.extui %lt3A_388 : i1 to i32
      %cond3A_390 = arith.constant 0 : i32
      %cond3A_391 = arith.cmpi ne, %convert_element_type3A_389, %cond3A_390 : i32
      scf.if %cond3A_391 {
        %mul3A_440 = arith.constant 32 : i32
        %mul3A_441 = arith.muli %mul3A_440, %add3A_387 : i32
        %add3A_442 = arith.addi %add3A, %mul3A_441 : i32
        %ge3A_443 = arith.constant 2 : i32
        %ge3A_444 = arith.cmpi sge, %add3A_387, %ge3A_443 : i32
        %convert_element_type3A_445 = arith.extui %ge3A_444 : i1 to i32
        %cond3A_446 = arith.constant 0 : i32
        %cond3A_447 = arith.cmpi ne, %convert_element_type3A_445, %cond3A_446 : i32
        scf.if %cond3A_447 {
          %dma_wait3A_480 = arith.constant 1 : i32
          %dma_wait3A_481 = arith.constant 0 : i32
          %dma_wait3A_482 = arith.constant 0 : i32
          %dma_wait3A_483 = tpu.memref_slice %arg10[%dma_wait3A_480, %dma_wait3A_481, %dma_wait3A_482] : memref<2x1x128xi32, #tpu.memory_space<vmem>> -> memref<1x1x128xi32, #tpu.memory_space<vmem>>
          %dma_wait3A_484 = tpu.memref_squeeze %dma_wait3A_483 : memref<1x1x128xi32, #tpu.memory_space<vmem>> -> memref<128xi32, #tpu.memory_space<vmem>>
          %dma_wait3A_485 = arith.constant 0 : i32
          %dma_wait3A_486 = tpu.memref_slice %arg8[%dma_wait3A_485] : memref<10000xf32, #tpu.memory_space<vmem_shared>> -> memref<10000xf32, #tpu.memory_space<vmem_shared>>
          tpu.wait_indirect_dma semaphore(%arg16 : memref<!tpu.dma_semaphore, #tpu.memory_space<semaphore_mem>>) src(%arg11 : memref<128xf32, #tpu.memory_space<vmem>>) dst(%dma_wait3A_486 : memref<10000xf32, #tpu.memory_space<vmem_shared>>)
        } else {
        }
        %mul3A_448 = arith.constant 128 : i32
        %mul3A_449 = arith.muli %add3A_442, %mul3A_448 : i32
        %dma_start3A_450 = arith.constant 1 : i32
        %dma_start3A_451 = arith.constant 0 : i32
        %dma_start3A_452 = arith.constant 0 : i32
        %dma_start3A_453 = tpu.memref_slice %arg9[%dma_start3A_450, %dma_start3A_451, %dma_start3A_452] : memref<2x128x128xf32, #tpu.memory_space<vmem>> -> memref<1x128x128xf32, #tpu.memory_space<vmem>>
        %dma_start3A_454 = tpu.memref_squeeze %dma_start3A_453 : memref<1x128x128xf32, #tpu.memory_space<vmem>> -> memref<128x128xf32, #tpu.memory_space<vmem>>
        %dma_start3A_455 = arith.constant 0 : i32
        %dma_start3A_456 = tpu.memref_slice %arg2[%mul3A_449, %dma_start3A_455] : memref<320000x128xf32, #tpu.memory_space<hbm>> -> memref<128x128xf32, #tpu.memory_space<hbm>>
        %dma_start3A_457 = arith.constant 0 : i32
        %dma_start3A_458 = arith.constant 0 : i32
        %dma_start3A_459 = tpu.memref_slice %arg9[%dma_start3A_450, %dma_start3A_457, %dma_start3A_458] : memref<2x128x128xf32, #tpu.memory_space<vmem>> -> memref<1x128x128xf32, #tpu.memory_space<vmem>>
        %dma_start3A_460 = tpu.memref_squeeze %dma_start3A_459 : memref<1x128x128xf32, #tpu.memory_space<vmem>> -> memref<128x128xf32, #tpu.memory_space<vmem>>
        %dma_start3A_461 = arith.constant 0 : i32
        %dma_start3A_462 = tpu.memref_slice %arg2[%mul3A_449, %dma_start3A_461] : memref<320000x128xf32, #tpu.memory_space<hbm>> -> memref<128x128xf32, #tpu.memory_space<hbm>>
        tpu.enqueue_dma source(%dma_start3A_462 : memref<128x128xf32, #tpu.memory_space<hbm>>) target(%dma_start3A_460 : memref<128x128xf32, #tpu.memory_space<vmem>>) target_semaphore(%arg14 : memref<!tpu.dma_semaphore, #tpu.memory_space<semaphore_mem>>)
        %dma_start3A_463 = arith.constant 1 : i32
        %dma_start3A_464 = arith.constant 0 : i32
        %dma_start3A_465 = arith.constant 0 : i32
        %dma_start3A_466 = tpu.memref_slice %arg10[%dma_start3A_463, %dma_start3A_464, %dma_start3A_465] : memref<2x1x128xi32, #tpu.memory_space<vmem>> -> memref<1x1x128xi32, #tpu.memory_space<vmem>>
        %dma_start3A_467 = tpu.memref_squeeze %dma_start3A_466 : memref<1x1x128xi32, #tpu.memory_space<vmem>> -> memref<1x128xi32, #tpu.memory_space<vmem>>
        %dma_start3A_468 = arith.constant 0 : i32
        %dma_start3A_469 = arith.constant 0 : i32
        %dma_start3A_470 = tpu.memref_slice %arg3[%add3A_442, %dma_start3A_468, %dma_start3A_469] : memref<2500x1x128xi32, #tpu.memory_space<hbm>> -> memref<1x1x128xi32, #tpu.memory_space<hbm>>
        %dma_start3A_471 = tpu.memref_squeeze %dma_start3A_470 : memref<1x1x128xi32, #tpu.memory_space<hbm>> -> memref<1x128xi32, #tpu.memory_space<hbm>>
        %dma_start3A_472 = arith.constant 0 : i32
        %dma_start3A_473 = arith.constant 0 : i32
        %dma_start3A_474 = tpu.memref_slice %arg10[%dma_start3A_463, %dma_start3A_472, %dma_start3A_473] : memref<2x1x128xi32, #tpu.memory_space<vmem>> -> memref<1x1x128xi32, #tpu.memory_space<vmem>>
        %dma_start3A_475 = tpu.memref_squeeze %dma_start3A_474 : memref<1x1x128xi32, #tpu.memory_space<vmem>> -> memref<1x128xi32, #tpu.memory_space<vmem>>
        %dma_start3A_476 = arith.constant 0 : i32
        %dma_start3A_477 = arith.constant 0 : i32
        %dma_start3A_478 = tpu.memref_slice %arg3[%add3A_442, %dma_start3A_476, %dma_start3A_477] : memref<2500x1x128xi32, #tpu.memory_space<hbm>> -> memref<1x1x128xi32, #tpu.memory_space<hbm>>
        %dma_start3A_479 = tpu.memref_squeeze %dma_start3A_478 : memref<1x1x128xi32, #tpu.memory_space<hbm>> -> memref<1x128xi32, #tpu.memory_space<hbm>>
        tpu.enqueue_dma source(%dma_start3A_479 : memref<1x128xi32, #tpu.memory_space<hbm>>) target(%dma_start3A_475 : memref<1x128xi32, #tpu.memory_space<vmem>>) target_semaphore(%arg14 : memref<!tpu.dma_semaphore, #tpu.memory_space<semaphore_mem>>)
      } else {
      }
      %mul3A_392 = arith.constant 32 : i32
      %mul3A_393 = arith.muli %mul3A_392, %mul3A_385 : i32
      %add3A_394 = arith.addi %add3A, %mul3A_393 : i32
      %mul3A_395 = arith.constant 128 : i32
      %mul3A_396 = arith.muli %add3A_394, %mul3A_395 : i32
      %dma_wait3A_397 = arith.constant 0 : i32
      %dma_wait3A_398 = arith.constant 0 : i32
      %dma_wait3A_399 = arith.constant 0 : i32
      %dma_wait3A_400 = tpu.memref_slice %arg9[%dma_wait3A_397, %dma_wait3A_398, %dma_wait3A_399] : memref<2x128x128xf32, #tpu.memory_space<vmem>> -> memref<1x128x128xf32, #tpu.memory_space<vmem>>
      %dma_wait3A_401 = tpu.memref_squeeze %dma_wait3A_400 : memref<1x128x128xf32, #tpu.memory_space<vmem>> -> memref<128x128xf32, #tpu.memory_space<vmem>>
      %dma_wait3A_402 = arith.constant 0 : i32
      %dma_wait3A_403 = tpu.memref_slice %arg2[%mul3A_396, %dma_wait3A_402] : memref<320000x128xf32, #tpu.memory_space<hbm>> -> memref<128x128xf32, #tpu.memory_space<hbm>>
      %dma_wait3A_404 = arith.constant 0 : i32
      %dma_wait3A_405 = arith.constant 0 : i32
      %dma_wait3A_406 = tpu.memref_slice %arg9[%dma_wait3A_397, %dma_wait3A_404, %dma_wait3A_405] : memref<2x128x128xf32, #tpu.memory_space<vmem>> -> memref<1x128x128xf32, #tpu.memory_space<vmem>>
      %dma_wait3A_407 = tpu.memref_squeeze %dma_wait3A_406 : memref<1x128x128xf32, #tpu.memory_space<vmem>> -> memref<128x128xf32, #tpu.memory_space<vmem>>
      %dma_wait3A_408 = arith.constant 0 : i32
      %dma_wait3A_409 = tpu.memref_slice %arg2[%mul3A_396, %dma_wait3A_408] : memref<320000x128xf32, #tpu.memory_space<hbm>> -> memref<128x128xf32, #tpu.memory_space<hbm>>
      tpu.wait_dma2 semaphore(%arg13 : memref<!tpu.dma_semaphore, #tpu.memory_space<semaphore_mem>>) src(%dma_wait3A_409 : memref<128x128xf32, #tpu.memory_space<hbm>>) dst(%dma_wait3A_407 : memref<128x128xf32, #tpu.memory_space<vmem>>)
      %dma_wait3A_410 = arith.constant 0 : i32
      %dma_wait3A_411 = arith.constant 0 : i32
      %dma_wait3A_412 = arith.constant 0 : i32
      %dma_wait3A_413 = tpu.memref_slice %arg10[%dma_wait3A_410, %dma_wait3A_411, %dma_wait3A_412] : memref<2x1x128xi32, #tpu.memory_space<vmem>> -> memref<1x1x128xi32, #tpu.memory_space<vmem>>
      %dma_wait3A_414 = tpu.memref_squeeze %dma_wait3A_413 : memref<1x1x128xi32, #tpu.memory_space<vmem>> -> memref<1x128xi32, #tpu.memory_space<vmem>>
      %dma_wait3A_415 = arith.constant 0 : i32
      %dma_wait3A_416 = arith.constant 0 : i32
      %dma_wait3A_417 = tpu.memref_slice %arg3[%add3A_394, %dma_wait3A_415, %dma_wait3A_416] : memref<2500x1x128xi32, #tpu.memory_space<hbm>> -> memref<1x1x128xi32, #tpu.memory_space<hbm>>
      %dma_wait3A_418 = tpu.memref_squeeze %dma_wait3A_417 : memref<1x1x128xi32, #tpu.memory_space<hbm>> -> memref<1x128xi32, #tpu.memory_space<hbm>>
      %dma_wait3A_419 = arith.constant 0 : i32
      %dma_wait3A_420 = arith.constant 0 : i32
      %dma_wait3A_421 = tpu.memref_slice %arg10[%dma_wait3A_410, %dma_wait3A_419, %dma_wait3A_420] : memref<2x1x128xi32, #tpu.memory_space<vmem>> -> memref<1x1x128xi32, #tpu.memory_space<vmem>>
      %dma_wait3A_422 = tpu.memref_squeeze %dma_wait3A_421 : memref<1x1x128xi32, #tpu.memory_space<vmem>> -> memref<1x128xi32, #tpu.memory_space<vmem>>
      %dma_wait3A_423 = arith.constant 0 : i32
      %dma_wait3A_424 = arith.constant 0 : i32
      %dma_wait3A_425 = tpu.memref_slice %arg3[%add3A_394, %dma_wait3A_423, %dma_wait3A_424] : memref<2500x1x128xi32, #tpu.memory_space<hbm>> -> memref<1x1x128xi32, #tpu.memory_space<hbm>>
      %dma_wait3A_426 = tpu.memref_squeeze %dma_wait3A_425 : memref<1x1x128xi32, #tpu.memory_space<hbm>> -> memref<1x128xi32, #tpu.memory_space<hbm>>
      tpu.wait_dma2 semaphore(%arg13 : memref<!tpu.dma_semaphore, #tpu.memory_space<semaphore_mem>>) src(%dma_wait3A_426 : memref<1x128xi32, #tpu.memory_space<hbm>>) dst(%dma_wait3A_422 : memref<1x128xi32, #tpu.memory_space<vmem>>)
      %run_scoped3A = arith.constant 0 : i32
      %run_scoped3A_427 = arith.constant 0 : i32
      %run_scoped3A_428 = arith.constant 0 : i32
      "tpu.region"() ({
        %run_scoped3A_440 = tpu.sem_alloc : memref<!tpu.dma_semaphore, #tpu.memory_space<semaphore_mem>>
        %dma_start3A_441 = arith.constant 0 : i32
        %dma_start3A_442 = arith.constant 0 : i32
        %dma_start3A_443 = tpu.memref_slice %arg9[%run_scoped3A, %dma_start3A_441, %dma_start3A_442] : memref<2x128x128xf32, #tpu.memory_space<vmem>> -> memref<1x128x128xf32, #tpu.memory_space<vmem>>
        %dma_start3A_444 = tpu.memref_squeeze %dma_start3A_443 : memref<1x128x128xf32, #tpu.memory_space<vmem>> -> memref<128x128xf32, #tpu.memory_space<vmem>>
        %dma_start3A_445 = arith.constant 0 : i32
        %dma_start3A_446 = tpu.memref_slice %arg10[%run_scoped3A_427, %run_scoped3A_428, %dma_start3A_445] : memref<2x1x128xi32, #tpu.memory_space<vmem>> -> memref<1x1x128xi32, #tpu.memory_space<vmem>>
        %dma_start3A_447 = tpu.memref_squeeze %dma_start3A_446 : memref<1x1x128xi32, #tpu.memory_space<vmem>> -> memref<128xi32, #tpu.memory_space<vmem>>
        %dma_start3A_448 = arith.constant 0 : i32
        %dma_start3A_449 = arith.constant 0 : i32
        %dma_start3A_450 = tpu.memref_slice %arg7[%dma_start3A_448, %dma_start3A_449] : memref<10000x128xf32, #tpu.memory_space<vmem_shared>> -> memref<10000x128xf32, #tpu.memory_space<vmem_shared>>
        tpu.enqueue_indirect_dma source(%dma_start3A_444 : memref<128x128xf32, #tpu.memory_space<vmem>>) target(%dma_start3A_450 : memref<10000x128xf32, #tpu.memory_space<vmem_shared>>) offsets(%dma_start3A_447 : memref<128xi32, #tpu.memory_space<vmem>>) semaphore(%run_scoped3A_440 : memref<!tpu.dma_semaphore, #tpu.memory_space<semaphore_mem>>) {add = true}
        %dma_wait3A_451 = arith.constant 0 : i32
        %dma_wait3A_452 = arith.constant 0 : i32
        %dma_wait3A_453 = tpu.memref_slice %arg9[%run_scoped3A, %dma_wait3A_451, %dma_wait3A_452] : memref<2x128x128xf32, #tpu.memory_space<vmem>> -> memref<1x128x128xf32, #tpu.memory_space<vmem>>
        %dma_wait3A_454 = tpu.memref_squeeze %dma_wait3A_453 : memref<1x128x128xf32, #tpu.memory_space<vmem>> -> memref<128x128xf32, #tpu.memory_space<vmem>>
        %dma_wait3A_455 = arith.constant 0 : i32
        %dma_wait3A_456 = tpu.memref_slice %arg10[%run_scoped3A_427, %run_scoped3A_428, %dma_wait3A_455] : memref<2x1x128xi32, #tpu.memory_space<vmem>> -> memref<1x1x128xi32, #tpu.memory_space<vmem>>
        %dma_wait3A_457 = tpu.memref_squeeze %dma_wait3A_456 : memref<1x1x128xi32, #tpu.memory_space<vmem>> -> memref<128xi32, #tpu.memory_space<vmem>>
        %dma_wait3A_458 = arith.constant 0 : i32
        %dma_wait3A_459 = arith.constant 0 : i32
        %dma_wait3A_460 = tpu.memref_slice %arg7[%dma_wait3A_458, %dma_wait3A_459] : memref<10000x128xf32, #tpu.memory_space<vmem_shared>> -> memref<10000x128xf32, #tpu.memory_space<vmem_shared>>
        tpu.wait_indirect_dma semaphore(%run_scoped3A_440 : memref<!tpu.dma_semaphore, #tpu.memory_space<semaphore_mem>>) src(%dma_wait3A_454 : memref<128x128xf32, #tpu.memory_space<vmem>>) dst(%dma_wait3A_460 : memref<10000x128xf32, #tpu.memory_space<vmem_shared>>)
        tpu.yield
      }) : () -> ()
      %dma_start3A_429 = arith.constant 0 : i32
      %dma_start3A_430 = arith.constant 0 : i32
      %dma_start3A_431 = arith.constant 0 : i32
      %dma_start3A_432 = tpu.memref_slice %arg10[%dma_start3A_429, %dma_start3A_430, %dma_start3A_431] : memref<2x1x128xi32, #tpu.memory_space<vmem>> -> memref<1x1x128xi32, #tpu.memory_space<vmem>>
      %dma_start3A_433 = tpu.memref_squeeze %dma_start3A_432 : memref<1x1x128xi32, #tpu.memory_space<vmem>> -> memref<128xi32, #tpu.memory_space<vmem>>
      %dma_start3A_434 = arith.constant 0 : i32
      %dma_start3A_435 = tpu.memref_slice %arg8[%dma_start3A_434] : memref<10000xf32, #tpu.memory_space<vmem_shared>> -> memref<10000xf32, #tpu.memory_space<vmem_shared>>
      tpu.enqueue_indirect_dma source(%arg11 : memref<128xf32, #tpu.memory_space<vmem>>) target(%dma_start3A_435 : memref<10000xf32, #tpu.memory_space<vmem_shared>>) offsets(%dma_start3A_433 : memref<128xi32, #tpu.memory_space<vmem>>) semaphore(%arg15 : memref<!tpu.dma_semaphore, #tpu.memory_space<semaphore_mem>>) {add = true}
      %lt3A_436 = arith.cmpi slt, %add3A_387, %add3A_297 : i32
      %convert_element_type3A_437 = arith.extui %lt3A_436 : i1 to i32
      %cond3A_438 = arith.constant 0 : i32
      %cond3A_439 = arith.cmpi ne, %convert_element_type3A_437, %cond3A_438 : i32
      scf.if %cond3A_439 {
        %add3A_440 = arith.constant 1 : i32
        %add3A_441 = arith.addi %add3A_387, %add3A_440 : i32
        %lt3A_442 = arith.cmpi slt, %add3A_441, %add3A_297 : i32
        %convert_element_type3A_443 = arith.extui %lt3A_442 : i1 to i32
        %cond3A_444 = arith.constant 0 : i32
        %cond3A_445 = arith.cmpi ne, %convert_element_type3A_443, %cond3A_444 : i32
        scf.if %cond3A_445 {
          %add3A_491 = arith.constant 1 : i32
          %add3A_492 = arith.addi %add3A_387, %add3A_491 : i32
          %mul3A_493 = arith.constant 32 : i32
          %mul3A_494 = arith.muli %mul3A_493, %add3A_492 : i32
          %add3A_495 = arith.addi %add3A, %mul3A_494 : i32
          %ge3A_496 = arith.constant 2 : i32
          %ge3A_497 = arith.cmpi sge, %add3A_492, %ge3A_496 : i32
          %convert_element_type3A_498 = arith.extui %ge3A_497 : i1 to i32
          %cond3A_499 = arith.constant 0 : i32
          %cond3A_500 = arith.cmpi ne, %convert_element_type3A_498, %cond3A_499 : i32
          scf.if %cond3A_500 {
            %dma_wait3A_533 = arith.constant 0 : i32
            %dma_wait3A_534 = arith.constant 0 : i32
            %dma_wait3A_535 = arith.constant 0 : i32
            %dma_wait3A_536 = tpu.memref_slice %arg10[%dma_wait3A_533, %dma_wait3A_534, %dma_wait3A_535] : memref<2x1x128xi32, #tpu.memory_space<vmem>> -> memref<1x1x128xi32, #tpu.memory_space<vmem>>
            %dma_wait3A_537 = tpu.memref_squeeze %dma_wait3A_536 : memref<1x1x128xi32, #tpu.memory_space<vmem>> -> memref<128xi32, #tpu.memory_space<vmem>>
            %dma_wait3A_538 = arith.constant 0 : i32
            %dma_wait3A_539 = tpu.memref_slice %arg8[%dma_wait3A_538] : memref<10000xf32, #tpu.memory_space<vmem_shared>> -> memref<10000xf32, #tpu.memory_space<vmem_shared>>
            tpu.wait_indirect_dma semaphore(%arg15 : memref<!tpu.dma_semaphore, #tpu.memory_space<semaphore_mem>>) src(%arg11 : memref<128xf32, #tpu.memory_space<vmem>>) dst(%dma_wait3A_539 : memref<10000xf32, #tpu.memory_space<vmem_shared>>)
          } else {
          }
          %mul3A_501 = arith.constant 128 : i32
          %mul3A_502 = arith.muli %add3A_495, %mul3A_501 : i32
          %dma_start3A_503 = arith.constant 0 : i32
          %dma_start3A_504 = arith.constant 0 : i32
          %dma_start3A_505 = arith.constant 0 : i32
          %dma_start3A_506 = tpu.memref_slice %arg9[%dma_start3A_503, %dma_start3A_504, %dma_start3A_505] : memref<2x128x128xf32, #tpu.memory_space<vmem>> -> memref<1x128x128xf32, #tpu.memory_space<vmem>>
          %dma_start3A_507 = tpu.memref_squeeze %dma_start3A_506 : memref<1x128x128xf32, #tpu.memory_space<vmem>> -> memref<128x128xf32, #tpu.memory_space<vmem>>
          %dma_start3A_508 = arith.constant 0 : i32
          %dma_start3A_509 = tpu.memref_slice %arg2[%mul3A_502, %dma_start3A_508] : memref<320000x128xf32, #tpu.memory_space<hbm>> -> memref<128x128xf32, #tpu.memory_space<hbm>>
          %dma_start3A_510 = arith.constant 0 : i32
          %dma_start3A_511 = arith.constant 0 : i32
          %dma_start3A_512 = tpu.memref_slice %arg9[%dma_start3A_503, %dma_start3A_510, %dma_start3A_511] : memref<2x128x128xf32, #tpu.memory_space<vmem>> -> memref<1x128x128xf32, #tpu.memory_space<vmem>>
          %dma_start3A_513 = tpu.memref_squeeze %dma_start3A_512 : memref<1x128x128xf32, #tpu.memory_space<vmem>> -> memref<128x128xf32, #tpu.memory_space<vmem>>
          %dma_start3A_514 = arith.constant 0 : i32
          %dma_start3A_515 = tpu.memref_slice %arg2[%mul3A_502, %dma_start3A_514] : memref<320000x128xf32, #tpu.memory_space<hbm>> -> memref<128x128xf32, #tpu.memory_space<hbm>>
          tpu.enqueue_dma source(%dma_start3A_515 : memref<128x128xf32, #tpu.memory_space<hbm>>) target(%dma_start3A_513 : memref<128x128xf32, #tpu.memory_space<vmem>>) target_semaphore(%arg13 : memref<!tpu.dma_semaphore, #tpu.memory_space<semaphore_mem>>)
          %dma_start3A_516 = arith.constant 0 : i32
          %dma_start3A_517 = arith.constant 0 : i32
          %dma_start3A_518 = arith.constant 0 : i32
          %dma_start3A_519 = tpu.memref_slice %arg10[%dma_start3A_516, %dma_start3A_517, %dma_start3A_518] : memref<2x1x128xi32, #tpu.memory_space<vmem>> -> memref<1x1x128xi32, #tpu.memory_space<vmem>>
          %dma_start3A_520 = tpu.memref_squeeze %dma_start3A_519 : memref<1x1x128xi32, #tpu.memory_space<vmem>> -> memref<1x128xi32, #tpu.memory_space<vmem>>
          %dma_start3A_521 = arith.constant 0 : i32
          %dma_start3A_522 = arith.constant 0 : i32
          %dma_start3A_523 = tpu.memref_slice %arg3[%add3A_495, %dma_start3A_521, %dma_start3A_522] : memref<2500x1x128xi32, #tpu.memory_space<hbm>> -> memref<1x1x128xi32, #tpu.memory_space<hbm>>
          %dma_start3A_524 = tpu.memref_squeeze %dma_start3A_523 : memref<1x1x128xi32, #tpu.memory_space<hbm>> -> memref<1x128xi32, #tpu.memory_space<hbm>>
          %dma_start3A_525 = arith.constant 0 : i32
          %dma_start3A_526 = arith.constant 0 : i32
          %dma_start3A_527 = tpu.memref_slice %arg10[%dma_start3A_516, %dma_start3A_525, %dma_start3A_526] : memref<2x1x128xi32, #tpu.memory_space<vmem>> -> memref<1x1x128xi32, #tpu.memory_space<vmem>>
          %dma_start3A_528 = tpu.memref_squeeze %dma_start3A_527 : memref<1x1x128xi32, #tpu.memory_space<vmem>> -> memref<1x128xi32, #tpu.memory_space<vmem>>
          %dma_start3A_529 = arith.constant 0 : i32
          %dma_start3A_530 = arith.constant 0 : i32
          %dma_start3A_531 = tpu.memref_slice %arg3[%add3A_495, %dma_start3A_529, %dma_start3A_530] : memref<2500x1x128xi32, #tpu.memory_space<hbm>> -> memref<1x1x128xi32, #tpu.memory_space<hbm>>
          %dma_start3A_532 = tpu.memref_squeeze %dma_start3A_531 : memref<1x1x128xi32, #tpu.memory_space<hbm>> -> memref<1x128xi32, #tpu.memory_space<hbm>>
          tpu.enqueue_dma source(%dma_start3A_532 : memref<1x128xi32, #tpu.memory_space<hbm>>) target(%dma_start3A_528 : memref<1x128xi32, #tpu.memory_space<vmem>>) target_semaphore(%arg13 : memref<!tpu.dma_semaphore, #tpu.memory_space<semaphore_mem>>)
        } else {
        }
        %mul3A_446 = arith.constant 32 : i32
        %mul3A_447 = arith.muli %mul3A_446, %add3A_387 : i32
        %add3A_448 = arith.addi %add3A, %mul3A_447 : i32
        %mul3A_449 = arith.constant 128 : i32
        %mul3A_450 = arith.muli %add3A_448, %mul3A_449 : i32
        %dma_wait3A_451 = arith.constant 1 : i32
        %dma_wait3A_452 = arith.constant 0 : i32
        %dma_wait3A_453 = arith.constant 0 : i32
        %dma_wait3A_454 = tpu.memref_slice %arg9[%dma_wait3A_451, %dma_wait3A_452, %dma_wait3A_453] : memref<2x128x128xf32, #tpu.memory_space<vmem>> -> memref<1x128x128xf32, #tpu.memory_space<vmem>>
        %dma_wait3A_455 = tpu.memref_squeeze %dma_wait3A_454 : memref<1x128x128xf32, #tpu.memory_space<vmem>> -> memref<128x128xf32, #tpu.memory_space<vmem>>
        %dma_wait3A_456 = arith.constant 0 : i32
        %dma_wait3A_457 = tpu.memref_slice %arg2[%mul3A_450, %dma_wait3A_456] : memref<320000x128xf32, #tpu.memory_space<hbm>> -> memref<128x128xf32, #tpu.memory_space<hbm>>
        %dma_wait3A_458 = arith.constant 0 : i32
        %dma_wait3A_459 = arith.constant 0 : i32
        %dma_wait3A_460 = tpu.memref_slice %arg9[%dma_wait3A_451, %dma_wait3A_458, %dma_wait3A_459] : memref<2x128x128xf32, #tpu.memory_space<vmem>> -> memref<1x128x128xf32, #tpu.memory_space<vmem>>
        %dma_wait3A_461 = tpu.memref_squeeze %dma_wait3A_460 : memref<1x128x128xf32, #tpu.memory_space<vmem>> -> memref<128x128xf32, #tpu.memory_space<vmem>>
        %dma_wait3A_462 = arith.constant 0 : i32
        %dma_wait3A_463 = tpu.memref_slice %arg2[%mul3A_450, %dma_wait3A_462] : memref<320000x128xf32, #tpu.memory_space<hbm>> -> memref<128x128xf32, #tpu.memory_space<hbm>>
        tpu.wait_dma2 semaphore(%arg14 : memref<!tpu.dma_semaphore, #tpu.memory_space<semaphore_mem>>) src(%dma_wait3A_463 : memref<128x128xf32, #tpu.memory_space<hbm>>) dst(%dma_wait3A_461 : memref<128x128xf32, #tpu.memory_space<vmem>>)
        %dma_wait3A_464 = arith.constant 1 : i32
        %dma_wait3A_465 = arith.constant 0 : i32
        %dma_wait3A_466 = arith.constant 0 : i32
        %dma_wait3A_467 = tpu.memref_slice %arg10[%dma_wait3A_464, %dma_wait3A_465, %dma_wait3A_466] : memref<2x1x128xi32, #tpu.memory_space<vmem>> -> memref<1x1x128xi32, #tpu.memory_space<vmem>>
        %dma_wait3A_468 = tpu.memref_squeeze %dma_wait3A_467 : memref<1x1x128xi32, #tpu.memory_space<vmem>> -> memref<1x128xi32, #tpu.memory_space<vmem>>
        %dma_wait3A_469 = arith.constant 0 : i32
        %dma_wait3A_470 = arith.constant 0 : i32
        %dma_wait3A_471 = tpu.memref_slice %arg3[%add3A_448, %dma_wait3A_469, %dma_wait3A_470] : memref<2500x1x128xi32, #tpu.memory_space<hbm>> -> memref<1x1x128xi32, #tpu.memory_space<hbm>>
        %dma_wait3A_472 = tpu.memref_squeeze %dma_wait3A_471 : memref<1x1x128xi32, #tpu.memory_space<hbm>> -> memref<1x128xi32, #tpu.memory_space<hbm>>
        %dma_wait3A_473 = arith.constant 0 : i32
        %dma_wait3A_474 = arith.constant 0 : i32
        %dma_wait3A_475 = tpu.memref_slice %arg10[%dma_wait3A_464, %dma_wait3A_473, %dma_wait3A_474] : memref<2x1x128xi32, #tpu.memory_space<vmem>> -> memref<1x1x128xi32, #tpu.memory_space<vmem>>
        %dma_wait3A_476 = tpu.memref_squeeze %dma_wait3A_475 : memref<1x1x128xi32, #tpu.memory_space<vmem>> -> memref<1x128xi32, #tpu.memory_space<vmem>>
        %dma_wait3A_477 = arith.constant 0 : i32
        %dma_wait3A_478 = arith.constant 0 : i32
        %dma_wait3A_479 = tpu.memref_slice %arg3[%add3A_448, %dma_wait3A_477, %dma_wait3A_478] : memref<2500x1x128xi32, #tpu.memory_space<hbm>> -> memref<1x1x128xi32, #tpu.memory_space<hbm>>
        %dma_wait3A_480 = tpu.memref_squeeze %dma_wait3A_479 : memref<1x1x128xi32, #tpu.memory_space<hbm>> -> memref<1x128xi32, #tpu.memory_space<hbm>>
        tpu.wait_dma2 semaphore(%arg14 : memref<!tpu.dma_semaphore, #tpu.memory_space<semaphore_mem>>) src(%dma_wait3A_480 : memref<1x128xi32, #tpu.memory_space<hbm>>) dst(%dma_wait3A_476 : memref<1x128xi32, #tpu.memory_space<vmem>>)
        %run_scoped3A_481 = arith.constant 1 : i32
        %run_scoped3A_482 = arith.constant 1 : i32
        %run_scoped3A_483 = arith.constant 0 : i32
        "tpu.region"() ({
          %run_scoped3A_491 = tpu.sem_alloc : memref<!tpu.dma_semaphore, #tpu.memory_space<semaphore_mem>>
          %dma_start3A_492 = arith.constant 0 : i32
          %dma_start3A_493 = arith.constant 0 : i32
          %dma_start3A_494 = tpu.memref_slice %arg9[%run_scoped3A_481, %dma_start3A_492, %dma_start3A_493] : memref<2x128x128xf32, #tpu.memory_space<vmem>> -> memref<1x128x128xf32, #tpu.memory_space<vmem>>
          %dma_start3A_495 = tpu.memref_squeeze %dma_start3A_494 : memref<1x128x128xf32, #tpu.memory_space<vmem>> -> memref<128x128xf32, #tpu.memory_space<vmem>>
          %dma_start3A_496 = arith.constant 0 : i32
          %dma_start3A_497 = tpu.memref_slice %arg10[%run_scoped3A_482, %run_scoped3A_483, %dma_start3A_496] : memref<2x1x128xi32, #tpu.memory_space<vmem>> -> memref<1x1x128xi32, #tpu.memory_space<vmem>>
          %dma_start3A_498 = tpu.memref_squeeze %dma_start3A_497 : memref<1x1x128xi32, #tpu.memory_space<vmem>> -> memref<128xi32, #tpu.memory_space<vmem>>
          %dma_start3A_499 = arith.constant 0 : i32
          %dma_start3A_500 = arith.constant 0 : i32
          %dma_start3A_501 = tpu.memref_slice %arg7[%dma_start3A_499, %dma_start3A_500] : memref<10000x128xf32, #tpu.memory_space<vmem_shared>> -> memref<10000x128xf32, #tpu.memory_space<vmem_shared>>
          tpu.enqueue_indirect_dma source(%dma_start3A_495 : memref<128x128xf32, #tpu.memory_space<vmem>>) target(%dma_start3A_501 : memref<10000x128xf32, #tpu.memory_space<vmem_shared>>) offsets(%dma_start3A_498 : memref<128xi32, #tpu.memory_space<vmem>>) semaphore(%run_scoped3A_491 : memref<!tpu.dma_semaphore, #tpu.memory_space<semaphore_mem>>) {add = true}
          %dma_wait3A_502 = arith.constant 0 : i32
          %dma_wait3A_503 = arith.constant 0 : i32
          %dma_wait3A_504 = tpu.memref_slice %arg9[%run_scoped3A_481, %dma_wait3A_502, %dma_wait3A_503] : memref<2x128x128xf32, #tpu.memory_space<vmem>> -> memref<1x128x128xf32, #tpu.memory_space<vmem>>
          %dma_wait3A_505 = tpu.memref_squeeze %dma_wait3A_504 : memref<1x128x128xf32, #tpu.memory_space<vmem>> -> memref<128x128xf32, #tpu.memory_space<vmem>>
          %dma_wait3A_506 = arith.constant 0 : i32
          %dma_wait3A_507 = tpu.memref_slice %arg10[%run_scoped3A_482, %run_scoped3A_483, %dma_wait3A_506] : memref<2x1x128xi32, #tpu.memory_space<vmem>> -> memref<1x1x128xi32, #tpu.memory_space<vmem>>
          %dma_wait3A_508 = tpu.memref_squeeze %dma_wait3A_507 : memref<1x1x128xi32, #tpu.memory_space<vmem>> -> memref<128xi32, #tpu.memory_space<vmem>>
          %dma_wait3A_509 = arith.constant 0 : i32
          %dma_wait3A_510 = arith.constant 0 : i32
          %dma_wait3A_511 = tpu.memref_slice %arg7[%dma_wait3A_509, %dma_wait3A_510] : memref<10000x128xf32, #tpu.memory_space<vmem_shared>> -> memref<10000x128xf32, #tpu.memory_space<vmem_shared>>
          tpu.wait_indirect_dma semaphore(%run_scoped3A_491 : memref<!tpu.dma_semaphore, #tpu.memory_space<semaphore_mem>>) src(%dma_wait3A_505 : memref<128x128xf32, #tpu.memory_space<vmem>>) dst(%dma_wait3A_511 : memref<10000x128xf32, #tpu.memory_space<vmem_shared>>)
          tpu.yield
        }) : () -> ()
        %dma_start3A_484 = arith.constant 1 : i32
        %dma_start3A_485 = arith.constant 0 : i32
        %dma_start3A_486 = arith.constant 0 : i32
        %dma_start3A_487 = tpu.memref_slice %arg10[%dma_start3A_484, %dma_start3A_485, %dma_start3A_486] : memref<2x1x128xi32, #tpu.memory_space<vmem>> -> memref<1x1x128xi32, #tpu.memory_space<vmem>>
        %dma_start3A_488 = tpu.memref_squeeze %dma_start3A_487 : memref<1x1x128xi32, #tpu.memory_space<vmem>> -> memref<128xi32, #tpu.memory_space<vmem>>
        %dma_start3A_489 = arith.constant 0 : i32
        %dma_start3A_490 = tpu.memref_slice %arg8[%dma_start3A_489] : memref<10000xf32, #tpu.memory_space<vmem_shared>> -> memref<10000xf32, #tpu.memory_space<vmem_shared>>
        tpu.enqueue_indirect_dma source(%arg11 : memref<128xf32, #tpu.memory_space<vmem>>) target(%dma_start3A_490 : memref<10000xf32, #tpu.memory_space<vmem_shared>>) offsets(%dma_start3A_488 : memref<128xi32, #tpu.memory_space<vmem>>) semaphore(%arg16 : memref<!tpu.dma_semaphore, #tpu.memory_space<semaphore_mem>>) {add = true}
      } else {
      }
    }
    %while3A_358 = arith.constant 1 : i32
    scf.for %while3A_383 = %while3A_356 to %while3A_352 step %while3A_358  : i32 {
      %mul3A_384 = arith.constant 2 : i32
      %mul3A_385 = arith.muli %mul3A_384, %while3A_383 : i32
      %add3A_386 = arith.constant 1 : i32
      %add3A_387 = arith.addi %mul3A_385, %add3A_386 : i32
      %lt3A_388 = arith.cmpi slt, %add3A_387, %add3A_297 : i32
      %convert_element_type3A_389 = arith.extui %lt3A_388 : i1 to i32
      %cond3A_390 = arith.constant 0 : i32
      %cond3A_391 = arith.cmpi ne, %convert_element_type3A_389, %cond3A_390 : i32
      scf.if %cond3A_391 {
        %mul3A_440 = arith.constant 32 : i32
        %mul3A_441 = arith.muli %mul3A_440, %add3A_387 : i32
        %add3A_442 = arith.addi %add3A, %mul3A_441 : i32
        %ge3A_443 = arith.constant 2 : i32
        %ge3A_444 = arith.cmpi sge, %add3A_387, %ge3A_443 : i32
        %convert_element_type3A_445 = arith.extui %ge3A_444 : i1 to i32
        %cond3A_446 = arith.constant 0 : i32
        %cond3A_447 = arith.cmpi ne, %convert_element_type3A_445, %cond3A_446 : i32
        scf.if %cond3A_447 {
          %dma_wait3A_480 = arith.constant 1 : i32
          %dma_wait3A_481 = arith.constant 0 : i32
          %dma_wait3A_482 = arith.constant 0 : i32
          %dma_wait3A_483 = tpu.memref_slice %arg10[%dma_wait3A_480, %dma_wait3A_481, %dma_wait3A_482] : memref<2x1x128xi32, #tpu.memory_space<vmem>> -> memref<1x1x128xi32, #tpu.memory_space<vmem>>
          %dma_wait3A_484 = tpu.memref_squeeze %dma_wait3A_483 : memref<1x1x128xi32, #tpu.memory_space<vmem>> -> memref<128xi32, #tpu.memory_space<vmem>>
          %dma_wait3A_485 = arith.constant 0 : i32
          %dma_wait3A_486 = tpu.memref_slice %arg8[%dma_wait3A_485] : memref<10000xf32, #tpu.memory_space<vmem_shared>> -> memref<10000xf32, #tpu.memory_space<vmem_shared>>
          tpu.wait_indirect_dma semaphore(%arg16 : memref<!tpu.dma_semaphore, #tpu.memory_space<semaphore_mem>>) src(%arg11 : memref<128xf32, #tpu.memory_space<vmem>>) dst(%dma_wait3A_486 : memref<10000xf32, #tpu.memory_space<vmem_shared>>)
        } else {
        }
        %mul3A_448 = arith.constant 128 : i32
        %mul3A_449 = arith.muli %add3A_442, %mul3A_448 : i32
        %dma_start3A_450 = arith.constant 1 : i32
        %dma_start3A_451 = arith.constant 0 : i32
        %dma_start3A_452 = arith.constant 0 : i32
        %dma_start3A_453 = tpu.memref_slice %arg9[%dma_start3A_450, %dma_start3A_451, %dma_start3A_452] : memref<2x128x128xf32, #tpu.memory_space<vmem>> -> memref<1x128x128xf32, #tpu.memory_space<vmem>>
        %dma_start3A_454 = tpu.memref_squeeze %dma_start3A_453 : memref<1x128x128xf32, #tpu.memory_space<vmem>> -> memref<128x128xf32, #tpu.memory_space<vmem>>
        %dma_start3A_455 = arith.constant 0 : i32
        %dma_start3A_456 = tpu.memref_slice %arg2[%mul3A_449, %dma_start3A_455] : memref<320000x128xf32, #tpu.memory_space<hbm>> -> memref<128x128xf32, #tpu.memory_space<hbm>>
        %dma_start3A_457 = arith.constant 0 : i32
        %dma_start3A_458 = arith.constant 0 : i32
        %dma_start3A_459 = tpu.memref_slice %arg9[%dma_start3A_450, %dma_start3A_457, %dma_start3A_458] : memref<2x128x128xf32, #tpu.memory_space<vmem>> -> memref<1x128x128xf32, #tpu.memory_space<vmem>>
        %dma_start3A_460 = tpu.memref_squeeze %dma_start3A_459 : memref<1x128x128xf32, #tpu.memory_space<vmem>> -> memref<128x128xf32, #tpu.memory_space<vmem>>
        %dma_start3A_461 = arith.constant 0 : i32
        %dma_start3A_462 = tpu.memref_slice %arg2[%mul3A_449, %dma_start3A_461] : memref<320000x128xf32, #tpu.memory_space<hbm>> -> memref<128x128xf32, #tpu.memory_space<hbm>>
        tpu.enqueue_dma source(%dma_start3A_462 : memref<128x128xf32, #tpu.memory_space<hbm>>) target(%dma_start3A_460 : memref<128x128xf32, #tpu.memory_space<vmem>>) target_semaphore(%arg14 : memref<!tpu.dma_semaphore, #tpu.memory_space<semaphore_mem>>)
        %dma_start3A_463 = arith.constant 1 : i32
        %dma_start3A_464 = arith.constant 0 : i32
        %dma_start3A_465 = arith.constant 0 : i32
        %dma_start3A_466 = tpu.memref_slice %arg10[%dma_start3A_463, %dma_start3A_464, %dma_start3A_465] : memref<2x1x128xi32, #tpu.memory_space<vmem>> -> memref<1x1x128xi32, #tpu.memory_space<vmem>>
        %dma_start3A_467 = tpu.memref_squeeze %dma_start3A_466 : memref<1x1x128xi32, #tpu.memory_space<vmem>> -> memref<1x128xi32, #tpu.memory_space<vmem>>
        %dma_start3A_468 = arith.constant 0 : i32
        %dma_start3A_469 = arith.constant 0 : i32
        %dma_start3A_470 = tpu.memref_slice %arg3[%add3A_442, %dma_start3A_468, %dma_start3A_469] : memref<2500x1x128xi32, #tpu.memory_space<hbm>> -> memref<1x1x128xi32, #tpu.memory_space<hbm>>
        %dma_start3A_471 = tpu.memref_squeeze %dma_start3A_470 : memref<1x1x128xi32, #tpu.memory_space<hbm>> -> memref<1x128xi32, #tpu.memory_space<hbm>>
        %dma_start3A_472 = arith.constant 0 : i32
        %dma_start3A_473 = arith.constant 0 : i32
        %dma_start3A_474 = tpu.memref_slice %arg10[%dma_start3A_463, %dma_start3A_472, %dma_start3A_473] : memref<2x1x128xi32, #tpu.memory_space<vmem>> -> memref<1x1x128xi32, #tpu.memory_space<vmem>>
        %dma_start3A_475 = tpu.memref_squeeze %dma_start3A_474 : memref<1x1x128xi32, #tpu.memory_space<vmem>> -> memref<1x128xi32, #tpu.memory_space<vmem>>
        %dma_start3A_476 = arith.constant 0 : i32
        %dma_start3A_477 = arith.constant 0 : i32
        %dma_start3A_478 = tpu.memref_slice %arg3[%add3A_442, %dma_start3A_476, %dma_start3A_477] : memref<2500x1x128xi32, #tpu.memory_space<hbm>> -> memref<1x1x128xi32, #tpu.memory_space<hbm>>
        %dma_start3A_479 = tpu.memref_squeeze %dma_start3A_478 : memref<1x1x128xi32, #tpu.memory_space<hbm>> -> memref<1x128xi32, #tpu.memory_space<hbm>>
        tpu.enqueue_dma source(%dma_start3A_479 : memref<1x128xi32, #tpu.memory_space<hbm>>) target(%dma_start3A_475 : memref<1x128xi32, #tpu.memory_space<vmem>>) target_semaphore(%arg14 : memref<!tpu.dma_semaphore, #tpu.memory_space<semaphore_mem>>)
      } else {
      }
      %mul3A_392 = arith.constant 32 : i32
      %mul3A_393 = arith.muli %mul3A_392, %mul3A_385 : i32
      %add3A_394 = arith.addi %add3A, %mul3A_393 : i32
      %mul3A_395 = arith.constant 128 : i32
      %mul3A_396 = arith.muli %add3A_394, %mul3A_395 : i32
      %dma_wait3A_397 = arith.constant 0 : i32
      %dma_wait3A_398 = arith.constant 0 : i32
      %dma_wait3A_399 = arith.constant 0 : i32
      %dma_wait3A_400 = tpu.memref_slice %arg9[%dma_wait3A_397, %dma_wait3A_398, %dma_wait3A_399] : memref<2x128x128xf32, #tpu.memory_space<vmem>> -> memref<1x128x128xf32, #tpu.memory_space<vmem>>
      %dma_wait3A_401 = tpu.memref_squeeze %dma_wait3A_400 : memref<1x128x128xf32, #tpu.memory_space<vmem>> -> memref<128x128xf32, #tpu.memory_space<vmem>>
      %dma_wait3A_402 = arith.constant 0 : i32
      %dma_wait3A_403 = tpu.memref_slice %arg2[%mul3A_396, %dma_wait3A_402] : memref<320000x128xf32, #tpu.memory_space<hbm>> -> memref<128x128xf32, #tpu.memory_space<hbm>>
      %dma_wait3A_404 = arith.constant 0 : i32
      %dma_wait3A_405 = arith.constant 0 : i32
      %dma_wait3A_406 = tpu.memref_slice %arg9[%dma_wait3A_397, %dma_wait3A_404, %dma_wait3A_405] : memref<2x128x128xf32, #tpu.memory_space<vmem>> -> memref<1x128x128xf32, #tpu.memory_space<vmem>>
      %dma_wait3A_407 = tpu.memref_squeeze %dma_wait3A_406 : memref<1x128x128xf32, #tpu.memory_space<vmem>> -> memref<128x128xf32, #tpu.memory_space<vmem>>
      %dma_wait3A_408 = arith.constant 0 : i32
      %dma_wait3A_409 = tpu.memref_slice %arg2[%mul3A_396, %dma_wait3A_408] : memref<320000x128xf32, #tpu.memory_space<hbm>> -> memref<128x128xf32, #tpu.memory_space<hbm>>
      tpu.wait_dma2 semaphore(%arg13 : memref<!tpu.dma_semaphore, #tpu.memory_space<semaphore_mem>>) src(%dma_wait3A_409 : memref<128x128xf32, #tpu.memory_space<hbm>>) dst(%dma_wait3A_407 : memref<128x128xf32, #tpu.memory_space<vmem>>)
      %dma_wait3A_410 = arith.constant 0 : i32
      %dma_wait3A_411 = arith.constant 0 : i32
      %dma_wait3A_412 = arith.constant 0 : i32
      %dma_wait3A_413 = tpu.memref_slice %arg10[%dma_wait3A_410, %dma_wait3A_411, %dma_wait3A_412] : memref<2x1x128xi32, #tpu.memory_space<vmem>> -> memref<1x1x128xi32, #tpu.memory_space<vmem>>
      %dma_wait3A_414 = tpu.memref_squeeze %dma_wait3A_413 : memref<1x1x128xi32, #tpu.memory_space<vmem>> -> memref<1x128xi32, #tpu.memory_space<vmem>>
      %dma_wait3A_415 = arith.constant 0 : i32
      %dma_wait3A_416 = arith.constant 0 : i32
      %dma_wait3A_417 = tpu.memref_slice %arg3[%add3A_394, %dma_wait3A_415, %dma_wait3A_416] : memref<2500x1x128xi32, #tpu.memory_space<hbm>> -> memref<1x1x128xi32, #tpu.memory_space<hbm>>
      %dma_wait3A_418 = tpu.memref_squeeze %dma_wait3A_417 : memref<1x1x128xi32, #tpu.memory_space<hbm>> -> memref<1x128xi32, #tpu.memory_space<hbm>>
      %dma_wait3A_419 = arith.constant 0 : i32
      %dma_wait3A_420 = arith.constant 0 : i32
      %dma_wait3A_421 = tpu.memref_slice %arg10[%dma_wait3A_410, %dma_wait3A_419, %dma_wait3A_420] : memref<2x1x128xi32, #tpu.memory_space<vmem>> -> memref<1x1x128xi32, #tpu.memory_space<vmem>>
      %dma_wait3A_422 = tpu.memref_squeeze %dma_wait3A_421 : memref<1x1x128xi32, #tpu.memory_space<vmem>> -> memref<1x128xi32, #tpu.memory_space<vmem>>
      %dma_wait3A_423 = arith.constant 0 : i32
      %dma_wait3A_424 = arith.constant 0 : i32
      %dma_wait3A_425 = tpu.memref_slice %arg3[%add3A_394, %dma_wait3A_423, %dma_wait3A_424] : memref<2500x1x128xi32, #tpu.memory_space<hbm>> -> memref<1x1x128xi32, #tpu.memory_space<hbm>>
      %dma_wait3A_426 = tpu.memref_squeeze %dma_wait3A_425 : memref<1x1x128xi32, #tpu.memory_space<hbm>> -> memref<1x128xi32, #tpu.memory_space<hbm>>
      tpu.wait_dma2 semaphore(%arg13 : memref<!tpu.dma_semaphore, #tpu.memory_space<semaphore_mem>>) src(%dma_wait3A_426 : memref<1x128xi32, #tpu.memory_space<hbm>>) dst(%dma_wait3A_422 : memref<1x128xi32, #tpu.memory_space<vmem>>)
      %run_scoped3A = arith.constant 0 : i32
      %run_scoped3A_427 = arith.constant 0 : i32
      %run_scoped3A_428 = arith.constant 0 : i32
      "tpu.region"() ({
        %run_scoped3A_440 = tpu.sem_alloc : memref<!tpu.dma_semaphore, #tpu.memory_space<semaphore_mem>>
        %dma_start3A_441 = arith.constant 0 : i32
        %dma_start3A_442 = arith.constant 0 : i32
        %dma_start3A_443 = tpu.memref_slice %arg9[%run_scoped3A, %dma_start3A_441, %dma_start3A_442] : memref<2x128x128xf32, #tpu.memory_space<vmem>> -> memref<1x128x128xf32, #tpu.memory_space<vmem>>
        %dma_start3A_444 = tpu.memref_squeeze %dma_start3A_443 : memref<1x128x128xf32, #tpu.memory_space<vmem>> -> memref<128x128xf32, #tpu.memory_space<vmem>>
        %dma_start3A_445 = arith.constant 0 : i32
        %dma_start3A_446 = tpu.memref_slice %arg10[%run_scoped3A_427, %run_scoped3A_428, %dma_start3A_445] : memref<2x1x128xi32, #tpu.memory_space<vmem>> -> memref<1x1x128xi32, #tpu.memory_space<vmem>>
        %dma_start3A_447 = tpu.memref_squeeze %dma_start3A_446 : memref<1x1x128xi32, #tpu.memory_space<vmem>> -> memref<128xi32, #tpu.memory_space<vmem>>
        %dma_start3A_448 = arith.constant 0 : i32
        %dma_start3A_449 = arith.constant 0 : i32
        %dma_start3A_450 = tpu.memref_slice %arg7[%dma_start3A_448, %dma_start3A_449] : memref<10000x128xf32, #tpu.memory_space<vmem_shared>> -> memref<10000x128xf32, #tpu.memory_space<vmem_shared>>
        tpu.enqueue_indirect_dma source(%dma_start3A_444 : memref<128x128xf32, #tpu.memory_space<vmem>>) target(%dma_start3A_450 : memref<10000x128xf32, #tpu.memory_space<vmem_shared>>) offsets(%dma_start3A_447 : memref<128xi32, #tpu.memory_space<vmem>>) semaphore(%run_scoped3A_440 : memref<!tpu.dma_semaphore, #tpu.memory_space<semaphore_mem>>) {add = true}
        %dma_wait3A_451 = arith.constant 0 : i32
        %dma_wait3A_452 = arith.constant 0 : i32
        %dma_wait3A_453 = tpu.memref_slice %arg9[%run_scoped3A, %dma_wait3A_451, %dma_wait3A_452] : memref<2x128x128xf32, #tpu.memory_space<vmem>> -> memref<1x128x128xf32, #tpu.memory_space<vmem>>
        %dma_wait3A_454 = tpu.memref_squeeze %dma_wait3A_453 : memref<1x128x128xf32, #tpu.memory_space<vmem>> -> memref<128x128xf32, #tpu.memory_space<vmem>>
        %dma_wait3A_455 = arith.constant 0 : i32
        %dma_wait3A_456 = tpu.memref_slice %arg10[%run_scoped3A_427, %run_scoped3A_428, %dma_wait3A_455] : memref<2x1x128xi32, #tpu.memory_space<vmem>> -> memref<1x1x128xi32, #tpu.memory_space<vmem>>
        %dma_wait3A_457 = tpu.memref_squeeze %dma_wait3A_456 : memref<1x1x128xi32, #tpu.memory_space<vmem>> -> memref<128xi32, #tpu.memory_space<vmem>>
        %dma_wait3A_458 = arith.constant 0 : i32
        %dma_wait3A_459 = arith.constant 0 : i32
        %dma_wait3A_460 = tpu.memref_slice %arg7[%dma_wait3A_458, %dma_wait3A_459] : memref<10000x128xf32, #tpu.memory_space<vmem_shared>> -> memref<10000x128xf32, #tpu.memory_space<vmem_shared>>
        tpu.wait_indirect_dma semaphore(%run_scoped3A_440 : memref<!tpu.dma_semaphore, #tpu.memory_space<semaphore_mem>>) src(%dma_wait3A_454 : memref<128x128xf32, #tpu.memory_space<vmem>>) dst(%dma_wait3A_460 : memref<10000x128xf32, #tpu.memory_space<vmem_shared>>)
        tpu.yield
      }) : () -> ()
      %dma_start3A_429 = arith.constant 0 : i32
      %dma_start3A_430 = arith.constant 0 : i32
      %dma_start3A_431 = arith.constant 0 : i32
      %dma_start3A_432 = tpu.memref_slice %arg10[%dma_start3A_429, %dma_start3A_430, %dma_start3A_431] : memref<2x1x128xi32, #tpu.memory_space<vmem>> -> memref<1x1x128xi32, #tpu.memory_space<vmem>>
      %dma_start3A_433 = tpu.memref_squeeze %dma_start3A_432 : memref<1x1x128xi32, #tpu.memory_space<vmem>> -> memref<128xi32, #tpu.memory_space<vmem>>
      %dma_start3A_434 = arith.constant 0 : i32
      %dma_start3A_435 = tpu.memref_slice %arg8[%dma_start3A_434] : memref<10000xf32, #tpu.memory_space<vmem_shared>> -> memref<10000xf32, #tpu.memory_space<vmem_shared>>
      tpu.enqueue_indirect_dma source(%arg11 : memref<128xf32, #tpu.memory_space<vmem>>) target(%dma_start3A_435 : memref<10000xf32, #tpu.memory_space<vmem_shared>>) offsets(%dma_start3A_433 : memref<128xi32, #tpu.memory_space<vmem>>) semaphore(%arg15 : memref<!tpu.dma_semaphore, #tpu.memory_space<semaphore_mem>>) {add = true}
      %lt3A_436 = arith.cmpi slt, %add3A_387, %add3A_297 : i32
      %convert_element_type3A_437 = arith.extui %lt3A_436 : i1 to i32
      %cond3A_438 = arith.constant 0 : i32
      %cond3A_439 = arith.cmpi ne, %convert_element_type3A_437, %cond3A_438 : i32
      scf.if %cond3A_439 {
        %add3A_440 = arith.constant 1 : i32
        %add3A_441 = arith.addi %add3A_387, %add3A_440 : i32
        %lt3A_442 = arith.cmpi slt, %add3A_441, %add3A_297 : i32
        %convert_element_type3A_443 = arith.extui %lt3A_442 : i1 to i32
        %cond3A_444 = arith.constant 0 : i32
        %cond3A_445 = arith.cmpi ne, %convert_element_type3A_443, %cond3A_444 : i32
        scf.if %cond3A_445 {
          %add3A_491 = arith.constant 1 : i32
          %add3A_492 = arith.addi %add3A_387, %add3A_491 : i32
          %mul3A_493 = arith.constant 32 : i32
          %mul3A_494 = arith.muli %mul3A_493, %add3A_492 : i32
          %add3A_495 = arith.addi %add3A, %mul3A_494 : i32
          %ge3A_496 = arith.constant 2 : i32
          %ge3A_497 = arith.cmpi sge, %add3A_492, %ge3A_496 : i32
          %convert_element_type3A_498 = arith.extui %ge3A_497 : i1 to i32
          %cond3A_499 = arith.constant 0 : i32
          %cond3A_500 = arith.cmpi ne, %convert_element_type3A_498, %cond3A_499 : i32
          scf.if %cond3A_500 {
            %dma_wait3A_533 = arith.constant 0 : i32
            %dma_wait3A_534 = arith.constant 0 : i32
            %dma_wait3A_535 = arith.constant 0 : i32
            %dma_wait3A_536 = tpu.memref_slice %arg10[%dma_wait3A_533, %dma_wait3A_534, %dma_wait3A_535] : memref<2x1x128xi32, #tpu.memory_space<vmem>> -> memref<1x1x128xi32, #tpu.memory_space<vmem>>
            %dma_wait3A_537 = tpu.memref_squeeze %dma_wait3A_536 : memref<1x1x128xi32, #tpu.memory_space<vmem>> -> memref<128xi32, #tpu.memory_space<vmem>>
            %dma_wait3A_538 = arith.constant 0 : i32
            %dma_wait3A_539 = tpu.memref_slice %arg8[%dma_wait3A_538] : memref<10000xf32, #tpu.memory_space<vmem_shared>> -> memref<10000xf32, #tpu.memory_space<vmem_shared>>
            tpu.wait_indirect_dma semaphore(%arg15 : memref<!tpu.dma_semaphore, #tpu.memory_space<semaphore_mem>>) src(%arg11 : memref<128xf32, #tpu.memory_space<vmem>>) dst(%dma_wait3A_539 : memref<10000xf32, #tpu.memory_space<vmem_shared>>)
          } else {
          }
          %mul3A_501 = arith.constant 128 : i32
          %mul3A_502 = arith.muli %add3A_495, %mul3A_501 : i32
          %dma_start3A_503 = arith.constant 0 : i32
          %dma_start3A_504 = arith.constant 0 : i32
          %dma_start3A_505 = arith.constant 0 : i32
          %dma_start3A_506 = tpu.memref_slice %arg9[%dma_start3A_503, %dma_start3A_504, %dma_start3A_505] : memref<2x128x128xf32, #tpu.memory_space<vmem>> -> memref<1x128x128xf32, #tpu.memory_space<vmem>>
          %dma_start3A_507 = tpu.memref_squeeze %dma_start3A_506 : memref<1x128x128xf32, #tpu.memory_space<vmem>> -> memref<128x128xf32, #tpu.memory_space<vmem>>
          %dma_start3A_508 = arith.constant 0 : i32
          %dma_start3A_509 = tpu.memref_slice %arg2[%mul3A_502, %dma_start3A_508] : memref<320000x128xf32, #tpu.memory_space<hbm>> -> memref<128x128xf32, #tpu.memory_space<hbm>>
          %dma_start3A_510 = arith.constant 0 : i32
          %dma_start3A_511 = arith.constant 0 : i32
          %dma_start3A_512 = tpu.memref_slice %arg9[%dma_start3A_503, %dma_start3A_510, %dma_start3A_511] : memref<2x128x128xf32, #tpu.memory_space<vmem>> -> memref<1x128x128xf32, #tpu.memory_space<vmem>>
          %dma_start3A_513 = tpu.memref_squeeze %dma_start3A_512 : memref<1x128x128xf32, #tpu.memory_space<vmem>> -> memref<128x128xf32, #tpu.memory_space<vmem>>
          %dma_start3A_514 = arith.constant 0 : i32
          %dma_start3A_515 = tpu.memref_slice %arg2[%mul3A_502, %dma_start3A_514] : memref<320000x128xf32, #tpu.memory_space<hbm>> -> memref<128x128xf32, #tpu.memory_space<hbm>>
          tpu.enqueue_dma source(%dma_start3A_515 : memref<128x128xf32, #tpu.memory_space<hbm>>) target(%dma_start3A_513 : memref<128x128xf32, #tpu.memory_space<vmem>>) target_semaphore(%arg13 : memref<!tpu.dma_semaphore, #tpu.memory_space<semaphore_mem>>)
          %dma_start3A_516 = arith.constant 0 : i32
          %dma_start3A_517 = arith.constant 0 : i32
          %dma_start3A_518 = arith.constant 0 : i32
          %dma_start3A_519 = tpu.memref_slice %arg10[%dma_start3A_516, %dma_start3A_517, %dma_start3A_518] : memref<2x1x128xi32, #tpu.memory_space<vmem>> -> memref<1x1x128xi32, #tpu.memory_space<vmem>>
          %dma_start3A_520 = tpu.memref_squeeze %dma_start3A_519 : memref<1x1x128xi32, #tpu.memory_space<vmem>> -> memref<1x128xi32, #tpu.memory_space<vmem>>
          %dma_start3A_521 = arith.constant 0 : i32
          %dma_start3A_522 = arith.constant 0 : i32
          %dma_start3A_523 = tpu.memref_slice %arg3[%add3A_495, %dma_start3A_521, %dma_start3A_522] : memref<2500x1x128xi32, #tpu.memory_space<hbm>> -> memref<1x1x128xi32, #tpu.memory_space<hbm>>
          %dma_start3A_524 = tpu.memref_squeeze %dma_start3A_523 : memref<1x1x128xi32, #tpu.memory_space<hbm>> -> memref<1x128xi32, #tpu.memory_space<hbm>>
          %dma_start3A_525 = arith.constant 0 : i32
          %dma_start3A_526 = arith.constant 0 : i32
          %dma_start3A_527 = tpu.memref_slice %arg10[%dma_start3A_516, %dma_start3A_525, %dma_start3A_526] : memref<2x1x128xi32, #tpu.memory_space<vmem>> -> memref<1x1x128xi32, #tpu.memory_space<vmem>>
          %dma_start3A_528 = tpu.memref_squeeze %dma_start3A_527 : memref<1x1x128xi32, #tpu.memory_space<vmem>> -> memref<1x128xi32, #tpu.memory_space<vmem>>
          %dma_start3A_529 = arith.constant 0 : i32
          %dma_start3A_530 = arith.constant 0 : i32
          %dma_start3A_531 = tpu.memref_slice %arg3[%add3A_495, %dma_start3A_529, %dma_start3A_530] : memref<2500x1x128xi32, #tpu.memory_space<hbm>> -> memref<1x1x128xi32, #tpu.memory_space<hbm>>
          %dma_start3A_532 = tpu.memref_squeeze %dma_start3A_531 : memref<1x1x128xi32, #tpu.memory_space<hbm>> -> memref<1x128xi32, #tpu.memory_space<hbm>>
          tpu.enqueue_dma source(%dma_start3A_532 : memref<1x128xi32, #tpu.memory_space<hbm>>) target(%dma_start3A_528 : memref<1x128xi32, #tpu.memory_space<vmem>>) target_semaphore(%arg13 : memref<!tpu.dma_semaphore, #tpu.memory_space<semaphore_mem>>)
        } else {
        }
        %mul3A_446 = arith.constant 32 : i32
        %mul3A_447 = arith.muli %mul3A_446, %add3A_387 : i32
        %add3A_448 = arith.addi %add3A, %mul3A_447 : i32
        %mul3A_449 = arith.constant 128 : i32
        %mul3A_450 = arith.muli %add3A_448, %mul3A_449 : i32
        %dma_wait3A_451 = arith.constant 1 : i32
        %dma_wait3A_452 = arith.constant 0 : i32
        %dma_wait3A_453 = arith.constant 0 : i32
        %dma_wait3A_454 = tpu.memref_slice %arg9[%dma_wait3A_451, %dma_wait3A_452, %dma_wait3A_453] : memref<2x128x128xf32, #tpu.memory_space<vmem>> -> memref<1x128x128xf32, #tpu.memory_space<vmem>>
        %dma_wait3A_455 = tpu.memref_squeeze %dma_wait3A_454 : memref<1x128x128xf32, #tpu.memory_space<vmem>> -> memref<128x128xf32, #tpu.memory_space<vmem>>
        %dma_wait3A_456 = arith.constant 0 : i32
        %dma_wait3A_457 = tpu.memref_slice %arg2[%mul3A_450, %dma_wait3A_456] : memref<320000x128xf32, #tpu.memory_space<hbm>> -> memref<128x128xf32, #tpu.memory_space<hbm>>
        %dma_wait3A_458 = arith.constant 0 : i32
        %dma_wait3A_459 = arith.constant 0 : i32
        %dma_wait3A_460 = tpu.memref_slice %arg9[%dma_wait3A_451, %dma_wait3A_458, %dma_wait3A_459] : memref<2x128x128xf32, #tpu.memory_space<vmem>> -> memref<1x128x128xf32, #tpu.memory_space<vmem>>
        %dma_wait3A_461 = tpu.memref_squeeze %dma_wait3A_460 : memref<1x128x128xf32, #tpu.memory_space<vmem>> -> memref<128x128xf32, #tpu.memory_space<vmem>>
        %dma_wait3A_462 = arith.constant 0 : i32
        %dma_wait3A_463 = tpu.memref_slice %arg2[%mul3A_450, %dma_wait3A_462] : memref<320000x128xf32, #tpu.memory_space<hbm>> -> memref<128x128xf32, #tpu.memory_space<hbm>>
        tpu.wait_dma2 semaphore(%arg14 : memref<!tpu.dma_semaphore, #tpu.memory_space<semaphore_mem>>) src(%dma_wait3A_463 : memref<128x128xf32, #tpu.memory_space<hbm>>) dst(%dma_wait3A_461 : memref<128x128xf32, #tpu.memory_space<vmem>>)
        %dma_wait3A_464 = arith.constant 1 : i32
        %dma_wait3A_465 = arith.constant 0 : i32
        %dma_wait3A_466 = arith.constant 0 : i32
        %dma_wait3A_467 = tpu.memref_slice %arg10[%dma_wait3A_464, %dma_wait3A_465, %dma_wait3A_466] : memref<2x1x128xi32, #tpu.memory_space<vmem>> -> memref<1x1x128xi32, #tpu.memory_space<vmem>>
        %dma_wait3A_468 = tpu.memref_squeeze %dma_wait3A_467 : memref<1x1x128xi32, #tpu.memory_space<vmem>> -> memref<1x128xi32, #tpu.memory_space<vmem>>
        %dma_wait3A_469 = arith.constant 0 : i32
        %dma_wait3A_470 = arith.constant 0 : i32
        %dma_wait3A_471 = tpu.memref_slice %arg3[%add3A_448, %dma_wait3A_469, %dma_wait3A_470] : memref<2500x1x128xi32, #tpu.memory_space<hbm>> -> memref<1x1x128xi32, #tpu.memory_space<hbm>>
        %dma_wait3A_472 = tpu.memref_squeeze %dma_wait3A_471 : memref<1x1x128xi32, #tpu.memory_space<hbm>> -> memref<1x128xi32, #tpu.memory_space<hbm>>
        %dma_wait3A_473 = arith.constant 0 : i32
        %dma_wait3A_474 = arith.constant 0 : i32
        %dma_wait3A_475 = tpu.memref_slice %arg10[%dma_wait3A_464, %dma_wait3A_473, %dma_wait3A_474] : memref<2x1x128xi32, #tpu.memory_space<vmem>> -> memref<1x1x128xi32, #tpu.memory_space<vmem>>
        %dma_wait3A_476 = tpu.memref_squeeze %dma_wait3A_475 : memref<1x1x128xi32, #tpu.memory_space<vmem>> -> memref<1x128xi32, #tpu.memory_space<vmem>>
        %dma_wait3A_477 = arith.constant 0 : i32
        %dma_wait3A_478 = arith.constant 0 : i32
        %dma_wait3A_479 = tpu.memref_slice %arg3[%add3A_448, %dma_wait3A_477, %dma_wait3A_478] : memref<2500x1x128xi32, #tpu.memory_space<hbm>> -> memref<1x1x128xi32, #tpu.memory_space<hbm>>
        %dma_wait3A_480 = tpu.memref_squeeze %dma_wait3A_479 : memref<1x1x128xi32, #tpu.memory_space<hbm>> -> memref<1x128xi32, #tpu.memory_space<hbm>>
        tpu.wait_dma2 semaphore(%arg14 : memref<!tpu.dma_semaphore, #tpu.memory_space<semaphore_mem>>) src(%dma_wait3A_480 : memref<1x128xi32, #tpu.memory_space<hbm>>) dst(%dma_wait3A_476 : memref<1x128xi32, #tpu.memory_space<vmem>>)
        %run_scoped3A_481 = arith.constant 1 : i32
        %run_scoped3A_482 = arith.constant 1 : i32
        %run_scoped3A_483 = arith.constant 0 : i32
        "tpu.region"() ({
          %run_scoped3A_491 = tpu.sem_alloc : memref<!tpu.dma_semaphore, #tpu.memory_space<semaphore_mem>>
          %dma_start3A_492 = arith.constant 0 : i32
          %dma_start3A_493 = arith.constant 0 : i32
          %dma_start3A_494 = tpu.memref_slice %arg9[%run_scoped3A_481, %dma_start3A_492, %dma_start3A_493] : memref<2x128x128xf32, #tpu.memory_space<vmem>> -> memref<1x128x128xf32, #tpu.memory_space<vmem>>
          %dma_start3A_495 = tpu.memref_squeeze %dma_start3A_494 : memref<1x128x128xf32, #tpu.memory_space<vmem>> -> memref<128x128xf32, #tpu.memory_space<vmem>>
          %dma_start3A_496 = arith.constant 0 : i32
          %dma_start3A_497 = tpu.memref_slice %arg10[%run_scoped3A_482, %run_scoped3A_483, %dma_start3A_496] : memref<2x1x128xi32, #tpu.memory_space<vmem>> -> memref<1x1x128xi32, #tpu.memory_space<vmem>>
          %dma_start3A_498 = tpu.memref_squeeze %dma_start3A_497 : memref<1x1x128xi32, #tpu.memory_space<vmem>> -> memref<128xi32, #tpu.memory_space<vmem>>
          %dma_start3A_499 = arith.constant 0 : i32
          %dma_start3A_500 = arith.constant 0 : i32
          %dma_start3A_501 = tpu.memref_slice %arg7[%dma_start3A_499, %dma_start3A_500] : memref<10000x128xf32, #tpu.memory_space<vmem_shared>> -> memref<10000x128xf32, #tpu.memory_space<vmem_shared>>
          tpu.enqueue_indirect_dma source(%dma_start3A_495 : memref<128x128xf32, #tpu.memory_space<vmem>>) target(%dma_start3A_501 : memref<10000x128xf32, #tpu.memory_space<vmem_shared>>) offsets(%dma_start3A_498 : memref<128xi32, #tpu.memory_space<vmem>>) semaphore(%run_scoped3A_491 : memref<!tpu.dma_semaphore, #tpu.memory_space<semaphore_mem>>) {add = true}
          %dma_wait3A_502 = arith.constant 0 : i32
          %dma_wait3A_503 = arith.constant 0 : i32
          %dma_wait3A_504 = tpu.memref_slice %arg9[%run_scoped3A_481, %dma_wait3A_502, %dma_wait3A_503] : memref<2x128x128xf32, #tpu.memory_space<vmem>> -> memref<1x128x128xf32, #tpu.memory_space<vmem>>
          %dma_wait3A_505 = tpu.memref_squeeze %dma_wait3A_504 : memref<1x128x128xf32, #tpu.memory_space<vmem>> -> memref<128x128xf32, #tpu.memory_space<vmem>>
          %dma_wait3A_506 = arith.constant 0 : i32
          %dma_wait3A_507 = tpu.memref_slice %arg10[%run_scoped3A_482, %run_scoped3A_483, %dma_wait3A_506] : memref<2x1x128xi32, #tpu.memory_space<vmem>> -> memref<1x1x128xi32, #tpu.memory_space<vmem>>
          %dma_wait3A_508 = tpu.memref_squeeze %dma_wait3A_507 : memref<1x1x128xi32, #tpu.memory_space<vmem>> -> memref<128xi32, #tpu.memory_space<vmem>>
          %dma_wait3A_509 = arith.constant 0 : i32
          %dma_wait3A_510 = arith.constant 0 : i32
          %dma_wait3A_511 = tpu.memref_slice %arg7[%dma_wait3A_509, %dma_wait3A_510] : memref<10000x128xf32, #tpu.memory_space<vmem_shared>> -> memref<10000x128xf32, #tpu.memory_space<vmem_shared>>
          tpu.wait_indirect_dma semaphore(%run_scoped3A_491 : memref<!tpu.dma_semaphore, #tpu.memory_space<semaphore_mem>>) src(%dma_wait3A_505 : memref<128x128xf32, #tpu.memory_space<vmem>>) dst(%dma_wait3A_511 : memref<10000x128xf32, #tpu.memory_space<vmem_shared>>)
          tpu.yield
        }) : () -> ()
        %dma_start3A_484 = arith.constant 1 : i32
        %dma_start3A_485 = arith.constant 0 : i32
        %dma_start3A_486 = arith.constant 0 : i32
        %dma_start3A_487 = tpu.memref_slice %arg10[%dma_start3A_484, %dma_start3A_485, %dma_start3A_486] : memref<2x1x128xi32, #tpu.memory_space<vmem>> -> memref<1x1x128xi32, #tpu.memory_space<vmem>>
        %dma_start3A_488 = tpu.memref_squeeze %dma_start3A_487 : memref<1x1x128xi32, #tpu.memory_space<vmem>> -> memref<128xi32, #tpu.memory_space<vmem>>
        %dma_start3A_489 = arith.constant 0 : i32
        %dma_start3A_490 = tpu.memref_slice %arg8[%dma_start3A_489] : memref<10000xf32, #tpu.memory_space<vmem_shared>> -> memref<10000xf32, #tpu.memory_space<vmem_shared>>
        tpu.enqueue_indirect_dma source(%arg11 : memref<128xf32, #tpu.memory_space<vmem>>) target(%dma_start3A_490 : memref<10000xf32, #tpu.memory_space<vmem_shared>>) offsets(%dma_start3A_488 : memref<128xi32, #tpu.memory_space<vmem>>) semaphore(%arg16 : memref<!tpu.dma_semaphore, #tpu.memory_space<semaphore_mem>>) {add = true}
      } else {
      }
    }
    %dma_wait3A = arith.constant 0 : i32
    %dma_wait3A_359 = arith.constant 0 : i32
    %dma_wait3A_360 = arith.constant 0 : i32
    %dma_wait3A_361 = tpu.memref_slice %arg10[%dma_wait3A, %dma_wait3A_359, %dma_wait3A_360] : memref<2x1x128xi32, #tpu.memory_space<vmem>> -> memref<1x1x128xi32, #tpu.memory_space<vmem>>
    %dma_wait3A_362 = tpu.memref_squeeze %dma_wait3A_361 : memref<1x1x128xi32, #tpu.memory_space<vmem>> -> memref<128xi32, #tpu.memory_space<vmem>>
    %dma_wait3A_363 = arith.constant 0 : i32
    %dma_wait3A_364 = tpu.memref_slice %arg8[%dma_wait3A_363] : memref<10000xf32, #tpu.memory_space<vmem_shared>> -> memref<10000xf32, #tpu.memory_space<vmem_shared>>
    tpu.wait_indirect_dma semaphore(%arg15 : memref<!tpu.dma_semaphore, #tpu.memory_space<semaphore_mem>>) src(%arg11 : memref<128xf32, #tpu.memory_space<vmem>>) dst(%dma_wait3A_364 : memref<10000xf32, #tpu.memory_space<vmem_shared>>)
    %dma_wait3A_365 = arith.constant 1 : i32
    %dma_wait3A_366 = arith.constant 0 : i32
    %dma_wait3A_367 = arith.constant 0 : i32
    %dma_wait3A_368 = tpu.memref_slice %arg10[%dma_wait3A_365, %dma_wait3A_366, %dma_wait3A_367] : memref<2x1x128xi32, #tpu.memory_space<vmem>> -> memref<1x1x128xi32, #tpu.memory_space<vmem>>
    %dma_wait3A_369 = tpu.memref_squeeze %dma_wait3A_368 : memref<1x1x128xi32, #tpu.memory_space<vmem>> -> memref<128xi32, #tpu.memory_space<vmem>>
    %dma_wait3A_370 = arith.constant 0 : i32
    %dma_wait3A_371 = tpu.memref_slice %arg8[%dma_wait3A_370] : memref<10000xf32, #tpu.memory_space<vmem_shared>> -> memref<10000xf32, #tpu.memory_space<vmem_shared>>
    tpu.wait_indirect_dma semaphore(%arg16 : memref<!tpu.dma_semaphore, #tpu.memory_space<semaphore_mem>>) src(%arg11 : memref<128xf32, #tpu.memory_space<vmem>>) dst(%dma_wait3A_371 : memref<10000xf32, #tpu.memory_space<vmem_shared>>)
    %barrier3A_372 = arith.constant 0 : index
    tpu.barrier barrier_id(%barrier3A_372)
    %lt3A_373 = arith.constant 2 : i32
    %lt3A_374 = arith.cmpi slt, %arg1, %lt3A_373 : i32
    %convert_element_type3A_375 = arith.extui %lt3A_374 : i1 to i32
    %cond3A_376 = arith.constant 0 : i32
    %cond3A_377 = arith.cmpi ne, %convert_element_type3A_375, %cond3A_376 : i32
    scf.if %cond3A_377 {
      %mul3A_383 = arith.constant 632 : i32
      %mul3A_384 = arith.muli %arg1, %mul3A_383 : i32
      "tpu.region"() ({
        %run_scoped3A = tpu.sem_alloc : memref<!tpu.dma_semaphore, #tpu.memory_space<semaphore_mem>>
        %dma_start3A_388 = arith.constant 0 : i32
        %dma_start3A_389 = tpu.memref_slice %arg5[%arg0, %mul3A_384, %dma_start3A_388] : memref<2x10000x128xf32, #tpu.memory_space<hbm>> -> memref<1x632x128xf32, #tpu.memory_space<hbm>>
        %dma_start3A_390 = tpu.memref_squeeze %dma_start3A_389 : memref<1x632x128xf32, #tpu.memory_space<hbm>> -> memref<632x128xf32, #tpu.memory_space<hbm>>
        %dma_start3A_391 = arith.constant 0 : i32
        %dma_start3A_392 = tpu.memref_slice %arg7[%mul3A_384, %dma_start3A_391] : memref<10000x128xf32, #tpu.memory_space<vmem_shared>> -> memref<632x128xf32, #tpu.memory_space<vmem_shared>>
        tpu.enqueue_dma source(%dma_start3A_392 : memref<632x128xf32, #tpu.memory_space<vmem_shared>>) target(%dma_start3A_390 : memref<632x128xf32, #tpu.memory_space<hbm>>) target_semaphore(%run_scoped3A : memref<!tpu.dma_semaphore, #tpu.memory_space<semaphore_mem>>)
        %dma_wait3A_393 = arith.constant 0 : i32
        %dma_wait3A_394 = tpu.memref_slice %arg5[%arg0, %mul3A_384, %dma_wait3A_393] : memref<2x10000x128xf32, #tpu.memory_space<hbm>> -> memref<1x632x128xf32, #tpu.memory_space<hbm>>
        %dma_wait3A_395 = tpu.memref_squeeze %dma_wait3A_394 : memref<1x632x128xf32, #tpu.memory_space<hbm>> -> memref<632x128xf32, #tpu.memory_space<hbm>>
        %dma_wait3A_396 = arith.constant 0 : i32
        %dma_wait3A_397 = tpu.memref_slice %arg7[%mul3A_384, %dma_wait3A_396] : memref<10000x128xf32, #tpu.memory_space<vmem_shared>> -> memref<632x128xf32, #tpu.memory_space<vmem_shared>>
        tpu.wait_dma2 semaphore(%run_scoped3A : memref<!tpu.dma_semaphore, #tpu.memory_space<semaphore_mem>>) src(%dma_wait3A_397 : memref<632x128xf32, #tpu.memory_space<vmem_shared>>) dst(%dma_wait3A_395 : memref<632x128xf32, #tpu.memory_space<hbm>>)
        tpu.yield
      }) : () -> ()
      "tpu.region"() ({
        %run_scoped3A = tpu.sem_alloc : memref<!tpu.dma_semaphore, #tpu.memory_space<semaphore_mem>>
        %dma_start3A_388 = arith.constant 0 : i32
        %dma_start3A_389 = tpu.memref_slice %arg12[%dma_start3A_388] : memref<640xf32, #tpu.memory_space<vmem>> -> memref<632xf32, #tpu.memory_space<vmem>>
        %dma_start3A_390 = tpu.memref_slice %arg8[%mul3A_384] : memref<10000xf32, #tpu.memory_space<vmem_shared>> -> memref<632xf32, #tpu.memory_space<vmem_shared>>
        %dma_start3A_391 = arith.constant 0 : i32
        %dma_start3A_392 = tpu.memref_slice %arg12[%dma_start3A_391] : memref<640xf32, #tpu.memory_space<vmem>> -> memref<632xf32, #tpu.memory_space<vmem>>
        %dma_start3A_393 = tpu.memref_slice %arg8[%mul3A_384] : memref<10000xf32, #tpu.memory_space<vmem_shared>> -> memref<632xf32, #tpu.memory_space<vmem_shared>>
        tpu.enqueue_dma source(%dma_start3A_393 : memref<632xf32, #tpu.memory_space<vmem_shared>>) target(%dma_start3A_392 : memref<632xf32, #tpu.memory_space<vmem>>) target_semaphore(%run_scoped3A : memref<!tpu.dma_semaphore, #tpu.memory_space<semaphore_mem>>)
        %dma_wait3A_394 = arith.constant 0 : i32
        %dma_wait3A_395 = tpu.memref_slice %arg12[%dma_wait3A_394] : memref<640xf32, #tpu.memory_space<vmem>> -> memref<632xf32, #tpu.memory_space<vmem>>
        %dma_wait3A_396 = tpu.memref_slice %arg8[%mul3A_384] : memref<10000xf32, #tpu.memory_space<vmem_shared>> -> memref<632xf32, #tpu.memory_space<vmem_shared>>
        %dma_wait3A_397 = arith.constant 0 : i32
        %dma_wait3A_398 = tpu.memref_slice %arg12[%dma_wait3A_397] : memref<640xf32, #tpu.memory_space<vmem>> -> memref<632xf32, #tpu.memory_space<vmem>>
        %dma_wait3A_399 = tpu.memref_slice %arg8[%mul3A_384] : memref<10000xf32, #tpu.memory_space<vmem_shared>> -> memref<632xf32, #tpu.memory_space<vmem_shared>>
        tpu.wait_dma2 semaphore(%run_scoped3A : memref<!tpu.dma_semaphore, #tpu.memory_space<semaphore_mem>>) src(%dma_wait3A_399 : memref<632xf32, #tpu.memory_space<vmem_shared>>) dst(%dma_wait3A_398 : memref<632xf32, #tpu.memory_space<vmem>>)
        tpu.yield
      }) : () -> ()
      %mul3A_385 = arith.constant 10000 : i32
      %mul3A_386 = arith.muli %arg0, %mul3A_385 : i32
      %add3A_387 = arith.addi %mul3A_386, %mul3A_384 : i32
      "tpu.region"() ({
        %run_scoped3A = tpu.sem_alloc : memref<!tpu.dma_semaphore, #tpu.memory_space<semaphore_mem>>
        %dma_start3A_388 = arith.constant 0 : i32
        %dma_start3A_389 = tpu.memref_slice %arg12[%dma_start3A_388] : memref<640xf32, #tpu.memory_space<vmem>> -> memref<632xf32, #tpu.memory_space<vmem>>
        %dma_start3A_390 = tpu.memref_slice %arg6[%add3A_387] : memref<20000xf32, #tpu.memory_space<hbm>> -> memref<632xf32, #tpu.memory_space<hbm>>
        %dma_start3A_391 = tpu.memref_slice %arg6[%add3A_387] : memref<20000xf32, #tpu.memory_space<hbm>> -> memref<632xf32, #tpu.memory_space<hbm>>
        %dma_start3A_392 = arith.constant 0 : i32
        %dma_start3A_393 = tpu.memref_slice %arg12[%dma_start3A_392] : memref<640xf32, #tpu.memory_space<vmem>> -> memref<632xf32, #tpu.memory_space<vmem>>
        tpu.enqueue_dma source(%dma_start3A_393 : memref<632xf32, #tpu.memory_space<vmem>>) target(%dma_start3A_391 : memref<632xf32, #tpu.memory_space<hbm>>) target_semaphore(%run_scoped3A : memref<!tpu.dma_semaphore, #tpu.memory_space<semaphore_mem>>)
        %dma_wait3A_394 = arith.constant 0 : i32
        %dma_wait3A_395 = tpu.memref_slice %arg12[%dma_wait3A_394] : memref<640xf32, #tpu.memory_space<vmem>> -> memref<632xf32, #tpu.memory_space<vmem>>
        %dma_wait3A_396 = tpu.memref_slice %arg6[%add3A_387] : memref<20000xf32, #tpu.memory_space<hbm>> -> memref<632xf32, #tpu.memory_space<hbm>>
        %dma_wait3A_397 = tpu.memref_slice %arg6[%add3A_387] : memref<20000xf32, #tpu.memory_space<hbm>> -> memref<632xf32, #tpu.memory_space<hbm>>
        %dma_wait3A_398 = arith.constant 0 : i32
        %dma_wait3A_399 = tpu.memref_slice %arg12[%dma_wait3A_398] : memref<640xf32, #tpu.memory_space<vmem>> -> memref<632xf32, #tpu.memory_space<vmem>>
        tpu.wait_dma2 semaphore(%run_scoped3A : memref<!tpu.dma_semaphore, #tpu.memory_space<semaphore_mem>>) src(%dma_wait3A_399 : memref<632xf32, #tpu.memory_space<vmem>>) dst(%dma_wait3A_397 : memref<632xf32, #tpu.memory_space<hbm>>)
        tpu.yield
      }) : () -> ()
    } else {
    }
    %ge3A_378 = arith.constant 2 : i32
    %ge3A_379 = arith.cmpi sge, %arg1, %ge3A_378 : i32
    %convert_element_type3A_380 = arith.extui %ge3A_379 : i1 to i32
    %cond3A_381 = arith.constant 0 : i32
    %cond3A_382 = arith.cmpi ne, %convert_element_type3A_380, %cond3A_381 : i32
    scf.if %cond3A_382 {
      %sub3A_383 = arith.constant 2 : i32
      %sub3A_384 = arith.subi %arg1, %sub3A_383 : i32
      %mul3A_385 = arith.constant 624 : i32
      %mul3A_386 = arith.muli %sub3A_384, %mul3A_385 : i32
      %add3A_387 = arith.constant 1264 : i32
      %add3A_388 = arith.addi %add3A_387, %mul3A_386 : i32
      "tpu.region"() ({
        %run_scoped3A = tpu.sem_alloc : memref<!tpu.dma_semaphore, #tpu.memory_space<semaphore_mem>>
        %dma_start3A_392 = arith.constant 0 : i32
        %dma_start3A_393 = tpu.memref_slice %arg5[%arg0, %add3A_388, %dma_start3A_392] : memref<2x10000x128xf32, #tpu.memory_space<hbm>> -> memref<1x624x128xf32, #tpu.memory_space<hbm>>
        %dma_start3A_394 = tpu.memref_squeeze %dma_start3A_393 : memref<1x624x128xf32, #tpu.memory_space<hbm>> -> memref<624x128xf32, #tpu.memory_space<hbm>>
        %dma_start3A_395 = arith.constant 0 : i32
        %dma_start3A_396 = tpu.memref_slice %arg7[%add3A_388, %dma_start3A_395] : memref<10000x128xf32, #tpu.memory_space<vmem_shared>> -> memref<624x128xf32, #tpu.memory_space<vmem_shared>>
        tpu.enqueue_dma source(%dma_start3A_396 : memref<624x128xf32, #tpu.memory_space<vmem_shared>>) target(%dma_start3A_394 : memref<624x128xf32, #tpu.memory_space<hbm>>) target_semaphore(%run_scoped3A : memref<!tpu.dma_semaphore, #tpu.memory_space<semaphore_mem>>)
        %dma_wait3A_397 = arith.constant 0 : i32
        %dma_wait3A_398 = tpu.memref_slice %arg5[%arg0, %add3A_388, %dma_wait3A_397] : memref<2x10000x128xf32, #tpu.memory_space<hbm>> -> memref<1x624x128xf32, #tpu.memory_space<hbm>>
        %dma_wait3A_399 = tpu.memref_squeeze %dma_wait3A_398 : memref<1x624x128xf32, #tpu.memory_space<hbm>> -> memref<624x128xf32, #tpu.memory_space<hbm>>
        %dma_wait3A_400 = arith.constant 0 : i32
        %dma_wait3A_401 = tpu.memref_slice %arg7[%add3A_388, %dma_wait3A_400] : memref<10000x128xf32, #tpu.memory_space<vmem_shared>> -> memref<624x128xf32, #tpu.memory_space<vmem_shared>>
        tpu.wait_dma2 semaphore(%run_scoped3A : memref<!tpu.dma_semaphore, #tpu.memory_space<semaphore_mem>>) src(%dma_wait3A_401 : memref<624x128xf32, #tpu.memory_space<vmem_shared>>) dst(%dma_wait3A_399 : memref<624x128xf32, #tpu.memory_space<hbm>>)
        tpu.yield
      }) : () -> ()
      "tpu.region"() ({
        %run_scoped3A = tpu.sem_alloc : memref<!tpu.dma_semaphore, #tpu.memory_space<semaphore_mem>>
        %dma_start3A_392 = arith.constant 0 : i32
        %dma_start3A_393 = tpu.memref_slice %arg12[%dma_start3A_392] : memref<640xf32, #tpu.memory_space<vmem>> -> memref<624xf32, #tpu.memory_space<vmem>>
        %dma_start3A_394 = tpu.memref_slice %arg8[%add3A_388] : memref<10000xf32, #tpu.memory_space<vmem_shared>> -> memref<624xf32, #tpu.memory_space<vmem_shared>>
        %dma_start3A_395 = arith.constant 0 : i32
        %dma_start3A_396 = tpu.memref_slice %arg12[%dma_start3A_395] : memref<640xf32, #tpu.memory_space<vmem>> -> memref<624xf32, #tpu.memory_space<vmem>>
        %dma_start3A_397 = tpu.memref_slice %arg8[%add3A_388] : memref<10000xf32, #tpu.memory_space<vmem_shared>> -> memref<624xf32, #tpu.memory_space<vmem_shared>>
        tpu.enqueue_dma source(%dma_start3A_397 : memref<624xf32, #tpu.memory_space<vmem_shared>>) target(%dma_start3A_396 : memref<624xf32, #tpu.memory_space<vmem>>) target_semaphore(%run_scoped3A : memref<!tpu.dma_semaphore, #tpu.memory_space<semaphore_mem>>)
        %dma_wait3A_398 = arith.constant 0 : i32
        %dma_wait3A_399 = tpu.memref_slice %arg12[%dma_wait3A_398] : memref<640xf32, #tpu.memory_space<vmem>> -> memref<624xf32, #tpu.memory_space<vmem>>
        %dma_wait3A_400 = tpu.memref_slice %arg8[%add3A_388] : memref<10000xf32, #tpu.memory_space<vmem_shared>> -> memref<624xf32, #tpu.memory_space<vmem_shared>>
        %dma_wait3A_401 = arith.constant 0 : i32
        %dma_wait3A_402 = tpu.memref_slice %arg12[%dma_wait3A_401] : memref<640xf32, #tpu.memory_space<vmem>> -> memref<624xf32, #tpu.memory_space<vmem>>
        %dma_wait3A_403 = tpu.memref_slice %arg8[%add3A_388] : memref<10000xf32, #tpu.memory_space<vmem_shared>> -> memref<624xf32, #tpu.memory_space<vmem_shared>>
        tpu.wait_dma2 semaphore(%run_scoped3A : memref<!tpu.dma_semaphore, #tpu.memory_space<semaphore_mem>>) src(%dma_wait3A_403 : memref<624xf32, #tpu.memory_space<vmem_shared>>) dst(%dma_wait3A_402 : memref<624xf32, #tpu.memory_space<vmem>>)
        tpu.yield
      }) : () -> ()
      %mul3A_389 = arith.constant 10000 : i32
      %mul3A_390 = arith.muli %arg0, %mul3A_389 : i32
      %add3A_391 = arith.addi %mul3A_390, %add3A_388 : i32
      "tpu.region"() ({
        %run_scoped3A = tpu.sem_alloc : memref<!tpu.dma_semaphore, #tpu.memory_space<semaphore_mem>>
        %dma_start3A_392 = arith.constant 0 : i32
        %dma_start3A_393 = tpu.memref_slice %arg12[%dma_start3A_392] : memref<640xf32, #tpu.memory_space<vmem>> -> memref<624xf32, #tpu.memory_space<vmem>>
        %dma_start3A_394 = tpu.memref_slice %arg6[%add3A_391] : memref<20000xf32, #tpu.memory_space<hbm>> -> memref<624xf32, #tpu.memory_space<hbm>>
        %dma_start3A_395 = tpu.memref_slice %arg6[%add3A_391] : memref<20000xf32, #tpu.memory_space<hbm>> -> memref<624xf32, #tpu.memory_space<hbm>>
        %dma_start3A_396 = arith.constant 0 : i32
        %dma_start3A_397 = tpu.memref_slice %arg12[%dma_start3A_396] : memref<640xf32, #tpu.memory_space<vmem>> -> memref<624xf32, #tpu.memory_space<vmem>>
        tpu.enqueue_dma source(%dma_start3A_397 : memref<624xf32, #tpu.memory_space<vmem>>) target(%dma_start3A_395 : memref<624xf32, #tpu.memory_space<hbm>>) target_semaphore(%run_scoped3A : memref<!tpu.dma_semaphore, #tpu.memory_space<semaphore_mem>>)
        %dma_wait3A_398 = arith.constant 0 : i32
        %dma_wait3A_399 = tpu.memref_slice %arg12[%dma_wait3A_398] : memref<640xf32, #tpu.memory_space<vmem>> -> memref<624xf32, #tpu.memory_space<vmem>>
        %dma_wait3A_400 = tpu.memref_slice %arg6[%add3A_391] : memref<20000xf32, #tpu.memory_space<hbm>> -> memref<624xf32, #tpu.memory_space<hbm>>
        %dma_wait3A_401 = tpu.memref_slice %arg6[%add3A_391] : memref<20000xf32, #tpu.memory_space<hbm>> -> memref<624xf32, #tpu.memory_space<hbm>>
        %dma_wait3A_402 = arith.constant 0 : i32
        %dma_wait3A_403 = tpu.memref_slice %arg12[%dma_wait3A_402] : memref<640xf32, #tpu.memory_space<vmem>> -> memref<624xf32, #tpu.memory_space<vmem>>
        tpu.wait_dma2 semaphore(%run_scoped3A : memref<!tpu.dma_semaphore, #tpu.memory_space<semaphore_mem>>) src(%dma_wait3A_403 : memref<624xf32, #tpu.memory_space<vmem>>) dst(%dma_wait3A_401 : memref<624xf32, #tpu.memory_space<hbm>>)
        tpu.yield
      }) : () -> ()
    } else {
    }
    return
  }
}

#map = affine_map<(d0, d1) -> (0, 0)>
#map1 = affine_map<(d0, d1) -> (0, 0, 0)>
module attributes {stable_mosaic.version = 14 : i64} {
  func.func @_gather_phase(%arg0: i32, %arg1: i32, %arg2: memref<10000x64xf32, #tpu.memory_space<hbm>>, %arg3: memref<1250x2x128xi32, #tpu.memory_space<hbm>>, %arg4: memref<1250x2x128xi32, #tpu.memory_space<hbm>>, %arg5: memref<320000x128xf32, #tpu.memory_space<hbm>>, %arg6: memref<10000x64xf32, #tpu.memory_space<vmem_shared>>, %arg7: memref<2x256x64xf32, #tpu.memory_space<vmem>>, %arg8: memref<2x256x64xf32, #tpu.memory_space<vmem>>, %arg9: memref<2x2x128xi32, #tpu.memory_space<vmem>>, %arg10: memref<2x2x128xi32, #tpu.memory_space<vmem>>, %arg11: memref<!tpu.dma_semaphore, #tpu.memory_space<semaphore_mem>>, %arg12: memref<!tpu.dma_semaphore, #tpu.memory_space<semaphore_mem>>, %arg13: memref<!tpu.dma_semaphore, #tpu.memory_space<semaphore_mem>>, %arg14: memref<!tpu.dma_semaphore, #tpu.memory_space<semaphore_mem>>, %arg15: memref<!tpu.dma_semaphore, #tpu.memory_space<semaphore_mem>>) attributes {dimension_semantics = [#tpu.dimension_semantics<core_parallel>, #tpu.dimension_semantics<subcore_parallel>], iteration_bounds = array<i64: 2, 16>, scalar_prefetch = 0 : i64, scratch_operands = 10 : i64, tpu.core_type = #tpu.core_type<sc_vector_subcore>, window_params = [{transform_indices = #map}, {transform_indices = #map1}, {transform_indices = #map1}, {transform_indices = #map}]} {
    %mul3A = arith.constant 16 : i32
    %mul3A_0 = arith.muli %arg0, %mul3A : i32
    %add3A = arith.addi %mul3A_0, %arg1 : i32
    %lt3A = arith.constant 2 : i32
    %lt3A_1 = arith.cmpi slt, %arg1, %lt3A : i32
    %convert_element_type3A = arith.extui %lt3A_1 : i1 to i32
    %cond3A = arith.constant 0 : i32
    %cond3A_2 = arith.cmpi ne, %convert_element_type3A, %cond3A : i32
    scf.if %cond3A_2 {
      %mul3A_179 = arith.constant 632 : i32
      %mul3A_180 = arith.muli %arg1, %mul3A_179 : i32
      "tpu.region"() ({
        %run_scoped3A = tpu.sem_alloc : memref<!tpu.dma_semaphore, #tpu.memory_space<semaphore_mem>>
        %dma_start3A_181 = arith.constant 0 : i32
        %dma_start3A_182 = tpu.memref_slice %arg6[%mul3A_180, %dma_start3A_181] : memref<10000x64xf32, #tpu.memory_space<vmem_shared>> -> memref<632x64xf32, #tpu.memory_space<vmem_shared>>
        %dma_start3A_183 = arith.constant 0 : i32
        %dma_start3A_184 = tpu.memref_slice %arg2[%mul3A_180, %dma_start3A_183] : memref<10000x64xf32, #tpu.memory_space<hbm>> -> memref<632x64xf32, #tpu.memory_space<hbm>>
        tpu.enqueue_dma source(%dma_start3A_184 : memref<632x64xf32, #tpu.memory_space<hbm>>) target(%dma_start3A_182 : memref<632x64xf32, #tpu.memory_space<vmem_shared>>) target_semaphore(%run_scoped3A : memref<!tpu.dma_semaphore, #tpu.memory_space<semaphore_mem>>)
        %dma_wait3A_185 = arith.constant 0 : i32
        %dma_wait3A_186 = tpu.memref_slice %arg6[%mul3A_180, %dma_wait3A_185] : memref<10000x64xf32, #tpu.memory_space<vmem_shared>> -> memref<632x64xf32, #tpu.memory_space<vmem_shared>>
        %dma_wait3A_187 = arith.constant 0 : i32
        %dma_wait3A_188 = tpu.memref_slice %arg2[%mul3A_180, %dma_wait3A_187] : memref<10000x64xf32, #tpu.memory_space<hbm>> -> memref<632x64xf32, #tpu.memory_space<hbm>>
        tpu.wait_dma2 semaphore(%run_scoped3A : memref<!tpu.dma_semaphore, #tpu.memory_space<semaphore_mem>>) src(%dma_wait3A_188 : memref<632x64xf32, #tpu.memory_space<hbm>>) dst(%dma_wait3A_186 : memref<632x64xf32, #tpu.memory_space<vmem_shared>>)
        tpu.yield
      }) : () -> ()
    } else {
    }
    %ge3A = arith.constant 2 : i32
    %ge3A_3 = arith.cmpi sge, %arg1, %ge3A : i32
    %convert_element_type3A_4 = arith.extui %ge3A_3 : i1 to i32
    %cond3A_5 = arith.constant 0 : i32
    %cond3A_6 = arith.cmpi ne, %convert_element_type3A_4, %cond3A_5 : i32
    scf.if %cond3A_6 {
      %sub3A_179 = arith.constant 2 : i32
      %sub3A_180 = arith.subi %arg1, %sub3A_179 : i32
      %mul3A_181 = arith.constant 624 : i32
      %mul3A_182 = arith.muli %sub3A_180, %mul3A_181 : i32
      %add3A_183 = arith.constant 1264 : i32
      %add3A_184 = arith.addi %add3A_183, %mul3A_182 : i32
      "tpu.region"() ({
        %run_scoped3A = tpu.sem_alloc : memref<!tpu.dma_semaphore, #tpu.memory_space<semaphore_mem>>
        %dma_start3A_185 = arith.constant 0 : i32
        %dma_start3A_186 = tpu.memref_slice %arg6[%add3A_184, %dma_start3A_185] : memref<10000x64xf32, #tpu.memory_space<vmem_shared>> -> memref<624x64xf32, #tpu.memory_space<vmem_shared>>
        %dma_start3A_187 = arith.constant 0 : i32
        %dma_start3A_188 = tpu.memref_slice %arg2[%add3A_184, %dma_start3A_187] : memref<10000x64xf32, #tpu.memory_space<hbm>> -> memref<624x64xf32, #tpu.memory_space<hbm>>
        tpu.enqueue_dma source(%dma_start3A_188 : memref<624x64xf32, #tpu.memory_space<hbm>>) target(%dma_start3A_186 : memref<624x64xf32, #tpu.memory_space<vmem_shared>>) target_semaphore(%run_scoped3A : memref<!tpu.dma_semaphore, #tpu.memory_space<semaphore_mem>>)
        %dma_wait3A_189 = arith.constant 0 : i32
        %dma_wait3A_190 = tpu.memref_slice %arg6[%add3A_184, %dma_wait3A_189] : memref<10000x64xf32, #tpu.memory_space<vmem_shared>> -> memref<624x64xf32, #tpu.memory_space<vmem_shared>>
        %dma_wait3A_191 = arith.constant 0 : i32
        %dma_wait3A_192 = tpu.memref_slice %arg2[%add3A_184, %dma_wait3A_191] : memref<10000x64xf32, #tpu.memory_space<hbm>> -> memref<624x64xf32, #tpu.memory_space<hbm>>
        tpu.wait_dma2 semaphore(%run_scoped3A : memref<!tpu.dma_semaphore, #tpu.memory_space<semaphore_mem>>) src(%dma_wait3A_192 : memref<624x64xf32, #tpu.memory_space<hbm>>) dst(%dma_wait3A_190 : memref<624x64xf32, #tpu.memory_space<vmem_shared>>)
        tpu.yield
      }) : () -> ()
    } else {
    }
    %lt3A_7 = arith.constant 2 : i32
    %lt3A_8 = arith.cmpi slt, %add3A, %lt3A_7 : i32
    %jit3A = arith.constant 1 : i32
    %jit3A_9 = arith.constant 0 : i32
    %select_n3A = arith.select %lt3A_8, %jit3A, %jit3A_9 : i32
    %add3A_10 = arith.constant 39 : i32
    %add3A_11 = arith.addi %add3A_10, %select_n3A : i32
    %add3A_12 = arith.constant 0 : i32
    %add3A_13 = arith.addi %add3A, %add3A_12 : i32
    %dma_start3A = arith.constant 0 : i32
    %dma_start3A_14 = arith.constant 0 : i32
    %dma_start3A_15 = arith.constant 0 : i32
    %dma_start3A_16 = tpu.memref_slice %arg9[%dma_start3A, %dma_start3A_14, %dma_start3A_15] : memref<2x2x128xi32, #tpu.memory_space<vmem>> -> memref<1x2x128xi32, #tpu.memory_space<vmem>>
    %dma_start3A_17 = tpu.memref_squeeze %dma_start3A_16 : memref<1x2x128xi32, #tpu.memory_space<vmem>> -> memref<2x128xi32, #tpu.memory_space<vmem>>
    %dma_start3A_18 = arith.constant 0 : i32
    %dma_start3A_19 = arith.constant 0 : i32
    %dma_start3A_20 = tpu.memref_slice %arg3[%add3A_13, %dma_start3A_18, %dma_start3A_19] : memref<1250x2x128xi32, #tpu.memory_space<hbm>> -> memref<1x2x128xi32, #tpu.memory_space<hbm>>
    %dma_start3A_21 = tpu.memref_squeeze %dma_start3A_20 : memref<1x2x128xi32, #tpu.memory_space<hbm>> -> memref<2x128xi32, #tpu.memory_space<hbm>>
    %dma_start3A_22 = arith.constant 0 : i32
    %dma_start3A_23 = arith.constant 0 : i32
    %dma_start3A_24 = tpu.memref_slice %arg9[%dma_start3A, %dma_start3A_22, %dma_start3A_23] : memref<2x2x128xi32, #tpu.memory_space<vmem>> -> memref<1x2x128xi32, #tpu.memory_space<vmem>>
    %dma_start3A_25 = tpu.memref_squeeze %dma_start3A_24 : memref<1x2x128xi32, #tpu.memory_space<vmem>> -> memref<2x128xi32, #tpu.memory_space<vmem>>
    %dma_start3A_26 = arith.constant 0 : i32
    %dma_start3A_27 = arith.constant 0 : i32
    %dma_start3A_28 = tpu.memref_slice %arg3[%add3A_13, %dma_start3A_26, %dma_start3A_27] : memref<1250x2x128xi32, #tpu.memory_space<hbm>> -> memref<1x2x128xi32, #tpu.memory_space<hbm>>
    %dma_start3A_29 = tpu.memref_squeeze %dma_start3A_28 : memref<1x2x128xi32, #tpu.memory_space<hbm>> -> memref<2x128xi32, #tpu.memory_space<hbm>>
    tpu.enqueue_dma source(%dma_start3A_29 : memref<2x128xi32, #tpu.memory_space<hbm>>) target(%dma_start3A_25 : memref<2x128xi32, #tpu.memory_space<vmem>>) target_semaphore(%arg11 : memref<!tpu.dma_semaphore, #tpu.memory_space<semaphore_mem>>)
    %dma_start3A_30 = arith.constant 0 : i32
    %dma_start3A_31 = arith.constant 0 : i32
    %dma_start3A_32 = arith.constant 0 : i32
    %dma_start3A_33 = tpu.memref_slice %arg10[%dma_start3A_30, %dma_start3A_31, %dma_start3A_32] : memref<2x2x128xi32, #tpu.memory_space<vmem>> -> memref<1x2x128xi32, #tpu.memory_space<vmem>>
    %dma_start3A_34 = tpu.memref_squeeze %dma_start3A_33 : memref<1x2x128xi32, #tpu.memory_space<vmem>> -> memref<2x128xi32, #tpu.memory_space<vmem>>
    %dma_start3A_35 = arith.constant 0 : i32
    %dma_start3A_36 = arith.constant 0 : i32
    %dma_start3A_37 = tpu.memref_slice %arg4[%add3A_13, %dma_start3A_35, %dma_start3A_36] : memref<1250x2x128xi32, #tpu.memory_space<hbm>> -> memref<1x2x128xi32, #tpu.memory_space<hbm>>
    %dma_start3A_38 = tpu.memref_squeeze %dma_start3A_37 : memref<1x2x128xi32, #tpu.memory_space<hbm>> -> memref<2x128xi32, #tpu.memory_space<hbm>>
    %dma_start3A_39 = arith.constant 0 : i32
    %dma_start3A_40 = arith.constant 0 : i32
    %dma_start3A_41 = tpu.memref_slice %arg10[%dma_start3A_30, %dma_start3A_39, %dma_start3A_40] : memref<2x2x128xi32, #tpu.memory_space<vmem>> -> memref<1x2x128xi32, #tpu.memory_space<vmem>>
    %dma_start3A_42 = tpu.memref_squeeze %dma_start3A_41 : memref<1x2x128xi32, #tpu.memory_space<vmem>> -> memref<2x128xi32, #tpu.memory_space<vmem>>
    %dma_start3A_43 = arith.constant 0 : i32
    %dma_start3A_44 = arith.constant 0 : i32
    %dma_start3A_45 = tpu.memref_slice %arg4[%add3A_13, %dma_start3A_43, %dma_start3A_44] : memref<1250x2x128xi32, #tpu.memory_space<hbm>> -> memref<1x2x128xi32, #tpu.memory_space<hbm>>
    %dma_start3A_46 = tpu.memref_squeeze %dma_start3A_45 : memref<1x2x128xi32, #tpu.memory_space<hbm>> -> memref<2x128xi32, #tpu.memory_space<hbm>>
    tpu.enqueue_dma source(%dma_start3A_46 : memref<2x128xi32, #tpu.memory_space<hbm>>) target(%dma_start3A_42 : memref<2x128xi32, #tpu.memory_space<vmem>>) target_semaphore(%arg11 : memref<!tpu.dma_semaphore, #tpu.memory_space<semaphore_mem>>)
    %barrier3A = arith.constant 0 : index
    tpu.barrier barrier_id(%barrier3A)
    %add3A_47 = arith.constant 1 : i32
    %add3A_48 = arith.addi %add3A_11, %add3A_47 : i32
    %jit3A_49 = arith.constant 2 : i32
    %div3A = arith.divsi %add3A_48, %jit3A_49 : i32
    %sign3A = arith.constant 0 : i32
    %sign3A_50 = arith.cmpi sgt, %add3A_48, %sign3A : i32
    %sign3A_51 = arith.extui %sign3A_50 : i1 to i32
    %sign3A_52 = arith.constant 0 : i32
    %sign3A_53 = arith.cmpi slt, %add3A_48, %sign3A_52 : i32
    %sign3A_54 = arith.extui %sign3A_53 : i1 to i32
    %sign3A_55 = arith.subi %sign3A_51, %sign3A_54 : i32
    %sign3A_56 = arith.constant 0 : i32
    %sign3A_57 = arith.cmpi sgt, %jit3A_49, %sign3A_56 : i32
    %sign3A_58 = arith.extui %sign3A_57 : i1 to i32
    %sign3A_59 = arith.constant 0 : i32
    %sign3A_60 = arith.cmpi slt, %jit3A_49, %sign3A_59 : i32
    %sign3A_61 = arith.extui %sign3A_60 : i1 to i32
    %sign3A_62 = arith.subi %sign3A_58, %sign3A_61 : i32
    %ne3A = arith.cmpi ne, %sign3A_55, %sign3A_62 : i32
    %rem3A = arith.remsi %add3A_48, %jit3A_49 : i32
    %ne3A_63 = arith.constant 0 : i32
    %ne3A_64 = arith.cmpi ne, %rem3A, %ne3A_63 : i32
    %and3A = arith.andi %ne3A, %ne3A_64 : i1
    %sub3A = arith.constant 1 : i32
    %sub3A_65 = arith.subi %div3A, %sub3A : i32
    %select_n3A_66 = arith.select %and3A, %sub3A_65, %div3A : i32
    %while3A = arith.constant 0 : i32
    %while3A_67 = arith.subi %select_n3A_66, %while3A : i32
    %while3A_68 = arith.addi %while3A, %while3A_67 : i32
    %while3A_69 = arith.constant 1 : i32
    %while3A_70 = arith.divsi %while3A_67, %while3A_69 : i32
    %while3A_71 = arith.muli %while3A_70, %while3A_69 : i32
    %while3A_72 = arith.addi %while3A, %while3A_71 : i32
    %while3A_73 = arith.constant 1 : i32
    scf.for %while3A_179 = %while3A to %while3A_72 step %while3A_73  : i32 {
      %mul3A_180 = arith.constant 2 : i32
      %mul3A_181 = arith.muli %mul3A_180, %while3A_179 : i32
      %mul3A_182 = arith.constant 32 : i32
      %mul3A_183 = arith.muli %mul3A_182, %mul3A_181 : i32
      %add3A_184 = arith.addi %add3A, %mul3A_183 : i32
      %dma_wait3A_185 = arith.constant 0 : i32
      %dma_wait3A_186 = arith.constant 0 : i32
      %dma_wait3A_187 = arith.constant 0 : i32
      %dma_wait3A_188 = tpu.memref_slice %arg9[%dma_wait3A_185, %dma_wait3A_186, %dma_wait3A_187] : memref<2x2x128xi32, #tpu.memory_space<vmem>> -> memref<1x2x128xi32, #tpu.memory_space<vmem>>
      %dma_wait3A_189 = tpu.memref_squeeze %dma_wait3A_188 : memref<1x2x128xi32, #tpu.memory_space<vmem>> -> memref<2x128xi32, #tpu.memory_space<vmem>>
      %dma_wait3A_190 = arith.constant 0 : i32
      %dma_wait3A_191 = arith.constant 0 : i32
      %dma_wait3A_192 = tpu.memref_slice %arg3[%add3A_184, %dma_wait3A_190, %dma_wait3A_191] : memref<1250x2x128xi32, #tpu.memory_space<hbm>> -> memref<1x2x128xi32, #tpu.memory_space<hbm>>
      %dma_wait3A_193 = tpu.memref_squeeze %dma_wait3A_192 : memref<1x2x128xi32, #tpu.memory_space<hbm>> -> memref<2x128xi32, #tpu.memory_space<hbm>>
      %dma_wait3A_194 = arith.constant 0 : i32
      %dma_wait3A_195 = arith.constant 0 : i32
      %dma_wait3A_196 = tpu.memref_slice %arg9[%dma_wait3A_185, %dma_wait3A_194, %dma_wait3A_195] : memref<2x2x128xi32, #tpu.memory_space<vmem>> -> memref<1x2x128xi32, #tpu.memory_space<vmem>>
      %dma_wait3A_197 = tpu.memref_squeeze %dma_wait3A_196 : memref<1x2x128xi32, #tpu.memory_space<vmem>> -> memref<2x128xi32, #tpu.memory_space<vmem>>
      %dma_wait3A_198 = arith.constant 0 : i32
      %dma_wait3A_199 = arith.constant 0 : i32
      %dma_wait3A_200 = tpu.memref_slice %arg3[%add3A_184, %dma_wait3A_198, %dma_wait3A_199] : memref<1250x2x128xi32, #tpu.memory_space<hbm>> -> memref<1x2x128xi32, #tpu.memory_space<hbm>>
      %dma_wait3A_201 = tpu.memref_squeeze %dma_wait3A_200 : memref<1x2x128xi32, #tpu.memory_space<hbm>> -> memref<2x128xi32, #tpu.memory_space<hbm>>
      tpu.wait_dma2 semaphore(%arg11 : memref<!tpu.dma_semaphore, #tpu.memory_space<semaphore_mem>>) src(%dma_wait3A_201 : memref<2x128xi32, #tpu.memory_space<hbm>>) dst(%dma_wait3A_197 : memref<2x128xi32, #tpu.memory_space<vmem>>)
      %dma_wait3A_202 = arith.constant 0 : i32
      %dma_wait3A_203 = arith.constant 0 : i32
      %dma_wait3A_204 = arith.constant 0 : i32
      %dma_wait3A_205 = tpu.memref_slice %arg10[%dma_wait3A_202, %dma_wait3A_203, %dma_wait3A_204] : memref<2x2x128xi32, #tpu.memory_space<vmem>> -> memref<1x2x128xi32, #tpu.memory_space<vmem>>
      %dma_wait3A_206 = tpu.memref_squeeze %dma_wait3A_205 : memref<1x2x128xi32, #tpu.memory_space<vmem>> -> memref<2x128xi32, #tpu.memory_space<vmem>>
      %dma_wait3A_207 = arith.constant 0 : i32
      %dma_wait3A_208 = arith.constant 0 : i32
      %dma_wait3A_209 = tpu.memref_slice %arg4[%add3A_184, %dma_wait3A_207, %dma_wait3A_208] : memref<1250x2x128xi32, #tpu.memory_space<hbm>> -> memref<1x2x128xi32, #tpu.memory_space<hbm>>
      %dma_wait3A_210 = tpu.memref_squeeze %dma_wait3A_209 : memref<1x2x128xi32, #tpu.memory_space<hbm>> -> memref<2x128xi32, #tpu.memory_space<hbm>>
      %dma_wait3A_211 = arith.constant 0 : i32
      %dma_wait3A_212 = arith.constant 0 : i32
      %dma_wait3A_213 = tpu.memref_slice %arg10[%dma_wait3A_202, %dma_wait3A_211, %dma_wait3A_212] : memref<2x2x128xi32, #tpu.memory_space<vmem>> -> memref<1x2x128xi32, #tpu.memory_space<vmem>>
      %dma_wait3A_214 = tpu.memref_squeeze %dma_wait3A_213 : memref<1x2x128xi32, #tpu.memory_space<vmem>> -> memref<2x128xi32, #tpu.memory_space<vmem>>
      %dma_wait3A_215 = arith.constant 0 : i32
      %dma_wait3A_216 = arith.constant 0 : i32
      %dma_wait3A_217 = tpu.memref_slice %arg4[%add3A_184, %dma_wait3A_215, %dma_wait3A_216] : memref<1250x2x128xi32, #tpu.memory_space<hbm>> -> memref<1x2x128xi32, #tpu.memory_space<hbm>>
      %dma_wait3A_218 = tpu.memref_squeeze %dma_wait3A_217 : memref<1x2x128xi32, #tpu.memory_space<hbm>> -> memref<2x128xi32, #tpu.memory_space<hbm>>
      tpu.wait_dma2 semaphore(%arg11 : memref<!tpu.dma_semaphore, #tpu.memory_space<semaphore_mem>>) src(%dma_wait3A_218 : memref<2x128xi32, #tpu.memory_space<hbm>>) dst(%dma_wait3A_214 : memref<2x128xi32, #tpu.memory_space<vmem>>)
      %add3A_219 = arith.constant 1 : i32
      %add3A_220 = arith.addi %mul3A_181, %add3A_219 : i32
      %lt3A_221 = arith.cmpi slt, %add3A_220, %add3A_11 : i32
      %convert_element_type3A_222 = arith.extui %lt3A_221 : i1 to i32
      %cond3A_223 = arith.constant 0 : i32
      %cond3A_224 = arith.cmpi ne, %convert_element_type3A_222, %cond3A_223 : i32
      scf.if %cond3A_224 {
        %add3A_372 = arith.constant 1 : i32
        %add3A_373 = arith.addi %mul3A_181, %add3A_372 : i32
        %mul3A_374 = arith.constant 32 : i32
        %mul3A_375 = arith.muli %mul3A_374, %add3A_373 : i32
        %add3A_376 = arith.addi %add3A, %mul3A_375 : i32
        %dma_start3A_377 = arith.constant 1 : i32
        %dma_start3A_378 = arith.constant 0 : i32
        %dma_start3A_379 = arith.constant 0 : i32
        %dma_start3A_380 = tpu.memref_slice %arg9[%dma_start3A_377, %dma_start3A_378, %dma_start3A_379] : memref<2x2x128xi32, #tpu.memory_space<vmem>> -> memref<1x2x128xi32, #tpu.memory_space<vmem>>
        %dma_start3A_381 = tpu.memref_squeeze %dma_start3A_380 : memref<1x2x128xi32, #tpu.memory_space<vmem>> -> memref<2x128xi32, #tpu.memory_space<vmem>>
        %dma_start3A_382 = arith.constant 0 : i32
        %dma_start3A_383 = arith.constant 0 : i32
        %dma_start3A_384 = tpu.memref_slice %arg3[%add3A_376, %dma_start3A_382, %dma_start3A_383] : memref<1250x2x128xi32, #tpu.memory_space<hbm>> -> memref<1x2x128xi32, #tpu.memory_space<hbm>>
        %dma_start3A_385 = tpu.memref_squeeze %dma_start3A_384 : memref<1x2x128xi32, #tpu.memory_space<hbm>> -> memref<2x128xi32, #tpu.memory_space<hbm>>
        %dma_start3A_386 = arith.constant 0 : i32
        %dma_start3A_387 = arith.constant 0 : i32
        %dma_start3A_388 = tpu.memref_slice %arg9[%dma_start3A_377, %dma_start3A_386, %dma_start3A_387] : memref<2x2x128xi32, #tpu.memory_space<vmem>> -> memref<1x2x128xi32, #tpu.memory_space<vmem>>
        %dma_start3A_389 = tpu.memref_squeeze %dma_start3A_388 : memref<1x2x128xi32, #tpu.memory_space<vmem>> -> memref<2x128xi32, #tpu.memory_space<vmem>>
        %dma_start3A_390 = arith.constant 0 : i32
        %dma_start3A_391 = arith.constant 0 : i32
        %dma_start3A_392 = tpu.memref_slice %arg3[%add3A_376, %dma_start3A_390, %dma_start3A_391] : memref<1250x2x128xi32, #tpu.memory_space<hbm>> -> memref<1x2x128xi32, #tpu.memory_space<hbm>>
        %dma_start3A_393 = tpu.memref_squeeze %dma_start3A_392 : memref<1x2x128xi32, #tpu.memory_space<hbm>> -> memref<2x128xi32, #tpu.memory_space<hbm>>
        tpu.enqueue_dma source(%dma_start3A_393 : memref<2x128xi32, #tpu.memory_space<hbm>>) target(%dma_start3A_389 : memref<2x128xi32, #tpu.memory_space<vmem>>) target_semaphore(%arg12 : memref<!tpu.dma_semaphore, #tpu.memory_space<semaphore_mem>>)
        %dma_start3A_394 = arith.constant 1 : i32
        %dma_start3A_395 = arith.constant 0 : i32
        %dma_start3A_396 = arith.constant 0 : i32
        %dma_start3A_397 = tpu.memref_slice %arg10[%dma_start3A_394, %dma_start3A_395, %dma_start3A_396] : memref<2x2x128xi32, #tpu.memory_space<vmem>> -> memref<1x2x128xi32, #tpu.memory_space<vmem>>
        %dma_start3A_398 = tpu.memref_squeeze %dma_start3A_397 : memref<1x2x128xi32, #tpu.memory_space<vmem>> -> memref<2x128xi32, #tpu.memory_space<vmem>>
        %dma_start3A_399 = arith.constant 0 : i32
        %dma_start3A_400 = arith.constant 0 : i32
        %dma_start3A_401 = tpu.memref_slice %arg4[%add3A_376, %dma_start3A_399, %dma_start3A_400] : memref<1250x2x128xi32, #tpu.memory_space<hbm>> -> memref<1x2x128xi32, #tpu.memory_space<hbm>>
        %dma_start3A_402 = tpu.memref_squeeze %dma_start3A_401 : memref<1x2x128xi32, #tpu.memory_space<hbm>> -> memref<2x128xi32, #tpu.memory_space<hbm>>
        %dma_start3A_403 = arith.constant 0 : i32
        %dma_start3A_404 = arith.constant 0 : i32
        %dma_start3A_405 = tpu.memref_slice %arg10[%dma_start3A_394, %dma_start3A_403, %dma_start3A_404] : memref<2x2x128xi32, #tpu.memory_space<vmem>> -> memref<1x2x128xi32, #tpu.memory_space<vmem>>
        %dma_start3A_406 = tpu.memref_squeeze %dma_start3A_405 : memref<1x2x128xi32, #tpu.memory_space<vmem>> -> memref<2x128xi32, #tpu.memory_space<vmem>>
        %dma_start3A_407 = arith.constant 0 : i32
        %dma_start3A_408 = arith.constant 0 : i32
        %dma_start3A_409 = tpu.memref_slice %arg4[%add3A_376, %dma_start3A_407, %dma_start3A_408] : memref<1250x2x128xi32, #tpu.memory_space<hbm>> -> memref<1x2x128xi32, #tpu.memory_space<hbm>>
        %dma_start3A_410 = tpu.memref_squeeze %dma_start3A_409 : memref<1x2x128xi32, #tpu.memory_space<hbm>> -> memref<2x128xi32, #tpu.memory_space<hbm>>
        tpu.enqueue_dma source(%dma_start3A_410 : memref<2x128xi32, #tpu.memory_space<hbm>>) target(%dma_start3A_406 : memref<2x128xi32, #tpu.memory_space<vmem>>) target_semaphore(%arg12 : memref<!tpu.dma_semaphore, #tpu.memory_space<semaphore_mem>>)
      } else {
      }
      %gt3A = arith.constant 0 : i32
      %gt3A_225 = arith.cmpi sgt, %while3A_179, %gt3A : i32
      %convert_element_type3A_226 = arith.extui %gt3A_225 : i1 to i32
      %cond3A_227 = arith.constant 0 : i32
      %cond3A_228 = arith.cmpi ne, %convert_element_type3A_226, %cond3A_227 : i32
      scf.if %cond3A_228 {
        %sub3A_372 = arith.constant 2 : i32
        %sub3A_373 = arith.subi %mul3A_181, %sub3A_372 : i32
        %mul3A_374 = arith.constant 32 : i32
        %mul3A_375 = arith.muli %mul3A_374, %sub3A_373 : i32
        %add3A_376 = arith.addi %add3A, %mul3A_375 : i32
        %mul3A_377 = arith.constant 256 : i32
        %mul3A_378 = arith.muli %add3A_376, %mul3A_377 : i32
        %dma_wait3A_379 = arith.constant 0 : i32
        %dma_wait3A_380 = arith.constant 0 : i32
        %dma_wait3A_381 = arith.constant 0 : i32
        %dma_wait3A_382 = tpu.memref_slice %arg7[%dma_wait3A_379, %dma_wait3A_380, %dma_wait3A_381] : memref<2x256x64xf32, #tpu.memory_space<vmem>> -> memref<1x256x64xf32, #tpu.memory_space<vmem>>
        %dma_wait3A_383 = tpu.memref_squeeze %dma_wait3A_382 : memref<1x256x64xf32, #tpu.memory_space<vmem>> -> memref<256x64xf32, #tpu.memory_space<vmem>>
        %dma_wait3A_384 = arith.constant 0 : i32
        %dma_wait3A_385 = tpu.memref_slice %arg5[%mul3A_378, %dma_wait3A_384] : memref<320000x128xf32, #tpu.memory_space<hbm>> -> memref<256x64xf32, #tpu.memory_space<hbm>>
        %dma_wait3A_386 = arith.constant 0 : i32
        %dma_wait3A_387 = tpu.memref_slice %arg5[%mul3A_378, %dma_wait3A_386] : memref<320000x128xf32, #tpu.memory_space<hbm>> -> memref<256x64xf32, #tpu.memory_space<hbm>>
        %dma_wait3A_388 = arith.constant 0 : i32
        %dma_wait3A_389 = arith.constant 0 : i32
        %dma_wait3A_390 = tpu.memref_slice %arg7[%dma_wait3A_379, %dma_wait3A_388, %dma_wait3A_389] : memref<2x256x64xf32, #tpu.memory_space<vmem>> -> memref<1x256x64xf32, #tpu.memory_space<vmem>>
        %dma_wait3A_391 = tpu.memref_squeeze %dma_wait3A_390 : memref<1x256x64xf32, #tpu.memory_space<vmem>> -> memref<256x64xf32, #tpu.memory_space<vmem>>
        tpu.wait_dma2 semaphore(%arg14 : memref<!tpu.dma_semaphore, #tpu.memory_space<semaphore_mem>>) src(%dma_wait3A_391 : memref<256x64xf32, #tpu.memory_space<vmem>>) dst(%dma_wait3A_387 : memref<256x64xf32, #tpu.memory_space<hbm>>)
        %mul3A_392 = arith.constant 256 : i32
        %mul3A_393 = arith.muli %add3A_376, %mul3A_392 : i32
        %dma_wait3A_394 = arith.constant 0 : i32
        %dma_wait3A_395 = arith.constant 0 : i32
        %dma_wait3A_396 = arith.constant 0 : i32
        %dma_wait3A_397 = tpu.memref_slice %arg8[%dma_wait3A_394, %dma_wait3A_395, %dma_wait3A_396] : memref<2x256x64xf32, #tpu.memory_space<vmem>> -> memref<1x256x64xf32, #tpu.memory_space<vmem>>
        %dma_wait3A_398 = tpu.memref_squeeze %dma_wait3A_397 : memref<1x256x64xf32, #tpu.memory_space<vmem>> -> memref<256x64xf32, #tpu.memory_space<vmem>>
        %dma_wait3A_399 = arith.constant 64 : i32
        %dma_wait3A_400 = tpu.memref_slice %arg5[%mul3A_393, %dma_wait3A_399] : memref<320000x128xf32, #tpu.memory_space<hbm>> -> memref<256x64xf32, #tpu.memory_space<hbm>>
        %dma_wait3A_401 = arith.constant 64 : i32
        %dma_wait3A_402 = tpu.memref_slice %arg5[%mul3A_393, %dma_wait3A_401] : memref<320000x128xf32, #tpu.memory_space<hbm>> -> memref<256x64xf32, #tpu.memory_space<hbm>>
        %dma_wait3A_403 = arith.constant 0 : i32
        %dma_wait3A_404 = arith.constant 0 : i32
        %dma_wait3A_405 = tpu.memref_slice %arg8[%dma_wait3A_394, %dma_wait3A_403, %dma_wait3A_404] : memref<2x256x64xf32, #tpu.memory_space<vmem>> -> memref<1x256x64xf32, #tpu.memory_space<vmem>>
        %dma_wait3A_406 = tpu.memref_squeeze %dma_wait3A_405 : memref<1x256x64xf32, #tpu.memory_space<vmem>> -> memref<256x64xf32, #tpu.memory_space<vmem>>
        tpu.wait_dma2 semaphore(%arg14 : memref<!tpu.dma_semaphore, #tpu.memory_space<semaphore_mem>>) src(%dma_wait3A_406 : memref<256x64xf32, #tpu.memory_space<vmem>>) dst(%dma_wait3A_402 : memref<256x64xf32, #tpu.memory_space<hbm>>)
      } else {
      }
      %dma_start3A_229 = arith.constant 0 : i32
      %dma_start3A_230 = arith.constant 0 : i32
      %dma_start3A_231 = arith.constant 0 : i32
      %dma_start3A_232 = arith.constant 0 : i32
      %dma_start3A_233 = arith.constant 0 : i32
      %dma_start3A_234 = tpu.memref_slice %arg7[%dma_start3A_231, %dma_start3A_232, %dma_start3A_233] : memref<2x256x64xf32, #tpu.memory_space<vmem>> -> memref<1x128x64xf32, #tpu.memory_space<vmem>>
      %dma_start3A_235 = tpu.memref_squeeze %dma_start3A_234 : memref<1x128x64xf32, #tpu.memory_space<vmem>> -> memref<128x64xf32, #tpu.memory_space<vmem>>
      %dma_start3A_236 = arith.constant 0 : i32
      %dma_start3A_237 = tpu.memref_slice %arg9[%dma_start3A_229, %dma_start3A_230, %dma_start3A_236] : memref<2x2x128xi32, #tpu.memory_space<vmem>> -> memref<1x1x128xi32, #tpu.memory_space<vmem>>
      %dma_start3A_238 = tpu.memref_squeeze %dma_start3A_237 : memref<1x1x128xi32, #tpu.memory_space<vmem>> -> memref<128xi32, #tpu.memory_space<vmem>>
      %dma_start3A_239 = arith.constant 0 : i32
      %dma_start3A_240 = arith.constant 0 : i32
      %dma_start3A_241 = tpu.memref_slice %arg6[%dma_start3A_239, %dma_start3A_240] : memref<10000x64xf32, #tpu.memory_space<vmem_shared>> -> memref<10000x64xf32, #tpu.memory_space<vmem_shared>>
      tpu.enqueue_indirect_dma source(%dma_start3A_241 : memref<10000x64xf32, #tpu.memory_space<vmem_shared>>) target(%dma_start3A_235 : memref<128x64xf32, #tpu.memory_space<vmem>>) offsets(%dma_start3A_238 : memref<128xi32, #tpu.memory_space<vmem>>) semaphore(%arg13 : memref<!tpu.dma_semaphore, #tpu.memory_space<semaphore_mem>>)
      %dma_start3A_242 = arith.constant 0 : i32
      %dma_start3A_243 = arith.constant 0 : i32
      %dma_start3A_244 = arith.constant 0 : i32
      %dma_start3A_245 = arith.constant 0 : i32
      %dma_start3A_246 = arith.constant 0 : i32
      %dma_start3A_247 = tpu.memref_slice %arg8[%dma_start3A_244, %dma_start3A_245, %dma_start3A_246] : memref<2x256x64xf32, #tpu.memory_space<vmem>> -> memref<1x128x64xf32, #tpu.memory_space<vmem>>
      %dma_start3A_248 = tpu.memref_squeeze %dma_start3A_247 : memref<1x128x64xf32, #tpu.memory_space<vmem>> -> memref<128x64xf32, #tpu.memory_space<vmem>>
      %dma_start3A_249 = arith.constant 0 : i32
      %dma_start3A_250 = tpu.memref_slice %arg10[%dma_start3A_242, %dma_start3A_243, %dma_start3A_249] : memref<2x2x128xi32, #tpu.memory_space<vmem>> -> memref<1x1x128xi32, #tpu.memory_space<vmem>>
      %dma_start3A_251 = tpu.memref_squeeze %dma_start3A_250 : memref<1x1x128xi32, #tpu.memory_space<vmem>> -> memref<128xi32, #tpu.memory_space<vmem>>
      %dma_start3A_252 = arith.constant 0 : i32
      %dma_start3A_253 = arith.constant 0 : i32
      %dma_start3A_254 = tpu.memref_slice %arg6[%dma_start3A_252, %dma_start3A_253] : memref<10000x64xf32, #tpu.memory_space<vmem_shared>> -> memref<10000x64xf32, #tpu.memory_space<vmem_shared>>
      tpu.enqueue_indirect_dma source(%dma_start3A_254 : memref<10000x64xf32, #tpu.memory_space<vmem_shared>>) target(%dma_start3A_248 : memref<128x64xf32, #tpu.memory_space<vmem>>) offsets(%dma_start3A_251 : memref<128xi32, #tpu.memory_space<vmem>>) semaphore(%arg13 : memref<!tpu.dma_semaphore, #tpu.memory_space<semaphore_mem>>)
      %dma_start3A_255 = arith.constant 0 : i32
      %dma_start3A_256 = arith.constant 1 : i32
      %dma_start3A_257 = arith.constant 0 : i32
      %dma_start3A_258 = arith.constant 128 : i32
      %dma_start3A_259 = arith.constant 0 : i32
      %dma_start3A_260 = tpu.memref_slice %arg7[%dma_start3A_257, %dma_start3A_258, %dma_start3A_259] : memref<2x256x64xf32, #tpu.memory_space<vmem>> -> memref<1x128x64xf32, #tpu.memory_space<vmem>>
      %dma_start3A_261 = tpu.memref_squeeze %dma_start3A_260 : memref<1x128x64xf32, #tpu.memory_space<vmem>> -> memref<128x64xf32, #tpu.memory_space<vmem>>
      %dma_start3A_262 = arith.constant 0 : i32
      %dma_start3A_263 = tpu.memref_slice %arg9[%dma_start3A_255, %dma_start3A_256, %dma_start3A_262] : memref<2x2x128xi32, #tpu.memory_space<vmem>> -> memref<1x1x128xi32, #tpu.memory_space<vmem>>
      %dma_start3A_264 = tpu.memref_squeeze %dma_start3A_263 : memref<1x1x128xi32, #tpu.memory_space<vmem>> -> memref<128xi32, #tpu.memory_space<vmem>>
      %dma_start3A_265 = arith.constant 0 : i32
      %dma_start3A_266 = arith.constant 0 : i32
      %dma_start3A_267 = tpu.memref_slice %arg6[%dma_start3A_265, %dma_start3A_266] : memref<10000x64xf32, #tpu.memory_space<vmem_shared>> -> memref<10000x64xf32, #tpu.memory_space<vmem_shared>>
      tpu.enqueue_indirect_dma source(%dma_start3A_267 : memref<10000x64xf32, #tpu.memory_space<vmem_shared>>) target(%dma_start3A_261 : memref<128x64xf32, #tpu.memory_space<vmem>>) offsets(%dma_start3A_264 : memref<128xi32, #tpu.memory_space<vmem>>) semaphore(%arg13 : memref<!tpu.dma_semaphore, #tpu.memory_space<semaphore_mem>>)
      %dma_start3A_268 = arith.constant 0 : i32
      %dma_start3A_269 = arith.constant 1 : i32
      %dma_start3A_270 = arith.constant 0 : i32
      %dma_start3A_271 = arith.constant 128 : i32
      %dma_start3A_272 = arith.constant 0 : i32
      %dma_start3A_273 = tpu.memref_slice %arg8[%dma_start3A_270, %dma_start3A_271, %dma_start3A_272] : memref<2x256x64xf32, #tpu.memory_space<vmem>> -> memref<1x128x64xf32, #tpu.memory_space<vmem>>
      %dma_start3A_274 = tpu.memref_squeeze %dma_start3A_273 : memref<1x128x64xf32, #tpu.memory_space<vmem>> -> memref<128x64xf32, #tpu.memory_space<vmem>>
      %dma_start3A_275 = arith.constant 0 : i32
      %dma_start3A_276 = tpu.memref_slice %arg10[%dma_start3A_268, %dma_start3A_269, %dma_start3A_275] : memref<2x2x128xi32, #tpu.memory_space<vmem>> -> memref<1x1x128xi32, #tpu.memory_space<vmem>>
      %dma_start3A_277 = tpu.memref_squeeze %dma_start3A_276 : memref<1x1x128xi32, #tpu.memory_space<vmem>> -> memref<128xi32, #tpu.memory_space<vmem>>
      %dma_start3A_278 = arith.constant 0 : i32
      %dma_start3A_279 = arith.constant 0 : i32
      %dma_start3A_280 = tpu.memref_slice %arg6[%dma_start3A_278, %dma_start3A_279] : memref<10000x64xf32, #tpu.memory_space<vmem_shared>> -> memref<10000x64xf32, #tpu.memory_space<vmem_shared>>
      tpu.enqueue_indirect_dma source(%dma_start3A_280 : memref<10000x64xf32, #tpu.memory_space<vmem_shared>>) target(%dma_start3A_274 : memref<128x64xf32, #tpu.memory_space<vmem>>) offsets(%dma_start3A_277 : memref<128xi32, #tpu.memory_space<vmem>>) semaphore(%arg13 : memref<!tpu.dma_semaphore, #tpu.memory_space<semaphore_mem>>)
      %dma_wait3A_281 = arith.constant 0 : i32
      %dma_wait3A_282 = arith.constant 0 : i32
      %dma_wait3A_283 = arith.constant 0 : i32
      %dma_wait3A_284 = arith.constant 0 : i32
      %dma_wait3A_285 = arith.constant 0 : i32
      %dma_wait3A_286 = tpu.memref_slice %arg7[%dma_wait3A_283, %dma_wait3A_284, %dma_wait3A_285] : memref<2x256x64xf32, #tpu.memory_space<vmem>> -> memref<1x128x64xf32, #tpu.memory_space<vmem>>
      %dma_wait3A_287 = tpu.memref_squeeze %dma_wait3A_286 : memref<1x128x64xf32, #tpu.memory_space<vmem>> -> memref<128x64xf32, #tpu.memory_space<vmem>>
      %dma_wait3A_288 = arith.constant 0 : i32
      %dma_wait3A_289 = tpu.memref_slice %arg9[%dma_wait3A_281, %dma_wait3A_282, %dma_wait3A_288] : memref<2x2x128xi32, #tpu.memory_space<vmem>> -> memref<1x1x128xi32, #tpu.memory_space<vmem>>
      %dma_wait3A_290 = tpu.memref_squeeze %dma_wait3A_289 : memref<1x1x128xi32, #tpu.memory_space<vmem>> -> memref<128xi32, #tpu.memory_space<vmem>>
      %dma_wait3A_291 = arith.constant 0 : i32
      %dma_wait3A_292 = arith.constant 0 : i32
      %dma_wait3A_293 = tpu.memref_slice %arg6[%dma_wait3A_291, %dma_wait3A_292] : memref<10000x64xf32, #tpu.memory_space<vmem_shared>> -> memref<10000x64xf32, #tpu.memory_space<vmem_shared>>
      tpu.wait_indirect_dma semaphore(%arg13 : memref<!tpu.dma_semaphore, #tpu.memory_space<semaphore_mem>>) src(%dma_wait3A_293 : memref<10000x64xf32, #tpu.memory_space<vmem_shared>>) dst(%dma_wait3A_287 : memref<128x64xf32, #tpu.memory_space<vmem>>)
      %dma_wait3A_294 = arith.constant 0 : i32
      %dma_wait3A_295 = arith.constant 0 : i32
      %dma_wait3A_296 = arith.constant 0 : i32
      %dma_wait3A_297 = arith.constant 0 : i32
      %dma_wait3A_298 = arith.constant 0 : i32
      %dma_wait3A_299 = tpu.memref_slice %arg8[%dma_wait3A_296, %dma_wait3A_297, %dma_wait3A_298] : memref<2x256x64xf32, #tpu.memory_space<vmem>> -> memref<1x128x64xf32, #tpu.memory_space<vmem>>
      %dma_wait3A_300 = tpu.memref_squeeze %dma_wait3A_299 : memref<1x128x64xf32, #tpu.memory_space<vmem>> -> memref<128x64xf32, #tpu.memory_space<vmem>>
      %dma_wait3A_301 = arith.constant 0 : i32
      %dma_wait3A_302 = tpu.memref_slice %arg10[%dma_wait3A_294, %dma_wait3A_295, %dma_wait3A_301] : memref<2x2x128xi32, #tpu.memory_space<vmem>> -> memref<1x1x128xi32, #tpu.memory_space<vmem>>
      %dma_wait3A_303 = tpu.memref_squeeze %dma_wait3A_302 : memref<1x1x128xi32, #tpu.memory_space<vmem>> -> memref<128xi32, #tpu.memory_space<vmem>>
      %dma_wait3A_304 = arith.constant 0 : i32
      %dma_wait3A_305 = arith.constant 0 : i32
      %dma_wait3A_306 = tpu.memref_slice %arg6[%dma_wait3A_304, %dma_wait3A_305] : memref<10000x64xf32, #tpu.memory_space<vmem_shared>> -> memref<10000x64xf32, #tpu.memory_space<vmem_shared>>
      tpu.wait_indirect_dma semaphore(%arg13 : memref<!tpu.dma_semaphore, #tpu.memory_space<semaphore_mem>>) src(%dma_wait3A_306 : memref<10000x64xf32, #tpu.memory_space<vmem_shared>>) dst(%dma_wait3A_300 : memref<128x64xf32, #tpu.memory_space<vmem>>)
      %dma_wait3A_307 = arith.constant 0 : i32
      %dma_wait3A_308 = arith.constant 1 : i32
      %dma_wait3A_309 = arith.constant 0 : i32
      %dma_wait3A_310 = arith.constant 128 : i32
      %dma_wait3A_311 = arith.constant 0 : i32
      %dma_wait3A_312 = tpu.memref_slice %arg7[%dma_wait3A_309, %dma_wait3A_310, %dma_wait3A_311] : memref<2x256x64xf32, #tpu.memory_space<vmem>> -> memref<1x128x64xf32, #tpu.memory_space<vmem>>
      %dma_wait3A_313 = tpu.memref_squeeze %dma_wait3A_312 : memref<1x128x64xf32, #tpu.memory_space<vmem>> -> memref<128x64xf32, #tpu.memory_space<vmem>>
      %dma_wait3A_314 = arith.constant 0 : i32
      %dma_wait3A_315 = tpu.memref_slice %arg9[%dma_wait3A_307, %dma_wait3A_308, %dma_wait3A_314] : memref<2x2x128xi32, #tpu.memory_space<vmem>> -> memref<1x1x128xi32, #tpu.memory_space<vmem>>
      %dma_wait3A_316 = tpu.memref_squeeze %dma_wait3A_315 : memref<1x1x128xi32, #tpu.memory_space<vmem>> -> memref<128xi32, #tpu.memory_space<vmem>>
      %dma_wait3A_317 = arith.constant 0 : i32
      %dma_wait3A_318 = arith.constant 0 : i32
      %dma_wait3A_319 = tpu.memref_slice %arg6[%dma_wait3A_317, %dma_wait3A_318] : memref<10000x64xf32, #tpu.memory_space<vmem_shared>> -> memref<10000x64xf32, #tpu.memory_space<vmem_shared>>
      tpu.wait_indirect_dma semaphore(%arg13 : memref<!tpu.dma_semaphore, #tpu.memory_space<semaphore_mem>>) src(%dma_wait3A_319 : memref<10000x64xf32, #tpu.memory_space<vmem_shared>>) dst(%dma_wait3A_313 : memref<128x64xf32, #tpu.memory_space<vmem>>)
      %dma_wait3A_320 = arith.constant 0 : i32
      %dma_wait3A_321 = arith.constant 1 : i32
      %dma_wait3A_322 = arith.constant 0 : i32
      %dma_wait3A_323 = arith.constant 128 : i32
      %dma_wait3A_324 = arith.constant 0 : i32
      %dma_wait3A_325 = tpu.memref_slice %arg8[%dma_wait3A_322, %dma_wait3A_323, %dma_wait3A_324] : memref<2x256x64xf32, #tpu.memory_space<vmem>> -> memref<1x128x64xf32, #tpu.memory_space<vmem>>
      %dma_wait3A_326 = tpu.memref_squeeze %dma_wait3A_325 : memref<1x128x64xf32, #tpu.memory_space<vmem>> -> memref<128x64xf32, #tpu.memory_space<vmem>>
      %dma_wait3A_327 = arith.constant 0 : i32
      %dma_wait3A_328 = tpu.memref_slice %arg10[%dma_wait3A_320, %dma_wait3A_321, %dma_wait3A_327] : memref<2x2x128xi32, #tpu.memory_space<vmem>> -> memref<1x1x128xi32, #tpu.memory_space<vmem>>
      %dma_wait3A_329 = tpu.memref_squeeze %dma_wait3A_328 : memref<1x1x128xi32, #tpu.memory_space<vmem>> -> memref<128xi32, #tpu.memory_space<vmem>>
      %dma_wait3A_330 = arith.constant 0 : i32
      %dma_wait3A_331 = arith.constant 0 : i32
      %dma_wait3A_332 = tpu.memref_slice %arg6[%dma_wait3A_330, %dma_wait3A_331] : memref<10000x64xf32, #tpu.memory_space<vmem_shared>> -> memref<10000x64xf32, #tpu.memory_space<vmem_shared>>
      tpu.wait_indirect_dma semaphore(%arg13 : memref<!tpu.dma_semaphore, #tpu.memory_space<semaphore_mem>>) src(%dma_wait3A_332 : memref<10000x64xf32, #tpu.memory_space<vmem_shared>>) dst(%dma_wait3A_326 : memref<128x64xf32, #tpu.memory_space<vmem>>)
      %mul3A_333 = arith.constant 32 : i32
      %mul3A_334 = arith.muli %mul3A_333, %mul3A_181 : i32
      %add3A_335 = arith.addi %add3A, %mul3A_334 : i32
      %mul3A_336 = arith.constant 256 : i32
      %mul3A_337 = arith.muli %add3A_335, %mul3A_336 : i32
      %dma_start3A_338 = arith.constant 0 : i32
      %dma_start3A_339 = arith.constant 0 : i32
      %dma_start3A_340 = arith.constant 0 : i32
      %dma_start3A_341 = tpu.memref_slice %arg7[%dma_start3A_338, %dma_start3A_339, %dma_start3A_340] : memref<2x256x64xf32, #tpu.memory_space<vmem>> -> memref<1x256x64xf32, #tpu.memory_space<vmem>>
      %dma_start3A_342 = tpu.memref_squeeze %dma_start3A_341 : memref<1x256x64xf32, #tpu.memory_space<vmem>> -> memref<256x64xf32, #tpu.memory_space<vmem>>
      %dma_start3A_343 = arith.constant 0 : i32
      %dma_start3A_344 = tpu.memref_slice %arg5[%mul3A_337, %dma_start3A_343] : memref<320000x128xf32, #tpu.memory_space<hbm>> -> memref<256x64xf32, #tpu.memory_space<hbm>>
      %dma_start3A_345 = arith.constant 0 : i32
      %dma_start3A_346 = tpu.memref_slice %arg5[%mul3A_337, %dma_start3A_345] : memref<320000x128xf32, #tpu.memory_space<hbm>> -> memref<256x64xf32, #tpu.memory_space<hbm>>
      %dma_start3A_347 = arith.constant 0 : i32
      %dma_start3A_348 = arith.constant 0 : i32
      %dma_start3A_349 = tpu.memref_slice %arg7[%dma_start3A_338, %dma_start3A_347, %dma_start3A_348] : memref<2x256x64xf32, #tpu.memory_space<vmem>> -> memref<1x256x64xf32, #tpu.memory_space<vmem>>
      %dma_start3A_350 = tpu.memref_squeeze %dma_start3A_349 : memref<1x256x64xf32, #tpu.memory_space<vmem>> -> memref<256x64xf32, #tpu.memory_space<vmem>>
      tpu.enqueue_dma source(%dma_start3A_350 : memref<256x64xf32, #tpu.memory_space<vmem>>) target(%dma_start3A_346 : memref<256x64xf32, #tpu.memory_space<hbm>>) target_semaphore(%arg14 : memref<!tpu.dma_semaphore, #tpu.memory_space<semaphore_mem>>)
      %mul3A_351 = arith.constant 256 : i32
      %mul3A_352 = arith.muli %add3A_335, %mul3A_351 : i32
      %dma_start3A_353 = arith.constant 0 : i32
      %dma_start3A_354 = arith.constant 0 : i32
      %dma_start3A_355 = arith.constant 0 : i32
      %dma_start3A_356 = tpu.memref_slice %arg8[%dma_start3A_353, %dma_start3A_354, %dma_start3A_355] : memref<2x256x64xf32, #tpu.memory_space<vmem>> -> memref<1x256x64xf32, #tpu.memory_space<vmem>>
      %dma_start3A_357 = tpu.memref_squeeze %dma_start3A_356 : memref<1x256x64xf32, #tpu.memory_space<vmem>> -> memref<256x64xf32, #tpu.memory_space<vmem>>
      %dma_start3A_358 = arith.constant 64 : i32
      %dma_start3A_359 = tpu.memref_slice %arg5[%mul3A_352, %dma_start3A_358] : memref<320000x128xf32, #tpu.memory_space<hbm>> -> memref<256x64xf32, #tpu.memory_space<hbm>>
      %dma_start3A_360 = arith.constant 64 : i32
      %dma_start3A_361 = tpu.memref_slice %arg5[%mul3A_352, %dma_start3A_360] : memref<320000x128xf32, #tpu.memory_space<hbm>> -> memref<256x64xf32, #tpu.memory_space<hbm>>
      %dma_start3A_362 = arith.constant 0 : i32
      %dma_start3A_363 = arith.constant 0 : i32
      %dma_start3A_364 = tpu.memref_slice %arg8[%dma_start3A_353, %dma_start3A_362, %dma_start3A_363] : memref<2x256x64xf32, #tpu.memory_space<vmem>> -> memref<1x256x64xf32, #tpu.memory_space<vmem>>
      %dma_start3A_365 = tpu.memref_squeeze %dma_start3A_364 : memref<1x256x64xf32, #tpu.memory_space<vmem>> -> memref<256x64xf32, #tpu.memory_space<vmem>>
      tpu.enqueue_dma source(%dma_start3A_365 : memref<256x64xf32, #tpu.memory_space<vmem>>) target(%dma_start3A_361 : memref<256x64xf32, #tpu.memory_space<hbm>>) target_semaphore(%arg14 : memref<!tpu.dma_semaphore, #tpu.memory_space<semaphore_mem>>)
      %add3A_366 = arith.constant 1 : i32
      %add3A_367 = arith.addi %mul3A_181, %add3A_366 : i32
      %lt3A_368 = arith.cmpi slt, %add3A_367, %add3A_11 : i32
      %convert_element_type3A_369 = arith.extui %lt3A_368 : i1 to i32
      %cond3A_370 = arith.constant 0 : i32
      %cond3A_371 = arith.cmpi ne, %convert_element_type3A_369, %cond3A_370 : i32
      scf.if %cond3A_371 {
        %add3A_372 = arith.constant 1 : i32
        %add3A_373 = arith.addi %mul3A_181, %add3A_372 : i32
        %mul3A_374 = arith.constant 32 : i32
        %mul3A_375 = arith.muli %mul3A_374, %add3A_373 : i32
        %add3A_376 = arith.addi %add3A, %mul3A_375 : i32
        %dma_wait3A_377 = arith.constant 1 : i32
        %dma_wait3A_378 = arith.constant 0 : i32
        %dma_wait3A_379 = arith.constant 0 : i32
        %dma_wait3A_380 = tpu.memref_slice %arg9[%dma_wait3A_377, %dma_wait3A_378, %dma_wait3A_379] : memref<2x2x128xi32, #tpu.memory_space<vmem>> -> memref<1x2x128xi32, #tpu.memory_space<vmem>>
        %dma_wait3A_381 = tpu.memref_squeeze %dma_wait3A_380 : memref<1x2x128xi32, #tpu.memory_space<vmem>> -> memref<2x128xi32, #tpu.memory_space<vmem>>
        %dma_wait3A_382 = arith.constant 0 : i32
        %dma_wait3A_383 = arith.constant 0 : i32
        %dma_wait3A_384 = tpu.memref_slice %arg3[%add3A_376, %dma_wait3A_382, %dma_wait3A_383] : memref<1250x2x128xi32, #tpu.memory_space<hbm>> -> memref<1x2x128xi32, #tpu.memory_space<hbm>>
        %dma_wait3A_385 = tpu.memref_squeeze %dma_wait3A_384 : memref<1x2x128xi32, #tpu.memory_space<hbm>> -> memref<2x128xi32, #tpu.memory_space<hbm>>
        %dma_wait3A_386 = arith.constant 0 : i32
        %dma_wait3A_387 = arith.constant 0 : i32
        %dma_wait3A_388 = tpu.memref_slice %arg9[%dma_wait3A_377, %dma_wait3A_386, %dma_wait3A_387] : memref<2x2x128xi32, #tpu.memory_space<vmem>> -> memref<1x2x128xi32, #tpu.memory_space<vmem>>
        %dma_wait3A_389 = tpu.memref_squeeze %dma_wait3A_388 : memref<1x2x128xi32, #tpu.memory_space<vmem>> -> memref<2x128xi32, #tpu.memory_space<vmem>>
        %dma_wait3A_390 = arith.constant 0 : i32
        %dma_wait3A_391 = arith.constant 0 : i32
        %dma_wait3A_392 = tpu.memref_slice %arg3[%add3A_376, %dma_wait3A_390, %dma_wait3A_391] : memref<1250x2x128xi32, #tpu.memory_space<hbm>> -> memref<1x2x128xi32, #tpu.memory_space<hbm>>
        %dma_wait3A_393 = tpu.memref_squeeze %dma_wait3A_392 : memref<1x2x128xi32, #tpu.memory_space<hbm>> -> memref<2x128xi32, #tpu.memory_space<hbm>>
        tpu.wait_dma2 semaphore(%arg12 : memref<!tpu.dma_semaphore, #tpu.memory_space<semaphore_mem>>) src(%dma_wait3A_393 : memref<2x128xi32, #tpu.memory_space<hbm>>) dst(%dma_wait3A_389 : memref<2x128xi32, #tpu.memory_space<vmem>>)
        %dma_wait3A_394 = arith.constant 1 : i32
        %dma_wait3A_395 = arith.constant 0 : i32
        %dma_wait3A_396 = arith.constant 0 : i32
        %dma_wait3A_397 = tpu.memref_slice %arg10[%dma_wait3A_394, %dma_wait3A_395, %dma_wait3A_396] : memref<2x2x128xi32, #tpu.memory_space<vmem>> -> memref<1x2x128xi32, #tpu.memory_space<vmem>>
        %dma_wait3A_398 = tpu.memref_squeeze %dma_wait3A_397 : memref<1x2x128xi32, #tpu.memory_space<vmem>> -> memref<2x128xi32, #tpu.memory_space<vmem>>
        %dma_wait3A_399 = arith.constant 0 : i32
        %dma_wait3A_400 = arith.constant 0 : i32
        %dma_wait3A_401 = tpu.memref_slice %arg4[%add3A_376, %dma_wait3A_399, %dma_wait3A_400] : memref<1250x2x128xi32, #tpu.memory_space<hbm>> -> memref<1x2x128xi32, #tpu.memory_space<hbm>>
        %dma_wait3A_402 = tpu.memref_squeeze %dma_wait3A_401 : memref<1x2x128xi32, #tpu.memory_space<hbm>> -> memref<2x128xi32, #tpu.memory_space<hbm>>
        %dma_wait3A_403 = arith.constant 0 : i32
        %dma_wait3A_404 = arith.constant 0 : i32
        %dma_wait3A_405 = tpu.memref_slice %arg10[%dma_wait3A_394, %dma_wait3A_403, %dma_wait3A_404] : memref<2x2x128xi32, #tpu.memory_space<vmem>> -> memref<1x2x128xi32, #tpu.memory_space<vmem>>
        %dma_wait3A_406 = tpu.memref_squeeze %dma_wait3A_405 : memref<1x2x128xi32, #tpu.memory_space<vmem>> -> memref<2x128xi32, #tpu.memory_space<vmem>>
        %dma_wait3A_407 = arith.constant 0 : i32
        %dma_wait3A_408 = arith.constant 0 : i32
        %dma_wait3A_409 = tpu.memref_slice %arg4[%add3A_376, %dma_wait3A_407, %dma_wait3A_408] : memref<1250x2x128xi32, #tpu.memory_space<hbm>> -> memref<1x2x128xi32, #tpu.memory_space<hbm>>
        %dma_wait3A_410 = tpu.memref_squeeze %dma_wait3A_409 : memref<1x2x128xi32, #tpu.memory_space<hbm>> -> memref<2x128xi32, #tpu.memory_space<hbm>>
        tpu.wait_dma2 semaphore(%arg12 : memref<!tpu.dma_semaphore, #tpu.memory_space<semaphore_mem>>) src(%dma_wait3A_410 : memref<2x128xi32, #tpu.memory_space<hbm>>) dst(%dma_wait3A_406 : memref<2x128xi32, #tpu.memory_space<vmem>>)
        %add3A_411 = arith.constant 1 : i32
        %add3A_412 = arith.addi %add3A_373, %add3A_411 : i32
        %lt3A_413 = arith.cmpi slt, %add3A_412, %add3A_11 : i32
        %convert_element_type3A_414 = arith.extui %lt3A_413 : i1 to i32
        %cond3A_415 = arith.constant 0 : i32
        %cond3A_416 = arith.cmpi ne, %convert_element_type3A_414, %cond3A_415 : i32
        scf.if %cond3A_416 {
          %add3A_559 = arith.constant 1 : i32
          %add3A_560 = arith.addi %add3A_373, %add3A_559 : i32
          %mul3A_561 = arith.constant 32 : i32
          %mul3A_562 = arith.muli %mul3A_561, %add3A_560 : i32
          %add3A_563 = arith.addi %add3A, %mul3A_562 : i32
          %dma_start3A_564 = arith.constant 0 : i32
          %dma_start3A_565 = arith.constant 0 : i32
          %dma_start3A_566 = arith.constant 0 : i32
          %dma_start3A_567 = tpu.memref_slice %arg9[%dma_start3A_564, %dma_start3A_565, %dma_start3A_566] : memref<2x2x128xi32, #tpu.memory_space<vmem>> -> memref<1x2x128xi32, #tpu.memory_space<vmem>>
          %dma_start3A_568 = tpu.memref_squeeze %dma_start3A_567 : memref<1x2x128xi32, #tpu.memory_space<vmem>> -> memref<2x128xi32, #tpu.memory_space<vmem>>
          %dma_start3A_569 = arith.constant 0 : i32
          %dma_start3A_570 = arith.constant 0 : i32
          %dma_start3A_571 = tpu.memref_slice %arg3[%add3A_563, %dma_start3A_569, %dma_start3A_570] : memref<1250x2x128xi32, #tpu.memory_space<hbm>> -> memref<1x2x128xi32, #tpu.memory_space<hbm>>
          %dma_start3A_572 = tpu.memref_squeeze %dma_start3A_571 : memref<1x2x128xi32, #tpu.memory_space<hbm>> -> memref<2x128xi32, #tpu.memory_space<hbm>>
          %dma_start3A_573 = arith.constant 0 : i32
          %dma_start3A_574 = arith.constant 0 : i32
          %dma_start3A_575 = tpu.memref_slice %arg9[%dma_start3A_564, %dma_start3A_573, %dma_start3A_574] : memref<2x2x128xi32, #tpu.memory_space<vmem>> -> memref<1x2x128xi32, #tpu.memory_space<vmem>>
          %dma_start3A_576 = tpu.memref_squeeze %dma_start3A_575 : memref<1x2x128xi32, #tpu.memory_space<vmem>> -> memref<2x128xi32, #tpu.memory_space<vmem>>
          %dma_start3A_577 = arith.constant 0 : i32
          %dma_start3A_578 = arith.constant 0 : i32
          %dma_start3A_579 = tpu.memref_slice %arg3[%add3A_563, %dma_start3A_577, %dma_start3A_578] : memref<1250x2x128xi32, #tpu.memory_space<hbm>> -> memref<1x2x128xi32, #tpu.memory_space<hbm>>
          %dma_start3A_580 = tpu.memref_squeeze %dma_start3A_579 : memref<1x2x128xi32, #tpu.memory_space<hbm>> -> memref<2x128xi32, #tpu.memory_space<hbm>>
          tpu.enqueue_dma source(%dma_start3A_580 : memref<2x128xi32, #tpu.memory_space<hbm>>) target(%dma_start3A_576 : memref<2x128xi32, #tpu.memory_space<vmem>>) target_semaphore(%arg11 : memref<!tpu.dma_semaphore, #tpu.memory_space<semaphore_mem>>)
          %dma_start3A_581 = arith.constant 0 : i32
          %dma_start3A_582 = arith.constant 0 : i32
          %dma_start3A_583 = arith.constant 0 : i32
          %dma_start3A_584 = tpu.memref_slice %arg10[%dma_start3A_581, %dma_start3A_582, %dma_start3A_583] : memref<2x2x128xi32, #tpu.memory_space<vmem>> -> memref<1x2x128xi32, #tpu.memory_space<vmem>>
          %dma_start3A_585 = tpu.memref_squeeze %dma_start3A_584 : memref<1x2x128xi32, #tpu.memory_space<vmem>> -> memref<2x128xi32, #tpu.memory_space<vmem>>
          %dma_start3A_586 = arith.constant 0 : i32
          %dma_start3A_587 = arith.constant 0 : i32
          %dma_start3A_588 = tpu.memref_slice %arg4[%add3A_563, %dma_start3A_586, %dma_start3A_587] : memref<1250x2x128xi32, #tpu.memory_space<hbm>> -> memref<1x2x128xi32, #tpu.memory_space<hbm>>
          %dma_start3A_589 = tpu.memref_squeeze %dma_start3A_588 : memref<1x2x128xi32, #tpu.memory_space<hbm>> -> memref<2x128xi32, #tpu.memory_space<hbm>>
          %dma_start3A_590 = arith.constant 0 : i32
          %dma_start3A_591 = arith.constant 0 : i32
          %dma_start3A_592 = tpu.memref_slice %arg10[%dma_start3A_581, %dma_start3A_590, %dma_start3A_591] : memref<2x2x128xi32, #tpu.memory_space<vmem>> -> memref<1x2x128xi32, #tpu.memory_space<vmem>>
          %dma_start3A_593 = tpu.memref_squeeze %dma_start3A_592 : memref<1x2x128xi32, #tpu.memory_space<vmem>> -> memref<2x128xi32, #tpu.memory_space<vmem>>
          %dma_start3A_594 = arith.constant 0 : i32
          %dma_start3A_595 = arith.constant 0 : i32
          %dma_start3A_596 = tpu.memref_slice %arg4[%add3A_563, %dma_start3A_594, %dma_start3A_595] : memref<1250x2x128xi32, #tpu.memory_space<hbm>> -> memref<1x2x128xi32, #tpu.memory_space<hbm>>
          %dma_start3A_597 = tpu.memref_squeeze %dma_start3A_596 : memref<1x2x128xi32, #tpu.memory_space<hbm>> -> memref<2x128xi32, #tpu.memory_space<hbm>>
          tpu.enqueue_dma source(%dma_start3A_597 : memref<2x128xi32, #tpu.memory_space<hbm>>) target(%dma_start3A_593 : memref<2x128xi32, #tpu.memory_space<vmem>>) target_semaphore(%arg11 : memref<!tpu.dma_semaphore, #tpu.memory_space<semaphore_mem>>)
        } else {
        }
        %gt3A_417 = arith.constant 0 : i32
        %gt3A_418 = arith.cmpi sgt, %while3A_179, %gt3A_417 : i32
        %convert_element_type3A_419 = arith.extui %gt3A_418 : i1 to i32
        %cond3A_420 = arith.constant 0 : i32
        %cond3A_421 = arith.cmpi ne, %convert_element_type3A_419, %cond3A_420 : i32
        scf.if %cond3A_421 {
          %sub3A_559 = arith.constant 2 : i32
          %sub3A_560 = arith.subi %add3A_373, %sub3A_559 : i32
          %mul3A_561 = arith.constant 32 : i32
          %mul3A_562 = arith.muli %mul3A_561, %sub3A_560 : i32
          %add3A_563 = arith.addi %add3A, %mul3A_562 : i32
          %mul3A_564 = arith.constant 256 : i32
          %mul3A_565 = arith.muli %add3A_563, %mul3A_564 : i32
          %dma_wait3A_566 = arith.constant 1 : i32
          %dma_wait3A_567 = arith.constant 0 : i32
          %dma_wait3A_568 = arith.constant 0 : i32
          %dma_wait3A_569 = tpu.memref_slice %arg7[%dma_wait3A_566, %dma_wait3A_567, %dma_wait3A_568] : memref<2x256x64xf32, #tpu.memory_space<vmem>> -> memref<1x256x64xf32, #tpu.memory_space<vmem>>
          %dma_wait3A_570 = tpu.memref_squeeze %dma_wait3A_569 : memref<1x256x64xf32, #tpu.memory_space<vmem>> -> memref<256x64xf32, #tpu.memory_space<vmem>>
          %dma_wait3A_571 = arith.constant 0 : i32
          %dma_wait3A_572 = tpu.memref_slice %arg5[%mul3A_565, %dma_wait3A_571] : memref<320000x128xf32, #tpu.memory_space<hbm>> -> memref<256x64xf32, #tpu.memory_space<hbm>>
          %dma_wait3A_573 = arith.constant 0 : i32
          %dma_wait3A_574 = tpu.memref_slice %arg5[%mul3A_565, %dma_wait3A_573] : memref<320000x128xf32, #tpu.memory_space<hbm>> -> memref<256x64xf32, #tpu.memory_space<hbm>>
          %dma_wait3A_575 = arith.constant 0 : i32
          %dma_wait3A_576 = arith.constant 0 : i32
          %dma_wait3A_577 = tpu.memref_slice %arg7[%dma_wait3A_566, %dma_wait3A_575, %dma_wait3A_576] : memref<2x256x64xf32, #tpu.memory_space<vmem>> -> memref<1x256x64xf32, #tpu.memory_space<vmem>>
          %dma_wait3A_578 = tpu.memref_squeeze %dma_wait3A_577 : memref<1x256x64xf32, #tpu.memory_space<vmem>> -> memref<256x64xf32, #tpu.memory_space<vmem>>
          tpu.wait_dma2 semaphore(%arg15 : memref<!tpu.dma_semaphore, #tpu.memory_space<semaphore_mem>>) src(%dma_wait3A_578 : memref<256x64xf32, #tpu.memory_space<vmem>>) dst(%dma_wait3A_574 : memref<256x64xf32, #tpu.memory_space<hbm>>)
          %mul3A_579 = arith.constant 256 : i32
          %mul3A_580 = arith.muli %add3A_563, %mul3A_579 : i32
          %dma_wait3A_581 = arith.constant 1 : i32
          %dma_wait3A_582 = arith.constant 0 : i32
          %dma_wait3A_583 = arith.constant 0 : i32
          %dma_wait3A_584 = tpu.memref_slice %arg8[%dma_wait3A_581, %dma_wait3A_582, %dma_wait3A_583] : memref<2x256x64xf32, #tpu.memory_space<vmem>> -> memref<1x256x64xf32, #tpu.memory_space<vmem>>
          %dma_wait3A_585 = tpu.memref_squeeze %dma_wait3A_584 : memref<1x256x64xf32, #tpu.memory_space<vmem>> -> memref<256x64xf32, #tpu.memory_space<vmem>>
          %dma_wait3A_586 = arith.constant 64 : i32
          %dma_wait3A_587 = tpu.memref_slice %arg5[%mul3A_580, %dma_wait3A_586] : memref<320000x128xf32, #tpu.memory_space<hbm>> -> memref<256x64xf32, #tpu.memory_space<hbm>>
          %dma_wait3A_588 = arith.constant 64 : i32
          %dma_wait3A_589 = tpu.memref_slice %arg5[%mul3A_580, %dma_wait3A_588] : memref<320000x128xf32, #tpu.memory_space<hbm>> -> memref<256x64xf32, #tpu.memory_space<hbm>>
          %dma_wait3A_590 = arith.constant 0 : i32
          %dma_wait3A_591 = arith.constant 0 : i32
          %dma_wait3A_592 = tpu.memref_slice %arg8[%dma_wait3A_581, %dma_wait3A_590, %dma_wait3A_591] : memref<2x256x64xf32, #tpu.memory_space<vmem>> -> memref<1x256x64xf32, #tpu.memory_space<vmem>>
          %dma_wait3A_593 = tpu.memref_squeeze %dma_wait3A_592 : memref<1x256x64xf32, #tpu.memory_space<vmem>> -> memref<256x64xf32, #tpu.memory_space<vmem>>
          tpu.wait_dma2 semaphore(%arg15 : memref<!tpu.dma_semaphore, #tpu.memory_space<semaphore_mem>>) src(%dma_wait3A_593 : memref<256x64xf32, #tpu.memory_space<vmem>>) dst(%dma_wait3A_589 : memref<256x64xf32, #tpu.memory_space<hbm>>)
        } else {
        }
        %dma_start3A_422 = arith.constant 1 : i32
        %dma_start3A_423 = arith.constant 0 : i32
        %dma_start3A_424 = arith.constant 1 : i32
        %dma_start3A_425 = arith.constant 0 : i32
        %dma_start3A_426 = arith.constant 0 : i32
        %dma_start3A_427 = tpu.memref_slice %arg7[%dma_start3A_424, %dma_start3A_425, %dma_start3A_426] : memref<2x256x64xf32, #tpu.memory_space<vmem>> -> memref<1x128x64xf32, #tpu.memory_space<vmem>>
        %dma_start3A_428 = tpu.memref_squeeze %dma_start3A_427 : memref<1x128x64xf32, #tpu.memory_space<vmem>> -> memref<128x64xf32, #tpu.memory_space<vmem>>
        %dma_start3A_429 = arith.constant 0 : i32
        %dma_start3A_430 = tpu.memref_slice %arg9[%dma_start3A_422, %dma_start3A_423, %dma_start3A_429] : memref<2x2x128xi32, #tpu.memory_space<vmem>> -> memref<1x1x128xi32, #tpu.memory_space<vmem>>
        %dma_start3A_431 = tpu.memref_squeeze %dma_start3A_430 : memref<1x1x128xi32, #tpu.memory_space<vmem>> -> memref<128xi32, #tpu.memory_space<vmem>>
        %dma_start3A_432 = arith.constant 0 : i32
        %dma_start3A_433 = arith.constant 0 : i32
        %dma_start3A_434 = tpu.memref_slice %arg6[%dma_start3A_432, %dma_start3A_433] : memref<10000x64xf32, #tpu.memory_space<vmem_shared>> -> memref<10000x64xf32, #tpu.memory_space<vmem_shared>>
        tpu.enqueue_indirect_dma source(%dma_start3A_434 : memref<10000x64xf32, #tpu.memory_space<vmem_shared>>) target(%dma_start3A_428 : memref<128x64xf32, #tpu.memory_space<vmem>>) offsets(%dma_start3A_431 : memref<128xi32, #tpu.memory_space<vmem>>) semaphore(%arg13 : memref<!tpu.dma_semaphore, #tpu.memory_space<semaphore_mem>>)
        %dma_start3A_435 = arith.constant 1 : i32
        %dma_start3A_436 = arith.constant 0 : i32
        %dma_start3A_437 = arith.constant 1 : i32
        %dma_start3A_438 = arith.constant 0 : i32
        %dma_start3A_439 = arith.constant 0 : i32
        %dma_start3A_440 = tpu.memref_slice %arg8[%dma_start3A_437, %dma_start3A_438, %dma_start3A_439] : memref<2x256x64xf32, #tpu.memory_space<vmem>> -> memref<1x128x64xf32, #tpu.memory_space<vmem>>
        %dma_start3A_441 = tpu.memref_squeeze %dma_start3A_440 : memref<1x128x64xf32, #tpu.memory_space<vmem>> -> memref<128x64xf32, #tpu.memory_space<vmem>>
        %dma_start3A_442 = arith.constant 0 : i32
        %dma_start3A_443 = tpu.memref_slice %arg10[%dma_start3A_435, %dma_start3A_436, %dma_start3A_442] : memref<2x2x128xi32, #tpu.memory_space<vmem>> -> memref<1x1x128xi32, #tpu.memory_space<vmem>>
        %dma_start3A_444 = tpu.memref_squeeze %dma_start3A_443 : memref<1x1x128xi32, #tpu.memory_space<vmem>> -> memref<128xi32, #tpu.memory_space<vmem>>
        %dma_start3A_445 = arith.constant 0 : i32
        %dma_start3A_446 = arith.constant 0 : i32
        %dma_start3A_447 = tpu.memref_slice %arg6[%dma_start3A_445, %dma_start3A_446] : memref<10000x64xf32, #tpu.memory_space<vmem_shared>> -> memref<10000x64xf32, #tpu.memory_space<vmem_shared>>
        tpu.enqueue_indirect_dma source(%dma_start3A_447 : memref<10000x64xf32, #tpu.memory_space<vmem_shared>>) target(%dma_start3A_441 : memref<128x64xf32, #tpu.memory_space<vmem>>) offsets(%dma_start3A_444 : memref<128xi32, #tpu.memory_space<vmem>>) semaphore(%arg13 : memref<!tpu.dma_semaphore, #tpu.memory_space<semaphore_mem>>)
        %dma_start3A_448 = arith.constant 1 : i32
        %dma_start3A_449 = arith.constant 1 : i32
        %dma_start3A_450 = arith.constant 1 : i32
        %dma_start3A_451 = arith.constant 128 : i32
        %dma_start3A_452 = arith.constant 0 : i32
        %dma_start3A_453 = tpu.memref_slice %arg7[%dma_start3A_450, %dma_start3A_451, %dma_start3A_452] : memref<2x256x64xf32, #tpu.memory_space<vmem>> -> memref<1x128x64xf32, #tpu.memory_space<vmem>>
        %dma_start3A_454 = tpu.memref_squeeze %dma_start3A_453 : memref<1x128x64xf32, #tpu.memory_space<vmem>> -> memref<128x64xf32, #tpu.memory_space<vmem>>
        %dma_start3A_455 = arith.constant 0 : i32
        %dma_start3A_456 = tpu.memref_slice %arg9[%dma_start3A_448, %dma_start3A_449, %dma_start3A_455] : memref<2x2x128xi32, #tpu.memory_space<vmem>> -> memref<1x1x128xi32, #tpu.memory_space<vmem>>
        %dma_start3A_457 = tpu.memref_squeeze %dma_start3A_456 : memref<1x1x128xi32, #tpu.memory_space<vmem>> -> memref<128xi32, #tpu.memory_space<vmem>>
        %dma_start3A_458 = arith.constant 0 : i32
        %dma_start3A_459 = arith.constant 0 : i32
        %dma_start3A_460 = tpu.memref_slice %arg6[%dma_start3A_458, %dma_start3A_459] : memref<10000x64xf32, #tpu.memory_space<vmem_shared>> -> memref<10000x64xf32, #tpu.memory_space<vmem_shared>>
        tpu.enqueue_indirect_dma source(%dma_start3A_460 : memref<10000x64xf32, #tpu.memory_space<vmem_shared>>) target(%dma_start3A_454 : memref<128x64xf32, #tpu.memory_space<vmem>>) offsets(%dma_start3A_457 : memref<128xi32, #tpu.memory_space<vmem>>) semaphore(%arg13 : memref<!tpu.dma_semaphore, #tpu.memory_space<semaphore_mem>>)
        %dma_start3A_461 = arith.constant 1 : i32
        %dma_start3A_462 = arith.constant 1 : i32
        %dma_start3A_463 = arith.constant 1 : i32
        %dma_start3A_464 = arith.constant 128 : i32
        %dma_start3A_465 = arith.constant 0 : i32
        %dma_start3A_466 = tpu.memref_slice %arg8[%dma_start3A_463, %dma_start3A_464, %dma_start3A_465] : memref<2x256x64xf32, #tpu.memory_space<vmem>> -> memref<1x128x64xf32, #tpu.memory_space<vmem>>
        %dma_start3A_467 = tpu.memref_squeeze %dma_start3A_466 : memref<1x128x64xf32, #tpu.memory_space<vmem>> -> memref<128x64xf32, #tpu.memory_space<vmem>>
        %dma_start3A_468 = arith.constant 0 : i32
        %dma_start3A_469 = tpu.memref_slice %arg10[%dma_start3A_461, %dma_start3A_462, %dma_start3A_468] : memref<2x2x128xi32, #tpu.memory_space<vmem>> -> memref<1x1x128xi32, #tpu.memory_space<vmem>>
        %dma_start3A_470 = tpu.memref_squeeze %dma_start3A_469 : memref<1x1x128xi32, #tpu.memory_space<vmem>> -> memref<128xi32, #tpu.memory_space<vmem>>
        %dma_start3A_471 = arith.constant 0 : i32
        %dma_start3A_472 = arith.constant 0 : i32
        %dma_start3A_473 = tpu.memref_slice %arg6[%dma_start3A_471, %dma_start3A_472] : memref<10000x64xf32, #tpu.memory_space<vmem_shared>> -> memref<10000x64xf32, #tpu.memory_space<vmem_shared>>
        tpu.enqueue_indirect_dma source(%dma_start3A_473 : memref<10000x64xf32, #tpu.memory_space<vmem_shared>>) target(%dma_start3A_467 : memref<128x64xf32, #tpu.memory_space<vmem>>) offsets(%dma_start3A_470 : memref<128xi32, #tpu.memory_space<vmem>>) semaphore(%arg13 : memref<!tpu.dma_semaphore, #tpu.memory_space<semaphore_mem>>)
        %dma_wait3A_474 = arith.constant 1 : i32
        %dma_wait3A_475 = arith.constant 0 : i32
        %dma_wait3A_476 = arith.constant 1 : i32
        %dma_wait3A_477 = arith.constant 0 : i32
        %dma_wait3A_478 = arith.constant 0 : i32
        %dma_wait3A_479 = tpu.memref_slice %arg7[%dma_wait3A_476, %dma_wait3A_477, %dma_wait3A_478] : memref<2x256x64xf32, #tpu.memory_space<vmem>> -> memref<1x128x64xf32, #tpu.memory_space<vmem>>
        %dma_wait3A_480 = tpu.memref_squeeze %dma_wait3A_479 : memref<1x128x64xf32, #tpu.memory_space<vmem>> -> memref<128x64xf32, #tpu.memory_space<vmem>>
        %dma_wait3A_481 = arith.constant 0 : i32
        %dma_wait3A_482 = tpu.memref_slice %arg9[%dma_wait3A_474, %dma_wait3A_475, %dma_wait3A_481] : memref<2x2x128xi32, #tpu.memory_space<vmem>> -> memref<1x1x128xi32, #tpu.memory_space<vmem>>
        %dma_wait3A_483 = tpu.memref_squeeze %dma_wait3A_482 : memref<1x1x128xi32, #tpu.memory_space<vmem>> -> memref<128xi32, #tpu.memory_space<vmem>>
        %dma_wait3A_484 = arith.constant 0 : i32
        %dma_wait3A_485 = arith.constant 0 : i32
        %dma_wait3A_486 = tpu.memref_slice %arg6[%dma_wait3A_484, %dma_wait3A_485] : memref<10000x64xf32, #tpu.memory_space<vmem_shared>> -> memref<10000x64xf32, #tpu.memory_space<vmem_shared>>
        tpu.wait_indirect_dma semaphore(%arg13 : memref<!tpu.dma_semaphore, #tpu.memory_space<semaphore_mem>>) src(%dma_wait3A_486 : memref<10000x64xf32, #tpu.memory_space<vmem_shared>>) dst(%dma_wait3A_480 : memref<128x64xf32, #tpu.memory_space<vmem>>)
        %dma_wait3A_487 = arith.constant 1 : i32
        %dma_wait3A_488 = arith.constant 0 : i32
        %dma_wait3A_489 = arith.constant 1 : i32
        %dma_wait3A_490 = arith.constant 0 : i32
        %dma_wait3A_491 = arith.constant 0 : i32
        %dma_wait3A_492 = tpu.memref_slice %arg8[%dma_wait3A_489, %dma_wait3A_490, %dma_wait3A_491] : memref<2x256x64xf32, #tpu.memory_space<vmem>> -> memref<1x128x64xf32, #tpu.memory_space<vmem>>
        %dma_wait3A_493 = tpu.memref_squeeze %dma_wait3A_492 : memref<1x128x64xf32, #tpu.memory_space<vmem>> -> memref<128x64xf32, #tpu.memory_space<vmem>>
        %dma_wait3A_494 = arith.constant 0 : i32
        %dma_wait3A_495 = tpu.memref_slice %arg10[%dma_wait3A_487, %dma_wait3A_488, %dma_wait3A_494] : memref<2x2x128xi32, #tpu.memory_space<vmem>> -> memref<1x1x128xi32, #tpu.memory_space<vmem>>
        %dma_wait3A_496 = tpu.memref_squeeze %dma_wait3A_495 : memref<1x1x128xi32, #tpu.memory_space<vmem>> -> memref<128xi32, #tpu.memory_space<vmem>>
        %dma_wait3A_497 = arith.constant 0 : i32
        %dma_wait3A_498 = arith.constant 0 : i32
        %dma_wait3A_499 = tpu.memref_slice %arg6[%dma_wait3A_497, %dma_wait3A_498] : memref<10000x64xf32, #tpu.memory_space<vmem_shared>> -> memref<10000x64xf32, #tpu.memory_space<vmem_shared>>
        tpu.wait_indirect_dma semaphore(%arg13 : memref<!tpu.dma_semaphore, #tpu.memory_space<semaphore_mem>>) src(%dma_wait3A_499 : memref<10000x64xf32, #tpu.memory_space<vmem_shared>>) dst(%dma_wait3A_493 : memref<128x64xf32, #tpu.memory_space<vmem>>)
        %dma_wait3A_500 = arith.constant 1 : i32
        %dma_wait3A_501 = arith.constant 1 : i32
        %dma_wait3A_502 = arith.constant 1 : i32
        %dma_wait3A_503 = arith.constant 128 : i32
        %dma_wait3A_504 = arith.constant 0 : i32
        %dma_wait3A_505 = tpu.memref_slice %arg7[%dma_wait3A_502, %dma_wait3A_503, %dma_wait3A_504] : memref<2x256x64xf32, #tpu.memory_space<vmem>> -> memref<1x128x64xf32, #tpu.memory_space<vmem>>
        %dma_wait3A_506 = tpu.memref_squeeze %dma_wait3A_505 : memref<1x128x64xf32, #tpu.memory_space<vmem>> -> memref<128x64xf32, #tpu.memory_space<vmem>>
        %dma_wait3A_507 = arith.constant 0 : i32
        %dma_wait3A_508 = tpu.memref_slice %arg9[%dma_wait3A_500, %dma_wait3A_501, %dma_wait3A_507] : memref<2x2x128xi32, #tpu.memory_space<vmem>> -> memref<1x1x128xi32, #tpu.memory_space<vmem>>
        %dma_wait3A_509 = tpu.memref_squeeze %dma_wait3A_508 : memref<1x1x128xi32, #tpu.memory_space<vmem>> -> memref<128xi32, #tpu.memory_space<vmem>>
        %dma_wait3A_510 = arith.constant 0 : i32
        %dma_wait3A_511 = arith.constant 0 : i32
        %dma_wait3A_512 = tpu.memref_slice %arg6[%dma_wait3A_510, %dma_wait3A_511] : memref<10000x64xf32, #tpu.memory_space<vmem_shared>> -> memref<10000x64xf32, #tpu.memory_space<vmem_shared>>
        tpu.wait_indirect_dma semaphore(%arg13 : memref<!tpu.dma_semaphore, #tpu.memory_space<semaphore_mem>>) src(%dma_wait3A_512 : memref<10000x64xf32, #tpu.memory_space<vmem_shared>>) dst(%dma_wait3A_506 : memref<128x64xf32, #tpu.memory_space<vmem>>)
        %dma_wait3A_513 = arith.constant 1 : i32
        %dma_wait3A_514 = arith.constant 1 : i32
        %dma_wait3A_515 = arith.constant 1 : i32
        %dma_wait3A_516 = arith.constant 128 : i32
        %dma_wait3A_517 = arith.constant 0 : i32
        %dma_wait3A_518 = tpu.memref_slice %arg8[%dma_wait3A_515, %dma_wait3A_516, %dma_wait3A_517] : memref<2x256x64xf32, #tpu.memory_space<vmem>> -> memref<1x128x64xf32, #tpu.memory_space<vmem>>
        %dma_wait3A_519 = tpu.memref_squeeze %dma_wait3A_518 : memref<1x128x64xf32, #tpu.memory_space<vmem>> -> memref<128x64xf32, #tpu.memory_space<vmem>>
        %dma_wait3A_520 = arith.constant 0 : i32
        %dma_wait3A_521 = tpu.memref_slice %arg10[%dma_wait3A_513, %dma_wait3A_514, %dma_wait3A_520] : memref<2x2x128xi32, #tpu.memory_space<vmem>> -> memref<1x1x128xi32, #tpu.memory_space<vmem>>
        %dma_wait3A_522 = tpu.memref_squeeze %dma_wait3A_521 : memref<1x1x128xi32, #tpu.memory_space<vmem>> -> memref<128xi32, #tpu.memory_space<vmem>>
        %dma_wait3A_523 = arith.constant 0 : i32
        %dma_wait3A_524 = arith.constant 0 : i32
        %dma_wait3A_525 = tpu.memref_slice %arg6[%dma_wait3A_523, %dma_wait3A_524] : memref<10000x64xf32, #tpu.memory_space<vmem_shared>> -> memref<10000x64xf32, #tpu.memory_space<vmem_shared>>
        tpu.wait_indirect_dma semaphore(%arg13 : memref<!tpu.dma_semaphore, #tpu.memory_space<semaphore_mem>>) src(%dma_wait3A_525 : memref<10000x64xf32, #tpu.memory_space<vmem_shared>>) dst(%dma_wait3A_519 : memref<128x64xf32, #tpu.memory_space<vmem>>)
        %mul3A_526 = arith.constant 32 : i32
        %mul3A_527 = arith.muli %mul3A_526, %add3A_373 : i32
        %add3A_528 = arith.addi %add3A, %mul3A_527 : i32
        %mul3A_529 = arith.constant 256 : i32
        %mul3A_530 = arith.muli %add3A_528, %mul3A_529 : i32
        %dma_start3A_531 = arith.constant 1 : i32
        %dma_start3A_532 = arith.constant 0 : i32
        %dma_start3A_533 = arith.constant 0 : i32
        %dma_start3A_534 = tpu.memref_slice %arg7[%dma_start3A_531, %dma_start3A_532, %dma_start3A_533] : memref<2x256x64xf32, #tpu.memory_space<vmem>> -> memref<1x256x64xf32, #tpu.memory_space<vmem>>
        %dma_start3A_535 = tpu.memref_squeeze %dma_start3A_534 : memref<1x256x64xf32, #tpu.memory_space<vmem>> -> memref<256x64xf32, #tpu.memory_space<vmem>>
        %dma_start3A_536 = arith.constant 0 : i32
        %dma_start3A_537 = tpu.memref_slice %arg5[%mul3A_530, %dma_start3A_536] : memref<320000x128xf32, #tpu.memory_space<hbm>> -> memref<256x64xf32, #tpu.memory_space<hbm>>
        %dma_start3A_538 = arith.constant 0 : i32
        %dma_start3A_539 = tpu.memref_slice %arg5[%mul3A_530, %dma_start3A_538] : memref<320000x128xf32, #tpu.memory_space<hbm>> -> memref<256x64xf32, #tpu.memory_space<hbm>>
        %dma_start3A_540 = arith.constant 0 : i32
        %dma_start3A_541 = arith.constant 0 : i32
        %dma_start3A_542 = tpu.memref_slice %arg7[%dma_start3A_531, %dma_start3A_540, %dma_start3A_541] : memref<2x256x64xf32, #tpu.memory_space<vmem>> -> memref<1x256x64xf32, #tpu.memory_space<vmem>>
        %dma_start3A_543 = tpu.memref_squeeze %dma_start3A_542 : memref<1x256x64xf32, #tpu.memory_space<vmem>> -> memref<256x64xf32, #tpu.memory_space<vmem>>
        tpu.enqueue_dma source(%dma_start3A_543 : memref<256x64xf32, #tpu.memory_space<vmem>>) target(%dma_start3A_539 : memref<256x64xf32, #tpu.memory_space<hbm>>) target_semaphore(%arg15 : memref<!tpu.dma_semaphore, #tpu.memory_space<semaphore_mem>>)
        %mul3A_544 = arith.constant 256 : i32
        %mul3A_545 = arith.muli %add3A_528, %mul3A_544 : i32
        %dma_start3A_546 = arith.constant 1 : i32
        %dma_start3A_547 = arith.constant 0 : i32
        %dma_start3A_548 = arith.constant 0 : i32
        %dma_start3A_549 = tpu.memref_slice %arg8[%dma_start3A_546, %dma_start3A_547, %dma_start3A_548] : memref<2x256x64xf32, #tpu.memory_space<vmem>> -> memref<1x256x64xf32, #tpu.memory_space<vmem>>
        %dma_start3A_550 = tpu.memref_squeeze %dma_start3A_549 : memref<1x256x64xf32, #tpu.memory_space<vmem>> -> memref<256x64xf32, #tpu.memory_space<vmem>>
        %dma_start3A_551 = arith.constant 64 : i32
        %dma_start3A_552 = tpu.memref_slice %arg5[%mul3A_545, %dma_start3A_551] : memref<320000x128xf32, #tpu.memory_space<hbm>> -> memref<256x64xf32, #tpu.memory_space<hbm>>
        %dma_start3A_553 = arith.constant 64 : i32
        %dma_start3A_554 = tpu.memref_slice %arg5[%mul3A_545, %dma_start3A_553] : memref<320000x128xf32, #tpu.memory_space<hbm>> -> memref<256x64xf32, #tpu.memory_space<hbm>>
        %dma_start3A_555 = arith.constant 0 : i32
        %dma_start3A_556 = arith.constant 0 : i32
        %dma_start3A_557 = tpu.memref_slice %arg8[%dma_start3A_546, %dma_start3A_555, %dma_start3A_556] : memref<2x256x64xf32, #tpu.memory_space<vmem>> -> memref<1x256x64xf32, #tpu.memory_space<vmem>>
        %dma_start3A_558 = tpu.memref_squeeze %dma_start3A_557 : memref<1x256x64xf32, #tpu.memory_space<vmem>> -> memref<256x64xf32, #tpu.memory_space<vmem>>
        tpu.enqueue_dma source(%dma_start3A_558 : memref<256x64xf32, #tpu.memory_space<vmem>>) target(%dma_start3A_554 : memref<256x64xf32, #tpu.memory_space<hbm>>) target_semaphore(%arg15 : memref<!tpu.dma_semaphore, #tpu.memory_space<semaphore_mem>>)
      } else {
      }
    }
    %while3A_74 = arith.constant 1 : i32
    scf.for %while3A_179 = %while3A_72 to %while3A_68 step %while3A_74  : i32 {
      %mul3A_180 = arith.constant 2 : i32
      %mul3A_181 = arith.muli %mul3A_180, %while3A_179 : i32
      %mul3A_182 = arith.constant 32 : i32
      %mul3A_183 = arith.muli %mul3A_182, %mul3A_181 : i32
      %add3A_184 = arith.addi %add3A, %mul3A_183 : i32
      %dma_wait3A_185 = arith.constant 0 : i32
      %dma_wait3A_186 = arith.constant 0 : i32
      %dma_wait3A_187 = arith.constant 0 : i32
      %dma_wait3A_188 = tpu.memref_slice %arg9[%dma_wait3A_185, %dma_wait3A_186, %dma_wait3A_187] : memref<2x2x128xi32, #tpu.memory_space<vmem>> -> memref<1x2x128xi32, #tpu.memory_space<vmem>>
      %dma_wait3A_189 = tpu.memref_squeeze %dma_wait3A_188 : memref<1x2x128xi32, #tpu.memory_space<vmem>> -> memref<2x128xi32, #tpu.memory_space<vmem>>
      %dma_wait3A_190 = arith.constant 0 : i32
      %dma_wait3A_191 = arith.constant 0 : i32
      %dma_wait3A_192 = tpu.memref_slice %arg3[%add3A_184, %dma_wait3A_190, %dma_wait3A_191] : memref<1250x2x128xi32, #tpu.memory_space<hbm>> -> memref<1x2x128xi32, #tpu.memory_space<hbm>>
      %dma_wait3A_193 = tpu.memref_squeeze %dma_wait3A_192 : memref<1x2x128xi32, #tpu.memory_space<hbm>> -> memref<2x128xi32, #tpu.memory_space<hbm>>
      %dma_wait3A_194 = arith.constant 0 : i32
      %dma_wait3A_195 = arith.constant 0 : i32
      %dma_wait3A_196 = tpu.memref_slice %arg9[%dma_wait3A_185, %dma_wait3A_194, %dma_wait3A_195] : memref<2x2x128xi32, #tpu.memory_space<vmem>> -> memref<1x2x128xi32, #tpu.memory_space<vmem>>
      %dma_wait3A_197 = tpu.memref_squeeze %dma_wait3A_196 : memref<1x2x128xi32, #tpu.memory_space<vmem>> -> memref<2x128xi32, #tpu.memory_space<vmem>>
      %dma_wait3A_198 = arith.constant 0 : i32
      %dma_wait3A_199 = arith.constant 0 : i32
      %dma_wait3A_200 = tpu.memref_slice %arg3[%add3A_184, %dma_wait3A_198, %dma_wait3A_199] : memref<1250x2x128xi32, #tpu.memory_space<hbm>> -> memref<1x2x128xi32, #tpu.memory_space<hbm>>
      %dma_wait3A_201 = tpu.memref_squeeze %dma_wait3A_200 : memref<1x2x128xi32, #tpu.memory_space<hbm>> -> memref<2x128xi32, #tpu.memory_space<hbm>>
      tpu.wait_dma2 semaphore(%arg11 : memref<!tpu.dma_semaphore, #tpu.memory_space<semaphore_mem>>) src(%dma_wait3A_201 : memref<2x128xi32, #tpu.memory_space<hbm>>) dst(%dma_wait3A_197 : memref<2x128xi32, #tpu.memory_space<vmem>>)
      %dma_wait3A_202 = arith.constant 0 : i32
      %dma_wait3A_203 = arith.constant 0 : i32
      %dma_wait3A_204 = arith.constant 0 : i32
      %dma_wait3A_205 = tpu.memref_slice %arg10[%dma_wait3A_202, %dma_wait3A_203, %dma_wait3A_204] : memref<2x2x128xi32, #tpu.memory_space<vmem>> -> memref<1x2x128xi32, #tpu.memory_space<vmem>>
      %dma_wait3A_206 = tpu.memref_squeeze %dma_wait3A_205 : memref<1x2x128xi32, #tpu.memory_space<vmem>> -> memref<2x128xi32, #tpu.memory_space<vmem>>
      %dma_wait3A_207 = arith.constant 0 : i32
      %dma_wait3A_208 = arith.constant 0 : i32
      %dma_wait3A_209 = tpu.memref_slice %arg4[%add3A_184, %dma_wait3A_207, %dma_wait3A_208] : memref<1250x2x128xi32, #tpu.memory_space<hbm>> -> memref<1x2x128xi32, #tpu.memory_space<hbm>>
      %dma_wait3A_210 = tpu.memref_squeeze %dma_wait3A_209 : memref<1x2x128xi32, #tpu.memory_space<hbm>> -> memref<2x128xi32, #tpu.memory_space<hbm>>
      %dma_wait3A_211 = arith.constant 0 : i32
      %dma_wait3A_212 = arith.constant 0 : i32
      %dma_wait3A_213 = tpu.memref_slice %arg10[%dma_wait3A_202, %dma_wait3A_211, %dma_wait3A_212] : memref<2x2x128xi32, #tpu.memory_space<vmem>> -> memref<1x2x128xi32, #tpu.memory_space<vmem>>
      %dma_wait3A_214 = tpu.memref_squeeze %dma_wait3A_213 : memref<1x2x128xi32, #tpu.memory_space<vmem>> -> memref<2x128xi32, #tpu.memory_space<vmem>>
      %dma_wait3A_215 = arith.constant 0 : i32
      %dma_wait3A_216 = arith.constant 0 : i32
      %dma_wait3A_217 = tpu.memref_slice %arg4[%add3A_184, %dma_wait3A_215, %dma_wait3A_216] : memref<1250x2x128xi32, #tpu.memory_space<hbm>> -> memref<1x2x128xi32, #tpu.memory_space<hbm>>
      %dma_wait3A_218 = tpu.memref_squeeze %dma_wait3A_217 : memref<1x2x128xi32, #tpu.memory_space<hbm>> -> memref<2x128xi32, #tpu.memory_space<hbm>>
      tpu.wait_dma2 semaphore(%arg11 : memref<!tpu.dma_semaphore, #tpu.memory_space<semaphore_mem>>) src(%dma_wait3A_218 : memref<2x128xi32, #tpu.memory_space<hbm>>) dst(%dma_wait3A_214 : memref<2x128xi32, #tpu.memory_space<vmem>>)
      %add3A_219 = arith.constant 1 : i32
      %add3A_220 = arith.addi %mul3A_181, %add3A_219 : i32
      %lt3A_221 = arith.cmpi slt, %add3A_220, %add3A_11 : i32
      %convert_element_type3A_222 = arith.extui %lt3A_221 : i1 to i32
      %cond3A_223 = arith.constant 0 : i32
      %cond3A_224 = arith.cmpi ne, %convert_element_type3A_222, %cond3A_223 : i32
      scf.if %cond3A_224 {
        %add3A_372 = arith.constant 1 : i32
        %add3A_373 = arith.addi %mul3A_181, %add3A_372 : i32
        %mul3A_374 = arith.constant 32 : i32
        %mul3A_375 = arith.muli %mul3A_374, %add3A_373 : i32
        %add3A_376 = arith.addi %add3A, %mul3A_375 : i32
        %dma_start3A_377 = arith.constant 1 : i32
        %dma_start3A_378 = arith.constant 0 : i32
        %dma_start3A_379 = arith.constant 0 : i32
        %dma_start3A_380 = tpu.memref_slice %arg9[%dma_start3A_377, %dma_start3A_378, %dma_start3A_379] : memref<2x2x128xi32, #tpu.memory_space<vmem>> -> memref<1x2x128xi32, #tpu.memory_space<vmem>>
        %dma_start3A_381 = tpu.memref_squeeze %dma_start3A_380 : memref<1x2x128xi32, #tpu.memory_space<vmem>> -> memref<2x128xi32, #tpu.memory_space<vmem>>
        %dma_start3A_382 = arith.constant 0 : i32
        %dma_start3A_383 = arith.constant 0 : i32
        %dma_start3A_384 = tpu.memref_slice %arg3[%add3A_376, %dma_start3A_382, %dma_start3A_383] : memref<1250x2x128xi32, #tpu.memory_space<hbm>> -> memref<1x2x128xi32, #tpu.memory_space<hbm>>
        %dma_start3A_385 = tpu.memref_squeeze %dma_start3A_384 : memref<1x2x128xi32, #tpu.memory_space<hbm>> -> memref<2x128xi32, #tpu.memory_space<hbm>>
        %dma_start3A_386 = arith.constant 0 : i32
        %dma_start3A_387 = arith.constant 0 : i32
        %dma_start3A_388 = tpu.memref_slice %arg9[%dma_start3A_377, %dma_start3A_386, %dma_start3A_387] : memref<2x2x128xi32, #tpu.memory_space<vmem>> -> memref<1x2x128xi32, #tpu.memory_space<vmem>>
        %dma_start3A_389 = tpu.memref_squeeze %dma_start3A_388 : memref<1x2x128xi32, #tpu.memory_space<vmem>> -> memref<2x128xi32, #tpu.memory_space<vmem>>
        %dma_start3A_390 = arith.constant 0 : i32
        %dma_start3A_391 = arith.constant 0 : i32
        %dma_start3A_392 = tpu.memref_slice %arg3[%add3A_376, %dma_start3A_390, %dma_start3A_391] : memref<1250x2x128xi32, #tpu.memory_space<hbm>> -> memref<1x2x128xi32, #tpu.memory_space<hbm>>
        %dma_start3A_393 = tpu.memref_squeeze %dma_start3A_392 : memref<1x2x128xi32, #tpu.memory_space<hbm>> -> memref<2x128xi32, #tpu.memory_space<hbm>>
        tpu.enqueue_dma source(%dma_start3A_393 : memref<2x128xi32, #tpu.memory_space<hbm>>) target(%dma_start3A_389 : memref<2x128xi32, #tpu.memory_space<vmem>>) target_semaphore(%arg12 : memref<!tpu.dma_semaphore, #tpu.memory_space<semaphore_mem>>)
        %dma_start3A_394 = arith.constant 1 : i32
        %dma_start3A_395 = arith.constant 0 : i32
        %dma_start3A_396 = arith.constant 0 : i32
        %dma_start3A_397 = tpu.memref_slice %arg10[%dma_start3A_394, %dma_start3A_395, %dma_start3A_396] : memref<2x2x128xi32, #tpu.memory_space<vmem>> -> memref<1x2x128xi32, #tpu.memory_space<vmem>>
        %dma_start3A_398 = tpu.memref_squeeze %dma_start3A_397 : memref<1x2x128xi32, #tpu.memory_space<vmem>> -> memref<2x128xi32, #tpu.memory_space<vmem>>
        %dma_start3A_399 = arith.constant 0 : i32
        %dma_start3A_400 = arith.constant 0 : i32
        %dma_start3A_401 = tpu.memref_slice %arg4[%add3A_376, %dma_start3A_399, %dma_start3A_400] : memref<1250x2x128xi32, #tpu.memory_space<hbm>> -> memref<1x2x128xi32, #tpu.memory_space<hbm>>
        %dma_start3A_402 = tpu.memref_squeeze %dma_start3A_401 : memref<1x2x128xi32, #tpu.memory_space<hbm>> -> memref<2x128xi32, #tpu.memory_space<hbm>>
        %dma_start3A_403 = arith.constant 0 : i32
        %dma_start3A_404 = arith.constant 0 : i32
        %dma_start3A_405 = tpu.memref_slice %arg10[%dma_start3A_394, %dma_start3A_403, %dma_start3A_404] : memref<2x2x128xi32, #tpu.memory_space<vmem>> -> memref<1x2x128xi32, #tpu.memory_space<vmem>>
        %dma_start3A_406 = tpu.memref_squeeze %dma_start3A_405 : memref<1x2x128xi32, #tpu.memory_space<vmem>> -> memref<2x128xi32, #tpu.memory_space<vmem>>
        %dma_start3A_407 = arith.constant 0 : i32
        %dma_start3A_408 = arith.constant 0 : i32
        %dma_start3A_409 = tpu.memref_slice %arg4[%add3A_376, %dma_start3A_407, %dma_start3A_408] : memref<1250x2x128xi32, #tpu.memory_space<hbm>> -> memref<1x2x128xi32, #tpu.memory_space<hbm>>
        %dma_start3A_410 = tpu.memref_squeeze %dma_start3A_409 : memref<1x2x128xi32, #tpu.memory_space<hbm>> -> memref<2x128xi32, #tpu.memory_space<hbm>>
        tpu.enqueue_dma source(%dma_start3A_410 : memref<2x128xi32, #tpu.memory_space<hbm>>) target(%dma_start3A_406 : memref<2x128xi32, #tpu.memory_space<vmem>>) target_semaphore(%arg12 : memref<!tpu.dma_semaphore, #tpu.memory_space<semaphore_mem>>)
      } else {
      }
      %gt3A = arith.constant 0 : i32
      %gt3A_225 = arith.cmpi sgt, %while3A_179, %gt3A : i32
      %convert_element_type3A_226 = arith.extui %gt3A_225 : i1 to i32
      %cond3A_227 = arith.constant 0 : i32
      %cond3A_228 = arith.cmpi ne, %convert_element_type3A_226, %cond3A_227 : i32
      scf.if %cond3A_228 {
        %sub3A_372 = arith.constant 2 : i32
        %sub3A_373 = arith.subi %mul3A_181, %sub3A_372 : i32
        %mul3A_374 = arith.constant 32 : i32
        %mul3A_375 = arith.muli %mul3A_374, %sub3A_373 : i32
        %add3A_376 = arith.addi %add3A, %mul3A_375 : i32
        %mul3A_377 = arith.constant 256 : i32
        %mul3A_378 = arith.muli %add3A_376, %mul3A_377 : i32
        %dma_wait3A_379 = arith.constant 0 : i32
        %dma_wait3A_380 = arith.constant 0 : i32
        %dma_wait3A_381 = arith.constant 0 : i32
        %dma_wait3A_382 = tpu.memref_slice %arg7[%dma_wait3A_379, %dma_wait3A_380, %dma_wait3A_381] : memref<2x256x64xf32, #tpu.memory_space<vmem>> -> memref<1x256x64xf32, #tpu.memory_space<vmem>>
        %dma_wait3A_383 = tpu.memref_squeeze %dma_wait3A_382 : memref<1x256x64xf32, #tpu.memory_space<vmem>> -> memref<256x64xf32, #tpu.memory_space<vmem>>
        %dma_wait3A_384 = arith.constant 0 : i32
        %dma_wait3A_385 = tpu.memref_slice %arg5[%mul3A_378, %dma_wait3A_384] : memref<320000x128xf32, #tpu.memory_space<hbm>> -> memref<256x64xf32, #tpu.memory_space<hbm>>
        %dma_wait3A_386 = arith.constant 0 : i32
        %dma_wait3A_387 = tpu.memref_slice %arg5[%mul3A_378, %dma_wait3A_386] : memref<320000x128xf32, #tpu.memory_space<hbm>> -> memref<256x64xf32, #tpu.memory_space<hbm>>
        %dma_wait3A_388 = arith.constant 0 : i32
        %dma_wait3A_389 = arith.constant 0 : i32
        %dma_wait3A_390 = tpu.memref_slice %arg7[%dma_wait3A_379, %dma_wait3A_388, %dma_wait3A_389] : memref<2x256x64xf32, #tpu.memory_space<vmem>> -> memref<1x256x64xf32, #tpu.memory_space<vmem>>
        %dma_wait3A_391 = tpu.memref_squeeze %dma_wait3A_390 : memref<1x256x64xf32, #tpu.memory_space<vmem>> -> memref<256x64xf32, #tpu.memory_space<vmem>>
        tpu.wait_dma2 semaphore(%arg14 : memref<!tpu.dma_semaphore, #tpu.memory_space<semaphore_mem>>) src(%dma_wait3A_391 : memref<256x64xf32, #tpu.memory_space<vmem>>) dst(%dma_wait3A_387 : memref<256x64xf32, #tpu.memory_space<hbm>>)
        %mul3A_392 = arith.constant 256 : i32
        %mul3A_393 = arith.muli %add3A_376, %mul3A_392 : i32
        %dma_wait3A_394 = arith.constant 0 : i32
        %dma_wait3A_395 = arith.constant 0 : i32
        %dma_wait3A_396 = arith.constant 0 : i32
        %dma_wait3A_397 = tpu.memref_slice %arg8[%dma_wait3A_394, %dma_wait3A_395, %dma_wait3A_396] : memref<2x256x64xf32, #tpu.memory_space<vmem>> -> memref<1x256x64xf32, #tpu.memory_space<vmem>>
        %dma_wait3A_398 = tpu.memref_squeeze %dma_wait3A_397 : memref<1x256x64xf32, #tpu.memory_space<vmem>> -> memref<256x64xf32, #tpu.memory_space<vmem>>
        %dma_wait3A_399 = arith.constant 64 : i32
        %dma_wait3A_400 = tpu.memref_slice %arg5[%mul3A_393, %dma_wait3A_399] : memref<320000x128xf32, #tpu.memory_space<hbm>> -> memref<256x64xf32, #tpu.memory_space<hbm>>
        %dma_wait3A_401 = arith.constant 64 : i32
        %dma_wait3A_402 = tpu.memref_slice %arg5[%mul3A_393, %dma_wait3A_401] : memref<320000x128xf32, #tpu.memory_space<hbm>> -> memref<256x64xf32, #tpu.memory_space<hbm>>
        %dma_wait3A_403 = arith.constant 0 : i32
        %dma_wait3A_404 = arith.constant 0 : i32
        %dma_wait3A_405 = tpu.memref_slice %arg8[%dma_wait3A_394, %dma_wait3A_403, %dma_wait3A_404] : memref<2x256x64xf32, #tpu.memory_space<vmem>> -> memref<1x256x64xf32, #tpu.memory_space<vmem>>
        %dma_wait3A_406 = tpu.memref_squeeze %dma_wait3A_405 : memref<1x256x64xf32, #tpu.memory_space<vmem>> -> memref<256x64xf32, #tpu.memory_space<vmem>>
        tpu.wait_dma2 semaphore(%arg14 : memref<!tpu.dma_semaphore, #tpu.memory_space<semaphore_mem>>) src(%dma_wait3A_406 : memref<256x64xf32, #tpu.memory_space<vmem>>) dst(%dma_wait3A_402 : memref<256x64xf32, #tpu.memory_space<hbm>>)
      } else {
      }
      %dma_start3A_229 = arith.constant 0 : i32
      %dma_start3A_230 = arith.constant 0 : i32
      %dma_start3A_231 = arith.constant 0 : i32
      %dma_start3A_232 = arith.constant 0 : i32
      %dma_start3A_233 = arith.constant 0 : i32
      %dma_start3A_234 = tpu.memref_slice %arg7[%dma_start3A_231, %dma_start3A_232, %dma_start3A_233] : memref<2x256x64xf32, #tpu.memory_space<vmem>> -> memref<1x128x64xf32, #tpu.memory_space<vmem>>
      %dma_start3A_235 = tpu.memref_squeeze %dma_start3A_234 : memref<1x128x64xf32, #tpu.memory_space<vmem>> -> memref<128x64xf32, #tpu.memory_space<vmem>>
      %dma_start3A_236 = arith.constant 0 : i32
      %dma_start3A_237 = tpu.memref_slice %arg9[%dma_start3A_229, %dma_start3A_230, %dma_start3A_236] : memref<2x2x128xi32, #tpu.memory_space<vmem>> -> memref<1x1x128xi32, #tpu.memory_space<vmem>>
      %dma_start3A_238 = tpu.memref_squeeze %dma_start3A_237 : memref<1x1x128xi32, #tpu.memory_space<vmem>> -> memref<128xi32, #tpu.memory_space<vmem>>
      %dma_start3A_239 = arith.constant 0 : i32
      %dma_start3A_240 = arith.constant 0 : i32
      %dma_start3A_241 = tpu.memref_slice %arg6[%dma_start3A_239, %dma_start3A_240] : memref<10000x64xf32, #tpu.memory_space<vmem_shared>> -> memref<10000x64xf32, #tpu.memory_space<vmem_shared>>
      tpu.enqueue_indirect_dma source(%dma_start3A_241 : memref<10000x64xf32, #tpu.memory_space<vmem_shared>>) target(%dma_start3A_235 : memref<128x64xf32, #tpu.memory_space<vmem>>) offsets(%dma_start3A_238 : memref<128xi32, #tpu.memory_space<vmem>>) semaphore(%arg13 : memref<!tpu.dma_semaphore, #tpu.memory_space<semaphore_mem>>)
      %dma_start3A_242 = arith.constant 0 : i32
      %dma_start3A_243 = arith.constant 0 : i32
      %dma_start3A_244 = arith.constant 0 : i32
      %dma_start3A_245 = arith.constant 0 : i32
      %dma_start3A_246 = arith.constant 0 : i32
      %dma_start3A_247 = tpu.memref_slice %arg8[%dma_start3A_244, %dma_start3A_245, %dma_start3A_246] : memref<2x256x64xf32, #tpu.memory_space<vmem>> -> memref<1x128x64xf32, #tpu.memory_space<vmem>>
      %dma_start3A_248 = tpu.memref_squeeze %dma_start3A_247 : memref<1x128x64xf32, #tpu.memory_space<vmem>> -> memref<128x64xf32, #tpu.memory_space<vmem>>
      %dma_start3A_249 = arith.constant 0 : i32
      %dma_start3A_250 = tpu.memref_slice %arg10[%dma_start3A_242, %dma_start3A_243, %dma_start3A_249] : memref<2x2x128xi32, #tpu.memory_space<vmem>> -> memref<1x1x128xi32, #tpu.memory_space<vmem>>
      %dma_start3A_251 = tpu.memref_squeeze %dma_start3A_250 : memref<1x1x128xi32, #tpu.memory_space<vmem>> -> memref<128xi32, #tpu.memory_space<vmem>>
      %dma_start3A_252 = arith.constant 0 : i32
      %dma_start3A_253 = arith.constant 0 : i32
      %dma_start3A_254 = tpu.memref_slice %arg6[%dma_start3A_252, %dma_start3A_253] : memref<10000x64xf32, #tpu.memory_space<vmem_shared>> -> memref<10000x64xf32, #tpu.memory_space<vmem_shared>>
      tpu.enqueue_indirect_dma source(%dma_start3A_254 : memref<10000x64xf32, #tpu.memory_space<vmem_shared>>) target(%dma_start3A_248 : memref<128x64xf32, #tpu.memory_space<vmem>>) offsets(%dma_start3A_251 : memref<128xi32, #tpu.memory_space<vmem>>) semaphore(%arg13 : memref<!tpu.dma_semaphore, #tpu.memory_space<semaphore_mem>>)
      %dma_start3A_255 = arith.constant 0 : i32
      %dma_start3A_256 = arith.constant 1 : i32
      %dma_start3A_257 = arith.constant 0 : i32
      %dma_start3A_258 = arith.constant 128 : i32
      %dma_start3A_259 = arith.constant 0 : i32
      %dma_start3A_260 = tpu.memref_slice %arg7[%dma_start3A_257, %dma_start3A_258, %dma_start3A_259] : memref<2x256x64xf32, #tpu.memory_space<vmem>> -> memref<1x128x64xf32, #tpu.memory_space<vmem>>
      %dma_start3A_261 = tpu.memref_squeeze %dma_start3A_260 : memref<1x128x64xf32, #tpu.memory_space<vmem>> -> memref<128x64xf32, #tpu.memory_space<vmem>>
      %dma_start3A_262 = arith.constant 0 : i32
      %dma_start3A_263 = tpu.memref_slice %arg9[%dma_start3A_255, %dma_start3A_256, %dma_start3A_262] : memref<2x2x128xi32, #tpu.memory_space<vmem>> -> memref<1x1x128xi32, #tpu.memory_space<vmem>>
      %dma_start3A_264 = tpu.memref_squeeze %dma_start3A_263 : memref<1x1x128xi32, #tpu.memory_space<vmem>> -> memref<128xi32, #tpu.memory_space<vmem>>
      %dma_start3A_265 = arith.constant 0 : i32
      %dma_start3A_266 = arith.constant 0 : i32
      %dma_start3A_267 = tpu.memref_slice %arg6[%dma_start3A_265, %dma_start3A_266] : memref<10000x64xf32, #tpu.memory_space<vmem_shared>> -> memref<10000x64xf32, #tpu.memory_space<vmem_shared>>
      tpu.enqueue_indirect_dma source(%dma_start3A_267 : memref<10000x64xf32, #tpu.memory_space<vmem_shared>>) target(%dma_start3A_261 : memref<128x64xf32, #tpu.memory_space<vmem>>) offsets(%dma_start3A_264 : memref<128xi32, #tpu.memory_space<vmem>>) semaphore(%arg13 : memref<!tpu.dma_semaphore, #tpu.memory_space<semaphore_mem>>)
      %dma_start3A_268 = arith.constant 0 : i32
      %dma_start3A_269 = arith.constant 1 : i32
      %dma_start3A_270 = arith.constant 0 : i32
      %dma_start3A_271 = arith.constant 128 : i32
      %dma_start3A_272 = arith.constant 0 : i32
      %dma_start3A_273 = tpu.memref_slice %arg8[%dma_start3A_270, %dma_start3A_271, %dma_start3A_272] : memref<2x256x64xf32, #tpu.memory_space<vmem>> -> memref<1x128x64xf32, #tpu.memory_space<vmem>>
      %dma_start3A_274 = tpu.memref_squeeze %dma_start3A_273 : memref<1x128x64xf32, #tpu.memory_space<vmem>> -> memref<128x64xf32, #tpu.memory_space<vmem>>
      %dma_start3A_275 = arith.constant 0 : i32
      %dma_start3A_276 = tpu.memref_slice %arg10[%dma_start3A_268, %dma_start3A_269, %dma_start3A_275] : memref<2x2x128xi32, #tpu.memory_space<vmem>> -> memref<1x1x128xi32, #tpu.memory_space<vmem>>
      %dma_start3A_277 = tpu.memref_squeeze %dma_start3A_276 : memref<1x1x128xi32, #tpu.memory_space<vmem>> -> memref<128xi32, #tpu.memory_space<vmem>>
      %dma_start3A_278 = arith.constant 0 : i32
      %dma_start3A_279 = arith.constant 0 : i32
      %dma_start3A_280 = tpu.memref_slice %arg6[%dma_start3A_278, %dma_start3A_279] : memref<10000x64xf32, #tpu.memory_space<vmem_shared>> -> memref<10000x64xf32, #tpu.memory_space<vmem_shared>>
      tpu.enqueue_indirect_dma source(%dma_start3A_280 : memref<10000x64xf32, #tpu.memory_space<vmem_shared>>) target(%dma_start3A_274 : memref<128x64xf32, #tpu.memory_space<vmem>>) offsets(%dma_start3A_277 : memref<128xi32, #tpu.memory_space<vmem>>) semaphore(%arg13 : memref<!tpu.dma_semaphore, #tpu.memory_space<semaphore_mem>>)
      %dma_wait3A_281 = arith.constant 0 : i32
      %dma_wait3A_282 = arith.constant 0 : i32
      %dma_wait3A_283 = arith.constant 0 : i32
      %dma_wait3A_284 = arith.constant 0 : i32
      %dma_wait3A_285 = arith.constant 0 : i32
      %dma_wait3A_286 = tpu.memref_slice %arg7[%dma_wait3A_283, %dma_wait3A_284, %dma_wait3A_285] : memref<2x256x64xf32, #tpu.memory_space<vmem>> -> memref<1x128x64xf32, #tpu.memory_space<vmem>>
      %dma_wait3A_287 = tpu.memref_squeeze %dma_wait3A_286 : memref<1x128x64xf32, #tpu.memory_space<vmem>> -> memref<128x64xf32, #tpu.memory_space<vmem>>
      %dma_wait3A_288 = arith.constant 0 : i32
      %dma_wait3A_289 = tpu.memref_slice %arg9[%dma_wait3A_281, %dma_wait3A_282, %dma_wait3A_288] : memref<2x2x128xi32, #tpu.memory_space<vmem>> -> memref<1x1x128xi32, #tpu.memory_space<vmem>>
      %dma_wait3A_290 = tpu.memref_squeeze %dma_wait3A_289 : memref<1x1x128xi32, #tpu.memory_space<vmem>> -> memref<128xi32, #tpu.memory_space<vmem>>
      %dma_wait3A_291 = arith.constant 0 : i32
      %dma_wait3A_292 = arith.constant 0 : i32
      %dma_wait3A_293 = tpu.memref_slice %arg6[%dma_wait3A_291, %dma_wait3A_292] : memref<10000x64xf32, #tpu.memory_space<vmem_shared>> -> memref<10000x64xf32, #tpu.memory_space<vmem_shared>>
      tpu.wait_indirect_dma semaphore(%arg13 : memref<!tpu.dma_semaphore, #tpu.memory_space<semaphore_mem>>) src(%dma_wait3A_293 : memref<10000x64xf32, #tpu.memory_space<vmem_shared>>) dst(%dma_wait3A_287 : memref<128x64xf32, #tpu.memory_space<vmem>>)
      %dma_wait3A_294 = arith.constant 0 : i32
      %dma_wait3A_295 = arith.constant 0 : i32
      %dma_wait3A_296 = arith.constant 0 : i32
      %dma_wait3A_297 = arith.constant 0 : i32
      %dma_wait3A_298 = arith.constant 0 : i32
      %dma_wait3A_299 = tpu.memref_slice %arg8[%dma_wait3A_296, %dma_wait3A_297, %dma_wait3A_298] : memref<2x256x64xf32, #tpu.memory_space<vmem>> -> memref<1x128x64xf32, #tpu.memory_space<vmem>>
      %dma_wait3A_300 = tpu.memref_squeeze %dma_wait3A_299 : memref<1x128x64xf32, #tpu.memory_space<vmem>> -> memref<128x64xf32, #tpu.memory_space<vmem>>
      %dma_wait3A_301 = arith.constant 0 : i32
      %dma_wait3A_302 = tpu.memref_slice %arg10[%dma_wait3A_294, %dma_wait3A_295, %dma_wait3A_301] : memref<2x2x128xi32, #tpu.memory_space<vmem>> -> memref<1x1x128xi32, #tpu.memory_space<vmem>>
      %dma_wait3A_303 = tpu.memref_squeeze %dma_wait3A_302 : memref<1x1x128xi32, #tpu.memory_space<vmem>> -> memref<128xi32, #tpu.memory_space<vmem>>
      %dma_wait3A_304 = arith.constant 0 : i32
      %dma_wait3A_305 = arith.constant 0 : i32
      %dma_wait3A_306 = tpu.memref_slice %arg6[%dma_wait3A_304, %dma_wait3A_305] : memref<10000x64xf32, #tpu.memory_space<vmem_shared>> -> memref<10000x64xf32, #tpu.memory_space<vmem_shared>>
      tpu.wait_indirect_dma semaphore(%arg13 : memref<!tpu.dma_semaphore, #tpu.memory_space<semaphore_mem>>) src(%dma_wait3A_306 : memref<10000x64xf32, #tpu.memory_space<vmem_shared>>) dst(%dma_wait3A_300 : memref<128x64xf32, #tpu.memory_space<vmem>>)
      %dma_wait3A_307 = arith.constant 0 : i32
      %dma_wait3A_308 = arith.constant 1 : i32
      %dma_wait3A_309 = arith.constant 0 : i32
      %dma_wait3A_310 = arith.constant 128 : i32
      %dma_wait3A_311 = arith.constant 0 : i32
      %dma_wait3A_312 = tpu.memref_slice %arg7[%dma_wait3A_309, %dma_wait3A_310, %dma_wait3A_311] : memref<2x256x64xf32, #tpu.memory_space<vmem>> -> memref<1x128x64xf32, #tpu.memory_space<vmem>>
      %dma_wait3A_313 = tpu.memref_squeeze %dma_wait3A_312 : memref<1x128x64xf32, #tpu.memory_space<vmem>> -> memref<128x64xf32, #tpu.memory_space<vmem>>
      %dma_wait3A_314 = arith.constant 0 : i32
      %dma_wait3A_315 = tpu.memref_slice %arg9[%dma_wait3A_307, %dma_wait3A_308, %dma_wait3A_314] : memref<2x2x128xi32, #tpu.memory_space<vmem>> -> memref<1x1x128xi32, #tpu.memory_space<vmem>>
      %dma_wait3A_316 = tpu.memref_squeeze %dma_wait3A_315 : memref<1x1x128xi32, #tpu.memory_space<vmem>> -> memref<128xi32, #tpu.memory_space<vmem>>
      %dma_wait3A_317 = arith.constant 0 : i32
      %dma_wait3A_318 = arith.constant 0 : i32
      %dma_wait3A_319 = tpu.memref_slice %arg6[%dma_wait3A_317, %dma_wait3A_318] : memref<10000x64xf32, #tpu.memory_space<vmem_shared>> -> memref<10000x64xf32, #tpu.memory_space<vmem_shared>>
      tpu.wait_indirect_dma semaphore(%arg13 : memref<!tpu.dma_semaphore, #tpu.memory_space<semaphore_mem>>) src(%dma_wait3A_319 : memref<10000x64xf32, #tpu.memory_space<vmem_shared>>) dst(%dma_wait3A_313 : memref<128x64xf32, #tpu.memory_space<vmem>>)
      %dma_wait3A_320 = arith.constant 0 : i32
      %dma_wait3A_321 = arith.constant 1 : i32
      %dma_wait3A_322 = arith.constant 0 : i32
      %dma_wait3A_323 = arith.constant 128 : i32
      %dma_wait3A_324 = arith.constant 0 : i32
      %dma_wait3A_325 = tpu.memref_slice %arg8[%dma_wait3A_322, %dma_wait3A_323, %dma_wait3A_324] : memref<2x256x64xf32, #tpu.memory_space<vmem>> -> memref<1x128x64xf32, #tpu.memory_space<vmem>>
      %dma_wait3A_326 = tpu.memref_squeeze %dma_wait3A_325 : memref<1x128x64xf32, #tpu.memory_space<vmem>> -> memref<128x64xf32, #tpu.memory_space<vmem>>
      %dma_wait3A_327 = arith.constant 0 : i32
      %dma_wait3A_328 = tpu.memref_slice %arg10[%dma_wait3A_320, %dma_wait3A_321, %dma_wait3A_327] : memref<2x2x128xi32, #tpu.memory_space<vmem>> -> memref<1x1x128xi32, #tpu.memory_space<vmem>>
      %dma_wait3A_329 = tpu.memref_squeeze %dma_wait3A_328 : memref<1x1x128xi32, #tpu.memory_space<vmem>> -> memref<128xi32, #tpu.memory_space<vmem>>
      %dma_wait3A_330 = arith.constant 0 : i32
      %dma_wait3A_331 = arith.constant 0 : i32
      %dma_wait3A_332 = tpu.memref_slice %arg6[%dma_wait3A_330, %dma_wait3A_331] : memref<10000x64xf32, #tpu.memory_space<vmem_shared>> -> memref<10000x64xf32, #tpu.memory_space<vmem_shared>>
      tpu.wait_indirect_dma semaphore(%arg13 : memref<!tpu.dma_semaphore, #tpu.memory_space<semaphore_mem>>) src(%dma_wait3A_332 : memref<10000x64xf32, #tpu.memory_space<vmem_shared>>) dst(%dma_wait3A_326 : memref<128x64xf32, #tpu.memory_space<vmem>>)
      %mul3A_333 = arith.constant 32 : i32
      %mul3A_334 = arith.muli %mul3A_333, %mul3A_181 : i32
      %add3A_335 = arith.addi %add3A, %mul3A_334 : i32
      %mul3A_336 = arith.constant 256 : i32
      %mul3A_337 = arith.muli %add3A_335, %mul3A_336 : i32
      %dma_start3A_338 = arith.constant 0 : i32
      %dma_start3A_339 = arith.constant 0 : i32
      %dma_start3A_340 = arith.constant 0 : i32
      %dma_start3A_341 = tpu.memref_slice %arg7[%dma_start3A_338, %dma_start3A_339, %dma_start3A_340] : memref<2x256x64xf32, #tpu.memory_space<vmem>> -> memref<1x256x64xf32, #tpu.memory_space<vmem>>
      %dma_start3A_342 = tpu.memref_squeeze %dma_start3A_341 : memref<1x256x64xf32, #tpu.memory_space<vmem>> -> memref<256x64xf32, #tpu.memory_space<vmem>>
      %dma_start3A_343 = arith.constant 0 : i32
      %dma_start3A_344 = tpu.memref_slice %arg5[%mul3A_337, %dma_start3A_343] : memref<320000x128xf32, #tpu.memory_space<hbm>> -> memref<256x64xf32, #tpu.memory_space<hbm>>
      %dma_start3A_345 = arith.constant 0 : i32
      %dma_start3A_346 = tpu.memref_slice %arg5[%mul3A_337, %dma_start3A_345] : memref<320000x128xf32, #tpu.memory_space<hbm>> -> memref<256x64xf32, #tpu.memory_space<hbm>>
      %dma_start3A_347 = arith.constant 0 : i32
      %dma_start3A_348 = arith.constant 0 : i32
      %dma_start3A_349 = tpu.memref_slice %arg7[%dma_start3A_338, %dma_start3A_347, %dma_start3A_348] : memref<2x256x64xf32, #tpu.memory_space<vmem>> -> memref<1x256x64xf32, #tpu.memory_space<vmem>>
      %dma_start3A_350 = tpu.memref_squeeze %dma_start3A_349 : memref<1x256x64xf32, #tpu.memory_space<vmem>> -> memref<256x64xf32, #tpu.memory_space<vmem>>
      tpu.enqueue_dma source(%dma_start3A_350 : memref<256x64xf32, #tpu.memory_space<vmem>>) target(%dma_start3A_346 : memref<256x64xf32, #tpu.memory_space<hbm>>) target_semaphore(%arg14 : memref<!tpu.dma_semaphore, #tpu.memory_space<semaphore_mem>>)
      %mul3A_351 = arith.constant 256 : i32
      %mul3A_352 = arith.muli %add3A_335, %mul3A_351 : i32
      %dma_start3A_353 = arith.constant 0 : i32
      %dma_start3A_354 = arith.constant 0 : i32
      %dma_start3A_355 = arith.constant 0 : i32
      %dma_start3A_356 = tpu.memref_slice %arg8[%dma_start3A_353, %dma_start3A_354, %dma_start3A_355] : memref<2x256x64xf32, #tpu.memory_space<vmem>> -> memref<1x256x64xf32, #tpu.memory_space<vmem>>
      %dma_start3A_357 = tpu.memref_squeeze %dma_start3A_356 : memref<1x256x64xf32, #tpu.memory_space<vmem>> -> memref<256x64xf32, #tpu.memory_space<vmem>>
      %dma_start3A_358 = arith.constant 64 : i32
      %dma_start3A_359 = tpu.memref_slice %arg5[%mul3A_352, %dma_start3A_358] : memref<320000x128xf32, #tpu.memory_space<hbm>> -> memref<256x64xf32, #tpu.memory_space<hbm>>
      %dma_start3A_360 = arith.constant 64 : i32
      %dma_start3A_361 = tpu.memref_slice %arg5[%mul3A_352, %dma_start3A_360] : memref<320000x128xf32, #tpu.memory_space<hbm>> -> memref<256x64xf32, #tpu.memory_space<hbm>>
      %dma_start3A_362 = arith.constant 0 : i32
      %dma_start3A_363 = arith.constant 0 : i32
      %dma_start3A_364 = tpu.memref_slice %arg8[%dma_start3A_353, %dma_start3A_362, %dma_start3A_363] : memref<2x256x64xf32, #tpu.memory_space<vmem>> -> memref<1x256x64xf32, #tpu.memory_space<vmem>>
      %dma_start3A_365 = tpu.memref_squeeze %dma_start3A_364 : memref<1x256x64xf32, #tpu.memory_space<vmem>> -> memref<256x64xf32, #tpu.memory_space<vmem>>
      tpu.enqueue_dma source(%dma_start3A_365 : memref<256x64xf32, #tpu.memory_space<vmem>>) target(%dma_start3A_361 : memref<256x64xf32, #tpu.memory_space<hbm>>) target_semaphore(%arg14 : memref<!tpu.dma_semaphore, #tpu.memory_space<semaphore_mem>>)
      %add3A_366 = arith.constant 1 : i32
      %add3A_367 = arith.addi %mul3A_181, %add3A_366 : i32
      %lt3A_368 = arith.cmpi slt, %add3A_367, %add3A_11 : i32
      %convert_element_type3A_369 = arith.extui %lt3A_368 : i1 to i32
      %cond3A_370 = arith.constant 0 : i32
      %cond3A_371 = arith.cmpi ne, %convert_element_type3A_369, %cond3A_370 : i32
      scf.if %cond3A_371 {
        %add3A_372 = arith.constant 1 : i32
        %add3A_373 = arith.addi %mul3A_181, %add3A_372 : i32
        %mul3A_374 = arith.constant 32 : i32
        %mul3A_375 = arith.muli %mul3A_374, %add3A_373 : i32
        %add3A_376 = arith.addi %add3A, %mul3A_375 : i32
        %dma_wait3A_377 = arith.constant 1 : i32
        %dma_wait3A_378 = arith.constant 0 : i32
        %dma_wait3A_379 = arith.constant 0 : i32
        %dma_wait3A_380 = tpu.memref_slice %arg9[%dma_wait3A_377, %dma_wait3A_378, %dma_wait3A_379] : memref<2x2x128xi32, #tpu.memory_space<vmem>> -> memref<1x2x128xi32, #tpu.memory_space<vmem>>
        %dma_wait3A_381 = tpu.memref_squeeze %dma_wait3A_380 : memref<1x2x128xi32, #tpu.memory_space<vmem>> -> memref<2x128xi32, #tpu.memory_space<vmem>>
        %dma_wait3A_382 = arith.constant 0 : i32
        %dma_wait3A_383 = arith.constant 0 : i32
        %dma_wait3A_384 = tpu.memref_slice %arg3[%add3A_376, %dma_wait3A_382, %dma_wait3A_383] : memref<1250x2x128xi32, #tpu.memory_space<hbm>> -> memref<1x2x128xi32, #tpu.memory_space<hbm>>
        %dma_wait3A_385 = tpu.memref_squeeze %dma_wait3A_384 : memref<1x2x128xi32, #tpu.memory_space<hbm>> -> memref<2x128xi32, #tpu.memory_space<hbm>>
        %dma_wait3A_386 = arith.constant 0 : i32
        %dma_wait3A_387 = arith.constant 0 : i32
        %dma_wait3A_388 = tpu.memref_slice %arg9[%dma_wait3A_377, %dma_wait3A_386, %dma_wait3A_387] : memref<2x2x128xi32, #tpu.memory_space<vmem>> -> memref<1x2x128xi32, #tpu.memory_space<vmem>>
        %dma_wait3A_389 = tpu.memref_squeeze %dma_wait3A_388 : memref<1x2x128xi32, #tpu.memory_space<vmem>> -> memref<2x128xi32, #tpu.memory_space<vmem>>
        %dma_wait3A_390 = arith.constant 0 : i32
        %dma_wait3A_391 = arith.constant 0 : i32
        %dma_wait3A_392 = tpu.memref_slice %arg3[%add3A_376, %dma_wait3A_390, %dma_wait3A_391] : memref<1250x2x128xi32, #tpu.memory_space<hbm>> -> memref<1x2x128xi32, #tpu.memory_space<hbm>>
        %dma_wait3A_393 = tpu.memref_squeeze %dma_wait3A_392 : memref<1x2x128xi32, #tpu.memory_space<hbm>> -> memref<2x128xi32, #tpu.memory_space<hbm>>
        tpu.wait_dma2 semaphore(%arg12 : memref<!tpu.dma_semaphore, #tpu.memory_space<semaphore_mem>>) src(%dma_wait3A_393 : memref<2x128xi32, #tpu.memory_space<hbm>>) dst(%dma_wait3A_389 : memref<2x128xi32, #tpu.memory_space<vmem>>)
        %dma_wait3A_394 = arith.constant 1 : i32
        %dma_wait3A_395 = arith.constant 0 : i32
        %dma_wait3A_396 = arith.constant 0 : i32
        %dma_wait3A_397 = tpu.memref_slice %arg10[%dma_wait3A_394, %dma_wait3A_395, %dma_wait3A_396] : memref<2x2x128xi32, #tpu.memory_space<vmem>> -> memref<1x2x128xi32, #tpu.memory_space<vmem>>
        %dma_wait3A_398 = tpu.memref_squeeze %dma_wait3A_397 : memref<1x2x128xi32, #tpu.memory_space<vmem>> -> memref<2x128xi32, #tpu.memory_space<vmem>>
        %dma_wait3A_399 = arith.constant 0 : i32
        %dma_wait3A_400 = arith.constant 0 : i32
        %dma_wait3A_401 = tpu.memref_slice %arg4[%add3A_376, %dma_wait3A_399, %dma_wait3A_400] : memref<1250x2x128xi32, #tpu.memory_space<hbm>> -> memref<1x2x128xi32, #tpu.memory_space<hbm>>
        %dma_wait3A_402 = tpu.memref_squeeze %dma_wait3A_401 : memref<1x2x128xi32, #tpu.memory_space<hbm>> -> memref<2x128xi32, #tpu.memory_space<hbm>>
        %dma_wait3A_403 = arith.constant 0 : i32
        %dma_wait3A_404 = arith.constant 0 : i32
        %dma_wait3A_405 = tpu.memref_slice %arg10[%dma_wait3A_394, %dma_wait3A_403, %dma_wait3A_404] : memref<2x2x128xi32, #tpu.memory_space<vmem>> -> memref<1x2x128xi32, #tpu.memory_space<vmem>>
        %dma_wait3A_406 = tpu.memref_squeeze %dma_wait3A_405 : memref<1x2x128xi32, #tpu.memory_space<vmem>> -> memref<2x128xi32, #tpu.memory_space<vmem>>
        %dma_wait3A_407 = arith.constant 0 : i32
        %dma_wait3A_408 = arith.constant 0 : i32
        %dma_wait3A_409 = tpu.memref_slice %arg4[%add3A_376, %dma_wait3A_407, %dma_wait3A_408] : memref<1250x2x128xi32, #tpu.memory_space<hbm>> -> memref<1x2x128xi32, #tpu.memory_space<hbm>>
        %dma_wait3A_410 = tpu.memref_squeeze %dma_wait3A_409 : memref<1x2x128xi32, #tpu.memory_space<hbm>> -> memref<2x128xi32, #tpu.memory_space<hbm>>
        tpu.wait_dma2 semaphore(%arg12 : memref<!tpu.dma_semaphore, #tpu.memory_space<semaphore_mem>>) src(%dma_wait3A_410 : memref<2x128xi32, #tpu.memory_space<hbm>>) dst(%dma_wait3A_406 : memref<2x128xi32, #tpu.memory_space<vmem>>)
        %add3A_411 = arith.constant 1 : i32
        %add3A_412 = arith.addi %add3A_373, %add3A_411 : i32
        %lt3A_413 = arith.cmpi slt, %add3A_412, %add3A_11 : i32
        %convert_element_type3A_414 = arith.extui %lt3A_413 : i1 to i32
        %cond3A_415 = arith.constant 0 : i32
        %cond3A_416 = arith.cmpi ne, %convert_element_type3A_414, %cond3A_415 : i32
        scf.if %cond3A_416 {
          %add3A_559 = arith.constant 1 : i32
          %add3A_560 = arith.addi %add3A_373, %add3A_559 : i32
          %mul3A_561 = arith.constant 32 : i32
          %mul3A_562 = arith.muli %mul3A_561, %add3A_560 : i32
          %add3A_563 = arith.addi %add3A, %mul3A_562 : i32
          %dma_start3A_564 = arith.constant 0 : i32
          %dma_start3A_565 = arith.constant 0 : i32
          %dma_start3A_566 = arith.constant 0 : i32
          %dma_start3A_567 = tpu.memref_slice %arg9[%dma_start3A_564, %dma_start3A_565, %dma_start3A_566] : memref<2x2x128xi32, #tpu.memory_space<vmem>> -> memref<1x2x128xi32, #tpu.memory_space<vmem>>
          %dma_start3A_568 = tpu.memref_squeeze %dma_start3A_567 : memref<1x2x128xi32, #tpu.memory_space<vmem>> -> memref<2x128xi32, #tpu.memory_space<vmem>>
          %dma_start3A_569 = arith.constant 0 : i32
          %dma_start3A_570 = arith.constant 0 : i32
          %dma_start3A_571 = tpu.memref_slice %arg3[%add3A_563, %dma_start3A_569, %dma_start3A_570] : memref<1250x2x128xi32, #tpu.memory_space<hbm>> -> memref<1x2x128xi32, #tpu.memory_space<hbm>>
          %dma_start3A_572 = tpu.memref_squeeze %dma_start3A_571 : memref<1x2x128xi32, #tpu.memory_space<hbm>> -> memref<2x128xi32, #tpu.memory_space<hbm>>
          %dma_start3A_573 = arith.constant 0 : i32
          %dma_start3A_574 = arith.constant 0 : i32
          %dma_start3A_575 = tpu.memref_slice %arg9[%dma_start3A_564, %dma_start3A_573, %dma_start3A_574] : memref<2x2x128xi32, #tpu.memory_space<vmem>> -> memref<1x2x128xi32, #tpu.memory_space<vmem>>
          %dma_start3A_576 = tpu.memref_squeeze %dma_start3A_575 : memref<1x2x128xi32, #tpu.memory_space<vmem>> -> memref<2x128xi32, #tpu.memory_space<vmem>>
          %dma_start3A_577 = arith.constant 0 : i32
          %dma_start3A_578 = arith.constant 0 : i32
          %dma_start3A_579 = tpu.memref_slice %arg3[%add3A_563, %dma_start3A_577, %dma_start3A_578] : memref<1250x2x128xi32, #tpu.memory_space<hbm>> -> memref<1x2x128xi32, #tpu.memory_space<hbm>>
          %dma_start3A_580 = tpu.memref_squeeze %dma_start3A_579 : memref<1x2x128xi32, #tpu.memory_space<hbm>> -> memref<2x128xi32, #tpu.memory_space<hbm>>
          tpu.enqueue_dma source(%dma_start3A_580 : memref<2x128xi32, #tpu.memory_space<hbm>>) target(%dma_start3A_576 : memref<2x128xi32, #tpu.memory_space<vmem>>) target_semaphore(%arg11 : memref<!tpu.dma_semaphore, #tpu.memory_space<semaphore_mem>>)
          %dma_start3A_581 = arith.constant 0 : i32
          %dma_start3A_582 = arith.constant 0 : i32
          %dma_start3A_583 = arith.constant 0 : i32
          %dma_start3A_584 = tpu.memref_slice %arg10[%dma_start3A_581, %dma_start3A_582, %dma_start3A_583] : memref<2x2x128xi32, #tpu.memory_space<vmem>> -> memref<1x2x128xi32, #tpu.memory_space<vmem>>
          %dma_start3A_585 = tpu.memref_squeeze %dma_start3A_584 : memref<1x2x128xi32, #tpu.memory_space<vmem>> -> memref<2x128xi32, #tpu.memory_space<vmem>>
          %dma_start3A_586 = arith.constant 0 : i32
          %dma_start3A_587 = arith.constant 0 : i32
          %dma_start3A_588 = tpu.memref_slice %arg4[%add3A_563, %dma_start3A_586, %dma_start3A_587] : memref<1250x2x128xi32, #tpu.memory_space<hbm>> -> memref<1x2x128xi32, #tpu.memory_space<hbm>>
          %dma_start3A_589 = tpu.memref_squeeze %dma_start3A_588 : memref<1x2x128xi32, #tpu.memory_space<hbm>> -> memref<2x128xi32, #tpu.memory_space<hbm>>
          %dma_start3A_590 = arith.constant 0 : i32
          %dma_start3A_591 = arith.constant 0 : i32
          %dma_start3A_592 = tpu.memref_slice %arg10[%dma_start3A_581, %dma_start3A_590, %dma_start3A_591] : memref<2x2x128xi32, #tpu.memory_space<vmem>> -> memref<1x2x128xi32, #tpu.memory_space<vmem>>
          %dma_start3A_593 = tpu.memref_squeeze %dma_start3A_592 : memref<1x2x128xi32, #tpu.memory_space<vmem>> -> memref<2x128xi32, #tpu.memory_space<vmem>>
          %dma_start3A_594 = arith.constant 0 : i32
          %dma_start3A_595 = arith.constant 0 : i32
          %dma_start3A_596 = tpu.memref_slice %arg4[%add3A_563, %dma_start3A_594, %dma_start3A_595] : memref<1250x2x128xi32, #tpu.memory_space<hbm>> -> memref<1x2x128xi32, #tpu.memory_space<hbm>>
          %dma_start3A_597 = tpu.memref_squeeze %dma_start3A_596 : memref<1x2x128xi32, #tpu.memory_space<hbm>> -> memref<2x128xi32, #tpu.memory_space<hbm>>
          tpu.enqueue_dma source(%dma_start3A_597 : memref<2x128xi32, #tpu.memory_space<hbm>>) target(%dma_start3A_593 : memref<2x128xi32, #tpu.memory_space<vmem>>) target_semaphore(%arg11 : memref<!tpu.dma_semaphore, #tpu.memory_space<semaphore_mem>>)
        } else {
        }
        %gt3A_417 = arith.constant 0 : i32
        %gt3A_418 = arith.cmpi sgt, %while3A_179, %gt3A_417 : i32
        %convert_element_type3A_419 = arith.extui %gt3A_418 : i1 to i32
        %cond3A_420 = arith.constant 0 : i32
        %cond3A_421 = arith.cmpi ne, %convert_element_type3A_419, %cond3A_420 : i32
        scf.if %cond3A_421 {
          %sub3A_559 = arith.constant 2 : i32
          %sub3A_560 = arith.subi %add3A_373, %sub3A_559 : i32
          %mul3A_561 = arith.constant 32 : i32
          %mul3A_562 = arith.muli %mul3A_561, %sub3A_560 : i32
          %add3A_563 = arith.addi %add3A, %mul3A_562 : i32
          %mul3A_564 = arith.constant 256 : i32
          %mul3A_565 = arith.muli %add3A_563, %mul3A_564 : i32
          %dma_wait3A_566 = arith.constant 1 : i32
          %dma_wait3A_567 = arith.constant 0 : i32
          %dma_wait3A_568 = arith.constant 0 : i32
          %dma_wait3A_569 = tpu.memref_slice %arg7[%dma_wait3A_566, %dma_wait3A_567, %dma_wait3A_568] : memref<2x256x64xf32, #tpu.memory_space<vmem>> -> memref<1x256x64xf32, #tpu.memory_space<vmem>>
          %dma_wait3A_570 = tpu.memref_squeeze %dma_wait3A_569 : memref<1x256x64xf32, #tpu.memory_space<vmem>> -> memref<256x64xf32, #tpu.memory_space<vmem>>
          %dma_wait3A_571 = arith.constant 0 : i32
          %dma_wait3A_572 = tpu.memref_slice %arg5[%mul3A_565, %dma_wait3A_571] : memref<320000x128xf32, #tpu.memory_space<hbm>> -> memref<256x64xf32, #tpu.memory_space<hbm>>
          %dma_wait3A_573 = arith.constant 0 : i32
          %dma_wait3A_574 = tpu.memref_slice %arg5[%mul3A_565, %dma_wait3A_573] : memref<320000x128xf32, #tpu.memory_space<hbm>> -> memref<256x64xf32, #tpu.memory_space<hbm>>
          %dma_wait3A_575 = arith.constant 0 : i32
          %dma_wait3A_576 = arith.constant 0 : i32
          %dma_wait3A_577 = tpu.memref_slice %arg7[%dma_wait3A_566, %dma_wait3A_575, %dma_wait3A_576] : memref<2x256x64xf32, #tpu.memory_space<vmem>> -> memref<1x256x64xf32, #tpu.memory_space<vmem>>
          %dma_wait3A_578 = tpu.memref_squeeze %dma_wait3A_577 : memref<1x256x64xf32, #tpu.memory_space<vmem>> -> memref<256x64xf32, #tpu.memory_space<vmem>>
          tpu.wait_dma2 semaphore(%arg15 : memref<!tpu.dma_semaphore, #tpu.memory_space<semaphore_mem>>) src(%dma_wait3A_578 : memref<256x64xf32, #tpu.memory_space<vmem>>) dst(%dma_wait3A_574 : memref<256x64xf32, #tpu.memory_space<hbm>>)
          %mul3A_579 = arith.constant 256 : i32
          %mul3A_580 = arith.muli %add3A_563, %mul3A_579 : i32
          %dma_wait3A_581 = arith.constant 1 : i32
          %dma_wait3A_582 = arith.constant 0 : i32
          %dma_wait3A_583 = arith.constant 0 : i32
          %dma_wait3A_584 = tpu.memref_slice %arg8[%dma_wait3A_581, %dma_wait3A_582, %dma_wait3A_583] : memref<2x256x64xf32, #tpu.memory_space<vmem>> -> memref<1x256x64xf32, #tpu.memory_space<vmem>>
          %dma_wait3A_585 = tpu.memref_squeeze %dma_wait3A_584 : memref<1x256x64xf32, #tpu.memory_space<vmem>> -> memref<256x64xf32, #tpu.memory_space<vmem>>
          %dma_wait3A_586 = arith.constant 64 : i32
          %dma_wait3A_587 = tpu.memref_slice %arg5[%mul3A_580, %dma_wait3A_586] : memref<320000x128xf32, #tpu.memory_space<hbm>> -> memref<256x64xf32, #tpu.memory_space<hbm>>
          %dma_wait3A_588 = arith.constant 64 : i32
          %dma_wait3A_589 = tpu.memref_slice %arg5[%mul3A_580, %dma_wait3A_588] : memref<320000x128xf32, #tpu.memory_space<hbm>> -> memref<256x64xf32, #tpu.memory_space<hbm>>
          %dma_wait3A_590 = arith.constant 0 : i32
          %dma_wait3A_591 = arith.constant 0 : i32
          %dma_wait3A_592 = tpu.memref_slice %arg8[%dma_wait3A_581, %dma_wait3A_590, %dma_wait3A_591] : memref<2x256x64xf32, #tpu.memory_space<vmem>> -> memref<1x256x64xf32, #tpu.memory_space<vmem>>
          %dma_wait3A_593 = tpu.memref_squeeze %dma_wait3A_592 : memref<1x256x64xf32, #tpu.memory_space<vmem>> -> memref<256x64xf32, #tpu.memory_space<vmem>>
          tpu.wait_dma2 semaphore(%arg15 : memref<!tpu.dma_semaphore, #tpu.memory_space<semaphore_mem>>) src(%dma_wait3A_593 : memref<256x64xf32, #tpu.memory_space<vmem>>) dst(%dma_wait3A_589 : memref<256x64xf32, #tpu.memory_space<hbm>>)
        } else {
        }
        %dma_start3A_422 = arith.constant 1 : i32
        %dma_start3A_423 = arith.constant 0 : i32
        %dma_start3A_424 = arith.constant 1 : i32
        %dma_start3A_425 = arith.constant 0 : i32
        %dma_start3A_426 = arith.constant 0 : i32
        %dma_start3A_427 = tpu.memref_slice %arg7[%dma_start3A_424, %dma_start3A_425, %dma_start3A_426] : memref<2x256x64xf32, #tpu.memory_space<vmem>> -> memref<1x128x64xf32, #tpu.memory_space<vmem>>
        %dma_start3A_428 = tpu.memref_squeeze %dma_start3A_427 : memref<1x128x64xf32, #tpu.memory_space<vmem>> -> memref<128x64xf32, #tpu.memory_space<vmem>>
        %dma_start3A_429 = arith.constant 0 : i32
        %dma_start3A_430 = tpu.memref_slice %arg9[%dma_start3A_422, %dma_start3A_423, %dma_start3A_429] : memref<2x2x128xi32, #tpu.memory_space<vmem>> -> memref<1x1x128xi32, #tpu.memory_space<vmem>>
        %dma_start3A_431 = tpu.memref_squeeze %dma_start3A_430 : memref<1x1x128xi32, #tpu.memory_space<vmem>> -> memref<128xi32, #tpu.memory_space<vmem>>
        %dma_start3A_432 = arith.constant 0 : i32
        %dma_start3A_433 = arith.constant 0 : i32
        %dma_start3A_434 = tpu.memref_slice %arg6[%dma_start3A_432, %dma_start3A_433] : memref<10000x64xf32, #tpu.memory_space<vmem_shared>> -> memref<10000x64xf32, #tpu.memory_space<vmem_shared>>
        tpu.enqueue_indirect_dma source(%dma_start3A_434 : memref<10000x64xf32, #tpu.memory_space<vmem_shared>>) target(%dma_start3A_428 : memref<128x64xf32, #tpu.memory_space<vmem>>) offsets(%dma_start3A_431 : memref<128xi32, #tpu.memory_space<vmem>>) semaphore(%arg13 : memref<!tpu.dma_semaphore, #tpu.memory_space<semaphore_mem>>)
        %dma_start3A_435 = arith.constant 1 : i32
        %dma_start3A_436 = arith.constant 0 : i32
        %dma_start3A_437 = arith.constant 1 : i32
        %dma_start3A_438 = arith.constant 0 : i32
        %dma_start3A_439 = arith.constant 0 : i32
        %dma_start3A_440 = tpu.memref_slice %arg8[%dma_start3A_437, %dma_start3A_438, %dma_start3A_439] : memref<2x256x64xf32, #tpu.memory_space<vmem>> -> memref<1x128x64xf32, #tpu.memory_space<vmem>>
        %dma_start3A_441 = tpu.memref_squeeze %dma_start3A_440 : memref<1x128x64xf32, #tpu.memory_space<vmem>> -> memref<128x64xf32, #tpu.memory_space<vmem>>
        %dma_start3A_442 = arith.constant 0 : i32
        %dma_start3A_443 = tpu.memref_slice %arg10[%dma_start3A_435, %dma_start3A_436, %dma_start3A_442] : memref<2x2x128xi32, #tpu.memory_space<vmem>> -> memref<1x1x128xi32, #tpu.memory_space<vmem>>
        %dma_start3A_444 = tpu.memref_squeeze %dma_start3A_443 : memref<1x1x128xi32, #tpu.memory_space<vmem>> -> memref<128xi32, #tpu.memory_space<vmem>>
        %dma_start3A_445 = arith.constant 0 : i32
        %dma_start3A_446 = arith.constant 0 : i32
        %dma_start3A_447 = tpu.memref_slice %arg6[%dma_start3A_445, %dma_start3A_446] : memref<10000x64xf32, #tpu.memory_space<vmem_shared>> -> memref<10000x64xf32, #tpu.memory_space<vmem_shared>>
        tpu.enqueue_indirect_dma source(%dma_start3A_447 : memref<10000x64xf32, #tpu.memory_space<vmem_shared>>) target(%dma_start3A_441 : memref<128x64xf32, #tpu.memory_space<vmem>>) offsets(%dma_start3A_444 : memref<128xi32, #tpu.memory_space<vmem>>) semaphore(%arg13 : memref<!tpu.dma_semaphore, #tpu.memory_space<semaphore_mem>>)
        %dma_start3A_448 = arith.constant 1 : i32
        %dma_start3A_449 = arith.constant 1 : i32
        %dma_start3A_450 = arith.constant 1 : i32
        %dma_start3A_451 = arith.constant 128 : i32
        %dma_start3A_452 = arith.constant 0 : i32
        %dma_start3A_453 = tpu.memref_slice %arg7[%dma_start3A_450, %dma_start3A_451, %dma_start3A_452] : memref<2x256x64xf32, #tpu.memory_space<vmem>> -> memref<1x128x64xf32, #tpu.memory_space<vmem>>
        %dma_start3A_454 = tpu.memref_squeeze %dma_start3A_453 : memref<1x128x64xf32, #tpu.memory_space<vmem>> -> memref<128x64xf32, #tpu.memory_space<vmem>>
        %dma_start3A_455 = arith.constant 0 : i32
        %dma_start3A_456 = tpu.memref_slice %arg9[%dma_start3A_448, %dma_start3A_449, %dma_start3A_455] : memref<2x2x128xi32, #tpu.memory_space<vmem>> -> memref<1x1x128xi32, #tpu.memory_space<vmem>>
        %dma_start3A_457 = tpu.memref_squeeze %dma_start3A_456 : memref<1x1x128xi32, #tpu.memory_space<vmem>> -> memref<128xi32, #tpu.memory_space<vmem>>
        %dma_start3A_458 = arith.constant 0 : i32
        %dma_start3A_459 = arith.constant 0 : i32
        %dma_start3A_460 = tpu.memref_slice %arg6[%dma_start3A_458, %dma_start3A_459] : memref<10000x64xf32, #tpu.memory_space<vmem_shared>> -> memref<10000x64xf32, #tpu.memory_space<vmem_shared>>
        tpu.enqueue_indirect_dma source(%dma_start3A_460 : memref<10000x64xf32, #tpu.memory_space<vmem_shared>>) target(%dma_start3A_454 : memref<128x64xf32, #tpu.memory_space<vmem>>) offsets(%dma_start3A_457 : memref<128xi32, #tpu.memory_space<vmem>>) semaphore(%arg13 : memref<!tpu.dma_semaphore, #tpu.memory_space<semaphore_mem>>)
        %dma_start3A_461 = arith.constant 1 : i32
        %dma_start3A_462 = arith.constant 1 : i32
        %dma_start3A_463 = arith.constant 1 : i32
        %dma_start3A_464 = arith.constant 128 : i32
        %dma_start3A_465 = arith.constant 0 : i32
        %dma_start3A_466 = tpu.memref_slice %arg8[%dma_start3A_463, %dma_start3A_464, %dma_start3A_465] : memref<2x256x64xf32, #tpu.memory_space<vmem>> -> memref<1x128x64xf32, #tpu.memory_space<vmem>>
        %dma_start3A_467 = tpu.memref_squeeze %dma_start3A_466 : memref<1x128x64xf32, #tpu.memory_space<vmem>> -> memref<128x64xf32, #tpu.memory_space<vmem>>
        %dma_start3A_468 = arith.constant 0 : i32
        %dma_start3A_469 = tpu.memref_slice %arg10[%dma_start3A_461, %dma_start3A_462, %dma_start3A_468] : memref<2x2x128xi32, #tpu.memory_space<vmem>> -> memref<1x1x128xi32, #tpu.memory_space<vmem>>
        %dma_start3A_470 = tpu.memref_squeeze %dma_start3A_469 : memref<1x1x128xi32, #tpu.memory_space<vmem>> -> memref<128xi32, #tpu.memory_space<vmem>>
        %dma_start3A_471 = arith.constant 0 : i32
        %dma_start3A_472 = arith.constant 0 : i32
        %dma_start3A_473 = tpu.memref_slice %arg6[%dma_start3A_471, %dma_start3A_472] : memref<10000x64xf32, #tpu.memory_space<vmem_shared>> -> memref<10000x64xf32, #tpu.memory_space<vmem_shared>>
        tpu.enqueue_indirect_dma source(%dma_start3A_473 : memref<10000x64xf32, #tpu.memory_space<vmem_shared>>) target(%dma_start3A_467 : memref<128x64xf32, #tpu.memory_space<vmem>>) offsets(%dma_start3A_470 : memref<128xi32, #tpu.memory_space<vmem>>) semaphore(%arg13 : memref<!tpu.dma_semaphore, #tpu.memory_space<semaphore_mem>>)
        %dma_wait3A_474 = arith.constant 1 : i32
        %dma_wait3A_475 = arith.constant 0 : i32
        %dma_wait3A_476 = arith.constant 1 : i32
        %dma_wait3A_477 = arith.constant 0 : i32
        %dma_wait3A_478 = arith.constant 0 : i32
        %dma_wait3A_479 = tpu.memref_slice %arg7[%dma_wait3A_476, %dma_wait3A_477, %dma_wait3A_478] : memref<2x256x64xf32, #tpu.memory_space<vmem>> -> memref<1x128x64xf32, #tpu.memory_space<vmem>>
        %dma_wait3A_480 = tpu.memref_squeeze %dma_wait3A_479 : memref<1x128x64xf32, #tpu.memory_space<vmem>> -> memref<128x64xf32, #tpu.memory_space<vmem>>
        %dma_wait3A_481 = arith.constant 0 : i32
        %dma_wait3A_482 = tpu.memref_slice %arg9[%dma_wait3A_474, %dma_wait3A_475, %dma_wait3A_481] : memref<2x2x128xi32, #tpu.memory_space<vmem>> -> memref<1x1x128xi32, #tpu.memory_space<vmem>>
        %dma_wait3A_483 = tpu.memref_squeeze %dma_wait3A_482 : memref<1x1x128xi32, #tpu.memory_space<vmem>> -> memref<128xi32, #tpu.memory_space<vmem>>
        %dma_wait3A_484 = arith.constant 0 : i32
        %dma_wait3A_485 = arith.constant 0 : i32
        %dma_wait3A_486 = tpu.memref_slice %arg6[%dma_wait3A_484, %dma_wait3A_485] : memref<10000x64xf32, #tpu.memory_space<vmem_shared>> -> memref<10000x64xf32, #tpu.memory_space<vmem_shared>>
        tpu.wait_indirect_dma semaphore(%arg13 : memref<!tpu.dma_semaphore, #tpu.memory_space<semaphore_mem>>) src(%dma_wait3A_486 : memref<10000x64xf32, #tpu.memory_space<vmem_shared>>) dst(%dma_wait3A_480 : memref<128x64xf32, #tpu.memory_space<vmem>>)
        %dma_wait3A_487 = arith.constant 1 : i32
        %dma_wait3A_488 = arith.constant 0 : i32
        %dma_wait3A_489 = arith.constant 1 : i32
        %dma_wait3A_490 = arith.constant 0 : i32
        %dma_wait3A_491 = arith.constant 0 : i32
        %dma_wait3A_492 = tpu.memref_slice %arg8[%dma_wait3A_489, %dma_wait3A_490, %dma_wait3A_491] : memref<2x256x64xf32, #tpu.memory_space<vmem>> -> memref<1x128x64xf32, #tpu.memory_space<vmem>>
        %dma_wait3A_493 = tpu.memref_squeeze %dma_wait3A_492 : memref<1x128x64xf32, #tpu.memory_space<vmem>> -> memref<128x64xf32, #tpu.memory_space<vmem>>
        %dma_wait3A_494 = arith.constant 0 : i32
        %dma_wait3A_495 = tpu.memref_slice %arg10[%dma_wait3A_487, %dma_wait3A_488, %dma_wait3A_494] : memref<2x2x128xi32, #tpu.memory_space<vmem>> -> memref<1x1x128xi32, #tpu.memory_space<vmem>>
        %dma_wait3A_496 = tpu.memref_squeeze %dma_wait3A_495 : memref<1x1x128xi32, #tpu.memory_space<vmem>> -> memref<128xi32, #tpu.memory_space<vmem>>
        %dma_wait3A_497 = arith.constant 0 : i32
        %dma_wait3A_498 = arith.constant 0 : i32
        %dma_wait3A_499 = tpu.memref_slice %arg6[%dma_wait3A_497, %dma_wait3A_498] : memref<10000x64xf32, #tpu.memory_space<vmem_shared>> -> memref<10000x64xf32, #tpu.memory_space<vmem_shared>>
        tpu.wait_indirect_dma semaphore(%arg13 : memref<!tpu.dma_semaphore, #tpu.memory_space<semaphore_mem>>) src(%dma_wait3A_499 : memref<10000x64xf32, #tpu.memory_space<vmem_shared>>) dst(%dma_wait3A_493 : memref<128x64xf32, #tpu.memory_space<vmem>>)
        %dma_wait3A_500 = arith.constant 1 : i32
        %dma_wait3A_501 = arith.constant 1 : i32
        %dma_wait3A_502 = arith.constant 1 : i32
        %dma_wait3A_503 = arith.constant 128 : i32
        %dma_wait3A_504 = arith.constant 0 : i32
        %dma_wait3A_505 = tpu.memref_slice %arg7[%dma_wait3A_502, %dma_wait3A_503, %dma_wait3A_504] : memref<2x256x64xf32, #tpu.memory_space<vmem>> -> memref<1x128x64xf32, #tpu.memory_space<vmem>>
        %dma_wait3A_506 = tpu.memref_squeeze %dma_wait3A_505 : memref<1x128x64xf32, #tpu.memory_space<vmem>> -> memref<128x64xf32, #tpu.memory_space<vmem>>
        %dma_wait3A_507 = arith.constant 0 : i32
        %dma_wait3A_508 = tpu.memref_slice %arg9[%dma_wait3A_500, %dma_wait3A_501, %dma_wait3A_507] : memref<2x2x128xi32, #tpu.memory_space<vmem>> -> memref<1x1x128xi32, #tpu.memory_space<vmem>>
        %dma_wait3A_509 = tpu.memref_squeeze %dma_wait3A_508 : memref<1x1x128xi32, #tpu.memory_space<vmem>> -> memref<128xi32, #tpu.memory_space<vmem>>
        %dma_wait3A_510 = arith.constant 0 : i32
        %dma_wait3A_511 = arith.constant 0 : i32
        %dma_wait3A_512 = tpu.memref_slice %arg6[%dma_wait3A_510, %dma_wait3A_511] : memref<10000x64xf32, #tpu.memory_space<vmem_shared>> -> memref<10000x64xf32, #tpu.memory_space<vmem_shared>>
        tpu.wait_indirect_dma semaphore(%arg13 : memref<!tpu.dma_semaphore, #tpu.memory_space<semaphore_mem>>) src(%dma_wait3A_512 : memref<10000x64xf32, #tpu.memory_space<vmem_shared>>) dst(%dma_wait3A_506 : memref<128x64xf32, #tpu.memory_space<vmem>>)
        %dma_wait3A_513 = arith.constant 1 : i32
        %dma_wait3A_514 = arith.constant 1 : i32
        %dma_wait3A_515 = arith.constant 1 : i32
        %dma_wait3A_516 = arith.constant 128 : i32
        %dma_wait3A_517 = arith.constant 0 : i32
        %dma_wait3A_518 = tpu.memref_slice %arg8[%dma_wait3A_515, %dma_wait3A_516, %dma_wait3A_517] : memref<2x256x64xf32, #tpu.memory_space<vmem>> -> memref<1x128x64xf32, #tpu.memory_space<vmem>>
        %dma_wait3A_519 = tpu.memref_squeeze %dma_wait3A_518 : memref<1x128x64xf32, #tpu.memory_space<vmem>> -> memref<128x64xf32, #tpu.memory_space<vmem>>
        %dma_wait3A_520 = arith.constant 0 : i32
        %dma_wait3A_521 = tpu.memref_slice %arg10[%dma_wait3A_513, %dma_wait3A_514, %dma_wait3A_520] : memref<2x2x128xi32, #tpu.memory_space<vmem>> -> memref<1x1x128xi32, #tpu.memory_space<vmem>>
        %dma_wait3A_522 = tpu.memref_squeeze %dma_wait3A_521 : memref<1x1x128xi32, #tpu.memory_space<vmem>> -> memref<128xi32, #tpu.memory_space<vmem>>
        %dma_wait3A_523 = arith.constant 0 : i32
        %dma_wait3A_524 = arith.constant 0 : i32
        %dma_wait3A_525 = tpu.memref_slice %arg6[%dma_wait3A_523, %dma_wait3A_524] : memref<10000x64xf32, #tpu.memory_space<vmem_shared>> -> memref<10000x64xf32, #tpu.memory_space<vmem_shared>>
        tpu.wait_indirect_dma semaphore(%arg13 : memref<!tpu.dma_semaphore, #tpu.memory_space<semaphore_mem>>) src(%dma_wait3A_525 : memref<10000x64xf32, #tpu.memory_space<vmem_shared>>) dst(%dma_wait3A_519 : memref<128x64xf32, #tpu.memory_space<vmem>>)
        %mul3A_526 = arith.constant 32 : i32
        %mul3A_527 = arith.muli %mul3A_526, %add3A_373 : i32
        %add3A_528 = arith.addi %add3A, %mul3A_527 : i32
        %mul3A_529 = arith.constant 256 : i32
        %mul3A_530 = arith.muli %add3A_528, %mul3A_529 : i32
        %dma_start3A_531 = arith.constant 1 : i32
        %dma_start3A_532 = arith.constant 0 : i32
        %dma_start3A_533 = arith.constant 0 : i32
        %dma_start3A_534 = tpu.memref_slice %arg7[%dma_start3A_531, %dma_start3A_532, %dma_start3A_533] : memref<2x256x64xf32, #tpu.memory_space<vmem>> -> memref<1x256x64xf32, #tpu.memory_space<vmem>>
        %dma_start3A_535 = tpu.memref_squeeze %dma_start3A_534 : memref<1x256x64xf32, #tpu.memory_space<vmem>> -> memref<256x64xf32, #tpu.memory_space<vmem>>
        %dma_start3A_536 = arith.constant 0 : i32
        %dma_start3A_537 = tpu.memref_slice %arg5[%mul3A_530, %dma_start3A_536] : memref<320000x128xf32, #tpu.memory_space<hbm>> -> memref<256x64xf32, #tpu.memory_space<hbm>>
        %dma_start3A_538 = arith.constant 0 : i32
        %dma_start3A_539 = tpu.memref_slice %arg5[%mul3A_530, %dma_start3A_538] : memref<320000x128xf32, #tpu.memory_space<hbm>> -> memref<256x64xf32, #tpu.memory_space<hbm>>
        %dma_start3A_540 = arith.constant 0 : i32
        %dma_start3A_541 = arith.constant 0 : i32
        %dma_start3A_542 = tpu.memref_slice %arg7[%dma_start3A_531, %dma_start3A_540, %dma_start3A_541] : memref<2x256x64xf32, #tpu.memory_space<vmem>> -> memref<1x256x64xf32, #tpu.memory_space<vmem>>
        %dma_start3A_543 = tpu.memref_squeeze %dma_start3A_542 : memref<1x256x64xf32, #tpu.memory_space<vmem>> -> memref<256x64xf32, #tpu.memory_space<vmem>>
        tpu.enqueue_dma source(%dma_start3A_543 : memref<256x64xf32, #tpu.memory_space<vmem>>) target(%dma_start3A_539 : memref<256x64xf32, #tpu.memory_space<hbm>>) target_semaphore(%arg15 : memref<!tpu.dma_semaphore, #tpu.memory_space<semaphore_mem>>)
        %mul3A_544 = arith.constant 256 : i32
        %mul3A_545 = arith.muli %add3A_528, %mul3A_544 : i32
        %dma_start3A_546 = arith.constant 1 : i32
        %dma_start3A_547 = arith.constant 0 : i32
        %dma_start3A_548 = arith.constant 0 : i32
        %dma_start3A_549 = tpu.memref_slice %arg8[%dma_start3A_546, %dma_start3A_547, %dma_start3A_548] : memref<2x256x64xf32, #tpu.memory_space<vmem>> -> memref<1x256x64xf32, #tpu.memory_space<vmem>>
        %dma_start3A_550 = tpu.memref_squeeze %dma_start3A_549 : memref<1x256x64xf32, #tpu.memory_space<vmem>> -> memref<256x64xf32, #tpu.memory_space<vmem>>
        %dma_start3A_551 = arith.constant 64 : i32
        %dma_start3A_552 = tpu.memref_slice %arg5[%mul3A_545, %dma_start3A_551] : memref<320000x128xf32, #tpu.memory_space<hbm>> -> memref<256x64xf32, #tpu.memory_space<hbm>>
        %dma_start3A_553 = arith.constant 64 : i32
        %dma_start3A_554 = tpu.memref_slice %arg5[%mul3A_545, %dma_start3A_553] : memref<320000x128xf32, #tpu.memory_space<hbm>> -> memref<256x64xf32, #tpu.memory_space<hbm>>
        %dma_start3A_555 = arith.constant 0 : i32
        %dma_start3A_556 = arith.constant 0 : i32
        %dma_start3A_557 = tpu.memref_slice %arg8[%dma_start3A_546, %dma_start3A_555, %dma_start3A_556] : memref<2x256x64xf32, #tpu.memory_space<vmem>> -> memref<1x256x64xf32, #tpu.memory_space<vmem>>
        %dma_start3A_558 = tpu.memref_squeeze %dma_start3A_557 : memref<1x256x64xf32, #tpu.memory_space<vmem>> -> memref<256x64xf32, #tpu.memory_space<vmem>>
        tpu.enqueue_dma source(%dma_start3A_558 : memref<256x64xf32, #tpu.memory_space<vmem>>) target(%dma_start3A_554 : memref<256x64xf32, #tpu.memory_space<hbm>>) target_semaphore(%arg15 : memref<!tpu.dma_semaphore, #tpu.memory_space<semaphore_mem>>)
      } else {
      }
    }
    %sub3A_75 = arith.constant 1 : i32
    %sub3A_76 = arith.subi %add3A_11, %sub3A_75 : i32
    %sub3A_77 = arith.constant 1 : i32
    %sub3A_78 = arith.subi %add3A_11, %sub3A_77 : i32
    %jit3A_79 = arith.constant 2 : i32
    %eq3A = arith.constant 0 : i32
    %eq3A_80 = arith.cmpi eq, %jit3A_79, %eq3A : i32
    %jit3A_81 = arith.constant 1 : i32
    %select_n3A_82 = arith.select %eq3A_80, %jit3A_81, %jit3A_79 : i32
    %rem3A_83 = arith.remsi %sub3A_78, %select_n3A_82 : i32
    %ne3A_84 = arith.constant 0 : i32
    %ne3A_85 = arith.cmpi ne, %rem3A_83, %ne3A_84 : i32
    %lt3A_86 = arith.constant 0 : i32
    %lt3A_87 = arith.cmpi slt, %rem3A_83, %lt3A_86 : i32
    %lt3A_88 = arith.constant 0 : i32
    %lt3A_89 = arith.cmpi slt, %select_n3A_82, %lt3A_88 : i32
    %ne3A_90 = arith.xori %lt3A_87, %lt3A_89 : i1
    %and3A_91 = arith.andi %ne3A_90, %ne3A_85 : i1
    %add3A_92 = arith.addi %rem3A_83, %select_n3A_82 : i32
    %select_n3A_93 = arith.select %and3A_91, %add3A_92, %rem3A_83 : i32
    %sub3A_94 = arith.subi %sub3A_76, %select_n3A_93 : i32
    %mul3A_95 = arith.constant 32 : i32
    %mul3A_96 = arith.muli %mul3A_95, %sub3A_94 : i32
    %add3A_97 = arith.addi %add3A, %mul3A_96 : i32
    %mul3A_98 = arith.constant 256 : i32
    %mul3A_99 = arith.muli %add3A_97, %mul3A_98 : i32
    %dma_wait3A = arith.constant 0 : i32
    %dma_wait3A_100 = arith.constant 0 : i32
    %dma_wait3A_101 = arith.constant 0 : i32
    %dma_wait3A_102 = tpu.memref_slice %arg7[%dma_wait3A, %dma_wait3A_100, %dma_wait3A_101] : memref<2x256x64xf32, #tpu.memory_space<vmem>> -> memref<1x256x64xf32, #tpu.memory_space<vmem>>
    %dma_wait3A_103 = tpu.memref_squeeze %dma_wait3A_102 : memref<1x256x64xf32, #tpu.memory_space<vmem>> -> memref<256x64xf32, #tpu.memory_space<vmem>>
    %dma_wait3A_104 = arith.constant 0 : i32
    %dma_wait3A_105 = tpu.memref_slice %arg5[%mul3A_99, %dma_wait3A_104] : memref<320000x128xf32, #tpu.memory_space<hbm>> -> memref<256x64xf32, #tpu.memory_space<hbm>>
    %dma_wait3A_106 = arith.constant 0 : i32
    %dma_wait3A_107 = tpu.memref_slice %arg5[%mul3A_99, %dma_wait3A_106] : memref<320000x128xf32, #tpu.memory_space<hbm>> -> memref<256x64xf32, #tpu.memory_space<hbm>>
    %dma_wait3A_108 = arith.constant 0 : i32
    %dma_wait3A_109 = arith.constant 0 : i32
    %dma_wait3A_110 = tpu.memref_slice %arg7[%dma_wait3A, %dma_wait3A_108, %dma_wait3A_109] : memref<2x256x64xf32, #tpu.memory_space<vmem>> -> memref<1x256x64xf32, #tpu.memory_space<vmem>>
    %dma_wait3A_111 = tpu.memref_squeeze %dma_wait3A_110 : memref<1x256x64xf32, #tpu.memory_space<vmem>> -> memref<256x64xf32, #tpu.memory_space<vmem>>
    tpu.wait_dma2 semaphore(%arg14 : memref<!tpu.dma_semaphore, #tpu.memory_space<semaphore_mem>>) src(%dma_wait3A_111 : memref<256x64xf32, #tpu.memory_space<vmem>>) dst(%dma_wait3A_107 : memref<256x64xf32, #tpu.memory_space<hbm>>)
    %mul3A_112 = arith.constant 256 : i32
    %mul3A_113 = arith.muli %add3A_97, %mul3A_112 : i32
    %dma_wait3A_114 = arith.constant 0 : i32
    %dma_wait3A_115 = arith.constant 0 : i32
    %dma_wait3A_116 = arith.constant 0 : i32
    %dma_wait3A_117 = tpu.memref_slice %arg8[%dma_wait3A_114, %dma_wait3A_115, %dma_wait3A_116] : memref<2x256x64xf32, #tpu.memory_space<vmem>> -> memref<1x256x64xf32, #tpu.memory_space<vmem>>
    %dma_wait3A_118 = tpu.memref_squeeze %dma_wait3A_117 : memref<1x256x64xf32, #tpu.memory_space<vmem>> -> memref<256x64xf32, #tpu.memory_space<vmem>>
    %dma_wait3A_119 = arith.constant 64 : i32
    %dma_wait3A_120 = tpu.memref_slice %arg5[%mul3A_113, %dma_wait3A_119] : memref<320000x128xf32, #tpu.memory_space<hbm>> -> memref<256x64xf32, #tpu.memory_space<hbm>>
    %dma_wait3A_121 = arith.constant 64 : i32
    %dma_wait3A_122 = tpu.memref_slice %arg5[%mul3A_113, %dma_wait3A_121] : memref<320000x128xf32, #tpu.memory_space<hbm>> -> memref<256x64xf32, #tpu.memory_space<hbm>>
    %dma_wait3A_123 = arith.constant 0 : i32
    %dma_wait3A_124 = arith.constant 0 : i32
    %dma_wait3A_125 = tpu.memref_slice %arg8[%dma_wait3A_114, %dma_wait3A_123, %dma_wait3A_124] : memref<2x256x64xf32, #tpu.memory_space<vmem>> -> memref<1x256x64xf32, #tpu.memory_space<vmem>>
    %dma_wait3A_126 = tpu.memref_squeeze %dma_wait3A_125 : memref<1x256x64xf32, #tpu.memory_space<vmem>> -> memref<256x64xf32, #tpu.memory_space<vmem>>
    tpu.wait_dma2 semaphore(%arg14 : memref<!tpu.dma_semaphore, #tpu.memory_space<semaphore_mem>>) src(%dma_wait3A_126 : memref<256x64xf32, #tpu.memory_space<vmem>>) dst(%dma_wait3A_122 : memref<256x64xf32, #tpu.memory_space<hbm>>)
    %sub3A_127 = arith.constant 1 : i32
    %sub3A_128 = arith.subi %add3A_11, %sub3A_127 : i32
    %jit3A_129 = arith.constant 2 : i32
    %eq3A_130 = arith.constant 0 : i32
    %eq3A_131 = arith.cmpi eq, %jit3A_129, %eq3A_130 : i32
    %jit3A_132 = arith.constant 1 : i32
    %select_n3A_133 = arith.select %eq3A_131, %jit3A_132, %jit3A_129 : i32
    %rem3A_134 = arith.remsi %add3A_11, %select_n3A_133 : i32
    %ne3A_135 = arith.constant 0 : i32
    %ne3A_136 = arith.cmpi ne, %rem3A_134, %ne3A_135 : i32
    %lt3A_137 = arith.constant 0 : i32
    %lt3A_138 = arith.cmpi slt, %rem3A_134, %lt3A_137 : i32
    %lt3A_139 = arith.constant 0 : i32
    %lt3A_140 = arith.cmpi slt, %select_n3A_133, %lt3A_139 : i32
    %ne3A_141 = arith.xori %lt3A_138, %lt3A_140 : i1
    %and3A_142 = arith.andi %ne3A_141, %ne3A_136 : i1
    %add3A_143 = arith.addi %rem3A_134, %select_n3A_133 : i32
    %select_n3A_144 = arith.select %and3A_142, %add3A_143, %rem3A_134 : i32
    %sub3A_145 = arith.subi %sub3A_128, %select_n3A_144 : i32
    %mul3A_146 = arith.constant 32 : i32
    %mul3A_147 = arith.muli %mul3A_146, %sub3A_145 : i32
    %add3A_148 = arith.addi %add3A, %mul3A_147 : i32
    %mul3A_149 = arith.constant 256 : i32
    %mul3A_150 = arith.muli %add3A_148, %mul3A_149 : i32
    %dma_wait3A_151 = arith.constant 1 : i32
    %dma_wait3A_152 = arith.constant 0 : i32
    %dma_wait3A_153 = arith.constant 0 : i32
    %dma_wait3A_154 = tpu.memref_slice %arg7[%dma_wait3A_151, %dma_wait3A_152, %dma_wait3A_153] : memref<2x256x64xf32, #tpu.memory_space<vmem>> -> memref<1x256x64xf32, #tpu.memory_space<vmem>>
    %dma_wait3A_155 = tpu.memref_squeeze %dma_wait3A_154 : memref<1x256x64xf32, #tpu.memory_space<vmem>> -> memref<256x64xf32, #tpu.memory_space<vmem>>
    %dma_wait3A_156 = arith.constant 0 : i32
    %dma_wait3A_157 = tpu.memref_slice %arg5[%mul3A_150, %dma_wait3A_156] : memref<320000x128xf32, #tpu.memory_space<hbm>> -> memref<256x64xf32, #tpu.memory_space<hbm>>
    %dma_wait3A_158 = arith.constant 0 : i32
    %dma_wait3A_159 = tpu.memref_slice %arg5[%mul3A_150, %dma_wait3A_158] : memref<320000x128xf32, #tpu.memory_space<hbm>> -> memref<256x64xf32, #tpu.memory_space<hbm>>
    %dma_wait3A_160 = arith.constant 0 : i32
    %dma_wait3A_161 = arith.constant 0 : i32
    %dma_wait3A_162 = tpu.memref_slice %arg7[%dma_wait3A_151, %dma_wait3A_160, %dma_wait3A_161] : memref<2x256x64xf32, #tpu.memory_space<vmem>> -> memref<1x256x64xf32, #tpu.memory_space<vmem>>
    %dma_wait3A_163 = tpu.memref_squeeze %dma_wait3A_162 : memref<1x256x64xf32, #tpu.memory_space<vmem>> -> memref<256x64xf32, #tpu.memory_space<vmem>>
    tpu.wait_dma2 semaphore(%arg15 : memref<!tpu.dma_semaphore, #tpu.memory_space<semaphore_mem>>) src(%dma_wait3A_163 : memref<256x64xf32, #tpu.memory_space<vmem>>) dst(%dma_wait3A_159 : memref<256x64xf32, #tpu.memory_space<hbm>>)
    %mul3A_164 = arith.constant 256 : i32
    %mul3A_165 = arith.muli %add3A_148, %mul3A_164 : i32
    %dma_wait3A_166 = arith.constant 1 : i32
    %dma_wait3A_167 = arith.constant 0 : i32
    %dma_wait3A_168 = arith.constant 0 : i32
    %dma_wait3A_169 = tpu.memref_slice %arg8[%dma_wait3A_166, %dma_wait3A_167, %dma_wait3A_168] : memref<2x256x64xf32, #tpu.memory_space<vmem>> -> memref<1x256x64xf32, #tpu.memory_space<vmem>>
    %dma_wait3A_170 = tpu.memref_squeeze %dma_wait3A_169 : memref<1x256x64xf32, #tpu.memory_space<vmem>> -> memref<256x64xf32, #tpu.memory_space<vmem>>
    %dma_wait3A_171 = arith.constant 64 : i32
    %dma_wait3A_172 = tpu.memref_slice %arg5[%mul3A_165, %dma_wait3A_171] : memref<320000x128xf32, #tpu.memory_space<hbm>> -> memref<256x64xf32, #tpu.memory_space<hbm>>
    %dma_wait3A_173 = arith.constant 64 : i32
    %dma_wait3A_174 = tpu.memref_slice %arg5[%mul3A_165, %dma_wait3A_173] : memref<320000x128xf32, #tpu.memory_space<hbm>> -> memref<256x64xf32, #tpu.memory_space<hbm>>
    %dma_wait3A_175 = arith.constant 0 : i32
    %dma_wait3A_176 = arith.constant 0 : i32
    %dma_wait3A_177 = tpu.memref_slice %arg8[%dma_wait3A_166, %dma_wait3A_175, %dma_wait3A_176] : memref<2x256x64xf32, #tpu.memory_space<vmem>> -> memref<1x256x64xf32, #tpu.memory_space<vmem>>
    %dma_wait3A_178 = tpu.memref_squeeze %dma_wait3A_177 : memref<1x256x64xf32, #tpu.memory_space<vmem>> -> memref<256x64xf32, #tpu.memory_space<vmem>>
    tpu.wait_dma2 semaphore(%arg15 : memref<!tpu.dma_semaphore, #tpu.memory_space<semaphore_mem>>) src(%dma_wait3A_178 : memref<256x64xf32, #tpu.memory_space<vmem>>) dst(%dma_wait3A_174 : memref<256x64xf32, #tpu.memory_space<hbm>>)
    return
  }
}

module attributes {stable_mosaic.version = 14 : i64} {
  func.func @_update_body(%arg0: i32, %arg1: memref<2000x128xf32, #tpu.memory_space<vmem>>, %arg2: memref<2x2000x128xf32, #tpu.memory_space<vmem>>, %arg3: memref<2x2000x1xf32, #tpu.memory_space<vmem>>, %arg4: memref<64x128xf32, #tpu.memory_space<vmem>>, %arg5: memref<1x64xf32, #tpu.memory_space<vmem>>, %arg6: memref<2000x64xf32, #tpu.memory_space<vmem>>) attributes {dimension_semantics = [#tpu.dimension_semantics<arbitrary>], iteration_bounds = array<i64: 5>, scalar_prefetch = 0 : i64, scratch_operands = 0 : i64, tpu.core_type = #tpu.core_type<tc>, window_params = [{transform_indices = @transform_0, window_bounds = array<i64: 2000, 128>}, {transform_indices = @transform_1, window_bounds = array<i64: 2, 2000, 128>}, {transform_indices = @transform_2, window_bounds = array<i64: 2, 2000, 1>}, {pipeline_mode = #tpu.pipeline_mode<synchronous>, transform_indices = @transform_3, window_bounds = array<i64: 64, 128>}, {pipeline_mode = #tpu.pipeline_mode<synchronous>, transform_indices = @transform_4, window_bounds = array<i64: 1, 64>}, {transform_indices = @transform_5, window_bounds = array<i64: 2000, 64>}]} {
    %get3A = arith.constant 0 : index
    %get3A_0 = arith.constant 0 : index
    %get3A_1 = arith.constant 0 : index
    %get3A_2 = vector.load %arg2[%get3A, %get3A_0, %get3A_1] : memref<2x2000x128xf32, #tpu.memory_space<vmem>>, vector<1x2000x128xf32>
    %get3A_3 = vector.shape_cast %get3A_2 : vector<1x2000x128xf32> to vector<2000x128xf32>
    %get3A_4 = arith.constant 1 : index
    %get3A_5 = arith.constant 0 : index
    %get3A_6 = arith.constant 0 : index
    %get3A_7 = vector.load %arg2[%get3A_4, %get3A_5, %get3A_6] : memref<2x2000x128xf32, #tpu.memory_space<vmem>>, vector<1x2000x128xf32>
    %get3A_8 = vector.shape_cast %get3A_7 : vector<1x2000x128xf32> to vector<2000x128xf32>
    %add3A = arith.addf %get3A_3, %get3A_8 : vector<2000x128xf32>
    %get3A_9 = arith.constant 0 : index
    %get3A_10 = arith.constant 0 : index
    %get3A_11 = arith.constant 0 : index
    %get3A_12 = vector.load %arg3[%get3A_9, %get3A_10, %get3A_11] : memref<2x2000x1xf32, #tpu.memory_space<vmem>>, vector<1x2000x1xf32>
    %get3A_13 = vector.shape_cast %get3A_12 : vector<1x2000x1xf32> to vector<2000x1xf32>
    %get3A_14 = arith.constant 1 : index
    %get3A_15 = arith.constant 0 : index
    %get3A_16 = arith.constant 0 : index
    %get3A_17 = vector.load %arg3[%get3A_14, %get3A_15, %get3A_16] : memref<2x2000x1xf32, #tpu.memory_space<vmem>>, vector<1x2000x1xf32>
    %get3A_18 = vector.shape_cast %get3A_17 : vector<1x2000x1xf32> to vector<2000x1xf32>
    %add3A_19 = arith.addf %get3A_13, %get3A_18 : vector<2000x1xf32>
    %max3A = arith.constant 1.000000e+00 : f32
    %max3A_20 = vector.broadcast %max3A : f32 to vector<2000x1xf32>
    %max3A_21 = arith.maximumf %add3A_19, %max3A_20 : vector<2000x1xf32>
    %div3A = vector.broadcast %max3A_21 : vector<2000x1xf32> to vector<2000x128xf32>
    %div3A_22 = arith.divf %add3A, %div3A : vector<2000x128xf32>
    %get3A_23 = arith.constant 0 : index
    %get3A_24 = arith.constant 0 : index
    %get3A_25 = vector.load %arg1[%get3A_23, %get3A_24] : memref<2000x128xf32, #tpu.memory_space<vmem>>, vector<2000x128xf32>
    %add3A_26 = arith.addf %get3A_25, %div3A_22 : vector<2000x128xf32>
    %mul3A = arith.constant 5.000000e-01 : f32
    %mul3A_27 = vector.broadcast %mul3A : f32 to vector<2000x128xf32>
    %mul3A_28 = arith.mulf %add3A_26, %mul3A_27 : vector<2000x128xf32>
    %get3A_29 = arith.constant 0 : index
    %get3A_30 = arith.constant 0 : index
    %get3A_31 = vector.load %arg4[%get3A_29, %get3A_30] : memref<64x128xf32, #tpu.memory_space<vmem>>, vector<64x128xf32>
    %dot_general3A = arith.constant dense<0.000000e+00> : vector<2000x64xf32>
    %dot_general3A_32 = tpu.matmul %mul3A_28, %get3A_31, %dot_general3A {dimension_numbers = #tpu.dot_dimension_numbers<[1], [1], [0], [0], [0, 0, 1, 0], [], []>, transpose_lhs_hint = false} : vector<2000x128xf32>, vector<64x128xf32>, vector<2000x64xf32> -> vector<2000x64xf32>
    %get3A_33 = arith.constant 0 : index
    %get3A_34 = arith.constant 0 : index
    %get3A_35 = vector.load %arg5[%get3A_33, %get3A_34] : memref<1x64xf32, #tpu.memory_space<vmem>>, vector<1x64xf32>
    %add3A_36 = vector.broadcast %get3A_35 : vector<1x64xf32> to vector<2000x64xf32>
    %add3A_37 = arith.addf %dot_general3A_32, %add3A_36 : vector<2000x64xf32>
    %logistic3A = arith.negf %add3A_37 : vector<2000x64xf32>
    %logistic3A_38 = math.exp %logistic3A : vector<2000x64xf32>
    %logistic3A_39 = arith.constant 1.000000e+00 : f32
    %logistic3A_40 = vector.broadcast %logistic3A_39 : f32 to vector<2000x64xf32>
    %logistic3A_41 = arith.addf %logistic3A_40, %logistic3A_38 : vector<2000x64xf32>
    %logistic3A_42 = arith.divf %logistic3A_40, %logistic3A_41 : vector<2000x64xf32>
    %swap3A = arith.constant 0 : index
    %swap3A_43 = arith.constant 0 : index
    %swap3A_44 = vector.load %arg6[%swap3A, %swap3A_43] : memref<2000x64xf32, #tpu.memory_space<vmem>>, vector<2000x64xf32>
    tpu.vector_store %arg6[%swap3A, %swap3A_43], %logistic3A_42 {strides = array<i32>} : memref<2000x64xf32, #tpu.memory_space<vmem>>, vector<2000x64xf32>,
    return
  }
  func.func @transform_0(%arg0: i32) -> (i32, i32) {
    %c0_i32 = arith.constant 0 : i32
    %c0_i32_0 = arith.constant 0 : i32
    return %arg0, %c0_i32 : i32, i32
  }
  func.func @transform_1(%arg0: i32) -> (i32, i32, i32) {
    %c0_i32 = arith.constant 0 : i32
    %c0_i32_0 = arith.constant 0 : i32
    %c0_i32_1 = arith.constant 0 : i32
    return %c0_i32, %arg0, %c0_i32_0 : i32, i32, i32
  }
  func.func @transform_2(%arg0: i32) -> (i32, i32, i32) {
    %c0_i32 = arith.constant 0 : i32
    %c0_i32_0 = arith.constant 0 : i32
    %c0_i32_1 = arith.constant 0 : i32
    return %c0_i32, %arg0, %c0_i32_0 : i32, i32, i32
  }
  func.func @transform_3(%arg0: i32) -> (i32, i32) {
    %c0_i32 = arith.constant 0 : i32
    %c0_i32_0 = arith.constant 0 : i32
    %c0_i32_1 = arith.constant 0 : i32
    return %c0_i32, %c0_i32_0 : i32, i32
  }
  func.func @transform_4(%arg0: i32) -> (i32, i32) {
    %c0_i32 = arith.constant 0 : i32
    %c0_i32_0 = arith.constant 0 : i32
    %c0_i32_1 = arith.constant 0 : i32
    return %c0_i32, %c0_i32_0 : i32, i32
  }
  func.func @transform_5(%arg0: i32) -> (i32, i32) {
    %c0_i32 = arith.constant 0 : i32
    %c0_i32_0 = arith.constant 0 : i32
    return %arg0, %c0_i32 : i32, i32
  }
}

</mosaic_0001>

<sc_bundles>
// kernel: kernel.5.cloned.1.call-start
scs
__scs_entry_jumppad:
0x0: {  	(pc) =	sbr.rel $0x88, $3  }
0x1: {  	(tag) =	ssettag $0x0;
	lr =	simm.s32 $0x1  }
0x2: {  	[smem:$0x3F9C] =	sst lr;
	_ =	strace $0xD0000000  }
0x3: {  	_ = 	snop  }
0x4: {  	_ = 	snop  }
0x5: {  	_ = 	snop  }
0x6: {  	_ = 	snop  }
0x7: {  	_ = 	snop  }
__scs_overlays_trampoline_lowered:
0x8: {  	[smem:$0x3FAB] =	sst s0  }
0x9: {  	[smem:$0x3FAC] =	sst s1  }
0xa: {  	[smem:$0x3FAD] =	sst s2  }
0xb: {  	[smem:$0x3FAE] =	sst s3  }
0xc: {  	[smem:$0x3FAF] =	sst s4  }
0xd: {  	[smem:$0x3FB0] =	sst s5  }
0xe: {  	[smem:$0x3FB1] =	sst s6  }
0xf: {  	[smem:$0x3FB2] =	sst s7  }
0x10: {  	[smem:$0x3FB3] =	sst s8  }
0x11: {  	[smem:$0x3FB4] =	sst s9;
	s0 =	simm.s32 @!p0 $0x0  }
0x12: {  	s1 =	sld [smem:$0x3F9A];
	s0 =	simm.s32 @p0 $0x1  }
0x13: {  	[smem:$0x3FB5] =	sst s0;
	s0 =	simm.s32 @!p1 $0x0  }
0x14: {  	s2 =	sld [smem:$0x3F99];
	s0 =	simm.s32 @p1 $0x1  }
0x15: {  	[smem:$0x3FB6] =	sst s0;
	s0 =	simm.s32 @!p2 $0x0  }
0x16: {  	s3 =	sld [smem:$0x3FDB];
	s0 =	simm.s32 @p2 $0x1  }
0x17: {  	s4 =	simm.s32 $0x1BF5;
	[smem:$0x3FB8] =	sst s0  }
0x18: {  	s0 =	sld [smem:$0x3F9B];
	_ =	swait.ge [sflag:s4], $0x0  }
0x19: {  	s7 =	sld [smem:$0x3F9C]  }
0x1a: {  	s8 =	sadd.s32 $0xFFFFE003, lr  }
0x1b: {  	s9 =	sadd.s32 $0xFFFFFEF7, lr;
	s5 =	simm.s32 $0xFFFFFFFF;
	p2 =	slt.u32 s8, $0xFFFFF086  }
0x1c: {  	p1 =	slt.u32 s9, $0xF7A;
	s5 =	simm.s32 @!p2 $0x0  }
0x1d: {  	s5 =	simm.s32 @p1 $0x1;
	p0 =	seq.s32 s7, s2  }
0x1e: {  	s7 =	smul.u32 @!p0 $0xF7A, s2;
	p2 =	seq.s32 @!p0 s5, $0x0  }
0x1f: {  	s9 =	smul.u32 $0xF7A, s1;
	s8 =	simm.s32 @!p0 $0x1BF5;
	p2 =	por !p2, p0  }
0x20: {  	[sflag:s8] =	ssyncset.s32 @!p0 $0xFFFFF086;
	s6 =	sadd.s32 @!p0 s3, s7;
	s7 =	simm.s32 @!p0 $0x108  }
0x21: {  	s3 =	sadd.s32 s3, s9;
	s6 =	sadd.s32 @!p0 $0x88, s6;
	s7 =	simm.s32 @p2 $0x1082  }
0x22: {  	[simem:s7], [sflag:s8] =	dma.local @!p0 [hbm:s6], $0xF7A  }
0x23: {  	s9 =	sor.u32 $0xD0000000, s2;
	s6 =	simm.s32 $0x108;
	_ =	swait.ge @!p0 [sflag:s8], $0x0  }
0x24: {  	s3 =	sadd.s32 $0x88, s3;
	s6 =	simm.s32 @!p1 $0x1082;
	[sflag:s4] =	ssyncset.s32 $0xFFFFF086  }
0x25: {  	[simem:s6], [sflag:s4] =	dma.local [hbm:s3], $0xF7A  }
0x26: {  	[smem:$0x3F9C] =	sst s1;
	(tag) =	ssettag s2;
	_ =	strace s9  }
0x27: {  	s1 =	sld [smem:$0x3FAC]  }
0x28: {  	s2 =	sld [smem:$0x3FAD]  }
0x29: {  	s4 =	sld [smem:$0x3FAF]  }
0x2a: {  	p0 =	seq.s32 s5, $0x0;
	s5 =	sld [smem:$0x3FB0]  }
0x2b: {  	s6 =	sld [smem:$0x3FB1]  }
0x2c: {  	s7 =	sld [smem:$0x3FB2]  }
0x2d: {  	s3 =	simm.s32 $0x108;
	s8 =	sld [smem:$0x3FB3]  }
0x2e: {  	s3 =	simm.s32 @!p0 $0x1082;
	s9 =	sld [smem:$0x3FB4]  }
0x2f: {  	lr =	sadd.s32 s0, s3;
	s0 =	sld [smem:$0x3FAB]  }
0x30: {  	s3 =	sld [smem:$0x3FAE]  }
0x31: {  	[smem:$0x3FB7] =	sst s10  }
0x32: {  	s10 =	sld [smem:$0x3FB5];
	_ =	sdelay $0x3  }
0x33: {  	p0 =	seq.s32 s10, $0x1;
	s10 =	sld [smem:$0x3FB7];
	_ =	sdelay $0x3  }
0x34: {  	[smem:$0x3FB7] =	sst s10  }
0x35: {  	s10 =	sld [smem:$0x3FB6];
	_ =	sdelay $0x3  }
0x36: {  	p1 =	seq.s32 s10, $0x1;
	s10 =	sld [smem:$0x3FB7];
	_ =	sdelay $0x3  }
0x37: {  	[smem:$0x3FB7] =	sst s10  }
0x38: {  	s10 =	sld [smem:$0x3FB8]  }
0x39: {  	_ = 	snop;
	(pc) =	sbr.ind lr, $3  }
0x3a: {  	_ = 	snop  }
0x3b: {  	_ = 	snop  }
0x3c: {  	p2 =	seq.s32 s10, $0x1;
	s10 =	sld [smem:$0x3FB7]  }
0x3d: {  	_ =	shalt  }
0x3e: {  	_ =	shalt  }
0x3f: {  	_ =	shalt  }
0x40: {  	_ =	shalt  }
0x41: {  	_ =	shalt  }
0x42: {  	_ =	shalt  }
0x43: {  	_ =	shalt  }
0x44: {  	_ =	shalt  }
0x45: {  	_ =	shalt  }
0x46: {  	_ =	shalt  }
0x47: {  	_ =	shalt  }
0x48: {  	_ =	shalt  }
0x49: {  	_ =	shalt  }
0x4a: {  	_ =	shalt  }
0x4b: {  	_ =	shalt  }
0x4c: {  	_ =	shalt  }
0x4d: {  	_ =	shalt  }
0x4e: {  	_ =	shalt  }
0x4f: {  	_ =	shalt  }
0x50: {  	_ =	shalt  }
0x51: {  	_ =	shalt  }
0x52: {  	_ =	shalt  }
0x53: {  	_ =	shalt  }
0x54: {  	_ =	shalt  }
0x55: {  	_ =	shalt  }
0x56: {  	_ =	shalt  }
0x57: {  	_ =	shalt  }
0x58: {  	_ =	shalt  }
0x59: {  	_ =	shalt  }
0x5a: {  	_ =	shalt  }
0x5b: {  	_ =	shalt  }
0x5c: {  	_ =	shalt  }
0x5d: {  	_ =	shalt  }
0x5e: {  	_ =	shalt  }
0x5f: {  	_ =	shalt  }
0x60: {  	_ =	shalt  }
0x61: {  	_ =	shalt  }
0x62: {  	_ =	shalt  }
0x63: {  	_ =	shalt  }
0x64: {  	_ =	shalt  }
0x65: {  	_ =	shalt  }
0x66: {  	_ =	shalt  }
0x67: {  	_ =	shalt  }
0x68: {  	_ =	shalt  }
0x69: {  	_ =	shalt  }
0x6a: {  	_ =	shalt  }
0x6b: {  	_ =	shalt  }
0x6c: {  	_ =	shalt  }
0x6d: {  	_ =	shalt  }
0x6e: {  	_ =	shalt  }
0x6f: {  	_ =	shalt  }
0x70: {  	_ =	shalt  }
0x71: {  	_ =	shalt  }
0x72: {  	_ =	shalt  }
0x73: {  	_ =	shalt  }
0x74: {  	_ =	shalt  }
0x75: {  	_ =	shalt  }
0x76: {  	_ =	shalt  }
0x77: {  	_ =	shalt  }
0x78: {  	_ =	shalt  }
0x79: {  	_ =	shalt  }
0x7a: {  	_ =	shalt  }
0x7b: {  	_ =	shalt  }
0x7c: {  	_ =	shalt  }
0x7d: {  	_ =	shalt  }
0x7e: {  	_ =	shalt  }
0x7f: {  	_ =	shalt  }
0x80: {  	_ =	shalt  }
0x81: {  	_ =	shalt  }
0x82: {  	_ =	shalt  }
0x83: {  	_ =	shalt  }
0x84: {  	_ =	shalt  }
0x85: {  	_ =	shalt  }
0x86: {  	_ =	shalt  }
0x87: {  	_ =	shalt  }
.Lfunc_end0:
.L_simem_size_0:
called_computation_lowered:
.L_overlay_start_0:
0x88: {  	s2 =	sld [smem:$0x3FD9]  }
0x89: {  	s3 =	sld [smem:$0x3FFE];
	_ =	sdelay $0x1  }
0x8a: {  	s1 =	srdreg.scid  }
0x8b: {  	s0 =	sand.u32 $0x1, s1  }
0x8c: {  	s17 =	sshll.u32 s0, $0xA;
	s2 =	sadd.s32 s3, s2  }
0x8d: {  	s2 =	sadd.s32 s2, s17  }
0x8e: {  	[smem:$0x3FC3] =	sst s2  }
0x8f: {  	_ = 	snop  }
0x90: {  	s2 =	sld [smem:$0x3FC8]  }
0x91: {  	s18 =	sld [smem:$0x3FD0];
	(tm) =	ssettm $0x1  }
0x92: {  	s4 =	sld [smem:$0x3FFB];
	_ =	sdelay $0x3  }
0x93: {  	_ =	strace s4  }
0x94: {  	s4 =	sld [smem:$0x3FFC];
	_ =	sdelay $0x3  }
0x95: {  	_ =	strace s4  }
0x96: {  	s4 =	sld [smem:$0x3FFD];
	_ =	sdelay $0x3  }
0x97: {  	_ =	strace s4  }
0x98: {  	_ =	strace $0x8FFFFFFF  }
0x99: {  	s19 =	sld [smem:$0x3FDB];
	_ =	sdelay $0x1  }
0x9a: {  	s5 =	simm.s32 $_scs_section_size  }
0x9b: {  	s6 =	simm.s32 $_size__tile_overlayer_lowered;
	s7 =	simm.s32 $_tile_overlayer_lowered  }
0x9c: {  	s22 =	simm.s32 $0x1BFF;
	s21 =	sshll.u32 s7, $0x1;
	s4 =	sadd.s32 s5, s19  }
0x9d: {  	s8 =	simm.s32 $0x0;
	s20 =	sshll.u32 s6, $0x1;
	s6 =	sadd.s32 s21, s4  }
0x9e: {  	[timem:s8], [sflag:s22] =	dma.local [hbm:s6], s20  }
0x9f: {  	_ =	swait.ge [sflag:s22], s20  }
0xa0: {  	s5 =	ssub.s32 $0x0, s20;
	[sflag:s22] =	ssyncset.done $0x0  }
0xa1: {  	[sflag:s22] =	ssyncadd.s32 s5;
	_ =	sdelay $0x1  }
0xa2: {  	s23 =	simm.s32 $0x1B8B  }
0xa3: {  	_ =	swait.ge [sflag:s23], $0x1  }
0xa4: {  	[sflag:s23] =	ssyncset.done $0x0  }
0xa5: {  	s25 =	simm.s32 $0x1B8E;
	s24 =	sld [smem:$0x3FFE];
	[sflag:s23] =	ssyncadd.s32 $0xFFFFFFFF  }
0xa6: {  	s26 =	simm.s32 $execute0_lowered;
	[smem:$0x3FD2] =	sst s25  }
0xa7: {  	s6 =	sshll.u32 s26, $0x1;
	_ =	strace $0x80000046;
	[dreg:$0x1] =	wrdreg $0xFFFFFFFF  }
0xa8: {  	s28 =	simm.s32 $_size_execute0_lowered;
	s4 =	sadd.s32 s4, s6;
	[dreg:$0x0] =	wrdreg $0x0  }
0xa9: {  	s6 =	sshll.u32 s28, $0x1;
	[dreg:$0x2] =	wrdreg s4  }
0xaa: {  	[dreg:$0x3] =	wrdreg s6  }
0xab: {  	[dreg:$0x4] =	wrdreg $0xC0  }
0xac: {  	_ =	task [dreg:s8], $0x5FFFF  }
0xad: {  	[dreg:$0x1] =	wrdreg $0xFFFFFFFF  }
0xae: {  	[dreg:$0x0] =	wrdreg $0x60  }
0xaf: {  	[dreg:$0x2] =	wrdreg s2  }
0xb0: {  	[dreg:$0x3] =	wrdreg s18  }
0xb1: {  	[dreg:$0x4] =	wrdreg s24  }
0xb2: {  	[dreg:$0x5] =	wrdreg $0x0  }
0xb3: {  	[dreg:$0x6] =	wrdreg $0x138800  }
0xb4: {  	[dreg:$0x7] =	wrdreg $0x9  }
0xb5: {  	_ =	task.clear_ibuf [dreg:s8], $0x8FFFF;
	_ =	strace $0x90000046  }
0xb6: {  	s29 =	simm.s32 $0x9;
	_ =	strace $0x80000048  }
0xb7: {  	_ =	swait.ge [sflag:s29], $0x1  }
0xb8: {  	[sflag:s29] =	ssyncadd.s32 $0xFFFFFFFF  }
0xb9: {  	_ =	strace $0x90000048  }
0xba: {  	_ =	sfence  }
0xbb: {  	s30 =	sld [smem:$0x0];
	_ =	sdelay $0x2  }
0xbc: {  	s31 =	sshll.u32 s1, $0xD;
	s1 =	sshrl.u32 s1, $0x2  }
0xbd: {  	s3 =	sand.u32 $0x4000, s31;
	s1 =	sadd.s32 s1, s30  }
0xbe: {  	s0 =	sor.u32 s3, s0;
	s1 =	sshll.u32 s1, $0x11  }
0xbf: {  	s0 =	sor.u32 s1, s0  }
0xc0: {  	s0 =	sadd.s32 $0x8F2B, s0  }
0xc1: {  	[sflag:s0] =	ssyncadd.remote.s32 $0x1  }
0xc2: {  	_ =	sfence.sel $0xFFFF  }
0xc3: {  	[dreg:$0x0] =	wrdreg $0xFFFFFFFF;
	(pc) =	sbr.abs _section_cstart, $3  }
0xc4: {  	[dreg:$0x1] =	wrdreg $0xFFFFFFFF  }
0xc5: {  	_ =	task.clear_ibuf [dreg:s8], $0x2FFFF;
	_ =	strace $0x9FFFFFFF  }
0xc6: {  	(tm) =	ssettm $0x7FFFFFFF  }
0xc7: {  	_ =	shalt  }
tec
execute0_lowered:
.L_overlay_start_1:
0x0: {  	(tag) =	ssettag $0x1  }
0x1: {  	s3 =	rddreg [dreg:$0x0]  }
0x2: {  	s0 =	rddreg [dreg:$0x1]  }
0x3: {  	s6 =	rddreg [dreg:$0x2]  }
0x4: {  	s1 =	rddreg [dreg:$0x3];
	s4 =	simm.s32 $0x0;
	s20 =	stileid.u32  }
0x5: {  	s7 =	srdreg.scid;
	s28 =	simm.s32 $0x13AF8;
	s8 =	smul.u32 $0x4F000, s20  }
0x6: {  	s29 =	simm.s32 $0x1BAF8;
	s30 =	simm.s32 $0x17AF8;
	s11 =	smul.u32 $0x9E0, s20  }
0x7: {  	s31 =	simm.s32 $0x1BB78;
	[smem:$0x7FF] =	sst s4;
	s14 =	smul.u32 $0x270, s20  }
0x8: {  	s5 =	sadd.s32 $0x1C00, s6;
	s7 =	sand.u32 $0x1, s7;
	s16 =	smul.u32 $0x13C00, s20  }
0x9: {  	s10 =	sadd.s32 $0x4E00, s6;
	s6 =	sadd.s32 $0x4400, s6;
	s18 =	smul.u32 $0x278, s20  }
0xa: {  	s2 =	rddreg [dreg:$0x4];
	_ =	strace $0x80000047;
	s26 =	smul.u32 $0x138800, s7  }
0xb: {  	s9 =	ssub.s32 $0x2, s7;
	s13 =	sshll.u32 s7, $0x4;
	s19 =	smul.u32 $0x2710, s7  }
0xc: {  	s12 =	sshrl.u32 s9, $0x1;
	s13 =	sor.u32 s20, s13;
	s8 =	sshrl.u32 s8, $0x2  }
0xd: {  	s22 =	sshrl.u32 s11, $0x2;
	s11 =	sadd.s32 $0x10, s14;
	s12 =	ssub.s32 s9, s12  }
0xe: {  	s8 =	sadd.s32 s8, s1;
	s23 =	sadd.s32 s22, s2;
	s24 =	sshll.u32 s11, $0x7  }
0xf: {  	s9 =	sadd.s32 s11, s2;
	p0 =	slt.u32 s13, $0x4;
	s15 =	sshll.u32 s13, $0xB  }
0x10: {  	s17 =	sshll.u32 s13, $0x4;
	s21 =	sadd.s32 s16, s26;
	s13 =	sshll.u32 s13, $0x7  }
0x11: {  	s22 =	sadd.s32 s18, s19;
	s11 =	sadd.s32 s19, s11;
	[dreg:$0x7] =	wrdreg s8  }
0x12: {  	s16 =	sshll.u32 s7, $0xF;
	s19 =	sshll.u32 s20, $0x7;
	[dreg:$0x8] =	wrdreg s23  }
0x13: {  	s25 =	sadd.s32 s24, s1;
	s15 =	sadd.s32 s3, s15;
	s17 =	sadd.s32 s0, s17  }
0x14: {  	s23 =	sshrl.u32 s22, $0x3;
	s8 =	sadd.s32 s26, s24;
	[dreg:$0x9] =	wrdreg s25  }
0x15: {  	s26 =	sor.u32 $0x1000, s13;
	[dreg:$0xa] =	wrdreg s15;
	s15 =	simm.s32 $0x4E0000  }
0x16: {  	[dreg:$0xb] =	wrdreg s17;
	s24 =	sadd.s32 s6, s23;
	s8 =	sshrl.u32 s8, $0x3  }
0x17: {  	s25 =	sshrl.u32 s11, $0x3;
	s11 =	sor.u32 $0x2000, s13;
	s13 =	sshrl.u32 s26, $0x3  }
0x18: {  	s17 =	sshll.u32 s7, $0xB;
	s7 =	simm.s32 $0x1BBF8;
	s15 =	simm.s32 @!p0 $0x4C0000  }
0x19: {  	[dreg:$0xd] =	wrdreg s24;
	s8 =	sadd.s32 s10, s8;
	s6 =	sadd.s32 s6, s25  }
0x1a: {  	s14 =	sshll.u32 s11, $0x4;
	s24 =	sadd.s32 s18, s2;
	[dreg:$0x6] =	wrdreg s15  }
0x1b: {  	s25 =	sshll.u32 s20, $0x6;
	s15 =	sshrl.u32 s21, $0x3;
	[dreg:$0xe] =	wrdreg s8  }
0x1c: {  	[dreg:$0xf] =	wrdreg s6;
	s8 =	sshll.u32 s26, $0x4;
	s21 =	sshll.u32 s20, $0xB  }
0x1d: {  	[dreg:$0x16] =	wrdreg s24;
	s26 =	smax.u32 s12, $0x1;
	s12 =	simm.s32 $0x0  }
0x1e: {  	s15 =	sadd.s32 s10, s15;
	s6 =	sadd.s32 s3, s8;
	[dreg:$0x17] =	wrdreg s26  }
0x1f: {  	s8 =	sshrl.u32 s11, $0x3;
	s26 =	sor.u32 $0x1C05, s25;
	[dreg:$0xc] =	wrdreg s15  }
0x20: {  	s10 =	simm.s32 $0x2;
	s11 =	simm.s32 $0x4;
	[dreg:$0x10] =	wrdreg s6  }
0x21: {  	s6 =	sadd.s32 s0, s13;
	s15 =	sadd.s32 s3, s14;
	s3 =	sadd.s32 s16, s3  }
0x22: {  	s23 =	sadd.s32 s0, s8;
	s8 =	simm.s32 $0x3;
	[dreg:$0x11] =	wrdreg s6  }
0x23: {  	[dreg:$0x12] =	wrdreg s15;
	s6 =	sor.u32 s19, s17;
	s19 =	sadd.s32 s21, s3  }
0x24: {  	[dreg:$0x13] =	wrdreg s23;
	s23 =	simm.s32 $0x4F;
	s22 =	sor.u32 $0x3000, s6  }
0x25: {  	s6 =	sor.u32 $0x4000, s6;
	s23 =	simm.s32 @!p0 $0x4E;
	s3 =	sshrl.u32 s22, $0x3  }
0x26: {  	p0 =	sgt.u32 s20, $0x1;
	s6 =	sshrl.u32 s6, $0x3;
	s3 =	sadd.s32 s3, s0  }
0x27: {  	s0 =	sadd.s32 s6, s0;
	s6 =	simm.s32 $0x5;
	[dreg:$0x14] =	wrdreg s3  }
0x28: {  	v0 =	vimm.f32 $1.000000000e+00;
	v1 =	vimm.f32 $0.0e+00;
	[dreg:$0x15] =	wrdreg s0;
	s0 =	simm.s32 $0x1;
	s3 =	simm.s32 $0x80  }
.LBB2_1:
0x29: {  	[tilespmem:$0x1BBF8] =	vst v0  }
0x2a: {  	[tilespmem:$0x1BC08] =	vst v0  }
0x2b: {  	[tilespmem:$0x1BC18] =	vst v0  }
0x2c: {  	[tilespmem:$0x1BC28] =	vst v0  }
0x2d: {  	[tilespmem:$0x1BC38] =	vst v0  }
0x2e: {  	[tilespmem:$0x1BC48] =	vst v0  }
0x2f: {  	[tilespmem:$0x1BC58] =	vst v0  }
0x30: {  	[tilespmem:$0x1BC68] =	vst v0  }
0x31: {  	[tilespmem:$0x1BC78] =	vst v1  }
0x32: {  	[tilespmem:$0x1BC88] =	vst v1  }
0x33: {  	[tilespmem:$0x1BC98] =	vst v1  }
0x34: {  	[tilespmem:$0x1BCA8] =	vst v1  }
0x35: {  	[tilespmem:$0x1BCB8] =	vst v1  }
0x36: {  	[tilespmem:$0x1BCC8] =	vst v1  }
0x37: {  	[tilespmem:$0x1BCD8] =	vst v1  }
0x38: {  	[tilespmem:$0x1BCE8] =	vst v1  }
0x39: {  	[tilespmem:$0x1BCF8] =	vst v1  }
0x3a: {  	[tilespmem:$0x1BD08] =	vst v1  }
0x3b: {  	[tilespmem:$0x1BD18] =	vst v1  }
0x3c: {  	[tilespmem:$0x1BD28] =	vst v1  }
0x3d: {  	[tilespmem:$0x1BD38] =	vst v1  }
0x3e: {  	[tilespmem:$0x1BD48] =	vst v1  }
0x3f: {  	[tilespmem:$0x1BD58] =	vst v1  }
0x40: {  	[tilespmem:$0x1BD68] =	vst v1  }
0x41: {  	[tilespmem:$0x1BD78] =	vst v1  }
0x42: {  	[tilespmem:$0x1BD88] =	vst v1  }
0x43: {  	[tilespmem:$0x1BD98] =	vst v1  }
0x44: {  	[tilespmem:$0x1BDA8] =	vst v1  }
0x45: {  	[tilespmem:$0x1BDB8] =	vst v1  }
0x46: {  	[tilespmem:$0x1BDC8] =	vst v1  }
0x47: {  	[tilespmem:$0x1BDD8] =	vst v1  }
0x48: {  	[tilespmem:$0x1BDE8] =	vst v1  }
0x49: {  	[tilespmem:$0x1BDF8] =	vst v1  }
0x4a: {  	[tilespmem:$0x1BE08] =	vst v1  }
0x4b: {  	[tilespmem:$0x1BE18] =	vst v1  }
0x4c: {  	[tilespmem:$0x1BE28] =	vst v1  }
0x4d: {  	[tilespmem:$0x1BE38] =	vst v1  }
0x4e: {  	[tilespmem:$0x1BE48] =	vst v1  }
0x4f: {  	[tilespmem:$0x1BE58] =	vst v1  }
0x50: {  	[tilespmem:$0x1BE68] =	vst v1  }
0x51: {  	[tilespmem:$0x1BE78] =	vst v1  }
0x52: {  	[tilespmem:$0x1BE88] =	vst v1  }
0x53: {  	[tilespmem:$0x1BE98] =	vst v1  }
0x54: {  	[tilespmem:$0x1BEA8] =	vst v1  }
0x55: {  	[tilespmem:$0x1BEB8] =	vst v1  }
0x56: {  	[tilespmem:$0x1BEC8] =	vst v1  }
0x57: {  	[tilespmem:$0x1BED8] =	vst v1;
	s13 =	rddreg [dreg:$0x9]  }
0x58: {  	[tilespmem:$0x1BEE8] =	vst v1;
	s14 =	sshrl.u32 @p0 s13, $0x3;
	s13 =	simm.s32 @p0 $0x5  }
0x59: {  	[spmem:s14], [sflag:s26] =	dma.local @p0 [hbm:s5], $0x2700  }
0x5a: {  	_ =	swait.ge @p0 [sflag:s13], $0x2700  }
0x5b: {  	[sflag:s13] =	ssyncset.done @p0 $0x0  }
0x5c: {  	s16 =	simm.s32 @p0 $0x1BC78;
	[sflag:s13] =	ssyncadd.s32 @p0 $0xFFFFD900  }
0x5d: {  	[spmem:s9] =	stream.linear.scatter @p0 [tilespmem:s16], [sflag:$0x5], $0x270, $0x38;
	[tilespmem:$0x1BEF8] =	vst v63  }
0x5e: {  	_ =	swait.ge @p0 [sflag:s13], $0x270  }
0x5f: {  	[sflag:s13] =	ssyncset.done @p0 $0x0  }
0x60: {  	[sflag:s13] =	ssyncadd.s32 @p0 $0xFFFFFD90;
	s13 =	rddreg [dreg:$0x7]  }
0x61: {  	s16 =	simm.s32 @!p0 $0x5;
	s13 =	sshrl.u32 @!p0 s13, $0x3  }
0x62: {  	[spmem:s13], [sflag:s26] =	dma.local @!p0 [hbm:s5], $0x2780  }
0x63: {  	_ =	swait.ge @!p0 [sflag:s16], $0x2780  }
0x64: {  	[sflag:s16] =	ssyncset.done @!p0 $0x0  }
0x65: {  	s18 =	simm.s32 @!p0 $0x1BC78;
	s15 =	rddreg [dreg:$0x8];
	[sflag:s16] =	ssyncadd.s32 @!p0 $0xFFFFD880  }
0x66: {  	[spmem:s15] =	stream.linear.scatter @!p0 [tilespmem:s18], [sflag:$0x5], $0x278, $0x38;
	[tilespmem:$0x1BEF8] =	vst v63  }
0x67: {  	_ =	swait.ge @!p0 [sflag:s16], $0x278  }
0x68: {  	[sflag:s16] =	ssyncset.done @!p0 $0x0  }
0x69: {  	[sflag:s16] =	ssyncadd.s32 @!p0 $0xFFFFFD88  }
0x6a: {  	[bflag:$0x0] =	sbarrier.arrive $0xFFFF  }
0x6b: {  	s18 =	rddreg [dreg:$0xa]  }
0x6c: {  	[tilespmem:s28], [sflag:$0x1] =	stream.linear.gather [hbm4b:s18+s4], $0x4000, $0x38;
	[tilespmem:$0x1BEF8] =	vst v63  }
0x6d: {  	s20 =	rddreg [dreg:$0xb]  }
0x6e: {  	[tilespmem:s29], [sflag:$0x1] =	stream.linear.gather [hbm4b:s20+s4], $0x80, $0x38;
	[tilespmem:$0x1BEF8] =	vst v63  }
0x6f: {  	s21 =	rddreg [dreg:$0x10]  }
0x70: {  	[tilespmem:s30], [sflag:$0x2] =	stream.linear.gather [hbm4b:s21+s4], $0x4000, $0x38;
	[tilespmem:$0x1BEF8] =	vst v63  }
0x71: {  	s22 =	rddreg [dreg:$0x11]  }
0x72: {  	[tilespmem:s31], [sflag:$0x2] =	stream.linear.gather [hbm4b:s22+s4], $0x80, $0x38;
	[tilespmem:$0x1BEF8] =	vst v63  }
0x73: {  	_ =	swait.ge [sflag:s0], $0x4000  }
0x74: {  	[sflag:s0] =	ssyncset.done $0x0  }
0x75: {  	[sflag:s0] =	ssyncadd.s32 $0xFFFFC000  }
0x76: {  	_ =	swait.ge [sflag:s0], $0x80  }
0x77: {  	[sflag:s0] =	ssyncset.done $0x0  }
0x78: {  	[sflag:s0] =	ssyncadd.s32 $0xFFFFFF80  }
0x79: {  	[spmem:s1] =	stream.indirect.scatter.add.f32 [tilespmem:s28], [sflag:$0x5], $0x80, s29, s3, $0xb8;
	[tilespmem:$0x1BEF8] =	vst v63  }
0x7a: {  	_ =	swait.ge [sflag:s6], $0x4000  }
0x7b: {  	[sflag:s6] =	ssyncset.done $0x0  }
0x7c: {  	[sflag:s6] =	ssyncadd.s32 $0xFFFFC000  }
0x7d: {  	[spmem:s2] =	stream.indirect.scatter.add.f32 [tilespmem:s7], [sflag:$0x3], $0x1, s29, s3, $0xb8;
	[tilespmem:$0x1BEF8] =	vst v63  }
0x7e: {  	_ =	swait.ge [sflag:s8], $0x80  }
0x7f: {  	[sflag:s8] =	ssyncset.done $0x0  }
0x80: {  	s24 =	rddreg [dreg:$0x12];
	[sflag:s8] =	ssyncadd.s32 $0xFFFFFF80  }
0x81: {  	[tilespmem:s28], [sflag:$0x1] =	stream.linear.gather [hbm4b:s24+s4], $0x4000, $0x38;
	[tilespmem:$0x1BEF8] =	vst v63  }
0x82: {  	s25 =	rddreg [dreg:$0x13]  }
0x83: {  	[tilespmem:s29], [sflag:$0x1] =	stream.linear.gather [hbm4b:s25+s4], $0x80, $0x38;
	[tilespmem:$0x1BEF8] =	vst v63  }
0x84: {  	_ =	swait.ge [sflag:s10], $0x4000  }
0x85: {  	[sflag:s10] =	ssyncset.done $0x0  }
0x86: {  	[sflag:s10] =	ssyncadd.s32 $0xFFFFC000  }
0x87: {  	_ =	swait.ge [sflag:s10], $0x80  }
0x88: {  	[sflag:s10] =	ssyncset.done $0x0  }
0x89: {  	[sflag:s10] =	ssyncadd.s32 $0xFFFFFF80  }
0x8a: {  	[spmem:s1] =	stream.indirect.scatter.add.f32 [tilespmem:s30], [sflag:$0x5], $0x80, s31, s3, $0xb8;
	[tilespmem:$0x1BEF8] =	vst v63  }
0x8b: {  	_ =	swait.ge [sflag:s6], $0x4000  }
0x8c: {  	s16 =	simm.s32 $0x4;
	[sflag:s6] =	ssyncset.done $0x0;
	s22 =	rddreg [dreg:$0x15]  }
0x8d: {  	s18 =	simm.s32 $0x0;
	s21 =	rddreg [dreg:$0x14];
	[sflag:s6] =	ssyncadd.s32 $0xFFFFC000  }
0x8e: {  	[spmem:s2] =	stream.indirect.scatter.add.f32 [tilespmem:s7], [sflag:$0x4], $0x1, s31, s3, $0xb8;
	[tilespmem:$0x1BEF8] =	vst v63  }
.LBB2_2:
0x8f: {  	s20 =	sadd.s32 $0xFFFFFFFF, s16  }
0x90: {  	p1 =	sge.u32 s20, s23  }
0x91: {  	s20 =	simm.s32 @!p1 $0x4  }
0x92: {  	_ =	swait.ge @!p1 [sflag:s20], $0x80  }
0x93: {  	[sflag:s20] =	ssyncset.done @!p1 $0x0  }
0x94: {  	[sflag:s20] =	ssyncadd.s32 @!p1 $0xFFFFFF80;
	s20 =	sadd.s32 @!p1 s18, s19  }
0x95: {  	s17 =	simm.s32 @!p1 $0x0;
	s15 =	simm.s32 @!p1 $0x17AF8;
	s20 =	sadd.s32 @!p1 $0x30000, s20  }
0x96: {  	[tilespmem:s15], [sflag:$0x2] =	stream.linear.gather @!p1 [hbm4b:s20+s17], $0x4000, $0x38;
	[tilespmem:$0x1BEF8] =	vst v63  }
0x97: {  	s20 =	simm.s32 @!p1 $0x1BB78  }
0x98: {  	[tilespmem:s20], [sflag:$0x2] =	stream.linear.gather @!p1 [hbm4b:s21+s17], $0x80, $0x38;
	[tilespmem:$0x1BEF8] =	vst v63  }
0x99: {  	_ =	swait.ge [sflag:s0], $0x4000  }
0x9a: {  	[sflag:s0] =	ssyncset.done $0x0  }
0x9b: {  	[sflag:s0] =	ssyncadd.s32 $0xFFFFC000  }
0x9c: {  	_ =	swait.ge [sflag:s0], $0x80  }
0x9d: {  	[sflag:s0] =	ssyncset.done $0x0  }
0x9e: {  	[sflag:s0] =	ssyncadd.s32 $0xFFFFFF80  }
0x9f: {  	[spmem:s1] =	stream.indirect.scatter.add.f32 [tilespmem:s28], [sflag:$0x5], $0x80, s29, s3, $0xb8;
	[tilespmem:$0x1BEF8] =	vst v63  }
0xa0: {  	p2 =	sge.u32 @!p1 s16, s23;
	_ =	swait.ge [sflag:s6], $0x4000  }
0xa1: {  	p2 =	por p2, p1;
	[sflag:s6] =	ssyncset.done $0x0  }
0xa2: {  	s17 =	simm.s32 @!p2 $0x3;
	[sflag:s6] =	ssyncadd.s32 $0xFFFFC000  }
0xa3: {  	[spmem:s2] =	stream.indirect.scatter.add.f32 [tilespmem:s7], [sflag:$0x3], $0x1, s29, s3, $0xb8;
	[tilespmem:$0x1BEF8] =	vst v63  }
0xa4: {  	_ =	swait.ge @!p2 [sflag:s17], $0x80  }
0xa5: {  	[sflag:s17] =	ssyncset.done @!p2 $0x0  }
0xa6: {  	[sflag:s17] =	ssyncadd.s32 @!p2 $0xFFFFFF80;
	s17 =	sadd.s32 @!p2 s18, s19  }
0xa7: {  	s24 =	simm.s32 @!p2 $0x0;
	s25 =	simm.s32 @!p2 $0x13AF8;
	s17 =	sadd.s32 @!p2 $0x40000, s17  }
0xa8: {  	[tilespmem:s25], [sflag:$0x1] =	stream.linear.gather @!p2 [hbm4b:s17+s24], $0x4000, $0x38;
	[tilespmem:$0x1BEF8] =	vst v63  }
0xa9: {  	s17 =	simm.s32 @!p2 $0x1BAF8  }
0xaa: {  	[tilespmem:s17], [sflag:$0x1] =	stream.linear.gather @!p2 [hbm4b:s22+s24], $0x80, $0x38;
	[tilespmem:$0x1BEF8] =	vst v63  }
0xab: {  	s17 =	simm.s32 @!p1 $0x2  }
0xac: {  	_ =	swait.ge @!p1 [sflag:s17], $0x4000  }
0xad: {  	[sflag:s17] =	ssyncset.done @!p1 $0x0  }
0xae: {  	[sflag:s17] =	ssyncadd.s32 @!p1 $0xFFFFC000  }
0xaf: {  	_ =	swait.ge @!p1 [sflag:s17], $0x80  }
0xb0: {  	[sflag:s17] =	ssyncset.done @!p1 $0x0  }
0xb1: {  	[sflag:s17] =	ssyncadd.s32 @!p1 $0xFFFFFF80;
	s17 =	simm.s32 @!p1 $0x80  }
0xb2: {  	[spmem:s1] =	stream.indirect.scatter.add.f32 @!p1 [tilespmem:s15], [sflag:$0x5], $0x80, s20, s17, $0xb8;
	[tilespmem:$0x1BEF8] =	vst v63  }
0xb3: {  	s15 =	simm.s32 @!p1 $0x5  }
0xb4: {  	_ =	swait.ge @!p1 [sflag:s15], $0x4000  }
0xb5: {  	s18 =	sadd.s32 $0x20000, s18;
	[sflag:s15] =	ssyncset.done @!p1 $0x0  }
0xb6: {  	s25 =	rddreg [dreg:$0x6];
	[sflag:s15] =	ssyncadd.s32 @!p1 $0xFFFFC000;
	s15 =	simm.s32 @!p1 $0x1BBF8  }
0xb7: {  	[spmem:s2] =	stream.indirect.scatter.add.f32 @!p1 [tilespmem:s15], [sflag:$0x4], $0x1, s20, s17, $0xb8;
	[tilespmem:$0x1BEF8] =	vst v63  }
0xb8: {  	p1 =	sne.s32 s25, s18  }
.Ltmp0:
0xb9: {  	_ = 	snop;
	(pc) =	sbr.rel @p1 .LBB2_2-.Ltmp0, $2  }
0xba: {  	_ =	sdelay $0x2  }
0xbb: {  	s16 =	sadd.s32 $0x2, s16;
	s21 =	sadd.s32 $0x400, s21;
	s22 =	sadd.s32 $0x400, s22  }
0xbc: {  	_ =	swait.ge [sflag:s8], $0x80  }
0xbd: {  	[sflag:s8] =	ssyncset.done $0x0  }
0xbe: {  	[sflag:s8] =	ssyncadd.s32 $0xFFFFFF80  }
0xbf: {  	_ =	swait.ge [sflag:s11], $0x80  }
0xc0: {  	[sflag:s11] =	ssyncset.done $0x0  }
0xc1: {  	[sflag:s11] =	ssyncadd.s32 $0xFFFFFF80  }
0xc2: {  	[bflag:$0x0] =	sbarrier.arrive $0xFFFF  }
0xc3: {  	s15 =	rddreg [dreg:$0xe]  }
0xc4: {  	[hbm:s15], [sflag:s26] =	dma.local @p0 [spmem:s14], $0x2700  }
0xc5: {  	s14 =	simm.s32 @p0 $0x5  }
0xc6: {  	_ =	swait.ge @p0 [sflag:s14], $0x2700  }
0xc7: {  	[sflag:s14] =	ssyncset.done @p0 $0x0  }
0xc8: {  	s15 =	simm.s32 @p0 $0x1BC78;
	[sflag:s14] =	ssyncadd.s32 @p0 $0xFFFFD900  }
0xc9: {  	[tilespmem:s15], [sflag:$0x5] =	stream.linear.gather @p0 [spmem:s9], $0x270, $0x38;
	[tilespmem:$0x1BEF8] =	vst v63  }
0xca: {  	_ =	swait.ge @p0 [sflag:s14], $0x270  }
0xcb: {  	[sflag:s14] =	ssyncset.done @p0 $0x0  }
0xcc: {  	s16 =	simm.s32 @p0 $0x0;
	s17 =	rddreg [dreg:$0xf];
	[sflag:s14] =	ssyncadd.s32 @p0 $0xFFFFFD90  }
0xcd: {  	[hbm4b:s17+s16] =	stream.linear.scatter @p0 [tilespmem:s15], [sflag:$0x5], $0x270, $0x38;
	[tilespmem:$0x1BEF8] =	vst v63  }
0xce: {  	_ =	swait.ge @p0 [sflag:s14], $0x270  }
0xcf: {  	[sflag:s14] =	ssyncset.done @p0 $0x0  }
0xd0: {  	[sflag:s14] =	ssyncadd.s32 @p0 $0xFFFFFD90;
	s14 =	rddreg [dreg:$0xc]  }
0xd1: {  	[hbm:s14], [sflag:s26] =	dma.local @!p0 [spmem:s13], $0x2780  }
0xd2: {  	s13 =	simm.s32 @!p0 $0x5  }
0xd3: {  	_ =	swait.ge @!p0 [sflag:s13], $0x2780  }
0xd4: {  	[sflag:s13] =	ssyncset.done @!p0 $0x0  }
0xd5: {  	s14 =	simm.s32 @!p0 $0x1BC78;
	s15 =	rddreg [dreg:$0x16];
	[sflag:s13] =	ssyncadd.s32 @!p0 $0xFFFFD880  }
0xd6: {  	[tilespmem:s14], [sflag:$0x5] =	stream.linear.gather @!p0 [spmem:s15], $0x278, $0x38;
	[tilespmem:$0x1BEF8] =	vst v63  }
0xd7: {  	_ =	swait.ge @!p0 [sflag:s13], $0x278  }
0xd8: {  	[sflag:s13] =	ssyncset.done @!p0 $0x0  }
0xd9: {  	s15 =	simm.s32 @!p0 $0x0;
	s16 =	rddreg [dreg:$0xd];
	[sflag:s13] =	ssyncadd.s32 @!p0 $0xFFFFFD88  }
0xda: {  	[hbm4b:s16+s15] =	stream.linear.scatter @!p0 [tilespmem:s14], [sflag:$0x5], $0x278, $0x38;
	[tilespmem:$0x1BEF8] =	vst v63  }
0xdb: {  	_ =	swait.ge @!p0 [sflag:s13], $0x278  }
0xdc: {  	s12 =	sadd.s32 $0x1, s12;
	s25 =	rddreg [dreg:$0x17]  }
0xdd: {  	p1 =	sne.s32 s12, s25  }
.Ltmp1:
0xde: {  	_ = 	snop;
	(pc) =	sbr.rel @p1 .LBB2_1-.Ltmp1, $3  }
0xdf: {  	_ =	sdelay $0x1  }
0xe0: {  	[sflag:s13] =	ssyncset.done @!p0 $0x0  }
0xe1: {  	[sflag:s13] =	ssyncadd.s32 @!p0 $0xFFFFFD88  }
0xe2: {  	_ =	sfence.sel $0x180000  }
0xe3: {  	[bflag:$0x0] =	sbarrier.arrive $0xFFFF  }
0xe4: {  	_ =	strace $0x90000047  }
0xe5: {  	s0 =	stileid.u32;
	[bflag:$0x2] =	sbarrier.arrive $0xFFFF  }
0xe6: {  	p0 =	sne.s32 s0, $0x0;
	s0 =	rddreg [dreg:$0x5]  }
0xe7: {  	s0 =	sadd.s32 @!p0 $0x100000, s0  }
0xe8: {  	[sflag:s0] =	ssyncadd.tile.s32 @!p0 $0x1;
	_ =	shalt  }
.Lfunc_end2:
_tile_overlayer_lowered:
.L_overlay_start_2:
0xe9: {  	(tag) =	ssettag $0x2  }
0xea: {  	s0 =	rddreg [dreg:$0x0];
	s2 =	stileid.u32  }
0xeb: {  	s1 =	rddreg [dreg:$0x1];
	p0 =	sne.s32 s2, $0x0  }
0xec: {  	s3 =	rddreg [dreg:$0x2];
	[bflag:$0x3] =	sbarrier.arrive $0xFFFF;
	s2 =	simm.s32 @!p0 $0x1C05  }
0xed: {  	[timem:s3], [sflag:s2] =	dma.local @!p0 [hbm:s0], s1  }
0xee: {  	s0 =	simm.s32 @!p0 $0x5  }
0xef: {  	_ =	swait.ge @!p0 [sflag:s0], s1  }
0xf0: {  	s1 =	ssub.s32 @!p0 $0x0, s1;
	[sflag:s0] =	ssyncset.done @!p0 $0x0  }
0xf1: {  	[sflag:s0] =	ssyncadd.s32 @!p0 s1  }
0xf2: {  	[bflag:$0x3] =	sbarrier.arrive $0xFFFF  }
0xf3: {  	_ =	shalt  }

// kernel: kernel.8.cloned.1.call-start
scs
__scs_entry_jumppad:
0x0: {  	(pc) =	sbr.rel $0x88, $3  }
0x1: {  	(tag) =	ssettag $0x0;
	lr =	simm.s32 $0x1  }
0x2: {  	[smem:$0x3F9C] =	sst lr;
	_ =	strace $0xD0000000  }
0x3: {  	_ = 	snop  }
0x4: {  	_ = 	snop  }
0x5: {  	_ = 	snop  }
0x6: {  	_ = 	snop  }
0x7: {  	_ = 	snop  }
__scs_overlays_trampoline_lowered:
0x8: {  	[smem:$0x3FAB] =	sst s0  }
0x9: {  	[smem:$0x3FAC] =	sst s1  }
0xa: {  	[smem:$0x3FAD] =	sst s2  }
0xb: {  	[smem:$0x3FAE] =	sst s3  }
0xc: {  	[smem:$0x3FAF] =	sst s4  }
0xd: {  	[smem:$0x3FB0] =	sst s5  }
0xe: {  	[smem:$0x3FB1] =	sst s6  }
0xf: {  	[smem:$0x3FB2] =	sst s7  }
0x10: {  	[smem:$0x3FB3] =	sst s8  }
0x11: {  	[smem:$0x3FB4] =	sst s9;
	s0 =	simm.s32 @!p0 $0x0  }
0x12: {  	s1 =	sld [smem:$0x3F9A];
	s0 =	simm.s32 @p0 $0x1  }
0x13: {  	[smem:$0x3FB5] =	sst s0;
	s0 =	simm.s32 @!p1 $0x0  }
0x14: {  	s2 =	sld [smem:$0x3F99];
	s0 =	simm.s32 @p1 $0x1  }
0x15: {  	[smem:$0x3FB6] =	sst s0;
	s0 =	simm.s32 @!p2 $0x0  }
0x16: {  	s3 =	sld [smem:$0x3FDB];
	s0 =	simm.s32 @p2 $0x1  }
0x17: {  	s4 =	simm.s32 $0x1BF5;
	[smem:$0x3FB8] =	sst s0  }
0x18: {  	s0 =	sld [smem:$0x3F9B];
	_ =	swait.ge [sflag:s4], $0x0  }
0x19: {  	s7 =	sld [smem:$0x3F9C]  }
0x1a: {  	s8 =	sadd.s32 $0xFFFFE003, lr  }
0x1b: {  	s9 =	sadd.s32 $0xFFFFFEF7, lr;
	s5 =	simm.s32 $0xFFFFFFFF;
	p2 =	slt.u32 s8, $0xFFFFF086  }
0x1c: {  	p1 =	slt.u32 s9, $0xF7A;
	s5 =	simm.s32 @!p2 $0x0  }
0x1d: {  	s5 =	simm.s32 @p1 $0x1;
	p0 =	seq.s32 s7, s2  }
0x1e: {  	s7 =	smul.u32 @!p0 $0xF7A, s2;
	p2 =	seq.s32 @!p0 s5, $0x0  }
0x1f: {  	s9 =	smul.u32 $0xF7A, s1;
	s8 =	simm.s32 @!p0 $0x1BF5;
	p2 =	por !p2, p0  }
0x20: {  	[sflag:s8] =	ssyncset.s32 @!p0 $0xFFFFF086;
	s6 =	sadd.s32 @!p0 s3, s7;
	s7 =	simm.s32 @!p0 $0x108  }
0x21: {  	s3 =	sadd.s32 s3, s9;
	s6 =	sadd.s32 @!p0 $0x88, s6;
	s7 =	simm.s32 @p2 $0x1082  }
0x22: {  	[simem:s7], [sflag:s8] =	dma.local @!p0 [hbm:s6], $0xF7A  }
0x23: {  	s9 =	sor.u32 $0xD0000000, s2;
	s6 =	simm.s32 $0x108;
	_ =	swait.ge @!p0 [sflag:s8], $0x0  }
0x24: {  	s3 =	sadd.s32 $0x88, s3;
	s6 =	simm.s32 @!p1 $0x1082;
	[sflag:s4] =	ssyncset.s32 $0xFFFFF086  }
0x25: {  	[simem:s6], [sflag:s4] =	dma.local [hbm:s3], $0xF7A  }
0x26: {  	[smem:$0x3F9C] =	sst s1;
	(tag) =	ssettag s2;
	_ =	strace s9  }
0x27: {  	s1 =	sld [smem:$0x3FAC]  }
0x28: {  	s2 =	sld [smem:$0x3FAD]  }
0x29: {  	s4 =	sld [smem:$0x3FAF]  }
0x2a: {  	p0 =	seq.s32 s5, $0x0;
	s5 =	sld [smem:$0x3FB0]  }
0x2b: {  	s6 =	sld [smem:$0x3FB1]  }
0x2c: {  	s7 =	sld [smem:$0x3FB2]  }
0x2d: {  	s3 =	simm.s32 $0x108;
	s8 =	sld [smem:$0x3FB3]  }
0x2e: {  	s3 =	simm.s32 @!p0 $0x1082;
	s9 =	sld [smem:$0x3FB4]  }
0x2f: {  	lr =	sadd.s32 s0, s3;
	s0 =	sld [smem:$0x3FAB]  }
0x30: {  	s3 =	sld [smem:$0x3FAE]  }
0x31: {  	[smem:$0x3FB7] =	sst s10  }
0x32: {  	s10 =	sld [smem:$0x3FB5];
	_ =	sdelay $0x3  }
0x33: {  	p0 =	seq.s32 s10, $0x1;
	s10 =	sld [smem:$0x3FB7];
	_ =	sdelay $0x3  }
0x34: {  	[smem:$0x3FB7] =	sst s10  }
0x35: {  	s10 =	sld [smem:$0x3FB6];
	_ =	sdelay $0x3  }
0x36: {  	p1 =	seq.s32 s10, $0x1;
	s10 =	sld [smem:$0x3FB7];
	_ =	sdelay $0x3  }
0x37: {  	[smem:$0x3FB7] =	sst s10  }
0x38: {  	s10 =	sld [smem:$0x3FB8]  }
0x39: {  	_ = 	snop;
	(pc) =	sbr.ind lr, $3  }
0x3a: {  	_ = 	snop  }
0x3b: {  	_ = 	snop  }
0x3c: {  	p2 =	seq.s32 s10, $0x1;
	s10 =	sld [smem:$0x3FB7]  }
0x3d: {  	_ =	shalt  }
0x3e: {  	_ =	shalt  }
0x3f: {  	_ =	shalt  }
0x40: {  	_ =	shalt  }
0x41: {  	_ =	shalt  }
0x42: {  	_ =	shalt  }
0x43: {  	_ =	shalt  }
0x44: {  	_ =	shalt  }
0x45: {  	_ =	shalt  }
0x46: {  	_ =	shalt  }
0x47: {  	_ =	shalt  }
0x48: {  	_ =	shalt  }
0x49: {  	_ =	shalt  }
0x4a: {  	_ =	shalt  }
0x4b: {  	_ =	shalt  }
0x4c: {  	_ =	shalt  }
0x4d: {  	_ =	shalt  }
0x4e: {  	_ =	shalt  }
0x4f: {  	_ =	shalt  }
0x50: {  	_ =	shalt  }
0x51: {  	_ =	shalt  }
0x52: {  	_ =	shalt  }
0x53: {  	_ =	shalt  }
0x54: {  	_ =	shalt  }
0x55: {  	_ =	shalt  }
0x56: {  	_ =	shalt  }
0x57: {  	_ =	shalt  }
0x58: {  	_ =	shalt  }
0x59: {  	_ =	shalt  }
0x5a: {  	_ =	shalt  }
0x5b: {  	_ =	shalt  }
0x5c: {  	_ =	shalt  }
0x5d: {  	_ =	shalt  }
0x5e: {  	_ =	shalt  }
0x5f: {  	_ =	shalt  }
0x60: {  	_ =	shalt  }
0x61: {  	_ =	shalt  }
0x62: {  	_ =	shalt  }
0x63: {  	_ =	shalt  }
0x64: {  	_ =	shalt  }
0x65: {  	_ =	shalt  }
0x66: {  	_ =	shalt  }
0x67: {  	_ =	shalt  }
0x68: {  	_ =	shalt  }
0x69: {  	_ =	shalt  }
0x6a: {  	_ =	shalt  }
0x6b: {  	_ =	shalt  }
0x6c: {  	_ =	shalt  }
0x6d: {  	_ =	shalt  }
0x6e: {  	_ =	shalt  }
0x6f: {  	_ =	shalt  }
0x70: {  	_ =	shalt  }
0x71: {  	_ =	shalt  }
0x72: {  	_ =	shalt  }
0x73: {  	_ =	shalt  }
0x74: {  	_ =	shalt  }
0x75: {  	_ =	shalt  }
0x76: {  	_ =	shalt  }
0x77: {  	_ =	shalt  }
0x78: {  	_ =	shalt  }
0x79: {  	_ =	shalt  }
0x7a: {  	_ =	shalt  }
0x7b: {  	_ =	shalt  }
0x7c: {  	_ =	shalt  }
0x7d: {  	_ =	shalt  }
0x7e: {  	_ =	shalt  }
0x7f: {  	_ =	shalt  }
0x80: {  	_ =	shalt  }
0x81: {  	_ =	shalt  }
0x82: {  	_ =	shalt  }
0x83: {  	_ =	shalt  }
0x84: {  	_ =	shalt  }
0x85: {  	_ =	shalt  }
0x86: {  	_ =	shalt  }
0x87: {  	_ =	shalt  }
.Lfunc_end0:
.L_simem_size_0:
called_computation.1_lowered:
.L_overlay_start_0:
0x88: {  	s2 =	sld [smem:$0x3FD9]  }
0x89: {  	s3 =	sld [smem:$0x3FFE];
	_ =	sdelay $0x1  }
0x8a: {  	s1 =	srdreg.scid  }
0x8b: {  	s0 =	sand.u32 $0x1, s1  }
0x8c: {  	s17 =	sshll.u32 s0, $0xA;
	s2 =	sadd.s32 s3, s2  }
0x8d: {  	s2 =	sadd.s32 s2, s17  }
0x8e: {  	[smem:$0x3FC3] =	sst s2  }
0x8f: {  	_ = 	snop  }
0x90: {  	s2 =	sld [smem:$0x3FD0];
	(tm) =	ssettm $0x1  }
0x91: {  	s18 =	sld [smem:$0x3FFB];
	_ =	sdelay $0x3  }
0x92: {  	_ =	strace s18  }
0x93: {  	s3 =	sld [smem:$0x3FFC];
	_ =	sdelay $0x3  }
0x94: {  	_ =	strace s3  }
0x95: {  	s3 =	sld [smem:$0x3FFD];
	_ =	sdelay $0x3  }
0x96: {  	_ =	strace s3  }
0x97: {  	_ =	strace $0x8FFFFFFF  }
0x98: {  	s19 =	sld [smem:$0x3FDB];
	_ =	sdelay $0x1  }
0x99: {  	s4 =	simm.s32 $_scs_section_size  }
0x9a: {  	s5 =	simm.s32 $_size__tile_overlayer_lowered;
	s6 =	simm.s32 $_tile_overlayer_lowered  }
0x9b: {  	s22 =	simm.s32 $0x1BFF;
	s21 =	sshll.u32 s6, $0x1;
	s3 =	sadd.s32 s4, s19  }
0x9c: {  	s7 =	simm.s32 $0x0;
	s20 =	sshll.u32 s5, $0x1;
	s5 =	sadd.s32 s21, s3  }
0x9d: {  	[timem:s7], [sflag:s22] =	dma.local [hbm:s5], s20  }
0x9e: {  	_ =	swait.ge [sflag:s22], s20  }
0x9f: {  	s4 =	ssub.s32 $0x0, s20;
	[sflag:s22] =	ssyncset.done $0x0  }
0xa0: {  	[sflag:s22] =	ssyncadd.s32 s4;
	_ =	sdelay $0x1  }
0xa1: {  	s23 =	simm.s32 $0x1B8B  }
0xa2: {  	_ =	swait.ge [sflag:s23], $0x1  }
0xa3: {  	[sflag:s23] =	ssyncset.done $0x0  }
0xa4: {  	s25 =	simm.s32 $0x1B8E;
	s24 =	sld [smem:$0x3FFE];
	[sflag:s23] =	ssyncadd.s32 $0xFFFFFFFF  }
0xa5: {  	s26 =	simm.s32 $execute0_lowered;
	[smem:$0x3FD2] =	sst s25  }
0xa6: {  	s5 =	sshll.u32 s26, $0x1;
	_ =	strace $0x80000049;
	[dreg:$0x1] =	wrdreg $0xFFFFFFFF  }
0xa7: {  	s28 =	simm.s32 $_size_execute0_lowered;
	s3 =	sadd.s32 s3, s5;
	[dreg:$0x0] =	wrdreg $0x0  }
0xa8: {  	s5 =	sshll.u32 s28, $0x1;
	[dreg:$0x2] =	wrdreg s3  }
0xa9: {  	[dreg:$0x3] =	wrdreg s5  }
0xaa: {  	[dreg:$0x4] =	wrdreg $0xC0  }
0xab: {  	_ =	task [dreg:s7], $0x5FFFF  }
0xac: {  	[dreg:$0x1] =	wrdreg $0xFFFFFFFF  }
0xad: {  	[dreg:$0x0] =	wrdreg $0x60  }
0xae: {  	[dreg:$0x2] =	wrdreg s24  }
0xaf: {  	[dreg:$0x3] =	wrdreg s2  }
0xb0: {  	[dreg:$0x4] =	wrdreg $0x0  }
0xb1: {  	[dreg:$0x5] =	wrdreg $0x9  }
0xb2: {  	_ =	task.clear_ibuf [dreg:s7], $0x6FFFF;
	_ =	strace $0x90000049  }
0xb3: {  	s29 =	simm.s32 $0x9;
	_ =	strace $0x8000004B  }
0xb4: {  	_ =	swait.ge [sflag:s29], $0x1  }
0xb5: {  	[sflag:s29] =	ssyncadd.s32 $0xFFFFFFFF  }
0xb6: {  	_ =	strace $0x9000004B  }
0xb7: {  	_ =	sfence  }
0xb8: {  	s30 =	sld [smem:$0x0];
	_ =	sdelay $0x2  }
0xb9: {  	s31 =	sshll.u32 s1, $0xD;
	s1 =	sshrl.u32 s1, $0x2  }
0xba: {  	s3 =	sand.u32 $0x4000, s31;
	s1 =	sadd.s32 s1, s30  }
0xbb: {  	s0 =	sor.u32 s3, s0;
	s1 =	sshll.u32 s1, $0x11  }
0xbc: {  	s0 =	sor.u32 s1, s0  }
0xbd: {  	s0 =	sadd.s32 $0x8F2B, s0  }
0xbe: {  	[sflag:s0] =	ssyncadd.remote.s32 $0x1  }
0xbf: {  	_ =	sfence.sel $0xFFFF  }
0xc0: {  	[dreg:$0x0] =	wrdreg $0xFFFFFFFF;
	(pc) =	sbr.abs _section_cstart, $3  }
0xc1: {  	[dreg:$0x1] =	wrdreg $0xFFFFFFFF  }
0xc2: {  	_ =	task.clear_ibuf [dreg:s7], $0x2FFFF;
	_ =	strace $0x9FFFFFFF  }
0xc3: {  	(tm) =	ssettm $0x7FFFFFFF  }
tec
execute0_lowered:
.L_overlay_start_1:
0x0: {  	(tag) =	ssettag $0x1  }
0x1: {  	s0 =	rddreg [dreg:$0x0]  }
0x2: {  	s2 =	rddreg [dreg:$0x1]  }
0x3: {  	s1 =	rddreg [dreg:$0x2];
	s4 =	simm.s32 $0x0  }
0x4: {  	s3 =	srdreg.scid;
	s12 =	stileid.u32;
	s16 =	simm.s32 $0x19C40  }
0x5: {  	s17 =	simm.s32 $0x19E40;
	s28 =	simm.s32 $0x19CC0;
	s29 =	simm.s32 $0xBC40  }
0x6: {  	s30 =	simm.s32 $0x19EC0;
	s31 =	simm.s32 $0x13C40;
	[smem:$0x7FF] =	sst s4  }
0x7: {  	s3 =	sand.u32 $0x1, s3;
	s5 =	smul.u32 $0x9C00, s12;
	s6 =	sadd.s32 $0x1C00, s0  }
0x8: {  	s11 =	sadd.s32 $0x5CE00, s0;
	s0 =	sadd.s32 $0x53000, s0;
	s9 =	smul.u32 $0x9E00, s12  }
0x9: {  	s10 =	sshll.u32 s12, $0xF;
	_ =	strace $0x8000004A;
	[dreg:$0x6] =	wrdreg s28  }
0xa: {  	s18 =	ssub.s32 $0x2, s3;
	s19 =	sshll.u32 s3, $0x4;
	[dreg:$0x7] =	wrdreg s29  }
0xb: {  	s22 =	sshll.u32 s3, $0x13;
	s26 =	sshll.u32 s3, $0x9;
	[dreg:$0x8] =	wrdreg s30  }
0xc: {  	[dreg:$0x9] =	wrdreg s31;
	s7 =	sshrl.u32 s18, $0x1;
	s5 =	sadd.s32 $0x400, s5  }
0xd: {  	s15 =	sadd.s32 s9, s1;
	s21 =	sshrl.u32 s9, $0x3;
	s23 =	sor.u32 s10, s22  }
0xe: {  	s10 =	sshll.u32 s12, $0x5;
	s22 =	simm.s32 $0x3;
	s4 =	ssub.s32 s18, s7  }
0xf: {  	s8 =	sshrl.u32 s5, $0x3;
	s7 =	sor.u32 s12, s19;
	s14 =	sadd.s32 s5, s1  }
0x10: {  	s5 =	simm.s32 $0x28;
	s9 =	sshrl.u32 s23, $0x3;
	s18 =	simm.s32 $0x1  }
0x11: {  	s19 =	simm.s32 $0x80;
	s20 =	sadd.s32 s6, s8;
	p0 =	slt.u32 s7, $0x2  }
0x12: {  	s6 =	sadd.s32 s6, s21;
	s24 =	sshll.u32 s7, $0x5;
	s9 =	sadd.s32 s9, s2  }
0x13: {  	s4 =	smax.u32 s4, $0x1;
	s21 =	simm.s32 $0x11C40;
	[dreg:$0xa] =	wrdreg s20  }
0x14: {  	[dreg:$0xb] =	wrdreg s6;
	s5 =	simm.s32 @!p0 $0x27;
	s6 =	sor.u32 $0x100000, s23  }
0x15: {  	s7 =	sadd.s32 s11, s24;
	s25 =	sadd.s32 s0, s24;
	[dreg:$0x4] =	wrdreg s9  }
0x16: {  	[dreg:$0xe] =	wrdreg s4;
	p0 =	sgt.u32 s12, $0x1;
	s11 =	sadd.s32 s26, s11  }
0x17: {  	s20 =	simm.s32 $0x9C40;
	s23 =	simm.s32 $0x40;
	[dreg:$0xc] =	wrdreg s7  }
0x18: {  	s24 =	simm.s32 $0x4;
	s6 =	sshrl.u32 s6, $0x3;
	[dreg:$0xd] =	wrdreg s25  }
0x19: {  	s3 =	sshll.u32 @p0 s12, $0x6;
	s12 =	sadd.s32 s26, s0;
	s14 =	sshrl.u32 @p0 s14, $0x3  }
0x1a: {  	s15 =	sshrl.u32 @!p0 s15, $0x3;
	s25 =	simm.s32 $0x5;
	s2 =	sadd.s32 s6, s2  }
0x1b: {  	s26 =	simm.s32 $0x0;
	s13 =	sor.u32 @p0 $0x1C06, s3;
	[dreg:$0x5] =	wrdreg s2  }
.LBB2_1:
0x1c: {  	s0 =	rddreg [dreg:$0xa]  }
0x1d: {  	[spmem:s14], [sflag:s13] =	dma.local @p0 [hbm:s0], $0x1380  }
0x1e: {  	s0 =	simm.s32 @p0 $0x6  }
0x1f: {  	s2 =	stileid.u32;
	_ =	swait.ge @p0 [sflag:s0], $0x1380  }
0x20: {  	s2 =	sshll.u32 @!p0 s2, $0x6;
	[sflag:s0] =	ssyncset.done @p0 $0x0  }
0x21: {  	[sflag:s0] =	ssyncadd.s32 @p0 $0xFFFFEC80;
	s0 =	sor.u32 @!p0 $0x1C06, s2;
	s2 =	rddreg [dreg:$0xb]  }
0x22: {  	[spmem:s15], [sflag:s0] =	dma.local @!p0 [hbm:s2], $0x13C0  }
0x23: {  	s0 =	simm.s32 @!p0 $0x6  }
0x24: {  	_ =	swait.ge @!p0 [sflag:s0], $0x13C0  }
0x25: {  	[sflag:s0] =	ssyncset.done @!p0 $0x0  }
0x26: {  	s8 =	simm.s32 $0x0;
	s9 =	rddreg [dreg:$0xc];
	[sflag:s0] =	ssyncadd.s32 @!p0 $0xFFFFEC40  }
0x27: {  	[tilespmem:s16], [sflag:$0x1] =	stream.linear.gather [hbm4b:s9+s8], $0x100, $0x38;
	[tilespmem:$0x1A040] =	vst v63  }
0x28: {  	s3 =	rddreg [dreg:$0xd]  }
0x29: {  	[tilespmem:s17], [sflag:$0x1] =	stream.linear.gather [hbm4b:s3+s8], $0x100, $0x38;
	[tilespmem:$0x1A040] =	vst v63  }
0x2a: {  	[bflag:$0x0] =	sbarrier.arrive $0xFFFF  }
0x2b: {  	_ =	swait.ge [sflag:s18], $0x100  }
0x2c: {  	[sflag:s18] =	ssyncset.done $0x0  }
0x2d: {  	p1 =	sle.u32 s5, $0x1;
	[sflag:s18] =	ssyncadd.s32 $0xFFFFFF00  }
0x2e: {  	p2 =	por $0x1, $0x1;
	s2 =	sadd.s32 @!p1 s11, s10;
	_ =	swait.ge [sflag:s18], $0x100  }
0x2f: {  	s4 =	sadd.s32 @!p1 s12, s10;
	s2 =	sadd.s32 @!p1 $0x400, s2;
	[sflag:s18] =	ssyncset.done $0x0  }
0x30: {  	s0 =	simm.s32 @!p1 $0x19D40;
	s3 =	simm.s32 @!p1 $0x0;
	[sflag:s18] =	ssyncadd.s32 $0xFFFFFF00  }
0x31: {  	[tilespmem:s0], [sflag:$0x2] =	stream.linear.gather @!p1 [hbm4b:s2+s3], $0x100, $0x38;
	[tilespmem:$0x1A040] =	vst v63  }
0x32: {  	s6 =	simm.s32 @!p2 $0x4;
	s4 =	sadd.s32 @!p1 $0x400, s4;
	s2 =	simm.s32 @!p1 $0x19F40  }
0x33: {  	[tilespmem:s2], [sflag:$0x2] =	stream.linear.gather @!p1 [hbm4b:s4+s3], $0x100, $0x38;
	[tilespmem:$0x1A040] =	vst v63  }
0x34: {  	_ =	swait.ge @!p2 [sflag:s6], $0x4000  }
0x35: {  	[sflag:s6] =	ssyncset.done @!p2 $0x0  }
0x36: {  	[sflag:s6] =	ssyncadd.s32 @!p2 $0xFFFFC000  }
0x37: {  	_ =	swait.ge @!p2 [sflag:s6], $0x4000  }
0x38: {  	[sflag:s6] =	ssyncset.done @!p2 $0x0  }
0x39: {  	s4 =	rddreg [dreg:$0x7];
	[sflag:s6] =	ssyncadd.s32 @!p2 $0xFFFFC000  }
0x3a: {  	[tilespmem:s20], [sflag:$0x3] =	stream.indirect.gather [spmem:s1], $0x40, s16, s19, $0xb8;
	[tilespmem:$0x1A040] =	vst v63  }
0x3b: {  	s7 =	rddreg [dreg:$0x6]  }
0x3c: {  	[tilespmem:s21], [sflag:$0x3] =	stream.indirect.gather [spmem:s1], $0x40, s17, s19, $0xb8;
	[tilespmem:$0x1A040] =	vst v63  }
0x3d: {  	s8 =	rddreg [dreg:$0x8]  }
0x3e: {  	[tilespmem:s4], [sflag:$0x3] =	stream.indirect.gather [spmem:s1], $0x40, s7, s19, $0xb8;
	[tilespmem:$0x1A040] =	vst v63  }
0x3f: {  	s28 =	rddreg [dreg:$0x9]  }
0x40: {  	[tilespmem:s28], [sflag:$0x3] =	stream.indirect.gather [spmem:s1], $0x40, s8, s19, $0xb8;
	[tilespmem:$0x1A040] =	vst v63  }
0x41: {  	_ =	swait.ge [sflag:s22], $0x2000  }
0x42: {  	[sflag:s22] =	ssyncset.done $0x0  }
0x43: {  	[sflag:s22] =	ssyncadd.s32 $0xFFFFE000  }
0x44: {  	_ =	swait.ge [sflag:s22], $0x2000  }
0x45: {  	[sflag:s22] =	ssyncset.done $0x0  }
0x46: {  	[sflag:s22] =	ssyncadd.s32 $0xFFFFE000  }
0x47: {  	_ =	swait.ge [sflag:s22], $0x2000  }
0x48: {  	[sflag:s22] =	ssyncset.done $0x0  }
0x49: {  	[sflag:s22] =	ssyncadd.s32 $0xFFFFE000  }
0x4a: {  	_ =	swait.ge [sflag:s22], $0x2000  }
0x4b: {  	s9 =	rddreg [dreg:$0x4];
	[sflag:s22] =	ssyncset.done $0x0  }
0x4c: {  	[sflag:s22] =	ssyncadd.s32 $0xFFFFE000;
	s3 =	sadd.s32 $0x0, s9  }
0x4d: {  	[hbm4b:s3+s23] =	stream.strided.scatter [tilespmem:s20], [sflag:$0x4], $0x4000, s19, s23, $0x38;
	[tilespmem:$0x1A040] =	vst v63  }
0x4e: {  	s4 =	simm.s32 @!p1 $0x2;
	s3 =	sadd.s32 $0x8, s3  }
0x4f: {  	[hbm4b:s3+s23] =	stream.strided.scatter [tilespmem:s21], [sflag:$0x4], $0x4000, s19, s23, $0x38;
	[tilespmem:$0x1A040] =	vst v63  }
0x50: {  	_ =	swait.ge @!p1 [sflag:s4], $0x100  }
0x51: {  	p2 =	sle.u32 @!p1 s5, $0x2;
	[sflag:s4] =	ssyncset.done @!p1 $0x0  }
0x52: {  	p3 =	por @!p1 $0x1, $0x1;
	p4 =	por p2, p1;
	[sflag:s4] =	ssyncadd.s32 @!p1 $0xFFFFFF00  }
0x53: {  	p2 =	por p3, p1;
	s6 =	simm.s32 @!p4 $0x19C40;
	_ =	swait.ge @!p1 [sflag:s4], $0x100  }
0x54: {  	s28 =	simm.s32 @!p4 $0x0;
	s3 =	sadd.s32 @!p4 s11, s10;
	[sflag:s4] =	ssyncset.done @!p1 $0x0  }
0x55: {  	s3 =	sadd.s32 @!p4 $0x800, s3;
	[sflag:s4] =	ssyncadd.s32 @!p1 $0xFFFFFF00;
	s4 =	sadd.s32 @!p4 s12, s10  }
0x56: {  	[tilespmem:s6], [sflag:$0x1] =	stream.linear.gather @!p4 [hbm4b:s3+s28], $0x100, $0x38;
	[tilespmem:$0x1A040] =	vst v63  }
0x57: {  	s3 =	simm.s32 @!p4 $0x19E40;
	s4 =	sadd.s32 @!p4 $0x800, s4;
	s6 =	simm.s32 @!p2 $0x5  }
0x58: {  	[tilespmem:s3], [sflag:$0x1] =	stream.linear.gather @!p4 [hbm4b:s4+s28], $0x100, $0x38;
	[tilespmem:$0x1A040] =	vst v63  }
0x59: {  	_ =	swait.ge @!p2 [sflag:s6], $0x4000  }
0x5a: {  	[sflag:s6] =	ssyncset.done @!p2 $0x0  }
0x5b: {  	[sflag:s6] =	ssyncadd.s32 @!p2 $0xFFFFC000  }
0x5c: {  	_ =	swait.ge @!p2 [sflag:s6], $0x4000  }
0x5d: {  	[sflag:s6] =	ssyncset.done @!p2 $0x0  }
0x5e: {  	s3 =	simm.s32 @!p1 $0xDC40;
	[sflag:s6] =	ssyncadd.s32 @!p2 $0xFFFFC000;
	s6 =	simm.s32 @!p1 $0x80  }
0x5f: {  	[tilespmem:s3], [sflag:$0x3] =	stream.indirect.gather @!p1 [spmem:s1], $0x40, s0, s6, $0xb8;
	[tilespmem:$0x1A040] =	vst v63  }
0x60: {  	s4 =	simm.s32 @!p1 $0x15C40  }
0x61: {  	[tilespmem:s4], [sflag:$0x3] =	stream.indirect.gather @!p1 [spmem:s1], $0x40, s2, s6, $0xb8;
	[tilespmem:$0x1A040] =	vst v63  }
0x62: {  	s0 =	simm.s32 @!p1 $0x19DC0;
	s2 =	simm.s32 @!p1 $0xFC40  }
0x63: {  	[tilespmem:s2], [sflag:$0x3] =	stream.indirect.gather @!p1 [spmem:s1], $0x40, s0, s6, $0xb8;
	[tilespmem:$0x1A040] =	vst v63  }
0x64: {  	s28 =	simm.s32 @!p1 $0x3;
	s0 =	simm.s32 @!p1 $0x19FC0;
	s2 =	simm.s32 @!p1 $0x17C40  }
0x65: {  	[tilespmem:s2], [sflag:$0x3] =	stream.indirect.gather @!p1 [spmem:s1], $0x40, s0, s6, $0xb8;
	[tilespmem:$0x1A040] =	vst v63  }
0x66: {  	_ =	swait.ge @!p1 [sflag:s28], $0x2000  }
0x67: {  	[sflag:s28] =	ssyncset.done @!p1 $0x0  }
0x68: {  	[sflag:s28] =	ssyncadd.s32 @!p1 $0xFFFFE000  }
0x69: {  	_ =	swait.ge @!p1 [sflag:s28], $0x2000  }
0x6a: {  	[sflag:s28] =	ssyncset.done @!p1 $0x0  }
0x6b: {  	[sflag:s28] =	ssyncadd.s32 @!p1 $0xFFFFE000  }
0x6c: {  	_ =	swait.ge @!p1 [sflag:s28], $0x2000  }
0x6d: {  	[sflag:s28] =	ssyncset.done @!p1 $0x0  }
0x6e: {  	s29 =	simm.s32 $0x4;
	[sflag:s28] =	ssyncadd.s32 @!p1 $0xFFFFE000  }
0x6f: {  	s30 =	sadd.s32 $0x800, s12;
	s31 =	smov.u32 s11;
	_ =	swait.ge @!p1 [sflag:s28], $0x2000  }
0x70: {  	s2 =	simm.s32 @!p1 $0x40;
	s0 =	rddreg [dreg:$0x5];
	[sflag:s28] =	ssyncset.done @!p1 $0x0  }
0x71: {  	[sflag:s28] =	ssyncadd.s32 @!p1 $0xFFFFE000;
	s0 =	sadd.s32 @!p1 $0x0, s0;
	s28 =	simm.s32 $0x40000  }
0x72: {  	[hbm4b:s0+s2] =	stream.strided.scatter @!p1 [tilespmem:s3], [sflag:$0x5], $0x4000, s6, s2, $0x38;
	[tilespmem:$0x1A040] =	vst v63  }
.LBB2_2:
0x73: {  	s3 =	sadd.s32 @!p1 $0x8, s0  }
0x74: {  	[hbm4b:s3+s2] =	stream.strided.scatter @!p1 [tilespmem:s4], [sflag:$0x5], $0x4000, s6, s2, $0x38;
	[tilespmem:$0x1A040] =	vst v63  }
0x75: {  	_ =	swait.ge [sflag:s18], $0x100  }
0x76: {  	s31 =	sadd.s32 $0x800, s31;
	s4 =	sadd.s32 $0xFFFFFFFF, s29;
	[sflag:s18] =	ssyncset.done $0x0  }
0x77: {  	s0 =	smov.u32 s28;
	p1 =	sge.u32 s4, s5;
	[sflag:s18] =	ssyncadd.s32 $0xFFFFFF00  }
0x78: {  	p5 =	seq.s32 s0, $0x0;
	s3 =	sadd.s32 @!p1 s31, s10;
	_ =	swait.ge [sflag:s18], $0x100  }
0x79: {  	s2 =	simm.s32 @!p1 $0x19D40;
	s6 =	simm.s32 @!p1 $0x0;
	[sflag:s18] =	ssyncset.done $0x0  }
0x7a: {  	s7 =	sadd.s32 @!p1 s30, s10;
	s4 =	sadd.s32 @!p1 $0x400, s3;
	[sflag:s18] =	ssyncadd.s32 $0xFFFFFF00  }
0x7b: {  	[tilespmem:s2], [sflag:$0x2] =	stream.linear.gather @!p1 [hbm4b:s4+s6], $0x100, $0x38;
	[tilespmem:$0x1A040] =	vst v63  }
0x7c: {  	s3 =	simm.s32 @!p1 $0x19F40;
	s4 =	sadd.s32 @!p1 $0x400, s7;
	s7 =	simm.s32 @!p5 $0x4  }
0x7d: {  	[tilespmem:s3], [sflag:$0x2] =	stream.linear.gather @!p1 [hbm4b:s4+s6], $0x100, $0x38;
	[tilespmem:$0x1A040] =	vst v63  }
0x7e: {  	_ =	swait.ge @!p5 [sflag:s7], $0x4000  }
0x7f: {  	[sflag:s7] =	ssyncset.done @!p5 $0x0  }
0x80: {  	[sflag:s7] =	ssyncadd.s32 @!p5 $0xFFFFC000  }
0x81: {  	_ =	swait.ge @!p5 [sflag:s7], $0x4000  }
0x82: {  	[sflag:s7] =	ssyncset.done @!p5 $0x0  }
0x83: {  	s6 =	rddreg [dreg:$0x7];
	[sflag:s7] =	ssyncadd.s32 @!p5 $0xFFFFC000  }
0x84: {  	[tilespmem:s20], [sflag:$0x3] =	stream.indirect.gather [spmem:s1], $0x40, s16, s19, $0xb8;
	[tilespmem:$0x1A040] =	vst v63  }
0x85: {  	s9 =	rddreg [dreg:$0x8]  }
0x86: {  	[tilespmem:s21], [sflag:$0x3] =	stream.indirect.gather [spmem:s1], $0x40, s17, s19, $0xb8;
	[tilespmem:$0x1A040] =	vst v63  }
0x87: {  	s7 =	rddreg [dreg:$0x6]  }
0x88: {  	[tilespmem:s6], [sflag:$0x3] =	stream.indirect.gather [spmem:s1], $0x40, s7, s19, $0xb8;
	[tilespmem:$0x1A040] =	vst v63  }
0x89: {  	s8 =	rddreg [dreg:$0x9]  }
0x8a: {  	[tilespmem:s8], [sflag:$0x3] =	stream.indirect.gather [spmem:s1], $0x40, s9, s19, $0xb8;
	[tilespmem:$0x1A040] =	vst v63  }
0x8b: {  	_ =	swait.ge [sflag:s22], $0x2000  }
0x8c: {  	[sflag:s22] =	ssyncset.done $0x0  }
0x8d: {  	[sflag:s22] =	ssyncadd.s32 $0xFFFFE000  }
0x8e: {  	_ =	swait.ge [sflag:s22], $0x2000  }
0x8f: {  	[sflag:s22] =	ssyncset.done $0x0  }
0x90: {  	[sflag:s22] =	ssyncadd.s32 $0xFFFFE000  }
0x91: {  	_ =	swait.ge [sflag:s22], $0x2000  }
0x92: {  	[sflag:s22] =	ssyncset.done $0x0  }
0x93: {  	[sflag:s22] =	ssyncadd.s32 $0xFFFFE000  }
0x94: {  	_ =	swait.ge [sflag:s22], $0x2000  }
0x95: {  	s9 =	rddreg [dreg:$0x4];
	[sflag:s22] =	ssyncset.done $0x0  }
0x96: {  	[sflag:s22] =	ssyncadd.s32 $0xFFFFE000;
	s4 =	sadd.s32 s0, s9  }
0x97: {  	[hbm4b:s4+s23] =	stream.strided.scatter [tilespmem:s20], [sflag:$0x4], $0x4000, s19, s23, $0x38;
	[tilespmem:$0x1A040] =	vst v63  }
0x98: {  	s6 =	simm.s32 @!p1 $0x2;
	s4 =	sadd.s32 $0x8, s4  }
0x99: {  	[hbm4b:s4+s23] =	stream.strided.scatter [tilespmem:s21], [sflag:$0x4], $0x4000, s19, s23, $0x38;
	[tilespmem:$0x1A040] =	vst v63  }
0x9a: {  	_ =	swait.ge @!p1 [sflag:s6], $0x100  }
0x9b: {  	p3 =	sge.u32 @!p1 s29, s5;
	[sflag:s6] =	ssyncset.done @!p1 $0x0  }
0x9c: {  	p4 =	seq.s32 @!p1 s0, $0x0;
	p5 =	por p3, p1;
	[sflag:s6] =	ssyncadd.s32 @!p1 $0xFFFFFF00  }
0x9d: {  	p3 =	por p4, p1;
	s7 =	simm.s32 @!p5 $0x19C40;
	_ =	swait.ge @!p1 [sflag:s6], $0x100  }
0x9e: {  	s8 =	simm.s32 @!p5 $0x0;
	s4 =	sadd.s32 @!p5 s31, s10;
	[sflag:s6] =	ssyncset.done @!p1 $0x0  }
0x9f: {  	s4 =	sadd.s32 @!p5 $0x800, s4;
	[sflag:s6] =	ssyncadd.s32 @!p1 $0xFFFFFF00;
	s6 =	sadd.s32 @!p5 s30, s10  }
0xa0: {  	[tilespmem:s7], [sflag:$0x1] =	stream.linear.gather @!p5 [hbm4b:s4+s8], $0x100, $0x38;
	[tilespmem:$0x1A040] =	vst v63  }
0xa1: {  	s9 =	simm.s32 @!p5 $0x19E40;
	s4 =	sadd.s32 @!p5 $0x800, s6;
	s6 =	simm.s32 @!p3 $0x5  }
0xa2: {  	[tilespmem:s9], [sflag:$0x1] =	stream.linear.gather @!p5 [hbm4b:s4+s8], $0x100, $0x38;
	[tilespmem:$0x1A040] =	vst v63  }
0xa3: {  	_ =	swait.ge @!p3 [sflag:s6], $0x4000  }
0xa4: {  	[sflag:s6] =	ssyncset.done @!p3 $0x0  }
0xa5: {  	[sflag:s6] =	ssyncadd.s32 @!p3 $0xFFFFC000  }
0xa6: {  	_ =	swait.ge @!p3 [sflag:s6], $0x4000  }
0xa7: {  	[sflag:s6] =	ssyncset.done @!p3 $0x0  }
0xa8: {  	s7 =	simm.s32 @!p1 $0xDC40;
	[sflag:s6] =	ssyncadd.s32 @!p3 $0xFFFFC000;
	s6 =	simm.s32 @!p1 $0x80  }
0xa9: {  	[tilespmem:s7], [sflag:$0x3] =	stream.indirect.gather @!p1 [spmem:s1], $0x40, s2, s6, $0xb8;
	[tilespmem:$0x1A040] =	vst v63  }
0xaa: {  	s4 =	simm.s32 @!p1 $0x15C40  }
0xab: {  	[tilespmem:s4], [sflag:$0x3] =	stream.indirect.gather @!p1 [spmem:s1], $0x40, s3, s6, $0xb8;
	[tilespmem:$0x1A040] =	vst v63  }
0xac: {  	s8 =	simm.s32 @!p1 $0xFC40;
	s2 =	simm.s32 @!p1 $0x19DC0  }
0xad: {  	[tilespmem:s8], [sflag:$0x3] =	stream.indirect.gather @!p1 [spmem:s1], $0x40, s2, s6, $0xb8;
	[tilespmem:$0x1A040] =	vst v63  }
0xae: {  	s9 =	simm.s32 @!p1 $0x17C40;
	s3 =	simm.s32 @!p1 $0x19FC0;
	s2 =	simm.s32 @!p1 $0x3  }
0xaf: {  	[tilespmem:s9], [sflag:$0x3] =	stream.indirect.gather @!p1 [spmem:s1], $0x40, s3, s6, $0xb8;
	[tilespmem:$0x1A040] =	vst v63  }
0xb0: {  	_ =	swait.ge @!p1 [sflag:s2], $0x2000  }
0xb1: {  	[sflag:s2] =	ssyncset.done @!p1 $0x0  }
0xb2: {  	[sflag:s2] =	ssyncadd.s32 @!p1 $0xFFFFE000  }
0xb3: {  	_ =	swait.ge @!p1 [sflag:s2], $0x2000  }
0xb4: {  	[sflag:s2] =	ssyncset.done @!p1 $0x0  }
0xb5: {  	[sflag:s2] =	ssyncadd.s32 @!p1 $0xFFFFE000  }
0xb6: {  	s28 =	sadd.s32 $0x40000, s28;
	_ =	swait.ge @!p1 [sflag:s2], $0x2000  }
0xb7: {  	p2 =	sne.s32 s28, $0x500000;
	[sflag:s2] =	ssyncset.done @!p1 $0x0  }
.Ltmp0:
0xb8: {  	[sflag:s2] =	ssyncadd.s32 @!p1 $0xFFFFE000;
	(pc) =	sbr.rel @p2 .LBB2_2-.Ltmp0, $4  }
0xb9: {  	s29 =	sadd.s32 $0x2, s29;
	_ =	swait.ge @!p1 [sflag:s2], $0x2000  }
0xba: {  	s30 =	sadd.s32 $0x800, s30;
	[sflag:s2] =	ssyncset.done @!p1 $0x0;
	s3 =	rddreg [dreg:$0x5]  }
0xbb: {  	[sflag:s2] =	ssyncadd.s32 @!p1 $0xFFFFE000;
	s0 =	sadd.s32 @!p1 s0, s3;
	s2 =	simm.s32 @!p1 $0x40  }
0xbc: {  	[hbm4b:s0+s2] =	stream.strided.scatter @!p1 [tilespmem:s7], [sflag:$0x5], $0x4000, s6, s2, $0x38;
	[tilespmem:$0x1A040] =	vst v63  }
0xbd: {  	s0 =	sadd.s32 @!p1 $0x8, s0  }
0xbe: {  	[hbm4b:s0+s2] =	stream.strided.scatter @!p1 [tilespmem:s4], [sflag:$0x5], $0x4000, s6, s2, $0x38;
	[tilespmem:$0x1A040] =	vst v63  }
0xbf: {  	_ =	swait.ge [sflag:s24], $0x4000  }
0xc0: {  	[sflag:s24] =	ssyncset.done $0x0  }
0xc1: {  	[sflag:s24] =	ssyncadd.s32 $0xFFFFC000  }
0xc2: {  	_ =	swait.ge [sflag:s24], $0x4000  }
0xc3: {  	[sflag:s24] =	ssyncset.done $0x0  }
0xc4: {  	[sflag:s24] =	ssyncadd.s32 $0xFFFFC000  }
0xc5: {  	_ =	swait.ge [sflag:s25], $0x4000  }
0xc6: {  	[sflag:s25] =	ssyncset.done $0x0  }
0xc7: {  	[sflag:s25] =	ssyncadd.s32 $0xFFFFC000  }
0xc8: {  	_ =	swait.ge [sflag:s25], $0x4000  }
0xc9: {  	s26 =	sadd.s32 $0x1, s26;
	s31 =	rddreg [dreg:$0xe]  }
0xca: {  	p1 =	sne.s32 s26, s31  }
.Ltmp1:
0xcb: {  	_ = 	snop;
	(pc) =	sbr.rel @p1 .LBB2_1-.Ltmp1, $3  }
0xcc: {  	_ =	sdelay $0x1  }
0xcd: {  	[sflag:s25] =	ssyncset.done $0x0  }
0xce: {  	[sflag:s25] =	ssyncadd.s32 $0xFFFFC000  }
0xcf: {  	_ =	sfence.sel $0x180000  }
0xd0: {  	[bflag:$0x0] =	sbarrier.arrive $0xFFFF  }
0xd1: {  	_ =	strace $0x9000004A  }
0xd2: {  	s0 =	stileid.u32;
	[bflag:$0x2] =	sbarrier.arrive $0xFFFF  }
0xd3: {  	p0 =	sne.s32 s0, $0x0;
	s0 =	rddreg [dreg:$0x3]  }
0xd4: {  	s0 =	sadd.s32 @!p0 $0x100000, s0  }
0xd5: {  	[sflag:s0] =	ssyncadd.tile.s32 @!p0 $0x1;
	_ =	shalt  }
.Lfunc_end2:
_tile_overlayer_lowered:
.L_overlay_start_2:
0xd6: {  	(tag) =	ssettag $0x2  }
0xd7: {  	s0 =	rddreg [dreg:$0x0];
	s2 =	stileid.u32  }
0xd8: {  	s1 =	rddreg [dreg:$0x1];
	p0 =	sne.s32 s2, $0x0  }
0xd9: {  	s3 =	rddreg [dreg:$0x2];
	[bflag:$0x3] =	sbarrier.arrive $0xFFFF;
	s2 =	simm.s32 @!p0 $0x1C06  }
0xda: {  	[timem:s3], [sflag:s2] =	dma.local @!p0 [hbm:s0], s1  }
0xdb: {  	s0 =	simm.s32 @!p0 $0x6  }
0xdc: {  	_ =	swait.ge @!p0 [sflag:s0], s1  }
0xdd: {  	s1 =	ssub.s32 @!p0 $0x0, s1;
	[sflag:s0] =	ssyncset.done @!p0 $0x0  }
0xde: {  	[sflag:s0] =	ssyncadd.s32 @!p0 s1  }
0xdf: {  	[bflag:$0x3] =	sbarrier.arrive $0xFFFF  }
0xe0: {  	_ =	shalt  }

</sc_bundles>
